<compile_context>
chip_gen: v7x
topology: tpu7x:2x2x1
jax: 0.10.2.dev20260603
libtpu: 0.0.44.dev20260713+nightly
codegen_flags: <defaults>
</compile_context>

<pallas_src>
import functools

import jax
import jax.numpy as jnp
from jax import lax
from jax.experimental import pallas as pl
from jax.experimental.pallas import tpu as pltpu
from jax.experimental.pallas import tpu_sc as plsc

B, S = 16384, 50
D = 32
V = 1000000
NC, NS = 2, 16
NW = NC * NS
BW = B // NW
G = 128
NBB = BW // G

_mesh = plsc.VectorSubcoreMesh(core_axis_name="c", subcore_axis_name="s")


def _extract(ids_v, gbuf, ostage, s, bb):
    lane = lax.iota(jnp.int32, 16)

    def chunk(c, _):
        i0 = c * 16
        t_vec = ids_v[s, pl.ds(bb * G + i0, 16)]
        r32 = (t_vec & 3) << 5
        row = i0 + lane
        for half in (0, 16):
            for j0 in range(16):
                jrot = ((j0 + lane) & 15) + half
                vals = plsc.load_gather(gbuf, [row, r32 + jrot])
                plsc.store_scatter(ostage, [jrot, row], vals)
        return ()

    lax.fori_loop(0, G // 16, chunk, (), unroll=False)


def _gidx(ids_v, gidx, s, bb):
    for k in range(0, G, 16):
        gidx[pl.ds(k, 16)] = ids_v[s, pl.ds(bb * G + k, 16)] >> 2


@functools.partial(
    pl.kernel,
    out_type=jax.ShapeDtypeStruct((S, D, B), jnp.float32),
    mesh=_mesh,
    scratch_types=[
        pltpu.VMEM((S, BW), jnp.int32),
        [pltpu.VMEM((G, 128), jnp.float32) for _ in range(4)],
        [pltpu.VMEM((D, G), jnp.float32) for _ in range(2)],
        [pltpu.VMEM((G,), jnp.int32) for _ in range(4)],
        [pltpu.SemaphoreType.DMA for _ in range(4)],
        [pltpu.SemaphoreType.DMA for _ in range(2)],
    ],
    compiler_params=pltpu.CompilerParams(
        use_tc_tiling_on_sc=True, needs_layout_passes=False),
)
def _emb_lookup(ids_hbm, tab_hbm, out_hbm, ids_v, gbuf, ost, gix, gsem, ssem):
    wid = lax.axis_index("s") * NC + lax.axis_index("c")
    b0 = wid * BW

    pltpu.sync_copy(ids_hbm.at[:, pl.ds(b0, BW)], ids_v)

    def fire(k, s):
        _gidx(ids_v, gix[k], s, k)
        pltpu.async_copy(tab_hbm.at[gix[k]], gbuf[k], gsem[k])

    for k in range(NBB):
        fire(k, 0)

    def row_body(s, _):
        for k in range(NBB):
            pltpu.make_async_copy(tab_hbm.at[gix[k]], gbuf[k],
                                  gsem[k]).wait()
            if k >= 2:
                pltpu.make_async_copy(ost[k % 2],
                                      out_hbm.at[0, :, pl.ds(0, G)],
                                      ssem[k % 2]).wait()
            else:
                @pl.when(s > 0)
                def _():
                    pltpu.make_async_copy(ost[k % 2],
                                          out_hbm.at[0, :, pl.ds(0, G)],
                                          ssem[k % 2]).wait()

            _extract(ids_v, gbuf[k], ost[k % 2], s, k)
            pltpu.async_copy(ost[k % 2],
                             out_hbm.at[s, :, pl.ds(b0 + k * G, G)],
                             ssem[k % 2])

            @pl.when(s < S - 1)
            def _():
                fire(k, s + 1)
        return ()

    lax.fori_loop(0, S, row_body, (), unroll=False)

    pltpu.make_async_copy(ost[0], out_hbm.at[0, :, pl.ds(0, G)], ssem[0]).wait()
    pltpu.make_async_copy(ost[1], out_hbm.at[0, :, pl.ds(0, G)], ssem[1]).wait()


def kernel(token_ids, embedding):
    ids_t = token_ids.astype(jnp.int32).T
    tab_g = embedding.reshape(V // 4, 128)
    out_p = _emb_lookup(ids_t, tab_g)
    return jnp.transpose(out_p, (2, 0, 1))

# --- scband reference (transcript-rebuilt; emitter-appended) ---
"""Pipeline reference for scband-embedding-20143396618397 (READ-ONLY COPY).

The authoritative reference and input builder live on the scoring server;
editing this copy changes nothing except your own understanding.
"""

import jax, jax.numpy as jnp
import numpy as np

NUM_EMBEDDINGS = 1000000
EMBEDDING_DIM = 32

def setup_inputs(seed: int = 0) -> dict:
    key = jax.random.key(seed)
    k1, k2 = jax.random.split(key)
    token_ids = jax.random.randint(k1, (16384, 50), 0, NUM_EMBEDDINGS, dtype=jnp.int64 if jax.config.jax_enable_x64 else jnp.int32)
    # trunc_normal_ init (approximate with clipped normal to [-2, 2], matching torch default)
    emb = jax.random.truncated_normal(k2, -2.0, 2.0, (NUM_EMBEDDINGS, EMBEDDING_DIM), dtype=jnp.float32)
    return {"token_ids": token_ids, "embedding": emb}

def reference(token_ids, embedding):
    return jnp.take(embedding, token_ids, axis=0)

if __name__ == "__main__":
    import jax
    _d = setup_inputs()
    print(jax.jit(kernel)(*tuple(_d.values())))

</pallas_src>

<mosaic_0001>
#map = affine_map<(d0, d1) -> (0, 0)>
#map1 = affine_map<(d0, d1) -> (0, 0, 0)>
module attributes {stable_mosaic.version = 14 : i64} {
  func.func @_emb_lookup(%arg0: i32, %arg1: i32, %arg2: memref<50x16384xi32, #tpu.memory_space<hbm>>, %arg3: memref<250000x128xf32, #tpu.memory_space<hbm>>, %arg4: memref<50x32x16384xf32, #tpu.memory_space<hbm>>, %arg5: memref<50x512xi32, #tpu.memory_space<vmem>>, %arg6: memref<128x128xf32, #tpu.memory_space<vmem>>, %arg7: memref<128x128xf32, #tpu.memory_space<vmem>>, %arg8: memref<128x128xf32, #tpu.memory_space<vmem>>, %arg9: memref<128x128xf32, #tpu.memory_space<vmem>>, %arg10: memref<32x128xf32, #tpu.memory_space<vmem>>, %arg11: memref<32x128xf32, #tpu.memory_space<vmem>>, %arg12: memref<128xi32, #tpu.memory_space<vmem>>, %arg13: memref<128xi32, #tpu.memory_space<vmem>>, %arg14: memref<128xi32, #tpu.memory_space<vmem>>, %arg15: memref<128xi32, #tpu.memory_space<vmem>>, %arg16: memref<!tpu.dma_semaphore, #tpu.memory_space<semaphore_mem>>, %arg17: memref<!tpu.dma_semaphore, #tpu.memory_space<semaphore_mem>>, %arg18: memref<!tpu.dma_semaphore, #tpu.memory_space<semaphore_mem>>, %arg19: memref<!tpu.dma_semaphore, #tpu.memory_space<semaphore_mem>>, %arg20: memref<!tpu.dma_semaphore, #tpu.memory_space<semaphore_mem>>, %arg21: memref<!tpu.dma_semaphore, #tpu.memory_space<semaphore_mem>>) attributes {dimension_semantics = [#tpu.dimension_semantics<core_parallel>, #tpu.dimension_semantics<subcore_parallel>], iteration_bounds = array<i64: 2, 16>, scalar_prefetch = 0 : i64, scratch_operands = 17 : i64, tpu.core_type = #tpu.core_type<sc_vector_subcore>, window_params = [{transform_indices = #map}, {transform_indices = #map}, {transform_indices = #map1}]} {
    %mul3A = arith.constant 2 : i32
    %mul3A_0 = arith.muli %arg1, %mul3A : i32
    %add3A = arith.addi %mul3A_0, %arg0 : i32
    %mul3A_1 = arith.constant 512 : i32
    %mul3A_2 = arith.muli %add3A, %mul3A_1 : i32
    "tpu.region"() ({
      %run_scoped3A = tpu.sem_alloc : memref<!tpu.dma_semaphore, #tpu.memory_space<semaphore_mem>>
      %dma_start3A_320 = arith.constant 0 : i32
      %dma_start3A_321 = tpu.memref_slice %arg2[%dma_start3A_320, %mul3A_2] : memref<50x16384xi32, #tpu.memory_space<hbm>> -> memref<50x512xi32, #tpu.memory_space<hbm>>
      %dma_start3A_322 = arith.constant 0 : i32
      %dma_start3A_323 = tpu.memref_slice %arg2[%dma_start3A_322, %mul3A_2] : memref<50x16384xi32, #tpu.memory_space<hbm>> -> memref<50x512xi32, #tpu.memory_space<hbm>>
      tpu.enqueue_dma source(%dma_start3A_323 : memref<50x512xi32, #tpu.memory_space<hbm>>) target(%arg5 : memref<50x512xi32, #tpu.memory_space<vmem>>) target_semaphore(%run_scoped3A : memref<!tpu.dma_semaphore, #tpu.memory_space<semaphore_mem>>)
      %dma_wait3A_324 = arith.constant 0 : i32
      %dma_wait3A_325 = tpu.memref_slice %arg2[%dma_wait3A_324, %mul3A_2] : memref<50x16384xi32, #tpu.memory_space<hbm>> -> memref<50x512xi32, #tpu.memory_space<hbm>>
      %dma_wait3A_326 = arith.constant 0 : i32
      %dma_wait3A_327 = tpu.memref_slice %arg2[%dma_wait3A_326, %mul3A_2] : memref<50x16384xi32, #tpu.memory_space<hbm>> -> memref<50x512xi32, #tpu.memory_space<hbm>>
      tpu.wait_dma2 semaphore(%run_scoped3A : memref<!tpu.dma_semaphore, #tpu.memory_space<semaphore_mem>>) src(%dma_wait3A_327 : memref<50x512xi32, #tpu.memory_space<hbm>>) dst(%arg5 : memref<50x512xi32, #tpu.memory_space<vmem>>)
      tpu.yield
    }) : () -> ()
    %get3A = arith.constant 0 : i32
    %get3A_3 = arith.index_cast %get3A : i32 to index
    %get3A_4 = arith.constant 0 : index
    %get3A_5 = tpu.vector_load %arg5[%get3A_3, %get3A_4] {strides = array<i32>} : memref<50x512xi32, #tpu.memory_space<vmem>>, vector<16xi32>,
    %shift_right_arithmetic3A = arith.constant 2 : i32
    %shift_right_arithmetic3A_6 = vector.broadcast %shift_right_arithmetic3A : i32 to vector<16xi32>
    %shift_right_arithmetic3A_7 = arith.shrsi %get3A_5, %shift_right_arithmetic3A_6 : vector<16xi32>
    %swap3A = arith.constant 0 : index
    %swap3A_8 = tpu.vector_load %arg12[%swap3A] {strides = array<i32>} : memref<128xi32, #tpu.memory_space<vmem>>, vector<16xi32>,
    tpu.vector_store %arg12[%swap3A], %shift_right_arithmetic3A_7 {strides = array<i32>} : memref<128xi32, #tpu.memory_space<vmem>>, vector<16xi32>,
    %get3A_9 = arith.constant 0 : i32
    %get3A_10 = arith.index_cast %get3A_9 : i32 to index
    %get3A_11 = arith.constant 16 : index
    %get3A_12 = tpu.vector_load %arg5[%get3A_10, %get3A_11] {strides = array<i32>} : memref<50x512xi32, #tpu.memory_space<vmem>>, vector<16xi32>,
    %shift_right_arithmetic3A_13 = arith.constant 2 : i32
    %shift_right_arithmetic3A_14 = vector.broadcast %shift_right_arithmetic3A_13 : i32 to vector<16xi32>
    %shift_right_arithmetic3A_15 = arith.shrsi %get3A_12, %shift_right_arithmetic3A_14 : vector<16xi32>
    %swap3A_16 = arith.constant 16 : index
    %swap3A_17 = tpu.vector_load %arg12[%swap3A_16] {strides = array<i32>} : memref<128xi32, #tpu.memory_space<vmem>>, vector<16xi32>,
    tpu.vector_store %arg12[%swap3A_16], %shift_right_arithmetic3A_15 {strides = array<i32>} : memref<128xi32, #tpu.memory_space<vmem>>, vector<16xi32>,
    %get3A_18 = arith.constant 0 : i32
    %get3A_19 = arith.index_cast %get3A_18 : i32 to index
    %get3A_20 = arith.constant 32 : index
    %get3A_21 = tpu.vector_load %arg5[%get3A_19, %get3A_20] {strides = array<i32>} : memref<50x512xi32, #tpu.memory_space<vmem>>, vector<16xi32>,
    %shift_right_arithmetic3A_22 = arith.constant 2 : i32
    %shift_right_arithmetic3A_23 = vector.broadcast %shift_right_arithmetic3A_22 : i32 to vector<16xi32>
    %shift_right_arithmetic3A_24 = arith.shrsi %get3A_21, %shift_right_arithmetic3A_23 : vector<16xi32>
    %swap3A_25 = arith.constant 32 : index
    %swap3A_26 = tpu.vector_load %arg12[%swap3A_25] {strides = array<i32>} : memref<128xi32, #tpu.memory_space<vmem>>, vector<16xi32>,
    tpu.vector_store %arg12[%swap3A_25], %shift_right_arithmetic3A_24 {strides = array<i32>} : memref<128xi32, #tpu.memory_space<vmem>>, vector<16xi32>,
    %get3A_27 = arith.constant 0 : i32
    %get3A_28 = arith.index_cast %get3A_27 : i32 to index
    %get3A_29 = arith.constant 48 : index
    %get3A_30 = tpu.vector_load %arg5[%get3A_28, %get3A_29] {strides = array<i32>} : memref<50x512xi32, #tpu.memory_space<vmem>>, vector<16xi32>,
    %shift_right_arithmetic3A_31 = arith.constant 2 : i32
    %shift_right_arithmetic3A_32 = vector.broadcast %shift_right_arithmetic3A_31 : i32 to vector<16xi32>
    %shift_right_arithmetic3A_33 = arith.shrsi %get3A_30, %shift_right_arithmetic3A_32 : vector<16xi32>
    %swap3A_34 = arith.constant 48 : index
    %swap3A_35 = tpu.vector_load %arg12[%swap3A_34] {strides = array<i32>} : memref<128xi32, #tpu.memory_space<vmem>>, vector<16xi32>,
    tpu.vector_store %arg12[%swap3A_34], %shift_right_arithmetic3A_33 {strides = array<i32>} : memref<128xi32, #tpu.memory_space<vmem>>, vector<16xi32>,
    %get3A_36 = arith.constant 0 : i32
    %get3A_37 = arith.index_cast %get3A_36 : i32 to index
    %get3A_38 = arith.constant 64 : index
    %get3A_39 = tpu.vector_load %arg5[%get3A_37, %get3A_38] {strides = array<i32>} : memref<50x512xi32, #tpu.memory_space<vmem>>, vector<16xi32>,
    %shift_right_arithmetic3A_40 = arith.constant 2 : i32
    %shift_right_arithmetic3A_41 = vector.broadcast %shift_right_arithmetic3A_40 : i32 to vector<16xi32>
    %shift_right_arithmetic3A_42 = arith.shrsi %get3A_39, %shift_right_arithmetic3A_41 : vector<16xi32>
    %swap3A_43 = arith.constant 64 : index
    %swap3A_44 = tpu.vector_load %arg12[%swap3A_43] {strides = array<i32>} : memref<128xi32, #tpu.memory_space<vmem>>, vector<16xi32>,
    tpu.vector_store %arg12[%swap3A_43], %shift_right_arithmetic3A_42 {strides = array<i32>} : memref<128xi32, #tpu.memory_space<vmem>>, vector<16xi32>,
    %get3A_45 = arith.constant 0 : i32
    %get3A_46 = arith.index_cast %get3A_45 : i32 to index
    %get3A_47 = arith.constant 80 : index
    %get3A_48 = tpu.vector_load %arg5[%get3A_46, %get3A_47] {strides = array<i32>} : memref<50x512xi32, #tpu.memory_space<vmem>>, vector<16xi32>,
    %shift_right_arithmetic3A_49 = arith.constant 2 : i32
    %shift_right_arithmetic3A_50 = vector.broadcast %shift_right_arithmetic3A_49 : i32 to vector<16xi32>
    %shift_right_arithmetic3A_51 = arith.shrsi %get3A_48, %shift_right_arithmetic3A_50 : vector<16xi32>
    %swap3A_52 = arith.constant 80 : index
    %swap3A_53 = tpu.vector_load %arg12[%swap3A_52] {strides = array<i32>} : memref<128xi32, #tpu.memory_space<vmem>>, vector<16xi32>,
    tpu.vector_store %arg12[%swap3A_52], %shift_right_arithmetic3A_51 {strides = array<i32>} : memref<128xi32, #tpu.memory_space<vmem>>, vector<16xi32>,
    %get3A_54 = arith.constant 0 : i32
    %get3A_55 = arith.index_cast %get3A_54 : i32 to index
    %get3A_56 = arith.constant 96 : index
    %get3A_57 = tpu.vector_load %arg5[%get3A_55, %get3A_56] {strides = array<i32>} : memref<50x512xi32, #tpu.memory_space<vmem>>, vector<16xi32>,
    %shift_right_arithmetic3A_58 = arith.constant 2 : i32
    %shift_right_arithmetic3A_59 = vector.broadcast %shift_right_arithmetic3A_58 : i32 to vector<16xi32>
    %shift_right_arithmetic3A_60 = arith.shrsi %get3A_57, %shift_right_arithmetic3A_59 : vector<16xi32>
    %swap3A_61 = arith.constant 96 : index
    %swap3A_62 = tpu.vector_load %arg12[%swap3A_61] {strides = array<i32>} : memref<128xi32, #tpu.memory_space<vmem>>, vector<16xi32>,
    tpu.vector_store %arg12[%swap3A_61], %shift_right_arithmetic3A_60 {strides = array<i32>} : memref<128xi32, #tpu.memory_space<vmem>>, vector<16xi32>,
    %get3A_63 = arith.constant 0 : i32
    %get3A_64 = arith.index_cast %get3A_63 : i32 to index
    %get3A_65 = arith.constant 112 : index
    %get3A_66 = tpu.vector_load %arg5[%get3A_64, %get3A_65] {strides = array<i32>} : memref<50x512xi32, #tpu.memory_space<vmem>>, vector<16xi32>,
    %shift_right_arithmetic3A_67 = arith.constant 2 : i32
    %shift_right_arithmetic3A_68 = vector.broadcast %shift_right_arithmetic3A_67 : i32 to vector<16xi32>
    %shift_right_arithmetic3A_69 = arith.shrsi %get3A_66, %shift_right_arithmetic3A_68 : vector<16xi32>
    %swap3A_70 = arith.constant 112 : index
    %swap3A_71 = tpu.vector_load %arg12[%swap3A_70] {strides = array<i32>} : memref<128xi32, #tpu.memory_space<vmem>>, vector<16xi32>,
    tpu.vector_store %arg12[%swap3A_70], %shift_right_arithmetic3A_69 {strides = array<i32>} : memref<128xi32, #tpu.memory_space<vmem>>, vector<16xi32>,
    %dma_start3A = arith.constant 0 : i32
    %dma_start3A_72 = arith.constant 0 : i32
    %dma_start3A_73 = tpu.memref_slice %arg3[%dma_start3A, %dma_start3A_72] : memref<250000x128xf32, #tpu.memory_space<hbm>> -> memref<250000x128xf32, #tpu.memory_space<hbm>>
    tpu.enqueue_indirect_dma source(%dma_start3A_73 : memref<250000x128xf32, #tpu.memory_space<hbm>>) target(%arg6 : memref<128x128xf32, #tpu.memory_space<vmem>>) offsets(%arg12 : memref<128xi32, #tpu.memory_space<vmem>>) semaphore(%arg16 : memref<!tpu.dma_semaphore, #tpu.memory_space<semaphore_mem>>)
    %get3A_74 = arith.constant 0 : i32
    %get3A_75 = arith.index_cast %get3A_74 : i32 to index
    %get3A_76 = arith.constant 128 : index
    %get3A_77 = tpu.vector_load %arg5[%get3A_75, %get3A_76] {strides = array<i32>} : memref<50x512xi32, #tpu.memory_space<vmem>>, vector<16xi32>,
    %shift_right_arithmetic3A_78 = arith.constant 2 : i32
    %shift_right_arithmetic3A_79 = vector.broadcast %shift_right_arithmetic3A_78 : i32 to vector<16xi32>
    %shift_right_arithmetic3A_80 = arith.shrsi %get3A_77, %shift_right_arithmetic3A_79 : vector<16xi32>
    %swap3A_81 = arith.constant 0 : index
    %swap3A_82 = tpu.vector_load %arg13[%swap3A_81] {strides = array<i32>} : memref<128xi32, #tpu.memory_space<vmem>>, vector<16xi32>,
    tpu.vector_store %arg13[%swap3A_81], %shift_right_arithmetic3A_80 {strides = array<i32>} : memref<128xi32, #tpu.memory_space<vmem>>, vector<16xi32>,
    %get3A_83 = arith.constant 0 : i32
    %get3A_84 = arith.index_cast %get3A_83 : i32 to index
    %get3A_85 = arith.constant 144 : index
    %get3A_86 = tpu.vector_load %arg5[%get3A_84, %get3A_85] {strides = array<i32>} : memref<50x512xi32, #tpu.memory_space<vmem>>, vector<16xi32>,
    %shift_right_arithmetic3A_87 = arith.constant 2 : i32
    %shift_right_arithmetic3A_88 = vector.broadcast %shift_right_arithmetic3A_87 : i32 to vector<16xi32>
    %shift_right_arithmetic3A_89 = arith.shrsi %get3A_86, %shift_right_arithmetic3A_88 : vector<16xi32>
    %swap3A_90 = arith.constant 16 : index
    %swap3A_91 = tpu.vector_load %arg13[%swap3A_90] {strides = array<i32>} : memref<128xi32, #tpu.memory_space<vmem>>, vector<16xi32>,
    tpu.vector_store %arg13[%swap3A_90], %shift_right_arithmetic3A_89 {strides = array<i32>} : memref<128xi32, #tpu.memory_space<vmem>>, vector<16xi32>,
    %get3A_92 = arith.constant 0 : i32
    %get3A_93 = arith.index_cast %get3A_92 : i32 to index
    %get3A_94 = arith.constant 160 : index
    %get3A_95 = tpu.vector_load %arg5[%get3A_93, %get3A_94] {strides = array<i32>} : memref<50x512xi32, #tpu.memory_space<vmem>>, vector<16xi32>,
    %shift_right_arithmetic3A_96 = arith.constant 2 : i32
    %shift_right_arithmetic3A_97 = vector.broadcast %shift_right_arithmetic3A_96 : i32 to vector<16xi32>
    %shift_right_arithmetic3A_98 = arith.shrsi %get3A_95, %shift_right_arithmetic3A_97 : vector<16xi32>
    %swap3A_99 = arith.constant 32 : index
    %swap3A_100 = tpu.vector_load %arg13[%swap3A_99] {strides = array<i32>} : memref<128xi32, #tpu.memory_space<vmem>>, vector<16xi32>,
    tpu.vector_store %arg13[%swap3A_99], %shift_right_arithmetic3A_98 {strides = array<i32>} : memref<128xi32, #tpu.memory_space<vmem>>, vector<16xi32>,
    %get3A_101 = arith.constant 0 : i32
    %get3A_102 = arith.index_cast %get3A_101 : i32 to index
    %get3A_103 = arith.constant 176 : index
    %get3A_104 = tpu.vector_load %arg5[%get3A_102, %get3A_103] {strides = array<i32>} : memref<50x512xi32, #tpu.memory_space<vmem>>, vector<16xi32>,
    %shift_right_arithmetic3A_105 = arith.constant 2 : i32
    %shift_right_arithmetic3A_106 = vector.broadcast %shift_right_arithmetic3A_105 : i32 to vector<16xi32>
    %shift_right_arithmetic3A_107 = arith.shrsi %get3A_104, %shift_right_arithmetic3A_106 : vector<16xi32>
    %swap3A_108 = arith.constant 48 : index
    %swap3A_109 = tpu.vector_load %arg13[%swap3A_108] {strides = array<i32>} : memref<128xi32, #tpu.memory_space<vmem>>, vector<16xi32>,
    tpu.vector_store %arg13[%swap3A_108], %shift_right_arithmetic3A_107 {strides = array<i32>} : memref<128xi32, #tpu.memory_space<vmem>>, vector<16xi32>,
    %get3A_110 = arith.constant 0 : i32
    %get3A_111 = arith.index_cast %get3A_110 : i32 to index
    %get3A_112 = arith.constant 192 : index
    %get3A_113 = tpu.vector_load %arg5[%get3A_111, %get3A_112] {strides = array<i32>} : memref<50x512xi32, #tpu.memory_space<vmem>>, vector<16xi32>,
    %shift_right_arithmetic3A_114 = arith.constant 2 : i32
    %shift_right_arithmetic3A_115 = vector.broadcast %shift_right_arithmetic3A_114 : i32 to vector<16xi32>
    %shift_right_arithmetic3A_116 = arith.shrsi %get3A_113, %shift_right_arithmetic3A_115 : vector<16xi32>
    %swap3A_117 = arith.constant 64 : index
    %swap3A_118 = tpu.vector_load %arg13[%swap3A_117] {strides = array<i32>} : memref<128xi32, #tpu.memory_space<vmem>>, vector<16xi32>,
    tpu.vector_store %arg13[%swap3A_117], %shift_right_arithmetic3A_116 {strides = array<i32>} : memref<128xi32, #tpu.memory_space<vmem>>, vector<16xi32>,
    %get3A_119 = arith.constant 0 : i32
    %get3A_120 = arith.index_cast %get3A_119 : i32 to index
    %get3A_121 = arith.constant 208 : index
    %get3A_122 = tpu.vector_load %arg5[%get3A_120, %get3A_121] {strides = array<i32>} : memref<50x512xi32, #tpu.memory_space<vmem>>, vector<16xi32>,
    %shift_right_arithmetic3A_123 = arith.constant 2 : i32
    %shift_right_arithmetic3A_124 = vector.broadcast %shift_right_arithmetic3A_123 : i32 to vector<16xi32>
    %shift_right_arithmetic3A_125 = arith.shrsi %get3A_122, %shift_right_arithmetic3A_124 : vector<16xi32>
    %swap3A_126 = arith.constant 80 : index
    %swap3A_127 = tpu.vector_load %arg13[%swap3A_126] {strides = array<i32>} : memref<128xi32, #tpu.memory_space<vmem>>, vector<16xi32>,
    tpu.vector_store %arg13[%swap3A_126], %shift_right_arithmetic3A_125 {strides = array<i32>} : memref<128xi32, #tpu.memory_space<vmem>>, vector<16xi32>,
    %get3A_128 = arith.constant 0 : i32
    %get3A_129 = arith.index_cast %get3A_128 : i32 to index
    %get3A_130 = arith.constant 224 : index
    %get3A_131 = tpu.vector_load %arg5[%get3A_129, %get3A_130] {strides = array<i32>} : memref<50x512xi32, #tpu.memory_space<vmem>>, vector<16xi32>,
    %shift_right_arithmetic3A_132 = arith.constant 2 : i32
    %shift_right_arithmetic3A_133 = vector.broadcast %shift_right_arithmetic3A_132 : i32 to vector<16xi32>
    %shift_right_arithmetic3A_134 = arith.shrsi %get3A_131, %shift_right_arithmetic3A_133 : vector<16xi32>
    %swap3A_135 = arith.constant 96 : index
    %swap3A_136 = tpu.vector_load %arg13[%swap3A_135] {strides = array<i32>} : memref<128xi32, #tpu.memory_space<vmem>>, vector<16xi32>,
    tpu.vector_store %arg13[%swap3A_135], %shift_right_arithmetic3A_134 {strides = array<i32>} : memref<128xi32, #tpu.memory_space<vmem>>, vector<16xi32>,
    %get3A_137 = arith.constant 0 : i32
    %get3A_138 = arith.index_cast %get3A_137 : i32 to index
    %get3A_139 = arith.constant 240 : index
    %get3A_140 = tpu.vector_load %arg5[%get3A_138, %get3A_139] {strides = array<i32>} : memref<50x512xi32, #tpu.memory_space<vmem>>, vector<16xi32>,
    %shift_right_arithmetic3A_141 = arith.constant 2 : i32
    %shift_right_arithmetic3A_142 = vector.broadcast %shift_right_arithmetic3A_141 : i32 to vector<16xi32>
    %shift_right_arithmetic3A_143 = arith.shrsi %get3A_140, %shift_right_arithmetic3A_142 : vector<16xi32>
    %swap3A_144 = arith.constant 112 : index
    %swap3A_145 = tpu.vector_load %arg13[%swap3A_144] {strides = array<i32>} : memref<128xi32, #tpu.memory_space<vmem>>, vector<16xi32>,
    tpu.vector_store %arg13[%swap3A_144], %shift_right_arithmetic3A_143 {strides = array<i32>} : memref<128xi32, #tpu.memory_space<vmem>>, vector<16xi32>,
    %dma_start3A_146 = arith.constant 0 : i32
    %dma_start3A_147 = arith.constant 0 : i32
    %dma_start3A_148 = tpu.memref_slice %arg3[%dma_start3A_146, %dma_start3A_147] : memref<250000x128xf32, #tpu.memory_space<hbm>> -> memref<250000x128xf32, #tpu.memory_space<hbm>>
    tpu.enqueue_indirect_dma source(%dma_start3A_148 : memref<250000x128xf32, #tpu.memory_space<hbm>>) target(%arg7 : memref<128x128xf32, #tpu.memory_space<vmem>>) offsets(%arg13 : memref<128xi32, #tpu.memory_space<vmem>>) semaphore(%arg17 : memref<!tpu.dma_semaphore, #tpu.memory_space<semaphore_mem>>)
    %get3A_149 = arith.constant 0 : i32
    %get3A_150 = arith.index_cast %get3A_149 : i32 to index
    %get3A_151 = arith.constant 256 : index
    %get3A_152 = tpu.vector_load %arg5[%get3A_150, %get3A_151] {strides = array<i32>} : memref<50x512xi32, #tpu.memory_space<vmem>>, vector<16xi32>,
    %shift_right_arithmetic3A_153 = arith.constant 2 : i32
    %shift_right_arithmetic3A_154 = vector.broadcast %shift_right_arithmetic3A_153 : i32 to vector<16xi32>
    %shift_right_arithmetic3A_155 = arith.shrsi %get3A_152, %shift_right_arithmetic3A_154 : vector<16xi32>
    %swap3A_156 = arith.constant 0 : index
    %swap3A_157 = tpu.vector_load %arg14[%swap3A_156] {strides = array<i32>} : memref<128xi32, #tpu.memory_space<vmem>>, vector<16xi32>,
    tpu.vector_store %arg14[%swap3A_156], %shift_right_arithmetic3A_155 {strides = array<i32>} : memref<128xi32, #tpu.memory_space<vmem>>, vector<16xi32>,
    %get3A_158 = arith.constant 0 : i32
    %get3A_159 = arith.index_cast %get3A_158 : i32 to index
    %get3A_160 = arith.constant 272 : index
    %get3A_161 = tpu.vector_load %arg5[%get3A_159, %get3A_160] {strides = array<i32>} : memref<50x512xi32, #tpu.memory_space<vmem>>, vector<16xi32>,
    %shift_right_arithmetic3A_162 = arith.constant 2 : i32
    %shift_right_arithmetic3A_163 = vector.broadcast %shift_right_arithmetic3A_162 : i32 to vector<16xi32>
    %shift_right_arithmetic3A_164 = arith.shrsi %get3A_161, %shift_right_arithmetic3A_163 : vector<16xi32>
    %swap3A_165 = arith.constant 16 : index
    %swap3A_166 = tpu.vector_load %arg14[%swap3A_165] {strides = array<i32>} : memref<128xi32, #tpu.memory_space<vmem>>, vector<16xi32>,
    tpu.vector_store %arg14[%swap3A_165], %shift_right_arithmetic3A_164 {strides = array<i32>} : memref<128xi32, #tpu.memory_space<vmem>>, vector<16xi32>,
    %get3A_167 = arith.constant 0 : i32
    %get3A_168 = arith.index_cast %get3A_167 : i32 to index
    %get3A_169 = arith.constant 288 : index
    %get3A_170 = tpu.vector_load %arg5[%get3A_168, %get3A_169] {strides = array<i32>} : memref<50x512xi32, #tpu.memory_space<vmem>>, vector<16xi32>,
    %shift_right_arithmetic3A_171 = arith.constant 2 : i32
    %shift_right_arithmetic3A_172 = vector.broadcast %shift_right_arithmetic3A_171 : i32 to vector<16xi32>
    %shift_right_arithmetic3A_173 = arith.shrsi %get3A_170, %shift_right_arithmetic3A_172 : vector<16xi32>
    %swap3A_174 = arith.constant 32 : index
    %swap3A_175 = tpu.vector_load %arg14[%swap3A_174] {strides = array<i32>} : memref<128xi32, #tpu.memory_space<vmem>>, vector<16xi32>,
    tpu.vector_store %arg14[%swap3A_174], %shift_right_arithmetic3A_173 {strides = array<i32>} : memref<128xi32, #tpu.memory_space<vmem>>, vector<16xi32>,
    %get3A_176 = arith.constant 0 : i32
    %get3A_177 = arith.index_cast %get3A_176 : i32 to index
    %get3A_178 = arith.constant 304 : index
    %get3A_179 = tpu.vector_load %arg5[%get3A_177, %get3A_178] {strides = array<i32>} : memref<50x512xi32, #tpu.memory_space<vmem>>, vector<16xi32>,
    %shift_right_arithmetic3A_180 = arith.constant 2 : i32
    %shift_right_arithmetic3A_181 = vector.broadcast %shift_right_arithmetic3A_180 : i32 to vector<16xi32>
    %shift_right_arithmetic3A_182 = arith.shrsi %get3A_179, %shift_right_arithmetic3A_181 : vector<16xi32>
    %swap3A_183 = arith.constant 48 : index
    %swap3A_184 = tpu.vector_load %arg14[%swap3A_183] {strides = array<i32>} : memref<128xi32, #tpu.memory_space<vmem>>, vector<16xi32>,
    tpu.vector_store %arg14[%swap3A_183], %shift_right_arithmetic3A_182 {strides = array<i32>} : memref<128xi32, #tpu.memory_space<vmem>>, vector<16xi32>,
    %get3A_185 = arith.constant 0 : i32
    %get3A_186 = arith.index_cast %get3A_185 : i32 to index
    %get3A_187 = arith.constant 320 : index
    %get3A_188 = tpu.vector_load %arg5[%get3A_186, %get3A_187] {strides = array<i32>} : memref<50x512xi32, #tpu.memory_space<vmem>>, vector<16xi32>,
    %shift_right_arithmetic3A_189 = arith.constant 2 : i32
    %shift_right_arithmetic3A_190 = vector.broadcast %shift_right_arithmetic3A_189 : i32 to vector<16xi32>
    %shift_right_arithmetic3A_191 = arith.shrsi %get3A_188, %shift_right_arithmetic3A_190 : vector<16xi32>
    %swap3A_192 = arith.constant 64 : index
    %swap3A_193 = tpu.vector_load %arg14[%swap3A_192] {strides = array<i32>} : memref<128xi32, #tpu.memory_space<vmem>>, vector<16xi32>,
    tpu.vector_store %arg14[%swap3A_192], %shift_right_arithmetic3A_191 {strides = array<i32>} : memref<128xi32, #tpu.memory_space<vmem>>, vector<16xi32>,
    %get3A_194 = arith.constant 0 : i32
    %get3A_195 = arith.index_cast %get3A_194 : i32 to index
    %get3A_196 = arith.constant 336 : index
    %get3A_197 = tpu.vector_load %arg5[%get3A_195, %get3A_196] {strides = array<i32>} : memref<50x512xi32, #tpu.memory_space<vmem>>, vector<16xi32>,
    %shift_right_arithmetic3A_198 = arith.constant 2 : i32
    %shift_right_arithmetic3A_199 = vector.broadcast %shift_right_arithmetic3A_198 : i32 to vector<16xi32>
    %shift_right_arithmetic3A_200 = arith.shrsi %get3A_197, %shift_right_arithmetic3A_199 : vector<16xi32>
    %swap3A_201 = arith.constant 80 : index
    %swap3A_202 = tpu.vector_load %arg14[%swap3A_201] {strides = array<i32>} : memref<128xi32, #tpu.memory_space<vmem>>, vector<16xi32>,
    tpu.vector_store %arg14[%swap3A_201], %shift_right_arithmetic3A_200 {strides = array<i32>} : memref<128xi32, #tpu.memory_space<vmem>>, vector<16xi32>,
    %get3A_203 = arith.constant 0 : i32
    %get3A_204 = arith.index_cast %get3A_203 : i32 to index
    %get3A_205 = arith.constant 352 : index
    %get3A_206 = tpu.vector_load %arg5[%get3A_204, %get3A_205] {strides = array<i32>} : memref<50x512xi32, #tpu.memory_space<vmem>>, vector<16xi32>,
    %shift_right_arithmetic3A_207 = arith.constant 2 : i32
    %shift_right_arithmetic3A_208 = vector.broadcast %shift_right_arithmetic3A_207 : i32 to vector<16xi32>
    %shift_right_arithmetic3A_209 = arith.shrsi %get3A_206, %shift_right_arithmetic3A_208 : vector<16xi32>
    %swap3A_210 = arith.constant 96 : index
    %swap3A_211 = tpu.vector_load %arg14[%swap3A_210] {strides = array<i32>} : memref<128xi32, #tpu.memory_space<vmem>>, vector<16xi32>,
    tpu.vector_store %arg14[%swap3A_210], %shift_right_arithmetic3A_209 {strides = array<i32>} : memref<128xi32, #tpu.memory_space<vmem>>, vector<16xi32>,
    %get3A_212 = arith.constant 0 : i32
    %get3A_213 = arith.index_cast %get3A_212 : i32 to index
    %get3A_214 = arith.constant 368 : index
    %get3A_215 = tpu.vector_load %arg5[%get3A_213, %get3A_214] {strides = array<i32>} : memref<50x512xi32, #tpu.memory_space<vmem>>, vector<16xi32>,
    %shift_right_arithmetic3A_216 = arith.constant 2 : i32
    %shift_right_arithmetic3A_217 = vector.broadcast %shift_right_arithmetic3A_216 : i32 to vector<16xi32>
    %shift_right_arithmetic3A_218 = arith.shrsi %get3A_215, %shift_right_arithmetic3A_217 : vector<16xi32>
    %swap3A_219 = arith.constant 112 : index
    %swap3A_220 = tpu.vector_load %arg14[%swap3A_219] {strides = array<i32>} : memref<128xi32, #tpu.memory_space<vmem>>, vector<16xi32>,
    tpu.vector_store %arg14[%swap3A_219], %shift_right_arithmetic3A_218 {strides = array<i32>} : memref<128xi32, #tpu.memory_space<vmem>>, vector<16xi32>,
    %dma_start3A_221 = arith.constant 0 : i32
    %dma_start3A_222 = arith.constant 0 : i32
    %dma_start3A_223 = tpu.memref_slice %arg3[%dma_start3A_221, %dma_start3A_222] : memref<250000x128xf32, #tpu.memory_space<hbm>> -> memref<250000x128xf32, #tpu.memory_space<hbm>>
    tpu.enqueue_indirect_dma source(%dma_start3A_223 : memref<250000x128xf32, #tpu.memory_space<hbm>>) target(%arg8 : memref<128x128xf32, #tpu.memory_space<vmem>>) offsets(%arg14 : memref<128xi32, #tpu.memory_space<vmem>>) semaphore(%arg18 : memref<!tpu.dma_semaphore, #tpu.memory_space<semaphore_mem>>)
    %get3A_224 = arith.constant 0 : i32
    %get3A_225 = arith.index_cast %get3A_224 : i32 to index
    %get3A_226 = arith.constant 384 : index
    %get3A_227 = tpu.vector_load %arg5[%get3A_225, %get3A_226] {strides = array<i32>} : memref<50x512xi32, #tpu.memory_space<vmem>>, vector<16xi32>,
    %shift_right_arithmetic3A_228 = arith.constant 2 : i32
    %shift_right_arithmetic3A_229 = vector.broadcast %shift_right_arithmetic3A_228 : i32 to vector<16xi32>
    %shift_right_arithmetic3A_230 = arith.shrsi %get3A_227, %shift_right_arithmetic3A_229 : vector<16xi32>
    %swap3A_231 = arith.constant 0 : index
    %swap3A_232 = tpu.vector_load %arg15[%swap3A_231] {strides = array<i32>} : memref<128xi32, #tpu.memory_space<vmem>>, vector<16xi32>,
    tpu.vector_store %arg15[%swap3A_231], %shift_right_arithmetic3A_230 {strides = array<i32>} : memref<128xi32, #tpu.memory_space<vmem>>, vector<16xi32>,
    %get3A_233 = arith.constant 0 : i32
    %get3A_234 = arith.index_cast %get3A_233 : i32 to index
    %get3A_235 = arith.constant 400 : index
    %get3A_236 = tpu.vector_load %arg5[%get3A_234, %get3A_235] {strides = array<i32>} : memref<50x512xi32, #tpu.memory_space<vmem>>, vector<16xi32>,
    %shift_right_arithmetic3A_237 = arith.constant 2 : i32
    %shift_right_arithmetic3A_238 = vector.broadcast %shift_right_arithmetic3A_237 : i32 to vector<16xi32>
    %shift_right_arithmetic3A_239 = arith.shrsi %get3A_236, %shift_right_arithmetic3A_238 : vector<16xi32>
    %swap3A_240 = arith.constant 16 : index
    %swap3A_241 = tpu.vector_load %arg15[%swap3A_240] {strides = array<i32>} : memref<128xi32, #tpu.memory_space<vmem>>, vector<16xi32>,
    tpu.vector_store %arg15[%swap3A_240], %shift_right_arithmetic3A_239 {strides = array<i32>} : memref<128xi32, #tpu.memory_space<vmem>>, vector<16xi32>,
    %get3A_242 = arith.constant 0 : i32
    %get3A_243 = arith.index_cast %get3A_242 : i32 to index
    %get3A_244 = arith.constant 416 : index
    %get3A_245 = tpu.vector_load %arg5[%get3A_243, %get3A_244] {strides = array<i32>} : memref<50x512xi32, #tpu.memory_space<vmem>>, vector<16xi32>,
    %shift_right_arithmetic3A_246 = arith.constant 2 : i32
    %shift_right_arithmetic3A_247 = vector.broadcast %shift_right_arithmetic3A_246 : i32 to vector<16xi32>
    %shift_right_arithmetic3A_248 = arith.shrsi %get3A_245, %shift_right_arithmetic3A_247 : vector<16xi32>
    %swap3A_249 = arith.constant 32 : index
    %swap3A_250 = tpu.vector_load %arg15[%swap3A_249] {strides = array<i32>} : memref<128xi32, #tpu.memory_space<vmem>>, vector<16xi32>,
    tpu.vector_store %arg15[%swap3A_249], %shift_right_arithmetic3A_248 {strides = array<i32>} : memref<128xi32, #tpu.memory_space<vmem>>, vector<16xi32>,
    %get3A_251 = arith.constant 0 : i32
    %get3A_252 = arith.index_cast %get3A_251 : i32 to index
    %get3A_253 = arith.constant 432 : index
    %get3A_254 = tpu.vector_load %arg5[%get3A_252, %get3A_253] {strides = array<i32>} : memref<50x512xi32, #tpu.memory_space<vmem>>, vector<16xi32>,
    %shift_right_arithmetic3A_255 = arith.constant 2 : i32
    %shift_right_arithmetic3A_256 = vector.broadcast %shift_right_arithmetic3A_255 : i32 to vector<16xi32>
    %shift_right_arithmetic3A_257 = arith.shrsi %get3A_254, %shift_right_arithmetic3A_256 : vector<16xi32>
    %swap3A_258 = arith.constant 48 : index
    %swap3A_259 = tpu.vector_load %arg15[%swap3A_258] {strides = array<i32>} : memref<128xi32, #tpu.memory_space<vmem>>, vector<16xi32>,
    tpu.vector_store %arg15[%swap3A_258], %shift_right_arithmetic3A_257 {strides = array<i32>} : memref<128xi32, #tpu.memory_space<vmem>>, vector<16xi32>,
    %get3A_260 = arith.constant 0 : i32
    %get3A_261 = arith.index_cast %get3A_260 : i32 to index
    %get3A_262 = arith.constant 448 : index
    %get3A_263 = tpu.vector_load %arg5[%get3A_261, %get3A_262] {strides = array<i32>} : memref<50x512xi32, #tpu.memory_space<vmem>>, vector<16xi32>,
    %shift_right_arithmetic3A_264 = arith.constant 2 : i32
    %shift_right_arithmetic3A_265 = vector.broadcast %shift_right_arithmetic3A_264 : i32 to vector<16xi32>
    %shift_right_arithmetic3A_266 = arith.shrsi %get3A_263, %shift_right_arithmetic3A_265 : vector<16xi32>
    %swap3A_267 = arith.constant 64 : index
    %swap3A_268 = tpu.vector_load %arg15[%swap3A_267] {strides = array<i32>} : memref<128xi32, #tpu.memory_space<vmem>>, vector<16xi32>,
    tpu.vector_store %arg15[%swap3A_267], %shift_right_arithmetic3A_266 {strides = array<i32>} : memref<128xi32, #tpu.memory_space<vmem>>, vector<16xi32>,
    %get3A_269 = arith.constant 0 : i32
    %get3A_270 = arith.index_cast %get3A_269 : i32 to index
    %get3A_271 = arith.constant 464 : index
    %get3A_272 = tpu.vector_load %arg5[%get3A_270, %get3A_271] {strides = array<i32>} : memref<50x512xi32, #tpu.memory_space<vmem>>, vector<16xi32>,
    %shift_right_arithmetic3A_273 = arith.constant 2 : i32
    %shift_right_arithmetic3A_274 = vector.broadcast %shift_right_arithmetic3A_273 : i32 to vector<16xi32>
    %shift_right_arithmetic3A_275 = arith.shrsi %get3A_272, %shift_right_arithmetic3A_274 : vector<16xi32>
    %swap3A_276 = arith.constant 80 : index
    %swap3A_277 = tpu.vector_load %arg15[%swap3A_276] {strides = array<i32>} : memref<128xi32, #tpu.memory_space<vmem>>, vector<16xi32>,
    tpu.vector_store %arg15[%swap3A_276], %shift_right_arithmetic3A_275 {strides = array<i32>} : memref<128xi32, #tpu.memory_space<vmem>>, vector<16xi32>,
    %get3A_278 = arith.constant 0 : i32
    %get3A_279 = arith.index_cast %get3A_278 : i32 to index
    %get3A_280 = arith.constant 480 : index
    %get3A_281 = tpu.vector_load %arg5[%get3A_279, %get3A_280] {strides = array<i32>} : memref<50x512xi32, #tpu.memory_space<vmem>>, vector<16xi32>,
    %shift_right_arithmetic3A_282 = arith.constant 2 : i32
    %shift_right_arithmetic3A_283 = vector.broadcast %shift_right_arithmetic3A_282 : i32 to vector<16xi32>
    %shift_right_arithmetic3A_284 = arith.shrsi %get3A_281, %shift_right_arithmetic3A_283 : vector<16xi32>
    %swap3A_285 = arith.constant 96 : index
    %swap3A_286 = tpu.vector_load %arg15[%swap3A_285] {strides = array<i32>} : memref<128xi32, #tpu.memory_space<vmem>>, vector<16xi32>,
    tpu.vector_store %arg15[%swap3A_285], %shift_right_arithmetic3A_284 {strides = array<i32>} : memref<128xi32, #tpu.memory_space<vmem>>, vector<16xi32>,
    %get3A_287 = arith.constant 0 : i32
    %get3A_288 = arith.index_cast %get3A_287 : i32 to index
    %get3A_289 = arith.constant 496 : index
    %get3A_290 = tpu.vector_load %arg5[%get3A_288, %get3A_289] {strides = array<i32>} : memref<50x512xi32, #tpu.memory_space<vmem>>, vector<16xi32>,
    %shift_right_arithmetic3A_291 = arith.constant 2 : i32
    %shift_right_arithmetic3A_292 = vector.broadcast %shift_right_arithmetic3A_291 : i32 to vector<16xi32>
    %shift_right_arithmetic3A_293 = arith.shrsi %get3A_290, %shift_right_arithmetic3A_292 : vector<16xi32>
    %swap3A_294 = arith.constant 112 : index
    %swap3A_295 = tpu.vector_load %arg15[%swap3A_294] {strides = array<i32>} : memref<128xi32, #tpu.memory_space<vmem>>, vector<16xi32>,
    tpu.vector_store %arg15[%swap3A_294], %shift_right_arithmetic3A_293 {strides = array<i32>} : memref<128xi32, #tpu.memory_space<vmem>>, vector<16xi32>,
    %dma_start3A_296 = arith.constant 0 : i32
    %dma_start3A_297 = arith.constant 0 : i32
    %dma_start3A_298 = tpu.memref_slice %arg3[%dma_start3A_296, %dma_start3A_297] : memref<250000x128xf32, #tpu.memory_space<hbm>> -> memref<250000x128xf32, #tpu.memory_space<hbm>>
    tpu.enqueue_indirect_dma source(%dma_start3A_298 : memref<250000x128xf32, #tpu.memory_space<hbm>>) target(%arg9 : memref<128x128xf32, #tpu.memory_space<vmem>>) offsets(%arg15 : memref<128xi32, #tpu.memory_space<vmem>>) semaphore(%arg19 : memref<!tpu.dma_semaphore, #tpu.memory_space<semaphore_mem>>)
    %scan3A = arith.constant 0 : i32
    %scan3A_299 = arith.constant 50 : i32
    %scan3A_300 = arith.addi %scan3A, %scan3A_299 : i32
    %scan3A_301 = arith.constant 1 : i32
    scf.for %scan3A_320 = %scan3A to %scan3A_300 step %scan3A_301  : i32 {
      %dma_wait3A_321 = arith.constant 0 : i32
      %dma_wait3A_322 = arith.constant 0 : i32
      %dma_wait3A_323 = tpu.memref_slice %arg3[%dma_wait3A_321, %dma_wait3A_322] : memref<250000x128xf32, #tpu.memory_space<hbm>> -> memref<250000x128xf32, #tpu.memory_space<hbm>>
      tpu.wait_indirect_dma semaphore(%arg16 : memref<!tpu.dma_semaphore, #tpu.memory_space<semaphore_mem>>) src(%dma_wait3A_323 : memref<250000x128xf32, #tpu.memory_space<hbm>>) dst(%arg6 : memref<128x128xf32, #tpu.memory_space<vmem>>)
      %gt3A = arith.constant 0 : i32
      %gt3A_324 = arith.cmpi sgt, %scan3A_320, %gt3A : i32
      %convert_element_type3A = arith.extui %gt3A_324 : i1 to i32
      %cond3A = arith.constant 0 : i32
      %cond3A_325 = arith.cmpi ne, %convert_element_type3A, %cond3A : i32
      scf.if %cond3A_325 {
        %dma_wait3A_432 = arith.constant 0 : i32
        %dma_wait3A_433 = arith.constant 0 : i32
        %dma_wait3A_434 = arith.constant 0 : i32
        %dma_wait3A_435 = tpu.memref_slice %arg4[%dma_wait3A_432, %dma_wait3A_433, %dma_wait3A_434] : memref<50x32x16384xf32, #tpu.memory_space<hbm>> -> memref<1x32x128xf32, #tpu.memory_space<hbm>>
        %dma_wait3A_436 = tpu.memref_squeeze %dma_wait3A_435 : memref<1x32x128xf32, #tpu.memory_space<hbm>> -> memref<32x128xf32, #tpu.memory_space<hbm>>
        %dma_wait3A_437 = arith.constant 0 : i32
        %dma_wait3A_438 = arith.constant 0 : i32
        %dma_wait3A_439 = tpu.memref_slice %arg4[%dma_wait3A_432, %dma_wait3A_437, %dma_wait3A_438] : memref<50x32x16384xf32, #tpu.memory_space<hbm>> -> memref<1x32x128xf32, #tpu.memory_space<hbm>>
        %dma_wait3A_440 = tpu.memref_squeeze %dma_wait3A_439 : memref<1x32x128xf32, #tpu.memory_space<hbm>> -> memref<32x128xf32, #tpu.memory_space<hbm>>
        tpu.wait_dma2 semaphore(%arg20 : memref<!tpu.dma_semaphore, #tpu.memory_space<semaphore_mem>>) src(%arg10 : memref<32x128xf32, #tpu.memory_space<vmem>>) dst(%dma_wait3A_440 : memref<32x128xf32, #tpu.memory_space<hbm>>)
      } else {
      }
      %iota3A = tpu.iota {dimensions = array<i32: 0>} : vector<16xi32>
      %scan3A_326 = arith.constant 0 : i32
      %scan3A_327 = arith.constant 8 : i32
      %scan3A_328 = arith.addi %scan3A_326, %scan3A_327 : i32
      %scan3A_329 = arith.constant 1 : i32
      scf.for %scan3A_432 = %scan3A_326 to %scan3A_328 step %scan3A_329  : i32 {
        %mul3A_433 = arith.constant 16 : i32
        %mul3A_434 = arith.muli %scan3A_432, %mul3A_433 : i32
        %add3A_435 = arith.constant 0 : i32
        %add3A_436 = arith.addi %add3A_435, %mul3A_434 : i32
        %get3A_437 = arith.index_cast %scan3A_320 : i32 to index
        %get3A_438 = arith.index_cast %add3A_436 : i32 to index
        %get3A_439 = tpu.vector_load %arg5[%get3A_437, %get3A_438] {strides = array<i32>} : memref<50x512xi32, #tpu.memory_space<vmem>>, vector<16xi32>,
        %and3A = arith.constant 3 : i32
        %and3A_440 = vector.broadcast %and3A : i32 to vector<16xi32>
        %and3A_441 = arith.andi %get3A_439, %and3A_440 : vector<16xi32>
        %shift_left3A = arith.constant 5 : i32
        %shift_left3A_442 = vector.broadcast %shift_left3A : i32 to vector<16xi32>
        %shift_left3A_443 = arith.shli %and3A_441, %shift_left3A_442 : vector<16xi32>
        %add3A_444 = vector.broadcast %mul3A_434 : i32 to vector<16xi32>
        %add3A_445 = arith.addi %add3A_444, %iota3A : vector<16xi32>
        %add3A_446 = arith.constant 0 : i32
        %add3A_447 = vector.broadcast %add3A_446 : i32 to vector<16xi32>
        %add3A_448 = arith.addi %add3A_447, %iota3A : vector<16xi32>
        %and3A_449 = arith.constant 15 : i32
        %and3A_450 = vector.broadcast %and3A_449 : i32 to vector<16xi32>
        %and3A_451 = arith.andi %add3A_448, %and3A_450 : vector<16xi32>
        %add3A_452 = arith.constant 0 : i32
        %add3A_453 = vector.broadcast %add3A_452 : i32 to vector<16xi32>
        %add3A_454 = arith.addi %and3A_451, %add3A_453 : vector<16xi32>
        %add3A_455 = arith.addi %shift_left3A_443, %add3A_454 : vector<16xi32>
        %gather3A = tpu.vector_load_idx %arg6[%add3A_445, %add3A_455] : memref<128x128xf32, #tpu.memory_space<vmem>>[vector<16xi32>, vector<16xi32>], vector<16xf32>,
        tpu.vector_store_idx %arg10[%add3A_454, %add3A_445], %gather3A : memref<32x128xf32, #tpu.memory_space<vmem>>[vector<16xi32>, vector<16xi32>], vector<16xf32>,
        %add3A_456 = arith.constant 1 : i32
        %add3A_457 = vector.broadcast %add3A_456 : i32 to vector<16xi32>
        %add3A_458 = arith.addi %add3A_457, %iota3A : vector<16xi32>
        %and3A_459 = arith.constant 15 : i32
        %and3A_460 = vector.broadcast %and3A_459 : i32 to vector<16xi32>
        %and3A_461 = arith.andi %add3A_458, %and3A_460 : vector<16xi32>
        %add3A_462 = arith.constant 0 : i32
        %add3A_463 = vector.broadcast %add3A_462 : i32 to vector<16xi32>
        %add3A_464 = arith.addi %and3A_461, %add3A_463 : vector<16xi32>
        %add3A_465 = arith.addi %shift_left3A_443, %add3A_464 : vector<16xi32>
        %gather3A_466 = tpu.vector_load_idx %arg6[%add3A_445, %add3A_465] : memref<128x128xf32, #tpu.memory_space<vmem>>[vector<16xi32>, vector<16xi32>], vector<16xf32>,
        tpu.vector_store_idx %arg10[%add3A_464, %add3A_445], %gather3A_466 : memref<32x128xf32, #tpu.memory_space<vmem>>[vector<16xi32>, vector<16xi32>], vector<16xf32>,
        %add3A_467 = arith.constant 2 : i32
        %add3A_468 = vector.broadcast %add3A_467 : i32 to vector<16xi32>
        %add3A_469 = arith.addi %add3A_468, %iota3A : vector<16xi32>
        %and3A_470 = arith.constant 15 : i32
        %and3A_471 = vector.broadcast %and3A_470 : i32 to vector<16xi32>
        %and3A_472 = arith.andi %add3A_469, %and3A_471 : vector<16xi32>
        %add3A_473 = arith.constant 0 : i32
        %add3A_474 = vector.broadcast %add3A_473 : i32 to vector<16xi32>
        %add3A_475 = arith.addi %and3A_472, %add3A_474 : vector<16xi32>
        %add3A_476 = arith.addi %shift_left3A_443, %add3A_475 : vector<16xi32>
        %gather3A_477 = tpu.vector_load_idx %arg6[%add3A_445, %add3A_476] : memref<128x128xf32, #tpu.memory_space<vmem>>[vector<16xi32>, vector<16xi32>], vector<16xf32>,
        tpu.vector_store_idx %arg10[%add3A_475, %add3A_445], %gather3A_477 : memref<32x128xf32, #tpu.memory_space<vmem>>[vector<16xi32>, vector<16xi32>], vector<16xf32>,
        %add3A_478 = arith.constant 3 : i32
        %add3A_479 = vector.broadcast %add3A_478 : i32 to vector<16xi32>
        %add3A_480 = arith.addi %add3A_479, %iota3A : vector<16xi32>
        %and3A_481 = arith.constant 15 : i32
        %and3A_482 = vector.broadcast %and3A_481 : i32 to vector<16xi32>
        %and3A_483 = arith.andi %add3A_480, %and3A_482 : vector<16xi32>
        %add3A_484 = arith.constant 0 : i32
        %add3A_485 = vector.broadcast %add3A_484 : i32 to vector<16xi32>
        %add3A_486 = arith.addi %and3A_483, %add3A_485 : vector<16xi32>
        %add3A_487 = arith.addi %shift_left3A_443, %add3A_486 : vector<16xi32>
        %gather3A_488 = tpu.vector_load_idx %arg6[%add3A_445, %add3A_487] : memref<128x128xf32, #tpu.memory_space<vmem>>[vector<16xi32>, vector<16xi32>], vector<16xf32>,
        tpu.vector_store_idx %arg10[%add3A_486, %add3A_445], %gather3A_488 : memref<32x128xf32, #tpu.memory_space<vmem>>[vector<16xi32>, vector<16xi32>], vector<16xf32>,
        %add3A_489 = arith.constant 4 : i32
        %add3A_490 = vector.broadcast %add3A_489 : i32 to vector<16xi32>
        %add3A_491 = arith.addi %add3A_490, %iota3A : vector<16xi32>
        %and3A_492 = arith.constant 15 : i32
        %and3A_493 = vector.broadcast %and3A_492 : i32 to vector<16xi32>
        %and3A_494 = arith.andi %add3A_491, %and3A_493 : vector<16xi32>
        %add3A_495 = arith.constant 0 : i32
        %add3A_496 = vector.broadcast %add3A_495 : i32 to vector<16xi32>
        %add3A_497 = arith.addi %and3A_494, %add3A_496 : vector<16xi32>
        %add3A_498 = arith.addi %shift_left3A_443, %add3A_497 : vector<16xi32>
        %gather3A_499 = tpu.vector_load_idx %arg6[%add3A_445, %add3A_498] : memref<128x128xf32, #tpu.memory_space<vmem>>[vector<16xi32>, vector<16xi32>], vector<16xf32>,
        tpu.vector_store_idx %arg10[%add3A_497, %add3A_445], %gather3A_499 : memref<32x128xf32, #tpu.memory_space<vmem>>[vector<16xi32>, vector<16xi32>], vector<16xf32>,
        %add3A_500 = arith.constant 5 : i32
        %add3A_501 = vector.broadcast %add3A_500 : i32 to vector<16xi32>
        %add3A_502 = arith.addi %add3A_501, %iota3A : vector<16xi32>
        %and3A_503 = arith.constant 15 : i32
        %and3A_504 = vector.broadcast %and3A_503 : i32 to vector<16xi32>
        %and3A_505 = arith.andi %add3A_502, %and3A_504 : vector<16xi32>
        %add3A_506 = arith.constant 0 : i32
        %add3A_507 = vector.broadcast %add3A_506 : i32 to vector<16xi32>
        %add3A_508 = arith.addi %and3A_505, %add3A_507 : vector<16xi32>
        %add3A_509 = arith.addi %shift_left3A_443, %add3A_508 : vector<16xi32>
        %gather3A_510 = tpu.vector_load_idx %arg6[%add3A_445, %add3A_509] : memref<128x128xf32, #tpu.memory_space<vmem>>[vector<16xi32>, vector<16xi32>], vector<16xf32>,
        tpu.vector_store_idx %arg10[%add3A_508, %add3A_445], %gather3A_510 : memref<32x128xf32, #tpu.memory_space<vmem>>[vector<16xi32>, vector<16xi32>], vector<16xf32>,
        %add3A_511 = arith.constant 6 : i32
        %add3A_512 = vector.broadcast %add3A_511 : i32 to vector<16xi32>
        %add3A_513 = arith.addi %add3A_512, %iota3A : vector<16xi32>
        %and3A_514 = arith.constant 15 : i32
        %and3A_515 = vector.broadcast %and3A_514 : i32 to vector<16xi32>
        %and3A_516 = arith.andi %add3A_513, %and3A_515 : vector<16xi32>
        %add3A_517 = arith.constant 0 : i32
        %add3A_518 = vector.broadcast %add3A_517 : i32 to vector<16xi32>
        %add3A_519 = arith.addi %and3A_516, %add3A_518 : vector<16xi32>
        %add3A_520 = arith.addi %shift_left3A_443, %add3A_519 : vector<16xi32>
        %gather3A_521 = tpu.vector_load_idx %arg6[%add3A_445, %add3A_520] : memref<128x128xf32, #tpu.memory_space<vmem>>[vector<16xi32>, vector<16xi32>], vector<16xf32>,
        tpu.vector_store_idx %arg10[%add3A_519, %add3A_445], %gather3A_521 : memref<32x128xf32, #tpu.memory_space<vmem>>[vector<16xi32>, vector<16xi32>], vector<16xf32>,
        %add3A_522 = arith.constant 7 : i32
        %add3A_523 = vector.broadcast %add3A_522 : i32 to vector<16xi32>
        %add3A_524 = arith.addi %add3A_523, %iota3A : vector<16xi32>
        %and3A_525 = arith.constant 15 : i32
        %and3A_526 = vector.broadcast %and3A_525 : i32 to vector<16xi32>
        %and3A_527 = arith.andi %add3A_524, %and3A_526 : vector<16xi32>
        %add3A_528 = arith.constant 0 : i32
        %add3A_529 = vector.broadcast %add3A_528 : i32 to vector<16xi32>
        %add3A_530 = arith.addi %and3A_527, %add3A_529 : vector<16xi32>
        %add3A_531 = arith.addi %shift_left3A_443, %add3A_530 : vector<16xi32>
        %gather3A_532 = tpu.vector_load_idx %arg6[%add3A_445, %add3A_531] : memref<128x128xf32, #tpu.memory_space<vmem>>[vector<16xi32>, vector<16xi32>], vector<16xf32>,
        tpu.vector_store_idx %arg10[%add3A_530, %add3A_445], %gather3A_532 : memref<32x128xf32, #tpu.memory_space<vmem>>[vector<16xi32>, vector<16xi32>], vector<16xf32>,
        %add3A_533 = arith.constant 8 : i32
        %add3A_534 = vector.broadcast %add3A_533 : i32 to vector<16xi32>
        %add3A_535 = arith.addi %add3A_534, %iota3A : vector<16xi32>
        %and3A_536 = arith.constant 15 : i32
        %and3A_537 = vector.broadcast %and3A_536 : i32 to vector<16xi32>
        %and3A_538 = arith.andi %add3A_535, %and3A_537 : vector<16xi32>
        %add3A_539 = arith.constant 0 : i32
        %add3A_540 = vector.broadcast %add3A_539 : i32 to vector<16xi32>
        %add3A_541 = arith.addi %and3A_538, %add3A_540 : vector<16xi32>
        %add3A_542 = arith.addi %shift_left3A_443, %add3A_541 : vector<16xi32>
        %gather3A_543 = tpu.vector_load_idx %arg6[%add3A_445, %add3A_542] : memref<128x128xf32, #tpu.memory_space<vmem>>[vector<16xi32>, vector<16xi32>], vector<16xf32>,
        tpu.vector_store_idx %arg10[%add3A_541, %add3A_445], %gather3A_543 : memref<32x128xf32, #tpu.memory_space<vmem>>[vector<16xi32>, vector<16xi32>], vector<16xf32>,
        %add3A_544 = arith.constant 9 : i32
        %add3A_545 = vector.broadcast %add3A_544 : i32 to vector<16xi32>
        %add3A_546 = arith.addi %add3A_545, %iota3A : vector<16xi32>
        %and3A_547 = arith.constant 15 : i32
        %and3A_548 = vector.broadcast %and3A_547 : i32 to vector<16xi32>
        %and3A_549 = arith.andi %add3A_546, %and3A_548 : vector<16xi32>
        %add3A_550 = arith.constant 0 : i32
        %add3A_551 = vector.broadcast %add3A_550 : i32 to vector<16xi32>
        %add3A_552 = arith.addi %and3A_549, %add3A_551 : vector<16xi32>
        %add3A_553 = arith.addi %shift_left3A_443, %add3A_552 : vector<16xi32>
        %gather3A_554 = tpu.vector_load_idx %arg6[%add3A_445, %add3A_553] : memref<128x128xf32, #tpu.memory_space<vmem>>[vector<16xi32>, vector<16xi32>], vector<16xf32>,
        tpu.vector_store_idx %arg10[%add3A_552, %add3A_445], %gather3A_554 : memref<32x128xf32, #tpu.memory_space<vmem>>[vector<16xi32>, vector<16xi32>], vector<16xf32>,
        %add3A_555 = arith.constant 10 : i32
        %add3A_556 = vector.broadcast %add3A_555 : i32 to vector<16xi32>
        %add3A_557 = arith.addi %add3A_556, %iota3A : vector<16xi32>
        %and3A_558 = arith.constant 15 : i32
        %and3A_559 = vector.broadcast %and3A_558 : i32 to vector<16xi32>
        %and3A_560 = arith.andi %add3A_557, %and3A_559 : vector<16xi32>
        %add3A_561 = arith.constant 0 : i32
        %add3A_562 = vector.broadcast %add3A_561 : i32 to vector<16xi32>
        %add3A_563 = arith.addi %and3A_560, %add3A_562 : vector<16xi32>
        %add3A_564 = arith.addi %shift_left3A_443, %add3A_563 : vector<16xi32>
        %gather3A_565 = tpu.vector_load_idx %arg6[%add3A_445, %add3A_564] : memref<128x128xf32, #tpu.memory_space<vmem>>[vector<16xi32>, vector<16xi32>], vector<16xf32>,
        tpu.vector_store_idx %arg10[%add3A_563, %add3A_445], %gather3A_565 : memref<32x128xf32, #tpu.memory_space<vmem>>[vector<16xi32>, vector<16xi32>], vector<16xf32>,
        %add3A_566 = arith.constant 11 : i32
        %add3A_567 = vector.broadcast %add3A_566 : i32 to vector<16xi32>
        %add3A_568 = arith.addi %add3A_567, %iota3A : vector<16xi32>
        %and3A_569 = arith.constant 15 : i32
        %and3A_570 = vector.broadcast %and3A_569 : i32 to vector<16xi32>
        %and3A_571 = arith.andi %add3A_568, %and3A_570 : vector<16xi32>
        %add3A_572 = arith.constant 0 : i32
        %add3A_573 = vector.broadcast %add3A_572 : i32 to vector<16xi32>
        %add3A_574 = arith.addi %and3A_571, %add3A_573 : vector<16xi32>
        %add3A_575 = arith.addi %shift_left3A_443, %add3A_574 : vector<16xi32>
        %gather3A_576 = tpu.vector_load_idx %arg6[%add3A_445, %add3A_575] : memref<128x128xf32, #tpu.memory_space<vmem>>[vector<16xi32>, vector<16xi32>], vector<16xf32>,
        tpu.vector_store_idx %arg10[%add3A_574, %add3A_445], %gather3A_576 : memref<32x128xf32, #tpu.memory_space<vmem>>[vector<16xi32>, vector<16xi32>], vector<16xf32>,
        %add3A_577 = arith.constant 12 : i32
        %add3A_578 = vector.broadcast %add3A_577 : i32 to vector<16xi32>
        %add3A_579 = arith.addi %add3A_578, %iota3A : vector<16xi32>
        %and3A_580 = arith.constant 15 : i32
        %and3A_581 = vector.broadcast %and3A_580 : i32 to vector<16xi32>
        %and3A_582 = arith.andi %add3A_579, %and3A_581 : vector<16xi32>
        %add3A_583 = arith.constant 0 : i32
        %add3A_584 = vector.broadcast %add3A_583 : i32 to vector<16xi32>
        %add3A_585 = arith.addi %and3A_582, %add3A_584 : vector<16xi32>
        %add3A_586 = arith.addi %shift_left3A_443, %add3A_585 : vector<16xi32>
        %gather3A_587 = tpu.vector_load_idx %arg6[%add3A_445, %add3A_586] : memref<128x128xf32, #tpu.memory_space<vmem>>[vector<16xi32>, vector<16xi32>], vector<16xf32>,
        tpu.vector_store_idx %arg10[%add3A_585, %add3A_445], %gather3A_587 : memref<32x128xf32, #tpu.memory_space<vmem>>[vector<16xi32>, vector<16xi32>], vector<16xf32>,
        %add3A_588 = arith.constant 13 : i32
        %add3A_589 = vector.broadcast %add3A_588 : i32 to vector<16xi32>
        %add3A_590 = arith.addi %add3A_589, %iota3A : vector<16xi32>
        %and3A_591 = arith.constant 15 : i32
        %and3A_592 = vector.broadcast %and3A_591 : i32 to vector<16xi32>
        %and3A_593 = arith.andi %add3A_590, %and3A_592 : vector<16xi32>
        %add3A_594 = arith.constant 0 : i32
        %add3A_595 = vector.broadcast %add3A_594 : i32 to vector<16xi32>
        %add3A_596 = arith.addi %and3A_593, %add3A_595 : vector<16xi32>
        %add3A_597 = arith.addi %shift_left3A_443, %add3A_596 : vector<16xi32>
        %gather3A_598 = tpu.vector_load_idx %arg6[%add3A_445, %add3A_597] : memref<128x128xf32, #tpu.memory_space<vmem>>[vector<16xi32>, vector<16xi32>], vector<16xf32>,
        tpu.vector_store_idx %arg10[%add3A_596, %add3A_445], %gather3A_598 : memref<32x128xf32, #tpu.memory_space<vmem>>[vector<16xi32>, vector<16xi32>], vector<16xf32>,
        %add3A_599 = arith.constant 14 : i32
        %add3A_600 = vector.broadcast %add3A_599 : i32 to vector<16xi32>
        %add3A_601 = arith.addi %add3A_600, %iota3A : vector<16xi32>
        %and3A_602 = arith.constant 15 : i32
        %and3A_603 = vector.broadcast %and3A_602 : i32 to vector<16xi32>
        %and3A_604 = arith.andi %add3A_601, %and3A_603 : vector<16xi32>
        %add3A_605 = arith.constant 0 : i32
        %add3A_606 = vector.broadcast %add3A_605 : i32 to vector<16xi32>
        %add3A_607 = arith.addi %and3A_604, %add3A_606 : vector<16xi32>
        %add3A_608 = arith.addi %shift_left3A_443, %add3A_607 : vector<16xi32>
        %gather3A_609 = tpu.vector_load_idx %arg6[%add3A_445, %add3A_608] : memref<128x128xf32, #tpu.memory_space<vmem>>[vector<16xi32>, vector<16xi32>], vector<16xf32>,
        tpu.vector_store_idx %arg10[%add3A_607, %add3A_445], %gather3A_609 : memref<32x128xf32, #tpu.memory_space<vmem>>[vector<16xi32>, vector<16xi32>], vector<16xf32>,
        %add3A_610 = arith.constant 15 : i32
        %add3A_611 = vector.broadcast %add3A_610 : i32 to vector<16xi32>
        %add3A_612 = arith.addi %add3A_611, %iota3A : vector<16xi32>
        %and3A_613 = arith.constant 15 : i32
        %and3A_614 = vector.broadcast %and3A_613 : i32 to vector<16xi32>
        %and3A_615 = arith.andi %add3A_612, %and3A_614 : vector<16xi32>
        %add3A_616 = arith.constant 0 : i32
        %add3A_617 = vector.broadcast %add3A_616 : i32 to vector<16xi32>
        %add3A_618 = arith.addi %and3A_615, %add3A_617 : vector<16xi32>
        %add3A_619 = arith.addi %shift_left3A_443, %add3A_618 : vector<16xi32>
        %gather3A_620 = tpu.vector_load_idx %arg6[%add3A_445, %add3A_619] : memref<128x128xf32, #tpu.memory_space<vmem>>[vector<16xi32>, vector<16xi32>], vector<16xf32>,
        tpu.vector_store_idx %arg10[%add3A_618, %add3A_445], %gather3A_620 : memref<32x128xf32, #tpu.memory_space<vmem>>[vector<16xi32>, vector<16xi32>], vector<16xf32>,
        %add3A_621 = arith.constant 0 : i32
        %add3A_622 = vector.broadcast %add3A_621 : i32 to vector<16xi32>
        %add3A_623 = arith.addi %add3A_622, %iota3A : vector<16xi32>
        %and3A_624 = arith.constant 15 : i32
        %and3A_625 = vector.broadcast %and3A_624 : i32 to vector<16xi32>
        %and3A_626 = arith.andi %add3A_623, %and3A_625 : vector<16xi32>
        %add3A_627 = arith.constant 16 : i32
        %add3A_628 = vector.broadcast %add3A_627 : i32 to vector<16xi32>
        %add3A_629 = arith.addi %and3A_626, %add3A_628 : vector<16xi32>
        %add3A_630 = arith.addi %shift_left3A_443, %add3A_629 : vector<16xi32>
        %gather3A_631 = tpu.vector_load_idx %arg6[%add3A_445, %add3A_630] : memref<128x128xf32, #tpu.memory_space<vmem>>[vector<16xi32>, vector<16xi32>], vector<16xf32>,
        tpu.vector_store_idx %arg10[%add3A_629, %add3A_445], %gather3A_631 : memref<32x128xf32, #tpu.memory_space<vmem>>[vector<16xi32>, vector<16xi32>], vector<16xf32>,
        %add3A_632 = arith.constant 1 : i32
        %add3A_633 = vector.broadcast %add3A_632 : i32 to vector<16xi32>
        %add3A_634 = arith.addi %add3A_633, %iota3A : vector<16xi32>
        %and3A_635 = arith.constant 15 : i32
        %and3A_636 = vector.broadcast %and3A_635 : i32 to vector<16xi32>
        %and3A_637 = arith.andi %add3A_634, %and3A_636 : vector<16xi32>
        %add3A_638 = arith.constant 16 : i32
        %add3A_639 = vector.broadcast %add3A_638 : i32 to vector<16xi32>
        %add3A_640 = arith.addi %and3A_637, %add3A_639 : vector<16xi32>
        %add3A_641 = arith.addi %shift_left3A_443, %add3A_640 : vector<16xi32>
        %gather3A_642 = tpu.vector_load_idx %arg6[%add3A_445, %add3A_641] : memref<128x128xf32, #tpu.memory_space<vmem>>[vector<16xi32>, vector<16xi32>], vector<16xf32>,
        tpu.vector_store_idx %arg10[%add3A_640, %add3A_445], %gather3A_642 : memref<32x128xf32, #tpu.memory_space<vmem>>[vector<16xi32>, vector<16xi32>], vector<16xf32>,
        %add3A_643 = arith.constant 2 : i32
        %add3A_644 = vector.broadcast %add3A_643 : i32 to vector<16xi32>
        %add3A_645 = arith.addi %add3A_644, %iota3A : vector<16xi32>
        %and3A_646 = arith.constant 15 : i32
        %and3A_647 = vector.broadcast %and3A_646 : i32 to vector<16xi32>
        %and3A_648 = arith.andi %add3A_645, %and3A_647 : vector<16xi32>
        %add3A_649 = arith.constant 16 : i32
        %add3A_650 = vector.broadcast %add3A_649 : i32 to vector<16xi32>
        %add3A_651 = arith.addi %and3A_648, %add3A_650 : vector<16xi32>
        %add3A_652 = arith.addi %shift_left3A_443, %add3A_651 : vector<16xi32>
        %gather3A_653 = tpu.vector_load_idx %arg6[%add3A_445, %add3A_652] : memref<128x128xf32, #tpu.memory_space<vmem>>[vector<16xi32>, vector<16xi32>], vector<16xf32>,
        tpu.vector_store_idx %arg10[%add3A_651, %add3A_445], %gather3A_653 : memref<32x128xf32, #tpu.memory_space<vmem>>[vector<16xi32>, vector<16xi32>], vector<16xf32>,
        %add3A_654 = arith.constant 3 : i32
        %add3A_655 = vector.broadcast %add3A_654 : i32 to vector<16xi32>
        %add3A_656 = arith.addi %add3A_655, %iota3A : vector<16xi32>
        %and3A_657 = arith.constant 15 : i32
        %and3A_658 = vector.broadcast %and3A_657 : i32 to vector<16xi32>
        %and3A_659 = arith.andi %add3A_656, %and3A_658 : vector<16xi32>
        %add3A_660 = arith.constant 16 : i32
        %add3A_661 = vector.broadcast %add3A_660 : i32 to vector<16xi32>
        %add3A_662 = arith.addi %and3A_659, %add3A_661 : vector<16xi32>
        %add3A_663 = arith.addi %shift_left3A_443, %add3A_662 : vector<16xi32>
        %gather3A_664 = tpu.vector_load_idx %arg6[%add3A_445, %add3A_663] : memref<128x128xf32, #tpu.memory_space<vmem>>[vector<16xi32>, vector<16xi32>], vector<16xf32>,
        tpu.vector_store_idx %arg10[%add3A_662, %add3A_445], %gather3A_664 : memref<32x128xf32, #tpu.memory_space<vmem>>[vector<16xi32>, vector<16xi32>], vector<16xf32>,
        %add3A_665 = arith.constant 4 : i32
        %add3A_666 = vector.broadcast %add3A_665 : i32 to vector<16xi32>
        %add3A_667 = arith.addi %add3A_666, %iota3A : vector<16xi32>
        %and3A_668 = arith.constant 15 : i32
        %and3A_669 = vector.broadcast %and3A_668 : i32 to vector<16xi32>
        %and3A_670 = arith.andi %add3A_667, %and3A_669 : vector<16xi32>
        %add3A_671 = arith.constant 16 : i32
        %add3A_672 = vector.broadcast %add3A_671 : i32 to vector<16xi32>
        %add3A_673 = arith.addi %and3A_670, %add3A_672 : vector<16xi32>
        %add3A_674 = arith.addi %shift_left3A_443, %add3A_673 : vector<16xi32>
        %gather3A_675 = tpu.vector_load_idx %arg6[%add3A_445, %add3A_674] : memref<128x128xf32, #tpu.memory_space<vmem>>[vector<16xi32>, vector<16xi32>], vector<16xf32>,
        tpu.vector_store_idx %arg10[%add3A_673, %add3A_445], %gather3A_675 : memref<32x128xf32, #tpu.memory_space<vmem>>[vector<16xi32>, vector<16xi32>], vector<16xf32>,
        %add3A_676 = arith.constant 5 : i32
        %add3A_677 = vector.broadcast %add3A_676 : i32 to vector<16xi32>
        %add3A_678 = arith.addi %add3A_677, %iota3A : vector<16xi32>
        %and3A_679 = arith.constant 15 : i32
        %and3A_680 = vector.broadcast %and3A_679 : i32 to vector<16xi32>
        %and3A_681 = arith.andi %add3A_678, %and3A_680 : vector<16xi32>
        %add3A_682 = arith.constant 16 : i32
        %add3A_683 = vector.broadcast %add3A_682 : i32 to vector<16xi32>
        %add3A_684 = arith.addi %and3A_681, %add3A_683 : vector<16xi32>
        %add3A_685 = arith.addi %shift_left3A_443, %add3A_684 : vector<16xi32>
        %gather3A_686 = tpu.vector_load_idx %arg6[%add3A_445, %add3A_685] : memref<128x128xf32, #tpu.memory_space<vmem>>[vector<16xi32>, vector<16xi32>], vector<16xf32>,
        tpu.vector_store_idx %arg10[%add3A_684, %add3A_445], %gather3A_686 : memref<32x128xf32, #tpu.memory_space<vmem>>[vector<16xi32>, vector<16xi32>], vector<16xf32>,
        %add3A_687 = arith.constant 6 : i32
        %add3A_688 = vector.broadcast %add3A_687 : i32 to vector<16xi32>
        %add3A_689 = arith.addi %add3A_688, %iota3A : vector<16xi32>
        %and3A_690 = arith.constant 15 : i32
        %and3A_691 = vector.broadcast %and3A_690 : i32 to vector<16xi32>
        %and3A_692 = arith.andi %add3A_689, %and3A_691 : vector<16xi32>
        %add3A_693 = arith.constant 16 : i32
        %add3A_694 = vector.broadcast %add3A_693 : i32 to vector<16xi32>
        %add3A_695 = arith.addi %and3A_692, %add3A_694 : vector<16xi32>
        %add3A_696 = arith.addi %shift_left3A_443, %add3A_695 : vector<16xi32>
        %gather3A_697 = tpu.vector_load_idx %arg6[%add3A_445, %add3A_696] : memref<128x128xf32, #tpu.memory_space<vmem>>[vector<16xi32>, vector<16xi32>], vector<16xf32>,
        tpu.vector_store_idx %arg10[%add3A_695, %add3A_445], %gather3A_697 : memref<32x128xf32, #tpu.memory_space<vmem>>[vector<16xi32>, vector<16xi32>], vector<16xf32>,
        %add3A_698 = arith.constant 7 : i32
        %add3A_699 = vector.broadcast %add3A_698 : i32 to vector<16xi32>
        %add3A_700 = arith.addi %add3A_699, %iota3A : vector<16xi32>
        %and3A_701 = arith.constant 15 : i32
        %and3A_702 = vector.broadcast %and3A_701 : i32 to vector<16xi32>
        %and3A_703 = arith.andi %add3A_700, %and3A_702 : vector<16xi32>
        %add3A_704 = arith.constant 16 : i32
        %add3A_705 = vector.broadcast %add3A_704 : i32 to vector<16xi32>
        %add3A_706 = arith.addi %and3A_703, %add3A_705 : vector<16xi32>
        %add3A_707 = arith.addi %shift_left3A_443, %add3A_706 : vector<16xi32>
        %gather3A_708 = tpu.vector_load_idx %arg6[%add3A_445, %add3A_707] : memref<128x128xf32, #tpu.memory_space<vmem>>[vector<16xi32>, vector<16xi32>], vector<16xf32>,
        tpu.vector_store_idx %arg10[%add3A_706, %add3A_445], %gather3A_708 : memref<32x128xf32, #tpu.memory_space<vmem>>[vector<16xi32>, vector<16xi32>], vector<16xf32>,
        %add3A_709 = arith.constant 8 : i32
        %add3A_710 = vector.broadcast %add3A_709 : i32 to vector<16xi32>
        %add3A_711 = arith.addi %add3A_710, %iota3A : vector<16xi32>
        %and3A_712 = arith.constant 15 : i32
        %and3A_713 = vector.broadcast %and3A_712 : i32 to vector<16xi32>
        %and3A_714 = arith.andi %add3A_711, %and3A_713 : vector<16xi32>
        %add3A_715 = arith.constant 16 : i32
        %add3A_716 = vector.broadcast %add3A_715 : i32 to vector<16xi32>
        %add3A_717 = arith.addi %and3A_714, %add3A_716 : vector<16xi32>
        %add3A_718 = arith.addi %shift_left3A_443, %add3A_717 : vector<16xi32>
        %gather3A_719 = tpu.vector_load_idx %arg6[%add3A_445, %add3A_718] : memref<128x128xf32, #tpu.memory_space<vmem>>[vector<16xi32>, vector<16xi32>], vector<16xf32>,
        tpu.vector_store_idx %arg10[%add3A_717, %add3A_445], %gather3A_719 : memref<32x128xf32, #tpu.memory_space<vmem>>[vector<16xi32>, vector<16xi32>], vector<16xf32>,
        %add3A_720 = arith.constant 9 : i32
        %add3A_721 = vector.broadcast %add3A_720 : i32 to vector<16xi32>
        %add3A_722 = arith.addi %add3A_721, %iota3A : vector<16xi32>
        %and3A_723 = arith.constant 15 : i32
        %and3A_724 = vector.broadcast %and3A_723 : i32 to vector<16xi32>
        %and3A_725 = arith.andi %add3A_722, %and3A_724 : vector<16xi32>
        %add3A_726 = arith.constant 16 : i32
        %add3A_727 = vector.broadcast %add3A_726 : i32 to vector<16xi32>
        %add3A_728 = arith.addi %and3A_725, %add3A_727 : vector<16xi32>
        %add3A_729 = arith.addi %shift_left3A_443, %add3A_728 : vector<16xi32>
        %gather3A_730 = tpu.vector_load_idx %arg6[%add3A_445, %add3A_729] : memref<128x128xf32, #tpu.memory_space<vmem>>[vector<16xi32>, vector<16xi32>], vector<16xf32>,
        tpu.vector_store_idx %arg10[%add3A_728, %add3A_445], %gather3A_730 : memref<32x128xf32, #tpu.memory_space<vmem>>[vector<16xi32>, vector<16xi32>], vector<16xf32>,
        %add3A_731 = arith.constant 10 : i32
        %add3A_732 = vector.broadcast %add3A_731 : i32 to vector<16xi32>
        %add3A_733 = arith.addi %add3A_732, %iota3A : vector<16xi32>
        %and3A_734 = arith.constant 15 : i32
        %and3A_735 = vector.broadcast %and3A_734 : i32 to vector<16xi32>
        %and3A_736 = arith.andi %add3A_733, %and3A_735 : vector<16xi32>
        %add3A_737 = arith.constant 16 : i32
        %add3A_738 = vector.broadcast %add3A_737 : i32 to vector<16xi32>
        %add3A_739 = arith.addi %and3A_736, %add3A_738 : vector<16xi32>
        %add3A_740 = arith.addi %shift_left3A_443, %add3A_739 : vector<16xi32>
        %gather3A_741 = tpu.vector_load_idx %arg6[%add3A_445, %add3A_740] : memref<128x128xf32, #tpu.memory_space<vmem>>[vector<16xi32>, vector<16xi32>], vector<16xf32>,
        tpu.vector_store_idx %arg10[%add3A_739, %add3A_445], %gather3A_741 : memref<32x128xf32, #tpu.memory_space<vmem>>[vector<16xi32>, vector<16xi32>], vector<16xf32>,
        %add3A_742 = arith.constant 11 : i32
        %add3A_743 = vector.broadcast %add3A_742 : i32 to vector<16xi32>
        %add3A_744 = arith.addi %add3A_743, %iota3A : vector<16xi32>
        %and3A_745 = arith.constant 15 : i32
        %and3A_746 = vector.broadcast %and3A_745 : i32 to vector<16xi32>
        %and3A_747 = arith.andi %add3A_744, %and3A_746 : vector<16xi32>
        %add3A_748 = arith.constant 16 : i32
        %add3A_749 = vector.broadcast %add3A_748 : i32 to vector<16xi32>
        %add3A_750 = arith.addi %and3A_747, %add3A_749 : vector<16xi32>
        %add3A_751 = arith.addi %shift_left3A_443, %add3A_750 : vector<16xi32>
        %gather3A_752 = tpu.vector_load_idx %arg6[%add3A_445, %add3A_751] : memref<128x128xf32, #tpu.memory_space<vmem>>[vector<16xi32>, vector<16xi32>], vector<16xf32>,
        tpu.vector_store_idx %arg10[%add3A_750, %add3A_445], %gather3A_752 : memref<32x128xf32, #tpu.memory_space<vmem>>[vector<16xi32>, vector<16xi32>], vector<16xf32>,
        %add3A_753 = arith.constant 12 : i32
        %add3A_754 = vector.broadcast %add3A_753 : i32 to vector<16xi32>
        %add3A_755 = arith.addi %add3A_754, %iota3A : vector<16xi32>
        %and3A_756 = arith.constant 15 : i32
        %and3A_757 = vector.broadcast %and3A_756 : i32 to vector<16xi32>
        %and3A_758 = arith.andi %add3A_755, %and3A_757 : vector<16xi32>
        %add3A_759 = arith.constant 16 : i32
        %add3A_760 = vector.broadcast %add3A_759 : i32 to vector<16xi32>
        %add3A_761 = arith.addi %and3A_758, %add3A_760 : vector<16xi32>
        %add3A_762 = arith.addi %shift_left3A_443, %add3A_761 : vector<16xi32>
        %gather3A_763 = tpu.vector_load_idx %arg6[%add3A_445, %add3A_762] : memref<128x128xf32, #tpu.memory_space<vmem>>[vector<16xi32>, vector<16xi32>], vector<16xf32>,
        tpu.vector_store_idx %arg10[%add3A_761, %add3A_445], %gather3A_763 : memref<32x128xf32, #tpu.memory_space<vmem>>[vector<16xi32>, vector<16xi32>], vector<16xf32>,
        %add3A_764 = arith.constant 13 : i32
        %add3A_765 = vector.broadcast %add3A_764 : i32 to vector<16xi32>
        %add3A_766 = arith.addi %add3A_765, %iota3A : vector<16xi32>
        %and3A_767 = arith.constant 15 : i32
        %and3A_768 = vector.broadcast %and3A_767 : i32 to vector<16xi32>
        %and3A_769 = arith.andi %add3A_766, %and3A_768 : vector<16xi32>
        %add3A_770 = arith.constant 16 : i32
        %add3A_771 = vector.broadcast %add3A_770 : i32 to vector<16xi32>
        %add3A_772 = arith.addi %and3A_769, %add3A_771 : vector<16xi32>
        %add3A_773 = arith.addi %shift_left3A_443, %add3A_772 : vector<16xi32>
        %gather3A_774 = tpu.vector_load_idx %arg6[%add3A_445, %add3A_773] : memref<128x128xf32, #tpu.memory_space<vmem>>[vector<16xi32>, vector<16xi32>], vector<16xf32>,
        tpu.vector_store_idx %arg10[%add3A_772, %add3A_445], %gather3A_774 : memref<32x128xf32, #tpu.memory_space<vmem>>[vector<16xi32>, vector<16xi32>], vector<16xf32>,
        %add3A_775 = arith.constant 14 : i32
        %add3A_776 = vector.broadcast %add3A_775 : i32 to vector<16xi32>
        %add3A_777 = arith.addi %add3A_776, %iota3A : vector<16xi32>
        %and3A_778 = arith.constant 15 : i32
        %and3A_779 = vector.broadcast %and3A_778 : i32 to vector<16xi32>
        %and3A_780 = arith.andi %add3A_777, %and3A_779 : vector<16xi32>
        %add3A_781 = arith.constant 16 : i32
        %add3A_782 = vector.broadcast %add3A_781 : i32 to vector<16xi32>
        %add3A_783 = arith.addi %and3A_780, %add3A_782 : vector<16xi32>
        %add3A_784 = arith.addi %shift_left3A_443, %add3A_783 : vector<16xi32>
        %gather3A_785 = tpu.vector_load_idx %arg6[%add3A_445, %add3A_784] : memref<128x128xf32, #tpu.memory_space<vmem>>[vector<16xi32>, vector<16xi32>], vector<16xf32>,
        tpu.vector_store_idx %arg10[%add3A_783, %add3A_445], %gather3A_785 : memref<32x128xf32, #tpu.memory_space<vmem>>[vector<16xi32>, vector<16xi32>], vector<16xf32>,
        %add3A_786 = arith.constant 15 : i32
        %add3A_787 = vector.broadcast %add3A_786 : i32 to vector<16xi32>
        %add3A_788 = arith.addi %add3A_787, %iota3A : vector<16xi32>
        %and3A_789 = arith.constant 15 : i32
        %and3A_790 = vector.broadcast %and3A_789 : i32 to vector<16xi32>
        %and3A_791 = arith.andi %add3A_788, %and3A_790 : vector<16xi32>
        %add3A_792 = arith.constant 16 : i32
        %add3A_793 = vector.broadcast %add3A_792 : i32 to vector<16xi32>
        %add3A_794 = arith.addi %and3A_791, %add3A_793 : vector<16xi32>
        %add3A_795 = arith.addi %shift_left3A_443, %add3A_794 : vector<16xi32>
        %gather3A_796 = tpu.vector_load_idx %arg6[%add3A_445, %add3A_795] : memref<128x128xf32, #tpu.memory_space<vmem>>[vector<16xi32>, vector<16xi32>], vector<16xf32>,
        tpu.vector_store_idx %arg10[%add3A_794, %add3A_445], %gather3A_796 : memref<32x128xf32, #tpu.memory_space<vmem>>[vector<16xi32>, vector<16xi32>], vector<16xf32>,
      }
      %scan3A_330 = arith.constant 8 : i32
      %add3A_331 = arith.constant 0 : i32
      %add3A_332 = arith.addi %mul3A_2, %add3A_331 : i32
      %dma_start3A_333 = arith.constant 0 : i32
      %dma_start3A_334 = tpu.memref_slice %arg4[%scan3A_320, %dma_start3A_333, %add3A_332] : memref<50x32x16384xf32, #tpu.memory_space<hbm>> -> memref<1x32x128xf32, #tpu.memory_space<hbm>>
      %dma_start3A_335 = tpu.memref_squeeze %dma_start3A_334 : memref<1x32x128xf32, #tpu.memory_space<hbm>> -> memref<32x128xf32, #tpu.memory_space<hbm>>
      %dma_start3A_336 = arith.constant 0 : i32
      %dma_start3A_337 = tpu.memref_slice %arg4[%scan3A_320, %dma_start3A_336, %add3A_332] : memref<50x32x16384xf32, #tpu.memory_space<hbm>> -> memref<1x32x128xf32, #tpu.memory_space<hbm>>
      %dma_start3A_338 = tpu.memref_squeeze %dma_start3A_337 : memref<1x32x128xf32, #tpu.memory_space<hbm>> -> memref<32x128xf32, #tpu.memory_space<hbm>>
      tpu.enqueue_dma source(%arg10 : memref<32x128xf32, #tpu.memory_space<vmem>>) target(%dma_start3A_338 : memref<32x128xf32, #tpu.memory_space<hbm>>) target_semaphore(%arg20 : memref<!tpu.dma_semaphore, #tpu.memory_space<semaphore_mem>>)
      %lt3A = arith.constant 49 : i32
      %lt3A_339 = arith.cmpi slt, %scan3A_320, %lt3A : i32
      %convert_element_type3A_340 = arith.extui %lt3A_339 : i1 to i32
      %cond3A_341 = arith.constant 0 : i32
      %cond3A_342 = arith.cmpi ne, %convert_element_type3A_340, %cond3A_341 : i32
      scf.if %cond3A_342 {
        %add3A_432 = arith.constant 1 : i32
        %add3A_433 = arith.addi %scan3A_320, %add3A_432 : i32
        %get3A_434 = arith.index_cast %add3A_433 : i32 to index
        %get3A_435 = arith.constant 0 : index
        %get3A_436 = tpu.vector_load %arg5[%get3A_434, %get3A_435] {strides = array<i32>} : memref<50x512xi32, #tpu.memory_space<vmem>>, vector<16xi32>,
        %shift_right_arithmetic3A_437 = arith.constant 2 : i32
        %shift_right_arithmetic3A_438 = vector.broadcast %shift_right_arithmetic3A_437 : i32 to vector<16xi32>
        %shift_right_arithmetic3A_439 = arith.shrsi %get3A_436, %shift_right_arithmetic3A_438 : vector<16xi32>
        %swap3A_440 = arith.constant 0 : index
        %swap3A_441 = tpu.vector_load %arg12[%swap3A_440] {strides = array<i32>} : memref<128xi32, #tpu.memory_space<vmem>>, vector<16xi32>,
        tpu.vector_store %arg12[%swap3A_440], %shift_right_arithmetic3A_439 {strides = array<i32>} : memref<128xi32, #tpu.memory_space<vmem>>, vector<16xi32>,
        %get3A_442 = arith.index_cast %add3A_433 : i32 to index
        %get3A_443 = arith.constant 16 : index
        %get3A_444 = tpu.vector_load %arg5[%get3A_442, %get3A_443] {strides = array<i32>} : memref<50x512xi32, #tpu.memory_space<vmem>>, vector<16xi32>,
        %shift_right_arithmetic3A_445 = arith.constant 2 : i32
        %shift_right_arithmetic3A_446 = vector.broadcast %shift_right_arithmetic3A_445 : i32 to vector<16xi32>
        %shift_right_arithmetic3A_447 = arith.shrsi %get3A_444, %shift_right_arithmetic3A_446 : vector<16xi32>
        %swap3A_448 = arith.constant 16 : index
        %swap3A_449 = tpu.vector_load %arg12[%swap3A_448] {strides = array<i32>} : memref<128xi32, #tpu.memory_space<vmem>>, vector<16xi32>,
        tpu.vector_store %arg12[%swap3A_448], %shift_right_arithmetic3A_447 {strides = array<i32>} : memref<128xi32, #tpu.memory_space<vmem>>, vector<16xi32>,
        %get3A_450 = arith.index_cast %add3A_433 : i32 to index
        %get3A_451 = arith.constant 32 : index
        %get3A_452 = tpu.vector_load %arg5[%get3A_450, %get3A_451] {strides = array<i32>} : memref<50x512xi32, #tpu.memory_space<vmem>>, vector<16xi32>,
        %shift_right_arithmetic3A_453 = arith.constant 2 : i32
        %shift_right_arithmetic3A_454 = vector.broadcast %shift_right_arithmetic3A_453 : i32 to vector<16xi32>
        %shift_right_arithmetic3A_455 = arith.shrsi %get3A_452, %shift_right_arithmetic3A_454 : vector<16xi32>
        %swap3A_456 = arith.constant 32 : index
        %swap3A_457 = tpu.vector_load %arg12[%swap3A_456] {strides = array<i32>} : memref<128xi32, #tpu.memory_space<vmem>>, vector<16xi32>,
        tpu.vector_store %arg12[%swap3A_456], %shift_right_arithmetic3A_455 {strides = array<i32>} : memref<128xi32, #tpu.memory_space<vmem>>, vector<16xi32>,
        %get3A_458 = arith.index_cast %add3A_433 : i32 to index
        %get3A_459 = arith.constant 48 : index
        %get3A_460 = tpu.vector_load %arg5[%get3A_458, %get3A_459] {strides = array<i32>} : memref<50x512xi32, #tpu.memory_space<vmem>>, vector<16xi32>,
        %shift_right_arithmetic3A_461 = arith.constant 2 : i32
        %shift_right_arithmetic3A_462 = vector.broadcast %shift_right_arithmetic3A_461 : i32 to vector<16xi32>
        %shift_right_arithmetic3A_463 = arith.shrsi %get3A_460, %shift_right_arithmetic3A_462 : vector<16xi32>
        %swap3A_464 = arith.constant 48 : index
        %swap3A_465 = tpu.vector_load %arg12[%swap3A_464] {strides = array<i32>} : memref<128xi32, #tpu.memory_space<vmem>>, vector<16xi32>,
        tpu.vector_store %arg12[%swap3A_464], %shift_right_arithmetic3A_463 {strides = array<i32>} : memref<128xi32, #tpu.memory_space<vmem>>, vector<16xi32>,
        %get3A_466 = arith.index_cast %add3A_433 : i32 to index
        %get3A_467 = arith.constant 64 : index
        %get3A_468 = tpu.vector_load %arg5[%get3A_466, %get3A_467] {strides = array<i32>} : memref<50x512xi32, #tpu.memory_space<vmem>>, vector<16xi32>,
        %shift_right_arithmetic3A_469 = arith.constant 2 : i32
        %shift_right_arithmetic3A_470 = vector.broadcast %shift_right_arithmetic3A_469 : i32 to vector<16xi32>
        %shift_right_arithmetic3A_471 = arith.shrsi %get3A_468, %shift_right_arithmetic3A_470 : vector<16xi32>
        %swap3A_472 = arith.constant 64 : index
        %swap3A_473 = tpu.vector_load %arg12[%swap3A_472] {strides = array<i32>} : memref<128xi32, #tpu.memory_space<vmem>>, vector<16xi32>,
        tpu.vector_store %arg12[%swap3A_472], %shift_right_arithmetic3A_471 {strides = array<i32>} : memref<128xi32, #tpu.memory_space<vmem>>, vector<16xi32>,
        %get3A_474 = arith.index_cast %add3A_433 : i32 to index
        %get3A_475 = arith.constant 80 : index
        %get3A_476 = tpu.vector_load %arg5[%get3A_474, %get3A_475] {strides = array<i32>} : memref<50x512xi32, #tpu.memory_space<vmem>>, vector<16xi32>,
        %shift_right_arithmetic3A_477 = arith.constant 2 : i32
        %shift_right_arithmetic3A_478 = vector.broadcast %shift_right_arithmetic3A_477 : i32 to vector<16xi32>
        %shift_right_arithmetic3A_479 = arith.shrsi %get3A_476, %shift_right_arithmetic3A_478 : vector<16xi32>
        %swap3A_480 = arith.constant 80 : index
        %swap3A_481 = tpu.vector_load %arg12[%swap3A_480] {strides = array<i32>} : memref<128xi32, #tpu.memory_space<vmem>>, vector<16xi32>,
        tpu.vector_store %arg12[%swap3A_480], %shift_right_arithmetic3A_479 {strides = array<i32>} : memref<128xi32, #tpu.memory_space<vmem>>, vector<16xi32>,
        %get3A_482 = arith.index_cast %add3A_433 : i32 to index
        %get3A_483 = arith.constant 96 : index
        %get3A_484 = tpu.vector_load %arg5[%get3A_482, %get3A_483] {strides = array<i32>} : memref<50x512xi32, #tpu.memory_space<vmem>>, vector<16xi32>,
        %shift_right_arithmetic3A_485 = arith.constant 2 : i32
        %shift_right_arithmetic3A_486 = vector.broadcast %shift_right_arithmetic3A_485 : i32 to vector<16xi32>
        %shift_right_arithmetic3A_487 = arith.shrsi %get3A_484, %shift_right_arithmetic3A_486 : vector<16xi32>
        %swap3A_488 = arith.constant 96 : index
        %swap3A_489 = tpu.vector_load %arg12[%swap3A_488] {strides = array<i32>} : memref<128xi32, #tpu.memory_space<vmem>>, vector<16xi32>,
        tpu.vector_store %arg12[%swap3A_488], %shift_right_arithmetic3A_487 {strides = array<i32>} : memref<128xi32, #tpu.memory_space<vmem>>, vector<16xi32>,
        %get3A_490 = arith.index_cast %add3A_433 : i32 to index
        %get3A_491 = arith.constant 112 : index
        %get3A_492 = tpu.vector_load %arg5[%get3A_490, %get3A_491] {strides = array<i32>} : memref<50x512xi32, #tpu.memory_space<vmem>>, vector<16xi32>,
        %shift_right_arithmetic3A_493 = arith.constant 2 : i32
        %shift_right_arithmetic3A_494 = vector.broadcast %shift_right_arithmetic3A_493 : i32 to vector<16xi32>
        %shift_right_arithmetic3A_495 = arith.shrsi %get3A_492, %shift_right_arithmetic3A_494 : vector<16xi32>
        %swap3A_496 = arith.constant 112 : index
        %swap3A_497 = tpu.vector_load %arg12[%swap3A_496] {strides = array<i32>} : memref<128xi32, #tpu.memory_space<vmem>>, vector<16xi32>,
        tpu.vector_store %arg12[%swap3A_496], %shift_right_arithmetic3A_495 {strides = array<i32>} : memref<128xi32, #tpu.memory_space<vmem>>, vector<16xi32>,
        %dma_start3A_498 = arith.constant 0 : i32
        %dma_start3A_499 = arith.constant 0 : i32
        %dma_start3A_500 = tpu.memref_slice %arg3[%dma_start3A_498, %dma_start3A_499] : memref<250000x128xf32, #tpu.memory_space<hbm>> -> memref<250000x128xf32, #tpu.memory_space<hbm>>
        tpu.enqueue_indirect_dma source(%dma_start3A_500 : memref<250000x128xf32, #tpu.memory_space<hbm>>) target(%arg6 : memref<128x128xf32, #tpu.memory_space<vmem>>) offsets(%arg12 : memref<128xi32, #tpu.memory_space<vmem>>) semaphore(%arg16 : memref<!tpu.dma_semaphore, #tpu.memory_space<semaphore_mem>>)
      } else {
      }
      %dma_wait3A_343 = arith.constant 0 : i32
      %dma_wait3A_344 = arith.constant 0 : i32
      %dma_wait3A_345 = tpu.memref_slice %arg3[%dma_wait3A_343, %dma_wait3A_344] : memref<250000x128xf32, #tpu.memory_space<hbm>> -> memref<250000x128xf32, #tpu.memory_space<hbm>>
      tpu.wait_indirect_dma semaphore(%arg17 : memref<!tpu.dma_semaphore, #tpu.memory_space<semaphore_mem>>) src(%dma_wait3A_345 : memref<250000x128xf32, #tpu.memory_space<hbm>>) dst(%arg7 : memref<128x128xf32, #tpu.memory_space<vmem>>)
      %gt3A_346 = arith.constant 0 : i32
      %gt3A_347 = arith.cmpi sgt, %scan3A_320, %gt3A_346 : i32
      %convert_element_type3A_348 = arith.extui %gt3A_347 : i1 to i32
      %cond3A_349 = arith.constant 0 : i32
      %cond3A_350 = arith.cmpi ne, %convert_element_type3A_348, %cond3A_349 : i32
      scf.if %cond3A_350 {
        %dma_wait3A_432 = arith.constant 0 : i32
        %dma_wait3A_433 = arith.constant 0 : i32
        %dma_wait3A_434 = arith.constant 0 : i32
        %dma_wait3A_435 = tpu.memref_slice %arg4[%dma_wait3A_432, %dma_wait3A_433, %dma_wait3A_434] : memref<50x32x16384xf32, #tpu.memory_space<hbm>> -> memref<1x32x128xf32, #tpu.memory_space<hbm>>
        %dma_wait3A_436 = tpu.memref_squeeze %dma_wait3A_435 : memref<1x32x128xf32, #tpu.memory_space<hbm>> -> memref<32x128xf32, #tpu.memory_space<hbm>>
        %dma_wait3A_437 = arith.constant 0 : i32
        %dma_wait3A_438 = arith.constant 0 : i32
        %dma_wait3A_439 = tpu.memref_slice %arg4[%dma_wait3A_432, %dma_wait3A_437, %dma_wait3A_438] : memref<50x32x16384xf32, #tpu.memory_space<hbm>> -> memref<1x32x128xf32, #tpu.memory_space<hbm>>
        %dma_wait3A_440 = tpu.memref_squeeze %dma_wait3A_439 : memref<1x32x128xf32, #tpu.memory_space<hbm>> -> memref<32x128xf32, #tpu.memory_space<hbm>>
        tpu.wait_dma2 semaphore(%arg21 : memref<!tpu.dma_semaphore, #tpu.memory_space<semaphore_mem>>) src(%arg11 : memref<32x128xf32, #tpu.memory_space<vmem>>) dst(%dma_wait3A_440 : memref<32x128xf32, #tpu.memory_space<hbm>>)
      } else {
      }
      %iota3A_351 = tpu.iota {dimensions = array<i32: 0>} : vector<16xi32>
      %scan3A_352 = arith.constant 0 : i32
      %scan3A_353 = arith.constant 8 : i32
      %scan3A_354 = arith.addi %scan3A_352, %scan3A_353 : i32
      %scan3A_355 = arith.constant 1 : i32
      scf.for %scan3A_432 = %scan3A_352 to %scan3A_354 step %scan3A_355  : i32 {
        %mul3A_433 = arith.constant 16 : i32
        %mul3A_434 = arith.muli %scan3A_432, %mul3A_433 : i32
        %add3A_435 = arith.constant 128 : i32
        %add3A_436 = arith.addi %add3A_435, %mul3A_434 : i32
        %get3A_437 = arith.index_cast %scan3A_320 : i32 to index
        %get3A_438 = arith.index_cast %add3A_436 : i32 to index
        %get3A_439 = tpu.vector_load %arg5[%get3A_437, %get3A_438] {strides = array<i32>} : memref<50x512xi32, #tpu.memory_space<vmem>>, vector<16xi32>,
        %and3A = arith.constant 3 : i32
        %and3A_440 = vector.broadcast %and3A : i32 to vector<16xi32>
        %and3A_441 = arith.andi %get3A_439, %and3A_440 : vector<16xi32>
        %shift_left3A = arith.constant 5 : i32
        %shift_left3A_442 = vector.broadcast %shift_left3A : i32 to vector<16xi32>
        %shift_left3A_443 = arith.shli %and3A_441, %shift_left3A_442 : vector<16xi32>
        %add3A_444 = vector.broadcast %mul3A_434 : i32 to vector<16xi32>
        %add3A_445 = arith.addi %add3A_444, %iota3A_351 : vector<16xi32>
        %add3A_446 = arith.constant 0 : i32
        %add3A_447 = vector.broadcast %add3A_446 : i32 to vector<16xi32>
        %add3A_448 = arith.addi %add3A_447, %iota3A_351 : vector<16xi32>
        %and3A_449 = arith.constant 15 : i32
        %and3A_450 = vector.broadcast %and3A_449 : i32 to vector<16xi32>
        %and3A_451 = arith.andi %add3A_448, %and3A_450 : vector<16xi32>
        %add3A_452 = arith.constant 0 : i32
        %add3A_453 = vector.broadcast %add3A_452 : i32 to vector<16xi32>
        %add3A_454 = arith.addi %and3A_451, %add3A_453 : vector<16xi32>
        %add3A_455 = arith.addi %shift_left3A_443, %add3A_454 : vector<16xi32>
        %gather3A = tpu.vector_load_idx %arg7[%add3A_445, %add3A_455] : memref<128x128xf32, #tpu.memory_space<vmem>>[vector<16xi32>, vector<16xi32>], vector<16xf32>,
        tpu.vector_store_idx %arg11[%add3A_454, %add3A_445], %gather3A : memref<32x128xf32, #tpu.memory_space<vmem>>[vector<16xi32>, vector<16xi32>], vector<16xf32>,
        %add3A_456 = arith.constant 1 : i32
        %add3A_457 = vector.broadcast %add3A_456 : i32 to vector<16xi32>
        %add3A_458 = arith.addi %add3A_457, %iota3A_351 : vector<16xi32>
        %and3A_459 = arith.constant 15 : i32
        %and3A_460 = vector.broadcast %and3A_459 : i32 to vector<16xi32>
        %and3A_461 = arith.andi %add3A_458, %and3A_460 : vector<16xi32>
        %add3A_462 = arith.constant 0 : i32
        %add3A_463 = vector.broadcast %add3A_462 : i32 to vector<16xi32>
        %add3A_464 = arith.addi %and3A_461, %add3A_463 : vector<16xi32>
        %add3A_465 = arith.addi %shift_left3A_443, %add3A_464 : vector<16xi32>
        %gather3A_466 = tpu.vector_load_idx %arg7[%add3A_445, %add3A_465] : memref<128x128xf32, #tpu.memory_space<vmem>>[vector<16xi32>, vector<16xi32>], vector<16xf32>,
        tpu.vector_store_idx %arg11[%add3A_464, %add3A_445], %gather3A_466 : memref<32x128xf32, #tpu.memory_space<vmem>>[vector<16xi32>, vector<16xi32>], vector<16xf32>,
        %add3A_467 = arith.constant 2 : i32
        %add3A_468 = vector.broadcast %add3A_467 : i32 to vector<16xi32>
        %add3A_469 = arith.addi %add3A_468, %iota3A_351 : vector<16xi32>
        %and3A_470 = arith.constant 15 : i32
        %and3A_471 = vector.broadcast %and3A_470 : i32 to vector<16xi32>
        %and3A_472 = arith.andi %add3A_469, %and3A_471 : vector<16xi32>
        %add3A_473 = arith.constant 0 : i32
        %add3A_474 = vector.broadcast %add3A_473 : i32 to vector<16xi32>
        %add3A_475 = arith.addi %and3A_472, %add3A_474 : vector<16xi32>
        %add3A_476 = arith.addi %shift_left3A_443, %add3A_475 : vector<16xi32>
        %gather3A_477 = tpu.vector_load_idx %arg7[%add3A_445, %add3A_476] : memref<128x128xf32, #tpu.memory_space<vmem>>[vector<16xi32>, vector<16xi32>], vector<16xf32>,
        tpu.vector_store_idx %arg11[%add3A_475, %add3A_445], %gather3A_477 : memref<32x128xf32, #tpu.memory_space<vmem>>[vector<16xi32>, vector<16xi32>], vector<16xf32>,
        %add3A_478 = arith.constant 3 : i32
        %add3A_479 = vector.broadcast %add3A_478 : i32 to vector<16xi32>
        %add3A_480 = arith.addi %add3A_479, %iota3A_351 : vector<16xi32>
        %and3A_481 = arith.constant 15 : i32
        %and3A_482 = vector.broadcast %and3A_481 : i32 to vector<16xi32>
        %and3A_483 = arith.andi %add3A_480, %and3A_482 : vector<16xi32>
        %add3A_484 = arith.constant 0 : i32
        %add3A_485 = vector.broadcast %add3A_484 : i32 to vector<16xi32>
        %add3A_486 = arith.addi %and3A_483, %add3A_485 : vector<16xi32>
        %add3A_487 = arith.addi %shift_left3A_443, %add3A_486 : vector<16xi32>
        %gather3A_488 = tpu.vector_load_idx %arg7[%add3A_445, %add3A_487] : memref<128x128xf32, #tpu.memory_space<vmem>>[vector<16xi32>, vector<16xi32>], vector<16xf32>,
        tpu.vector_store_idx %arg11[%add3A_486, %add3A_445], %gather3A_488 : memref<32x128xf32, #tpu.memory_space<vmem>>[vector<16xi32>, vector<16xi32>], vector<16xf32>,
        %add3A_489 = arith.constant 4 : i32
        %add3A_490 = vector.broadcast %add3A_489 : i32 to vector<16xi32>
        %add3A_491 = arith.addi %add3A_490, %iota3A_351 : vector<16xi32>
        %and3A_492 = arith.constant 15 : i32
        %and3A_493 = vector.broadcast %and3A_492 : i32 to vector<16xi32>
        %and3A_494 = arith.andi %add3A_491, %and3A_493 : vector<16xi32>
        %add3A_495 = arith.constant 0 : i32
        %add3A_496 = vector.broadcast %add3A_495 : i32 to vector<16xi32>
        %add3A_497 = arith.addi %and3A_494, %add3A_496 : vector<16xi32>
        %add3A_498 = arith.addi %shift_left3A_443, %add3A_497 : vector<16xi32>
        %gather3A_499 = tpu.vector_load_idx %arg7[%add3A_445, %add3A_498] : memref<128x128xf32, #tpu.memory_space<vmem>>[vector<16xi32>, vector<16xi32>], vector<16xf32>,
        tpu.vector_store_idx %arg11[%add3A_497, %add3A_445], %gather3A_499 : memref<32x128xf32, #tpu.memory_space<vmem>>[vector<16xi32>, vector<16xi32>], vector<16xf32>,
        %add3A_500 = arith.constant 5 : i32
        %add3A_501 = vector.broadcast %add3A_500 : i32 to vector<16xi32>
        %add3A_502 = arith.addi %add3A_501, %iota3A_351 : vector<16xi32>
        %and3A_503 = arith.constant 15 : i32
        %and3A_504 = vector.broadcast %and3A_503 : i32 to vector<16xi32>
        %and3A_505 = arith.andi %add3A_502, %and3A_504 : vector<16xi32>
        %add3A_506 = arith.constant 0 : i32
        %add3A_507 = vector.broadcast %add3A_506 : i32 to vector<16xi32>
        %add3A_508 = arith.addi %and3A_505, %add3A_507 : vector<16xi32>
        %add3A_509 = arith.addi %shift_left3A_443, %add3A_508 : vector<16xi32>
        %gather3A_510 = tpu.vector_load_idx %arg7[%add3A_445, %add3A_509] : memref<128x128xf32, #tpu.memory_space<vmem>>[vector<16xi32>, vector<16xi32>], vector<16xf32>,
        tpu.vector_store_idx %arg11[%add3A_508, %add3A_445], %gather3A_510 : memref<32x128xf32, #tpu.memory_space<vmem>>[vector<16xi32>, vector<16xi32>], vector<16xf32>,
        %add3A_511 = arith.constant 6 : i32
        %add3A_512 = vector.broadcast %add3A_511 : i32 to vector<16xi32>
        %add3A_513 = arith.addi %add3A_512, %iota3A_351 : vector<16xi32>
        %and3A_514 = arith.constant 15 : i32
        %and3A_515 = vector.broadcast %and3A_514 : i32 to vector<16xi32>
        %and3A_516 = arith.andi %add3A_513, %and3A_515 : vector<16xi32>
        %add3A_517 = arith.constant 0 : i32
        %add3A_518 = vector.broadcast %add3A_517 : i32 to vector<16xi32>
        %add3A_519 = arith.addi %and3A_516, %add3A_518 : vector<16xi32>
        %add3A_520 = arith.addi %shift_left3A_443, %add3A_519 : vector<16xi32>
        %gather3A_521 = tpu.vector_load_idx %arg7[%add3A_445, %add3A_520] : memref<128x128xf32, #tpu.memory_space<vmem>>[vector<16xi32>, vector<16xi32>], vector<16xf32>,
        tpu.vector_store_idx %arg11[%add3A_519, %add3A_445], %gather3A_521 : memref<32x128xf32, #tpu.memory_space<vmem>>[vector<16xi32>, vector<16xi32>], vector<16xf32>,
        %add3A_522 = arith.constant 7 : i32
        %add3A_523 = vector.broadcast %add3A_522 : i32 to vector<16xi32>
        %add3A_524 = arith.addi %add3A_523, %iota3A_351 : vector<16xi32>
        %and3A_525 = arith.constant 15 : i32
        %and3A_526 = vector.broadcast %and3A_525 : i32 to vector<16xi32>
        %and3A_527 = arith.andi %add3A_524, %and3A_526 : vector<16xi32>
        %add3A_528 = arith.constant 0 : i32
        %add3A_529 = vector.broadcast %add3A_528 : i32 to vector<16xi32>
        %add3A_530 = arith.addi %and3A_527, %add3A_529 : vector<16xi32>
        %add3A_531 = arith.addi %shift_left3A_443, %add3A_530 : vector<16xi32>
        %gather3A_532 = tpu.vector_load_idx %arg7[%add3A_445, %add3A_531] : memref<128x128xf32, #tpu.memory_space<vmem>>[vector<16xi32>, vector<16xi32>], vector<16xf32>,
        tpu.vector_store_idx %arg11[%add3A_530, %add3A_445], %gather3A_532 : memref<32x128xf32, #tpu.memory_space<vmem>>[vector<16xi32>, vector<16xi32>], vector<16xf32>,
        %add3A_533 = arith.constant 8 : i32
        %add3A_534 = vector.broadcast %add3A_533 : i32 to vector<16xi32>
        %add3A_535 = arith.addi %add3A_534, %iota3A_351 : vector<16xi32>
        %and3A_536 = arith.constant 15 : i32
        %and3A_537 = vector.broadcast %and3A_536 : i32 to vector<16xi32>
        %and3A_538 = arith.andi %add3A_535, %and3A_537 : vector<16xi32>
        %add3A_539 = arith.constant 0 : i32
        %add3A_540 = vector.broadcast %add3A_539 : i32 to vector<16xi32>
        %add3A_541 = arith.addi %and3A_538, %add3A_540 : vector<16xi32>
        %add3A_542 = arith.addi %shift_left3A_443, %add3A_541 : vector<16xi32>
        %gather3A_543 = tpu.vector_load_idx %arg7[%add3A_445, %add3A_542] : memref<128x128xf32, #tpu.memory_space<vmem>>[vector<16xi32>, vector<16xi32>], vector<16xf32>,
        tpu.vector_store_idx %arg11[%add3A_541, %add3A_445], %gather3A_543 : memref<32x128xf32, #tpu.memory_space<vmem>>[vector<16xi32>, vector<16xi32>], vector<16xf32>,
        %add3A_544 = arith.constant 9 : i32
        %add3A_545 = vector.broadcast %add3A_544 : i32 to vector<16xi32>
        %add3A_546 = arith.addi %add3A_545, %iota3A_351 : vector<16xi32>
        %and3A_547 = arith.constant 15 : i32
        %and3A_548 = vector.broadcast %and3A_547 : i32 to vector<16xi32>
        %and3A_549 = arith.andi %add3A_546, %and3A_548 : vector<16xi32>
        %add3A_550 = arith.constant 0 : i32
        %add3A_551 = vector.broadcast %add3A_550 : i32 to vector<16xi32>
        %add3A_552 = arith.addi %and3A_549, %add3A_551 : vector<16xi32>
        %add3A_553 = arith.addi %shift_left3A_443, %add3A_552 : vector<16xi32>
        %gather3A_554 = tpu.vector_load_idx %arg7[%add3A_445, %add3A_553] : memref<128x128xf32, #tpu.memory_space<vmem>>[vector<16xi32>, vector<16xi32>], vector<16xf32>,
        tpu.vector_store_idx %arg11[%add3A_552, %add3A_445], %gather3A_554 : memref<32x128xf32, #tpu.memory_space<vmem>>[vector<16xi32>, vector<16xi32>], vector<16xf32>,
        %add3A_555 = arith.constant 10 : i32
        %add3A_556 = vector.broadcast %add3A_555 : i32 to vector<16xi32>
        %add3A_557 = arith.addi %add3A_556, %iota3A_351 : vector<16xi32>
        %and3A_558 = arith.constant 15 : i32
        %and3A_559 = vector.broadcast %and3A_558 : i32 to vector<16xi32>
        %and3A_560 = arith.andi %add3A_557, %and3A_559 : vector<16xi32>
        %add3A_561 = arith.constant 0 : i32
        %add3A_562 = vector.broadcast %add3A_561 : i32 to vector<16xi32>
        %add3A_563 = arith.addi %and3A_560, %add3A_562 : vector<16xi32>
        %add3A_564 = arith.addi %shift_left3A_443, %add3A_563 : vector<16xi32>
        %gather3A_565 = tpu.vector_load_idx %arg7[%add3A_445, %add3A_564] : memref<128x128xf32, #tpu.memory_space<vmem>>[vector<16xi32>, vector<16xi32>], vector<16xf32>,
        tpu.vector_store_idx %arg11[%add3A_563, %add3A_445], %gather3A_565 : memref<32x128xf32, #tpu.memory_space<vmem>>[vector<16xi32>, vector<16xi32>], vector<16xf32>,
        %add3A_566 = arith.constant 11 : i32
        %add3A_567 = vector.broadcast %add3A_566 : i32 to vector<16xi32>
        %add3A_568 = arith.addi %add3A_567, %iota3A_351 : vector<16xi32>
        %and3A_569 = arith.constant 15 : i32
        %and3A_570 = vector.broadcast %and3A_569 : i32 to vector<16xi32>
        %and3A_571 = arith.andi %add3A_568, %and3A_570 : vector<16xi32>
        %add3A_572 = arith.constant 0 : i32
        %add3A_573 = vector.broadcast %add3A_572 : i32 to vector<16xi32>
        %add3A_574 = arith.addi %and3A_571, %add3A_573 : vector<16xi32>
        %add3A_575 = arith.addi %shift_left3A_443, %add3A_574 : vector<16xi32>
        %gather3A_576 = tpu.vector_load_idx %arg7[%add3A_445, %add3A_575] : memref<128x128xf32, #tpu.memory_space<vmem>>[vector<16xi32>, vector<16xi32>], vector<16xf32>,
        tpu.vector_store_idx %arg11[%add3A_574, %add3A_445], %gather3A_576 : memref<32x128xf32, #tpu.memory_space<vmem>>[vector<16xi32>, vector<16xi32>], vector<16xf32>,
        %add3A_577 = arith.constant 12 : i32
        %add3A_578 = vector.broadcast %add3A_577 : i32 to vector<16xi32>
        %add3A_579 = arith.addi %add3A_578, %iota3A_351 : vector<16xi32>
        %and3A_580 = arith.constant 15 : i32
        %and3A_581 = vector.broadcast %and3A_580 : i32 to vector<16xi32>
        %and3A_582 = arith.andi %add3A_579, %and3A_581 : vector<16xi32>
        %add3A_583 = arith.constant 0 : i32
        %add3A_584 = vector.broadcast %add3A_583 : i32 to vector<16xi32>
        %add3A_585 = arith.addi %and3A_582, %add3A_584 : vector<16xi32>
        %add3A_586 = arith.addi %shift_left3A_443, %add3A_585 : vector<16xi32>
        %gather3A_587 = tpu.vector_load_idx %arg7[%add3A_445, %add3A_586] : memref<128x128xf32, #tpu.memory_space<vmem>>[vector<16xi32>, vector<16xi32>], vector<16xf32>,
        tpu.vector_store_idx %arg11[%add3A_585, %add3A_445], %gather3A_587 : memref<32x128xf32, #tpu.memory_space<vmem>>[vector<16xi32>, vector<16xi32>], vector<16xf32>,
        %add3A_588 = arith.constant 13 : i32
        %add3A_589 = vector.broadcast %add3A_588 : i32 to vector<16xi32>
        %add3A_590 = arith.addi %add3A_589, %iota3A_351 : vector<16xi32>
        %and3A_591 = arith.constant 15 : i32
        %and3A_592 = vector.broadcast %and3A_591 : i32 to vector<16xi32>
        %and3A_593 = arith.andi %add3A_590, %and3A_592 : vector<16xi32>
        %add3A_594 = arith.constant 0 : i32
        %add3A_595 = vector.broadcast %add3A_594 : i32 to vector<16xi32>
        %add3A_596 = arith.addi %and3A_593, %add3A_595 : vector<16xi32>
        %add3A_597 = arith.addi %shift_left3A_443, %add3A_596 : vector<16xi32>
        %gather3A_598 = tpu.vector_load_idx %arg7[%add3A_445, %add3A_597] : memref<128x128xf32, #tpu.memory_space<vmem>>[vector<16xi32>, vector<16xi32>], vector<16xf32>,
        tpu.vector_store_idx %arg11[%add3A_596, %add3A_445], %gather3A_598 : memref<32x128xf32, #tpu.memory_space<vmem>>[vector<16xi32>, vector<16xi32>], vector<16xf32>,
        %add3A_599 = arith.constant 14 : i32
        %add3A_600 = vector.broadcast %add3A_599 : i32 to vector<16xi32>
        %add3A_601 = arith.addi %add3A_600, %iota3A_351 : vector<16xi32>
        %and3A_602 = arith.constant 15 : i32
        %and3A_603 = vector.broadcast %and3A_602 : i32 to vector<16xi32>
        %and3A_604 = arith.andi %add3A_601, %and3A_603 : vector<16xi32>
        %add3A_605 = arith.constant 0 : i32
        %add3A_606 = vector.broadcast %add3A_605 : i32 to vector<16xi32>
        %add3A_607 = arith.addi %and3A_604, %add3A_606 : vector<16xi32>
        %add3A_608 = arith.addi %shift_left3A_443, %add3A_607 : vector<16xi32>
        %gather3A_609 = tpu.vector_load_idx %arg7[%add3A_445, %add3A_608] : memref<128x128xf32, #tpu.memory_space<vmem>>[vector<16xi32>, vector<16xi32>], vector<16xf32>,
        tpu.vector_store_idx %arg11[%add3A_607, %add3A_445], %gather3A_609 : memref<32x128xf32, #tpu.memory_space<vmem>>[vector<16xi32>, vector<16xi32>], vector<16xf32>,
        %add3A_610 = arith.constant 15 : i32
        %add3A_611 = vector.broadcast %add3A_610 : i32 to vector<16xi32>
        %add3A_612 = arith.addi %add3A_611, %iota3A_351 : vector<16xi32>
        %and3A_613 = arith.constant 15 : i32
        %and3A_614 = vector.broadcast %and3A_613 : i32 to vector<16xi32>
        %and3A_615 = arith.andi %add3A_612, %and3A_614 : vector<16xi32>
        %add3A_616 = arith.constant 0 : i32
        %add3A_617 = vector.broadcast %add3A_616 : i32 to vector<16xi32>
        %add3A_618 = arith.addi %and3A_615, %add3A_617 : vector<16xi32>
        %add3A_619 = arith.addi %shift_left3A_443, %add3A_618 : vector<16xi32>
        %gather3A_620 = tpu.vector_load_idx %arg7[%add3A_445, %add3A_619] : memref<128x128xf32, #tpu.memory_space<vmem>>[vector<16xi32>, vector<16xi32>], vector<16xf32>,
        tpu.vector_store_idx %arg11[%add3A_618, %add3A_445], %gather3A_620 : memref<32x128xf32, #tpu.memory_space<vmem>>[vector<16xi32>, vector<16xi32>], vector<16xf32>,
        %add3A_621 = arith.constant 0 : i32
        %add3A_622 = vector.broadcast %add3A_621 : i32 to vector<16xi32>
        %add3A_623 = arith.addi %add3A_622, %iota3A_351 : vector<16xi32>
        %and3A_624 = arith.constant 15 : i32
        %and3A_625 = vector.broadcast %and3A_624 : i32 to vector<16xi32>
        %and3A_626 = arith.andi %add3A_623, %and3A_625 : vector<16xi32>
        %add3A_627 = arith.constant 16 : i32
        %add3A_628 = vector.broadcast %add3A_627 : i32 to vector<16xi32>
        %add3A_629 = arith.addi %and3A_626, %add3A_628 : vector<16xi32>
        %add3A_630 = arith.addi %shift_left3A_443, %add3A_629 : vector<16xi32>
        %gather3A_631 = tpu.vector_load_idx %arg7[%add3A_445, %add3A_630] : memref<128x128xf32, #tpu.memory_space<vmem>>[vector<16xi32>, vector<16xi32>], vector<16xf32>,
        tpu.vector_store_idx %arg11[%add3A_629, %add3A_445], %gather3A_631 : memref<32x128xf32, #tpu.memory_space<vmem>>[vector<16xi32>, vector<16xi32>], vector<16xf32>,
        %add3A_632 = arith.constant 1 : i32
        %add3A_633 = vector.broadcast %add3A_632 : i32 to vector<16xi32>
        %add3A_634 = arith.addi %add3A_633, %iota3A_351 : vector<16xi32>
        %and3A_635 = arith.constant 15 : i32
        %and3A_636 = vector.broadcast %and3A_635 : i32 to vector<16xi32>
        %and3A_637 = arith.andi %add3A_634, %and3A_636 : vector<16xi32>
        %add3A_638 = arith.constant 16 : i32
        %add3A_639 = vector.broadcast %add3A_638 : i32 to vector<16xi32>
        %add3A_640 = arith.addi %and3A_637, %add3A_639 : vector<16xi32>
        %add3A_641 = arith.addi %shift_left3A_443, %add3A_640 : vector<16xi32>
        %gather3A_642 = tpu.vector_load_idx %arg7[%add3A_445, %add3A_641] : memref<128x128xf32, #tpu.memory_space<vmem>>[vector<16xi32>, vector<16xi32>], vector<16xf32>,
        tpu.vector_store_idx %arg11[%add3A_640, %add3A_445], %gather3A_642 : memref<32x128xf32, #tpu.memory_space<vmem>>[vector<16xi32>, vector<16xi32>], vector<16xf32>,
        %add3A_643 = arith.constant 2 : i32
        %add3A_644 = vector.broadcast %add3A_643 : i32 to vector<16xi32>
        %add3A_645 = arith.addi %add3A_644, %iota3A_351 : vector<16xi32>
        %and3A_646 = arith.constant 15 : i32
        %and3A_647 = vector.broadcast %and3A_646 : i32 to vector<16xi32>
        %and3A_648 = arith.andi %add3A_645, %and3A_647 : vector<16xi32>
        %add3A_649 = arith.constant 16 : i32
        %add3A_650 = vector.broadcast %add3A_649 : i32 to vector<16xi32>
        %add3A_651 = arith.addi %and3A_648, %add3A_650 : vector<16xi32>
        %add3A_652 = arith.addi %shift_left3A_443, %add3A_651 : vector<16xi32>
        %gather3A_653 = tpu.vector_load_idx %arg7[%add3A_445, %add3A_652] : memref<128x128xf32, #tpu.memory_space<vmem>>[vector<16xi32>, vector<16xi32>], vector<16xf32>,
        tpu.vector_store_idx %arg11[%add3A_651, %add3A_445], %gather3A_653 : memref<32x128xf32, #tpu.memory_space<vmem>>[vector<16xi32>, vector<16xi32>], vector<16xf32>,
        %add3A_654 = arith.constant 3 : i32
        %add3A_655 = vector.broadcast %add3A_654 : i32 to vector<16xi32>
        %add3A_656 = arith.addi %add3A_655, %iota3A_351 : vector<16xi32>
        %and3A_657 = arith.constant 15 : i32
        %and3A_658 = vector.broadcast %and3A_657 : i32 to vector<16xi32>
        %and3A_659 = arith.andi %add3A_656, %and3A_658 : vector<16xi32>
        %add3A_660 = arith.constant 16 : i32
        %add3A_661 = vector.broadcast %add3A_660 : i32 to vector<16xi32>
        %add3A_662 = arith.addi %and3A_659, %add3A_661 : vector<16xi32>
        %add3A_663 = arith.addi %shift_left3A_443, %add3A_662 : vector<16xi32>
        %gather3A_664 = tpu.vector_load_idx %arg7[%add3A_445, %add3A_663] : memref<128x128xf32, #tpu.memory_space<vmem>>[vector<16xi32>, vector<16xi32>], vector<16xf32>,
        tpu.vector_store_idx %arg11[%add3A_662, %add3A_445], %gather3A_664 : memref<32x128xf32, #tpu.memory_space<vmem>>[vector<16xi32>, vector<16xi32>], vector<16xf32>,
        %add3A_665 = arith.constant 4 : i32
        %add3A_666 = vector.broadcast %add3A_665 : i32 to vector<16xi32>
        %add3A_667 = arith.addi %add3A_666, %iota3A_351 : vector<16xi32>
        %and3A_668 = arith.constant 15 : i32
        %and3A_669 = vector.broadcast %and3A_668 : i32 to vector<16xi32>
        %and3A_670 = arith.andi %add3A_667, %and3A_669 : vector<16xi32>
        %add3A_671 = arith.constant 16 : i32
        %add3A_672 = vector.broadcast %add3A_671 : i32 to vector<16xi32>
        %add3A_673 = arith.addi %and3A_670, %add3A_672 : vector<16xi32>
        %add3A_674 = arith.addi %shift_left3A_443, %add3A_673 : vector<16xi32>
        %gather3A_675 = tpu.vector_load_idx %arg7[%add3A_445, %add3A_674] : memref<128x128xf32, #tpu.memory_space<vmem>>[vector<16xi32>, vector<16xi32>], vector<16xf32>,
        tpu.vector_store_idx %arg11[%add3A_673, %add3A_445], %gather3A_675 : memref<32x128xf32, #tpu.memory_space<vmem>>[vector<16xi32>, vector<16xi32>], vector<16xf32>,
        %add3A_676 = arith.constant 5 : i32
        %add3A_677 = vector.broadcast %add3A_676 : i32 to vector<16xi32>
        %add3A_678 = arith.addi %add3A_677, %iota3A_351 : vector<16xi32>
        %and3A_679 = arith.constant 15 : i32
        %and3A_680 = vector.broadcast %and3A_679 : i32 to vector<16xi32>
        %and3A_681 = arith.andi %add3A_678, %and3A_680 : vector<16xi32>
        %add3A_682 = arith.constant 16 : i32
        %add3A_683 = vector.broadcast %add3A_682 : i32 to vector<16xi32>
        %add3A_684 = arith.addi %and3A_681, %add3A_683 : vector<16xi32>
        %add3A_685 = arith.addi %shift_left3A_443, %add3A_684 : vector<16xi32>
        %gather3A_686 = tpu.vector_load_idx %arg7[%add3A_445, %add3A_685] : memref<128x128xf32, #tpu.memory_space<vmem>>[vector<16xi32>, vector<16xi32>], vector<16xf32>,
        tpu.vector_store_idx %arg11[%add3A_684, %add3A_445], %gather3A_686 : memref<32x128xf32, #tpu.memory_space<vmem>>[vector<16xi32>, vector<16xi32>], vector<16xf32>,
        %add3A_687 = arith.constant 6 : i32
        %add3A_688 = vector.broadcast %add3A_687 : i32 to vector<16xi32>
        %add3A_689 = arith.addi %add3A_688, %iota3A_351 : vector<16xi32>
        %and3A_690 = arith.constant 15 : i32
        %and3A_691 = vector.broadcast %and3A_690 : i32 to vector<16xi32>
        %and3A_692 = arith.andi %add3A_689, %and3A_691 : vector<16xi32>
        %add3A_693 = arith.constant 16 : i32
        %add3A_694 = vector.broadcast %add3A_693 : i32 to vector<16xi32>
        %add3A_695 = arith.addi %and3A_692, %add3A_694 : vector<16xi32>
        %add3A_696 = arith.addi %shift_left3A_443, %add3A_695 : vector<16xi32>
        %gather3A_697 = tpu.vector_load_idx %arg7[%add3A_445, %add3A_696] : memref<128x128xf32, #tpu.memory_space<vmem>>[vector<16xi32>, vector<16xi32>], vector<16xf32>,
        tpu.vector_store_idx %arg11[%add3A_695, %add3A_445], %gather3A_697 : memref<32x128xf32, #tpu.memory_space<vmem>>[vector<16xi32>, vector<16xi32>], vector<16xf32>,
        %add3A_698 = arith.constant 7 : i32
        %add3A_699 = vector.broadcast %add3A_698 : i32 to vector<16xi32>
        %add3A_700 = arith.addi %add3A_699, %iota3A_351 : vector<16xi32>
        %and3A_701 = arith.constant 15 : i32
        %and3A_702 = vector.broadcast %and3A_701 : i32 to vector<16xi32>
        %and3A_703 = arith.andi %add3A_700, %and3A_702 : vector<16xi32>
        %add3A_704 = arith.constant 16 : i32
        %add3A_705 = vector.broadcast %add3A_704 : i32 to vector<16xi32>
        %add3A_706 = arith.addi %and3A_703, %add3A_705 : vector<16xi32>
        %add3A_707 = arith.addi %shift_left3A_443, %add3A_706 : vector<16xi32>
        %gather3A_708 = tpu.vector_load_idx %arg7[%add3A_445, %add3A_707] : memref<128x128xf32, #tpu.memory_space<vmem>>[vector<16xi32>, vector<16xi32>], vector<16xf32>,
        tpu.vector_store_idx %arg11[%add3A_706, %add3A_445], %gather3A_708 : memref<32x128xf32, #tpu.memory_space<vmem>>[vector<16xi32>, vector<16xi32>], vector<16xf32>,
        %add3A_709 = arith.constant 8 : i32
        %add3A_710 = vector.broadcast %add3A_709 : i32 to vector<16xi32>
        %add3A_711 = arith.addi %add3A_710, %iota3A_351 : vector<16xi32>
        %and3A_712 = arith.constant 15 : i32
        %and3A_713 = vector.broadcast %and3A_712 : i32 to vector<16xi32>
        %and3A_714 = arith.andi %add3A_711, %and3A_713 : vector<16xi32>
        %add3A_715 = arith.constant 16 : i32
        %add3A_716 = vector.broadcast %add3A_715 : i32 to vector<16xi32>
        %add3A_717 = arith.addi %and3A_714, %add3A_716 : vector<16xi32>
        %add3A_718 = arith.addi %shift_left3A_443, %add3A_717 : vector<16xi32>
        %gather3A_719 = tpu.vector_load_idx %arg7[%add3A_445, %add3A_718] : memref<128x128xf32, #tpu.memory_space<vmem>>[vector<16xi32>, vector<16xi32>], vector<16xf32>,
        tpu.vector_store_idx %arg11[%add3A_717, %add3A_445], %gather3A_719 : memref<32x128xf32, #tpu.memory_space<vmem>>[vector<16xi32>, vector<16xi32>], vector<16xf32>,
        %add3A_720 = arith.constant 9 : i32
        %add3A_721 = vector.broadcast %add3A_720 : i32 to vector<16xi32>
        %add3A_722 = arith.addi %add3A_721, %iota3A_351 : vector<16xi32>
        %and3A_723 = arith.constant 15 : i32
        %and3A_724 = vector.broadcast %and3A_723 : i32 to vector<16xi32>
        %and3A_725 = arith.andi %add3A_722, %and3A_724 : vector<16xi32>
        %add3A_726 = arith.constant 16 : i32
        %add3A_727 = vector.broadcast %add3A_726 : i32 to vector<16xi32>
        %add3A_728 = arith.addi %and3A_725, %add3A_727 : vector<16xi32>
        %add3A_729 = arith.addi %shift_left3A_443, %add3A_728 : vector<16xi32>
        %gather3A_730 = tpu.vector_load_idx %arg7[%add3A_445, %add3A_729] : memref<128x128xf32, #tpu.memory_space<vmem>>[vector<16xi32>, vector<16xi32>], vector<16xf32>,
        tpu.vector_store_idx %arg11[%add3A_728, %add3A_445], %gather3A_730 : memref<32x128xf32, #tpu.memory_space<vmem>>[vector<16xi32>, vector<16xi32>], vector<16xf32>,
        %add3A_731 = arith.constant 10 : i32
        %add3A_732 = vector.broadcast %add3A_731 : i32 to vector<16xi32>
        %add3A_733 = arith.addi %add3A_732, %iota3A_351 : vector<16xi32>
        %and3A_734 = arith.constant 15 : i32
        %and3A_735 = vector.broadcast %and3A_734 : i32 to vector<16xi32>
        %and3A_736 = arith.andi %add3A_733, %and3A_735 : vector<16xi32>
        %add3A_737 = arith.constant 16 : i32
        %add3A_738 = vector.broadcast %add3A_737 : i32 to vector<16xi32>
        %add3A_739 = arith.addi %and3A_736, %add3A_738 : vector<16xi32>
        %add3A_740 = arith.addi %shift_left3A_443, %add3A_739 : vector<16xi32>
        %gather3A_741 = tpu.vector_load_idx %arg7[%add3A_445, %add3A_740] : memref<128x128xf32, #tpu.memory_space<vmem>>[vector<16xi32>, vector<16xi32>], vector<16xf32>,
        tpu.vector_store_idx %arg11[%add3A_739, %add3A_445], %gather3A_741 : memref<32x128xf32, #tpu.memory_space<vmem>>[vector<16xi32>, vector<16xi32>], vector<16xf32>,
        %add3A_742 = arith.constant 11 : i32
        %add3A_743 = vector.broadcast %add3A_742 : i32 to vector<16xi32>
        %add3A_744 = arith.addi %add3A_743, %iota3A_351 : vector<16xi32>
        %and3A_745 = arith.constant 15 : i32
        %and3A_746 = vector.broadcast %and3A_745 : i32 to vector<16xi32>
        %and3A_747 = arith.andi %add3A_744, %and3A_746 : vector<16xi32>
        %add3A_748 = arith.constant 16 : i32
        %add3A_749 = vector.broadcast %add3A_748 : i32 to vector<16xi32>
        %add3A_750 = arith.addi %and3A_747, %add3A_749 : vector<16xi32>
        %add3A_751 = arith.addi %shift_left3A_443, %add3A_750 : vector<16xi32>
        %gather3A_752 = tpu.vector_load_idx %arg7[%add3A_445, %add3A_751] : memref<128x128xf32, #tpu.memory_space<vmem>>[vector<16xi32>, vector<16xi32>], vector<16xf32>,
        tpu.vector_store_idx %arg11[%add3A_750, %add3A_445], %gather3A_752 : memref<32x128xf32, #tpu.memory_space<vmem>>[vector<16xi32>, vector<16xi32>], vector<16xf32>,
        %add3A_753 = arith.constant 12 : i32
        %add3A_754 = vector.broadcast %add3A_753 : i32 to vector<16xi32>
        %add3A_755 = arith.addi %add3A_754, %iota3A_351 : vector<16xi32>
        %and3A_756 = arith.constant 15 : i32
        %and3A_757 = vector.broadcast %and3A_756 : i32 to vector<16xi32>
        %and3A_758 = arith.andi %add3A_755, %and3A_757 : vector<16xi32>
        %add3A_759 = arith.constant 16 : i32
        %add3A_760 = vector.broadcast %add3A_759 : i32 to vector<16xi32>
        %add3A_761 = arith.addi %and3A_758, %add3A_760 : vector<16xi32>
        %add3A_762 = arith.addi %shift_left3A_443, %add3A_761 : vector<16xi32>
        %gather3A_763 = tpu.vector_load_idx %arg7[%add3A_445, %add3A_762] : memref<128x128xf32, #tpu.memory_space<vmem>>[vector<16xi32>, vector<16xi32>], vector<16xf32>,
        tpu.vector_store_idx %arg11[%add3A_761, %add3A_445], %gather3A_763 : memref<32x128xf32, #tpu.memory_space<vmem>>[vector<16xi32>, vector<16xi32>], vector<16xf32>,
        %add3A_764 = arith.constant 13 : i32
        %add3A_765 = vector.broadcast %add3A_764 : i32 to vector<16xi32>
        %add3A_766 = arith.addi %add3A_765, %iota3A_351 : vector<16xi32>
        %and3A_767 = arith.constant 15 : i32
        %and3A_768 = vector.broadcast %and3A_767 : i32 to vector<16xi32>
        %and3A_769 = arith.andi %add3A_766, %and3A_768 : vector<16xi32>
        %add3A_770 = arith.constant 16 : i32
        %add3A_771 = vector.broadcast %add3A_770 : i32 to vector<16xi32>
        %add3A_772 = arith.addi %and3A_769, %add3A_771 : vector<16xi32>
        %add3A_773 = arith.addi %shift_left3A_443, %add3A_772 : vector<16xi32>
        %gather3A_774 = tpu.vector_load_idx %arg7[%add3A_445, %add3A_773] : memref<128x128xf32, #tpu.memory_space<vmem>>[vector<16xi32>, vector<16xi32>], vector<16xf32>,
        tpu.vector_store_idx %arg11[%add3A_772, %add3A_445], %gather3A_774 : memref<32x128xf32, #tpu.memory_space<vmem>>[vector<16xi32>, vector<16xi32>], vector<16xf32>,
        %add3A_775 = arith.constant 14 : i32
        %add3A_776 = vector.broadcast %add3A_775 : i32 to vector<16xi32>
        %add3A_777 = arith.addi %add3A_776, %iota3A_351 : vector<16xi32>
        %and3A_778 = arith.constant 15 : i32
        %and3A_779 = vector.broadcast %and3A_778 : i32 to vector<16xi32>
        %and3A_780 = arith.andi %add3A_777, %and3A_779 : vector<16xi32>
        %add3A_781 = arith.constant 16 : i32
        %add3A_782 = vector.broadcast %add3A_781 : i32 to vector<16xi32>
        %add3A_783 = arith.addi %and3A_780, %add3A_782 : vector<16xi32>
        %add3A_784 = arith.addi %shift_left3A_443, %add3A_783 : vector<16xi32>
        %gather3A_785 = tpu.vector_load_idx %arg7[%add3A_445, %add3A_784] : memref<128x128xf32, #tpu.memory_space<vmem>>[vector<16xi32>, vector<16xi32>], vector<16xf32>,
        tpu.vector_store_idx %arg11[%add3A_783, %add3A_445], %gather3A_785 : memref<32x128xf32, #tpu.memory_space<vmem>>[vector<16xi32>, vector<16xi32>], vector<16xf32>,
        %add3A_786 = arith.constant 15 : i32
        %add3A_787 = vector.broadcast %add3A_786 : i32 to vector<16xi32>
        %add3A_788 = arith.addi %add3A_787, %iota3A_351 : vector<16xi32>
        %and3A_789 = arith.constant 15 : i32
        %and3A_790 = vector.broadcast %and3A_789 : i32 to vector<16xi32>
        %and3A_791 = arith.andi %add3A_788, %and3A_790 : vector<16xi32>
        %add3A_792 = arith.constant 16 : i32
        %add3A_793 = vector.broadcast %add3A_792 : i32 to vector<16xi32>
        %add3A_794 = arith.addi %and3A_791, %add3A_793 : vector<16xi32>
        %add3A_795 = arith.addi %shift_left3A_443, %add3A_794 : vector<16xi32>
        %gather3A_796 = tpu.vector_load_idx %arg7[%add3A_445, %add3A_795] : memref<128x128xf32, #tpu.memory_space<vmem>>[vector<16xi32>, vector<16xi32>], vector<16xf32>,
        tpu.vector_store_idx %arg11[%add3A_794, %add3A_445], %gather3A_796 : memref<32x128xf32, #tpu.memory_space<vmem>>[vector<16xi32>, vector<16xi32>], vector<16xf32>,
      }
      %scan3A_356 = arith.constant 8 : i32
      %add3A_357 = arith.constant 128 : i32
      %add3A_358 = arith.addi %mul3A_2, %add3A_357 : i32
      %dma_start3A_359 = arith.constant 0 : i32
      %dma_start3A_360 = tpu.memref_slice %arg4[%scan3A_320, %dma_start3A_359, %add3A_358] : memref<50x32x16384xf32, #tpu.memory_space<hbm>> -> memref<1x32x128xf32, #tpu.memory_space<hbm>>
      %dma_start3A_361 = tpu.memref_squeeze %dma_start3A_360 : memref<1x32x128xf32, #tpu.memory_space<hbm>> -> memref<32x128xf32, #tpu.memory_space<hbm>>
      %dma_start3A_362 = arith.constant 0 : i32
      %dma_start3A_363 = tpu.memref_slice %arg4[%scan3A_320, %dma_start3A_362, %add3A_358] : memref<50x32x16384xf32, #tpu.memory_space<hbm>> -> memref<1x32x128xf32, #tpu.memory_space<hbm>>
      %dma_start3A_364 = tpu.memref_squeeze %dma_start3A_363 : memref<1x32x128xf32, #tpu.memory_space<hbm>> -> memref<32x128xf32, #tpu.memory_space<hbm>>
      tpu.enqueue_dma source(%arg11 : memref<32x128xf32, #tpu.memory_space<vmem>>) target(%dma_start3A_364 : memref<32x128xf32, #tpu.memory_space<hbm>>) target_semaphore(%arg21 : memref<!tpu.dma_semaphore, #tpu.memory_space<semaphore_mem>>)
      %lt3A_365 = arith.constant 49 : i32
      %lt3A_366 = arith.cmpi slt, %scan3A_320, %lt3A_365 : i32
      %convert_element_type3A_367 = arith.extui %lt3A_366 : i1 to i32
      %cond3A_368 = arith.constant 0 : i32
      %cond3A_369 = arith.cmpi ne, %convert_element_type3A_367, %cond3A_368 : i32
      scf.if %cond3A_369 {
        %add3A_432 = arith.constant 1 : i32
        %add3A_433 = arith.addi %scan3A_320, %add3A_432 : i32
        %get3A_434 = arith.index_cast %add3A_433 : i32 to index
        %get3A_435 = arith.constant 128 : index
        %get3A_436 = tpu.vector_load %arg5[%get3A_434, %get3A_435] {strides = array<i32>} : memref<50x512xi32, #tpu.memory_space<vmem>>, vector<16xi32>,
        %shift_right_arithmetic3A_437 = arith.constant 2 : i32
        %shift_right_arithmetic3A_438 = vector.broadcast %shift_right_arithmetic3A_437 : i32 to vector<16xi32>
        %shift_right_arithmetic3A_439 = arith.shrsi %get3A_436, %shift_right_arithmetic3A_438 : vector<16xi32>
        %swap3A_440 = arith.constant 0 : index
        %swap3A_441 = tpu.vector_load %arg13[%swap3A_440] {strides = array<i32>} : memref<128xi32, #tpu.memory_space<vmem>>, vector<16xi32>,
        tpu.vector_store %arg13[%swap3A_440], %shift_right_arithmetic3A_439 {strides = array<i32>} : memref<128xi32, #tpu.memory_space<vmem>>, vector<16xi32>,
        %get3A_442 = arith.index_cast %add3A_433 : i32 to index
        %get3A_443 = arith.constant 144 : index
        %get3A_444 = tpu.vector_load %arg5[%get3A_442, %get3A_443] {strides = array<i32>} : memref<50x512xi32, #tpu.memory_space<vmem>>, vector<16xi32>,
        %shift_right_arithmetic3A_445 = arith.constant 2 : i32
        %shift_right_arithmetic3A_446 = vector.broadcast %shift_right_arithmetic3A_445 : i32 to vector<16xi32>
        %shift_right_arithmetic3A_447 = arith.shrsi %get3A_444, %shift_right_arithmetic3A_446 : vector<16xi32>
        %swap3A_448 = arith.constant 16 : index
        %swap3A_449 = tpu.vector_load %arg13[%swap3A_448] {strides = array<i32>} : memref<128xi32, #tpu.memory_space<vmem>>, vector<16xi32>,
        tpu.vector_store %arg13[%swap3A_448], %shift_right_arithmetic3A_447 {strides = array<i32>} : memref<128xi32, #tpu.memory_space<vmem>>, vector<16xi32>,
        %get3A_450 = arith.index_cast %add3A_433 : i32 to index
        %get3A_451 = arith.constant 160 : index
        %get3A_452 = tpu.vector_load %arg5[%get3A_450, %get3A_451] {strides = array<i32>} : memref<50x512xi32, #tpu.memory_space<vmem>>, vector<16xi32>,
        %shift_right_arithmetic3A_453 = arith.constant 2 : i32
        %shift_right_arithmetic3A_454 = vector.broadcast %shift_right_arithmetic3A_453 : i32 to vector<16xi32>
        %shift_right_arithmetic3A_455 = arith.shrsi %get3A_452, %shift_right_arithmetic3A_454 : vector<16xi32>
        %swap3A_456 = arith.constant 32 : index
        %swap3A_457 = tpu.vector_load %arg13[%swap3A_456] {strides = array<i32>} : memref<128xi32, #tpu.memory_space<vmem>>, vector<16xi32>,
        tpu.vector_store %arg13[%swap3A_456], %shift_right_arithmetic3A_455 {strides = array<i32>} : memref<128xi32, #tpu.memory_space<vmem>>, vector<16xi32>,
        %get3A_458 = arith.index_cast %add3A_433 : i32 to index
        %get3A_459 = arith.constant 176 : index
        %get3A_460 = tpu.vector_load %arg5[%get3A_458, %get3A_459] {strides = array<i32>} : memref<50x512xi32, #tpu.memory_space<vmem>>, vector<16xi32>,
        %shift_right_arithmetic3A_461 = arith.constant 2 : i32
        %shift_right_arithmetic3A_462 = vector.broadcast %shift_right_arithmetic3A_461 : i32 to vector<16xi32>
        %shift_right_arithmetic3A_463 = arith.shrsi %get3A_460, %shift_right_arithmetic3A_462 : vector<16xi32>
        %swap3A_464 = arith.constant 48 : index
        %swap3A_465 = tpu.vector_load %arg13[%swap3A_464] {strides = array<i32>} : memref<128xi32, #tpu.memory_space<vmem>>, vector<16xi32>,
        tpu.vector_store %arg13[%swap3A_464], %shift_right_arithmetic3A_463 {strides = array<i32>} : memref<128xi32, #tpu.memory_space<vmem>>, vector<16xi32>,
        %get3A_466 = arith.index_cast %add3A_433 : i32 to index
        %get3A_467 = arith.constant 192 : index
        %get3A_468 = tpu.vector_load %arg5[%get3A_466, %get3A_467] {strides = array<i32>} : memref<50x512xi32, #tpu.memory_space<vmem>>, vector<16xi32>,
        %shift_right_arithmetic3A_469 = arith.constant 2 : i32
        %shift_right_arithmetic3A_470 = vector.broadcast %shift_right_arithmetic3A_469 : i32 to vector<16xi32>
        %shift_right_arithmetic3A_471 = arith.shrsi %get3A_468, %shift_right_arithmetic3A_470 : vector<16xi32>
        %swap3A_472 = arith.constant 64 : index
        %swap3A_473 = tpu.vector_load %arg13[%swap3A_472] {strides = array<i32>} : memref<128xi32, #tpu.memory_space<vmem>>, vector<16xi32>,
        tpu.vector_store %arg13[%swap3A_472], %shift_right_arithmetic3A_471 {strides = array<i32>} : memref<128xi32, #tpu.memory_space<vmem>>, vector<16xi32>,
        %get3A_474 = arith.index_cast %add3A_433 : i32 to index
        %get3A_475 = arith.constant 208 : index
        %get3A_476 = tpu.vector_load %arg5[%get3A_474, %get3A_475] {strides = array<i32>} : memref<50x512xi32, #tpu.memory_space<vmem>>, vector<16xi32>,
        %shift_right_arithmetic3A_477 = arith.constant 2 : i32
        %shift_right_arithmetic3A_478 = vector.broadcast %shift_right_arithmetic3A_477 : i32 to vector<16xi32>
        %shift_right_arithmetic3A_479 = arith.shrsi %get3A_476, %shift_right_arithmetic3A_478 : vector<16xi32>
        %swap3A_480 = arith.constant 80 : index
        %swap3A_481 = tpu.vector_load %arg13[%swap3A_480] {strides = array<i32>} : memref<128xi32, #tpu.memory_space<vmem>>, vector<16xi32>,
        tpu.vector_store %arg13[%swap3A_480], %shift_right_arithmetic3A_479 {strides = array<i32>} : memref<128xi32, #tpu.memory_space<vmem>>, vector<16xi32>,
        %get3A_482 = arith.index_cast %add3A_433 : i32 to index
        %get3A_483 = arith.constant 224 : index
        %get3A_484 = tpu.vector_load %arg5[%get3A_482, %get3A_483] {strides = array<i32>} : memref<50x512xi32, #tpu.memory_space<vmem>>, vector<16xi32>,
        %shift_right_arithmetic3A_485 = arith.constant 2 : i32
        %shift_right_arithmetic3A_486 = vector.broadcast %shift_right_arithmetic3A_485 : i32 to vector<16xi32>
        %shift_right_arithmetic3A_487 = arith.shrsi %get3A_484, %shift_right_arithmetic3A_486 : vector<16xi32>
        %swap3A_488 = arith.constant 96 : index
        %swap3A_489 = tpu.vector_load %arg13[%swap3A_488] {strides = array<i32>} : memref<128xi32, #tpu.memory_space<vmem>>, vector<16xi32>,
        tpu.vector_store %arg13[%swap3A_488], %shift_right_arithmetic3A_487 {strides = array<i32>} : memref<128xi32, #tpu.memory_space<vmem>>, vector<16xi32>,
        %get3A_490 = arith.index_cast %add3A_433 : i32 to index
        %get3A_491 = arith.constant 240 : index
        %get3A_492 = tpu.vector_load %arg5[%get3A_490, %get3A_491] {strides = array<i32>} : memref<50x512xi32, #tpu.memory_space<vmem>>, vector<16xi32>,
        %shift_right_arithmetic3A_493 = arith.constant 2 : i32
        %shift_right_arithmetic3A_494 = vector.broadcast %shift_right_arithmetic3A_493 : i32 to vector<16xi32>
        %shift_right_arithmetic3A_495 = arith.shrsi %get3A_492, %shift_right_arithmetic3A_494 : vector<16xi32>
        %swap3A_496 = arith.constant 112 : index
        %swap3A_497 = tpu.vector_load %arg13[%swap3A_496] {strides = array<i32>} : memref<128xi32, #tpu.memory_space<vmem>>, vector<16xi32>,
        tpu.vector_store %arg13[%swap3A_496], %shift_right_arithmetic3A_495 {strides = array<i32>} : memref<128xi32, #tpu.memory_space<vmem>>, vector<16xi32>,
        %dma_start3A_498 = arith.constant 0 : i32
        %dma_start3A_499 = arith.constant 0 : i32
        %dma_start3A_500 = tpu.memref_slice %arg3[%dma_start3A_498, %dma_start3A_499] : memref<250000x128xf32, #tpu.memory_space<hbm>> -> memref<250000x128xf32, #tpu.memory_space<hbm>>
        tpu.enqueue_indirect_dma source(%dma_start3A_500 : memref<250000x128xf32, #tpu.memory_space<hbm>>) target(%arg7 : memref<128x128xf32, #tpu.memory_space<vmem>>) offsets(%arg13 : memref<128xi32, #tpu.memory_space<vmem>>) semaphore(%arg17 : memref<!tpu.dma_semaphore, #tpu.memory_space<semaphore_mem>>)
      } else {
      }
      %dma_wait3A_370 = arith.constant 0 : i32
      %dma_wait3A_371 = arith.constant 0 : i32
      %dma_wait3A_372 = tpu.memref_slice %arg3[%dma_wait3A_370, %dma_wait3A_371] : memref<250000x128xf32, #tpu.memory_space<hbm>> -> memref<250000x128xf32, #tpu.memory_space<hbm>>
      tpu.wait_indirect_dma semaphore(%arg18 : memref<!tpu.dma_semaphore, #tpu.memory_space<semaphore_mem>>) src(%dma_wait3A_372 : memref<250000x128xf32, #tpu.memory_space<hbm>>) dst(%arg8 : memref<128x128xf32, #tpu.memory_space<vmem>>)
      %dma_wait3A_373 = arith.constant 0 : i32
      %dma_wait3A_374 = arith.constant 0 : i32
      %dma_wait3A_375 = arith.constant 0 : i32
      %dma_wait3A_376 = tpu.memref_slice %arg4[%dma_wait3A_373, %dma_wait3A_374, %dma_wait3A_375] : memref<50x32x16384xf32, #tpu.memory_space<hbm>> -> memref<1x32x128xf32, #tpu.memory_space<hbm>>
      %dma_wait3A_377 = tpu.memref_squeeze %dma_wait3A_376 : memref<1x32x128xf32, #tpu.memory_space<hbm>> -> memref<32x128xf32, #tpu.memory_space<hbm>>
      %dma_wait3A_378 = arith.constant 0 : i32
      %dma_wait3A_379 = arith.constant 0 : i32
      %dma_wait3A_380 = tpu.memref_slice %arg4[%dma_wait3A_373, %dma_wait3A_378, %dma_wait3A_379] : memref<50x32x16384xf32, #tpu.memory_space<hbm>> -> memref<1x32x128xf32, #tpu.memory_space<hbm>>
      %dma_wait3A_381 = tpu.memref_squeeze %dma_wait3A_380 : memref<1x32x128xf32, #tpu.memory_space<hbm>> -> memref<32x128xf32, #tpu.memory_space<hbm>>
      tpu.wait_dma2 semaphore(%arg20 : memref<!tpu.dma_semaphore, #tpu.memory_space<semaphore_mem>>) src(%arg10 : memref<32x128xf32, #tpu.memory_space<vmem>>) dst(%dma_wait3A_381 : memref<32x128xf32, #tpu.memory_space<hbm>>)
      %iota3A_382 = tpu.iota {dimensions = array<i32: 0>} : vector<16xi32>
      %scan3A_383 = arith.constant 0 : i32
      %scan3A_384 = arith.constant 8 : i32
      %scan3A_385 = arith.addi %scan3A_383, %scan3A_384 : i32
      %scan3A_386 = arith.constant 1 : i32
      scf.for %scan3A_432 = %scan3A_383 to %scan3A_385 step %scan3A_386  : i32 {
        %mul3A_433 = arith.constant 16 : i32
        %mul3A_434 = arith.muli %scan3A_432, %mul3A_433 : i32
        %add3A_435 = arith.constant 256 : i32
        %add3A_436 = arith.addi %add3A_435, %mul3A_434 : i32
        %get3A_437 = arith.index_cast %scan3A_320 : i32 to index
        %get3A_438 = arith.index_cast %add3A_436 : i32 to index
        %get3A_439 = tpu.vector_load %arg5[%get3A_437, %get3A_438] {strides = array<i32>} : memref<50x512xi32, #tpu.memory_space<vmem>>, vector<16xi32>,
        %and3A = arith.constant 3 : i32
        %and3A_440 = vector.broadcast %and3A : i32 to vector<16xi32>
        %and3A_441 = arith.andi %get3A_439, %and3A_440 : vector<16xi32>
        %shift_left3A = arith.constant 5 : i32
        %shift_left3A_442 = vector.broadcast %shift_left3A : i32 to vector<16xi32>
        %shift_left3A_443 = arith.shli %and3A_441, %shift_left3A_442 : vector<16xi32>
        %add3A_444 = vector.broadcast %mul3A_434 : i32 to vector<16xi32>
        %add3A_445 = arith.addi %add3A_444, %iota3A_382 : vector<16xi32>
        %add3A_446 = arith.constant 0 : i32
        %add3A_447 = vector.broadcast %add3A_446 : i32 to vector<16xi32>
        %add3A_448 = arith.addi %add3A_447, %iota3A_382 : vector<16xi32>
        %and3A_449 = arith.constant 15 : i32
        %and3A_450 = vector.broadcast %and3A_449 : i32 to vector<16xi32>
        %and3A_451 = arith.andi %add3A_448, %and3A_450 : vector<16xi32>
        %add3A_452 = arith.constant 0 : i32
        %add3A_453 = vector.broadcast %add3A_452 : i32 to vector<16xi32>
        %add3A_454 = arith.addi %and3A_451, %add3A_453 : vector<16xi32>
        %add3A_455 = arith.addi %shift_left3A_443, %add3A_454 : vector<16xi32>
        %gather3A = tpu.vector_load_idx %arg8[%add3A_445, %add3A_455] : memref<128x128xf32, #tpu.memory_space<vmem>>[vector<16xi32>, vector<16xi32>], vector<16xf32>,
        tpu.vector_store_idx %arg10[%add3A_454, %add3A_445], %gather3A : memref<32x128xf32, #tpu.memory_space<vmem>>[vector<16xi32>, vector<16xi32>], vector<16xf32>,
        %add3A_456 = arith.constant 1 : i32
        %add3A_457 = vector.broadcast %add3A_456 : i32 to vector<16xi32>
        %add3A_458 = arith.addi %add3A_457, %iota3A_382 : vector<16xi32>
        %and3A_459 = arith.constant 15 : i32
        %and3A_460 = vector.broadcast %and3A_459 : i32 to vector<16xi32>
        %and3A_461 = arith.andi %add3A_458, %and3A_460 : vector<16xi32>
        %add3A_462 = arith.constant 0 : i32
        %add3A_463 = vector.broadcast %add3A_462 : i32 to vector<16xi32>
        %add3A_464 = arith.addi %and3A_461, %add3A_463 : vector<16xi32>
        %add3A_465 = arith.addi %shift_left3A_443, %add3A_464 : vector<16xi32>
        %gather3A_466 = tpu.vector_load_idx %arg8[%add3A_445, %add3A_465] : memref<128x128xf32, #tpu.memory_space<vmem>>[vector<16xi32>, vector<16xi32>], vector<16xf32>,
        tpu.vector_store_idx %arg10[%add3A_464, %add3A_445], %gather3A_466 : memref<32x128xf32, #tpu.memory_space<vmem>>[vector<16xi32>, vector<16xi32>], vector<16xf32>,
        %add3A_467 = arith.constant 2 : i32
        %add3A_468 = vector.broadcast %add3A_467 : i32 to vector<16xi32>
        %add3A_469 = arith.addi %add3A_468, %iota3A_382 : vector<16xi32>
        %and3A_470 = arith.constant 15 : i32
        %and3A_471 = vector.broadcast %and3A_470 : i32 to vector<16xi32>
        %and3A_472 = arith.andi %add3A_469, %and3A_471 : vector<16xi32>
        %add3A_473 = arith.constant 0 : i32
        %add3A_474 = vector.broadcast %add3A_473 : i32 to vector<16xi32>
        %add3A_475 = arith.addi %and3A_472, %add3A_474 : vector<16xi32>
        %add3A_476 = arith.addi %shift_left3A_443, %add3A_475 : vector<16xi32>
        %gather3A_477 = tpu.vector_load_idx %arg8[%add3A_445, %add3A_476] : memref<128x128xf32, #tpu.memory_space<vmem>>[vector<16xi32>, vector<16xi32>], vector<16xf32>,
        tpu.vector_store_idx %arg10[%add3A_475, %add3A_445], %gather3A_477 : memref<32x128xf32, #tpu.memory_space<vmem>>[vector<16xi32>, vector<16xi32>], vector<16xf32>,
        %add3A_478 = arith.constant 3 : i32
        %add3A_479 = vector.broadcast %add3A_478 : i32 to vector<16xi32>
        %add3A_480 = arith.addi %add3A_479, %iota3A_382 : vector<16xi32>
        %and3A_481 = arith.constant 15 : i32
        %and3A_482 = vector.broadcast %and3A_481 : i32 to vector<16xi32>
        %and3A_483 = arith.andi %add3A_480, %and3A_482 : vector<16xi32>
        %add3A_484 = arith.constant 0 : i32
        %add3A_485 = vector.broadcast %add3A_484 : i32 to vector<16xi32>
        %add3A_486 = arith.addi %and3A_483, %add3A_485 : vector<16xi32>
        %add3A_487 = arith.addi %shift_left3A_443, %add3A_486 : vector<16xi32>
        %gather3A_488 = tpu.vector_load_idx %arg8[%add3A_445, %add3A_487] : memref<128x128xf32, #tpu.memory_space<vmem>>[vector<16xi32>, vector<16xi32>], vector<16xf32>,
        tpu.vector_store_idx %arg10[%add3A_486, %add3A_445], %gather3A_488 : memref<32x128xf32, #tpu.memory_space<vmem>>[vector<16xi32>, vector<16xi32>], vector<16xf32>,
        %add3A_489 = arith.constant 4 : i32
        %add3A_490 = vector.broadcast %add3A_489 : i32 to vector<16xi32>
        %add3A_491 = arith.addi %add3A_490, %iota3A_382 : vector<16xi32>
        %and3A_492 = arith.constant 15 : i32
        %and3A_493 = vector.broadcast %and3A_492 : i32 to vector<16xi32>
        %and3A_494 = arith.andi %add3A_491, %and3A_493 : vector<16xi32>
        %add3A_495 = arith.constant 0 : i32
        %add3A_496 = vector.broadcast %add3A_495 : i32 to vector<16xi32>
        %add3A_497 = arith.addi %and3A_494, %add3A_496 : vector<16xi32>
        %add3A_498 = arith.addi %shift_left3A_443, %add3A_497 : vector<16xi32>
        %gather3A_499 = tpu.vector_load_idx %arg8[%add3A_445, %add3A_498] : memref<128x128xf32, #tpu.memory_space<vmem>>[vector<16xi32>, vector<16xi32>], vector<16xf32>,
        tpu.vector_store_idx %arg10[%add3A_497, %add3A_445], %gather3A_499 : memref<32x128xf32, #tpu.memory_space<vmem>>[vector<16xi32>, vector<16xi32>], vector<16xf32>,
        %add3A_500 = arith.constant 5 : i32
        %add3A_501 = vector.broadcast %add3A_500 : i32 to vector<16xi32>
        %add3A_502 = arith.addi %add3A_501, %iota3A_382 : vector<16xi32>
        %and3A_503 = arith.constant 15 : i32
        %and3A_504 = vector.broadcast %and3A_503 : i32 to vector<16xi32>
        %and3A_505 = arith.andi %add3A_502, %and3A_504 : vector<16xi32>
        %add3A_506 = arith.constant 0 : i32
        %add3A_507 = vector.broadcast %add3A_506 : i32 to vector<16xi32>
        %add3A_508 = arith.addi %and3A_505, %add3A_507 : vector<16xi32>
        %add3A_509 = arith.addi %shift_left3A_443, %add3A_508 : vector<16xi32>
        %gather3A_510 = tpu.vector_load_idx %arg8[%add3A_445, %add3A_509] : memref<128x128xf32, #tpu.memory_space<vmem>>[vector<16xi32>, vector<16xi32>], vector<16xf32>,
        tpu.vector_store_idx %arg10[%add3A_508, %add3A_445], %gather3A_510 : memref<32x128xf32, #tpu.memory_space<vmem>>[vector<16xi32>, vector<16xi32>], vector<16xf32>,
        %add3A_511 = arith.constant 6 : i32
        %add3A_512 = vector.broadcast %add3A_511 : i32 to vector<16xi32>
        %add3A_513 = arith.addi %add3A_512, %iota3A_382 : vector<16xi32>
        %and3A_514 = arith.constant 15 : i32
        %and3A_515 = vector.broadcast %and3A_514 : i32 to vector<16xi32>
        %and3A_516 = arith.andi %add3A_513, %and3A_515 : vector<16xi32>
        %add3A_517 = arith.constant 0 : i32
        %add3A_518 = vector.broadcast %add3A_517 : i32 to vector<16xi32>
        %add3A_519 = arith.addi %and3A_516, %add3A_518 : vector<16xi32>
        %add3A_520 = arith.addi %shift_left3A_443, %add3A_519 : vector<16xi32>
        %gather3A_521 = tpu.vector_load_idx %arg8[%add3A_445, %add3A_520] : memref<128x128xf32, #tpu.memory_space<vmem>>[vector<16xi32>, vector<16xi32>], vector<16xf32>,
        tpu.vector_store_idx %arg10[%add3A_519, %add3A_445], %gather3A_521 : memref<32x128xf32, #tpu.memory_space<vmem>>[vector<16xi32>, vector<16xi32>], vector<16xf32>,
        %add3A_522 = arith.constant 7 : i32
        %add3A_523 = vector.broadcast %add3A_522 : i32 to vector<16xi32>
        %add3A_524 = arith.addi %add3A_523, %iota3A_382 : vector<16xi32>
        %and3A_525 = arith.constant 15 : i32
        %and3A_526 = vector.broadcast %and3A_525 : i32 to vector<16xi32>
        %and3A_527 = arith.andi %add3A_524, %and3A_526 : vector<16xi32>
        %add3A_528 = arith.constant 0 : i32
        %add3A_529 = vector.broadcast %add3A_528 : i32 to vector<16xi32>
        %add3A_530 = arith.addi %and3A_527, %add3A_529 : vector<16xi32>
        %add3A_531 = arith.addi %shift_left3A_443, %add3A_530 : vector<16xi32>
        %gather3A_532 = tpu.vector_load_idx %arg8[%add3A_445, %add3A_531] : memref<128x128xf32, #tpu.memory_space<vmem>>[vector<16xi32>, vector<16xi32>], vector<16xf32>,
        tpu.vector_store_idx %arg10[%add3A_530, %add3A_445], %gather3A_532 : memref<32x128xf32, #tpu.memory_space<vmem>>[vector<16xi32>, vector<16xi32>], vector<16xf32>,
        %add3A_533 = arith.constant 8 : i32
        %add3A_534 = vector.broadcast %add3A_533 : i32 to vector<16xi32>
        %add3A_535 = arith.addi %add3A_534, %iota3A_382 : vector<16xi32>
        %and3A_536 = arith.constant 15 : i32
        %and3A_537 = vector.broadcast %and3A_536 : i32 to vector<16xi32>
        %and3A_538 = arith.andi %add3A_535, %and3A_537 : vector<16xi32>
        %add3A_539 = arith.constant 0 : i32
        %add3A_540 = vector.broadcast %add3A_539 : i32 to vector<16xi32>
        %add3A_541 = arith.addi %and3A_538, %add3A_540 : vector<16xi32>
        %add3A_542 = arith.addi %shift_left3A_443, %add3A_541 : vector<16xi32>
        %gather3A_543 = tpu.vector_load_idx %arg8[%add3A_445, %add3A_542] : memref<128x128xf32, #tpu.memory_space<vmem>>[vector<16xi32>, vector<16xi32>], vector<16xf32>,
        tpu.vector_store_idx %arg10[%add3A_541, %add3A_445], %gather3A_543 : memref<32x128xf32, #tpu.memory_space<vmem>>[vector<16xi32>, vector<16xi32>], vector<16xf32>,
        %add3A_544 = arith.constant 9 : i32
        %add3A_545 = vector.broadcast %add3A_544 : i32 to vector<16xi32>
        %add3A_546 = arith.addi %add3A_545, %iota3A_382 : vector<16xi32>
        %and3A_547 = arith.constant 15 : i32
        %and3A_548 = vector.broadcast %and3A_547 : i32 to vector<16xi32>
        %and3A_549 = arith.andi %add3A_546, %and3A_548 : vector<16xi32>
        %add3A_550 = arith.constant 0 : i32
        %add3A_551 = vector.broadcast %add3A_550 : i32 to vector<16xi32>
        %add3A_552 = arith.addi %and3A_549, %add3A_551 : vector<16xi32>
        %add3A_553 = arith.addi %shift_left3A_443, %add3A_552 : vector<16xi32>
        %gather3A_554 = tpu.vector_load_idx %arg8[%add3A_445, %add3A_553] : memref<128x128xf32, #tpu.memory_space<vmem>>[vector<16xi32>, vector<16xi32>], vector<16xf32>,
        tpu.vector_store_idx %arg10[%add3A_552, %add3A_445], %gather3A_554 : memref<32x128xf32, #tpu.memory_space<vmem>>[vector<16xi32>, vector<16xi32>], vector<16xf32>,
        %add3A_555 = arith.constant 10 : i32
        %add3A_556 = vector.broadcast %add3A_555 : i32 to vector<16xi32>
        %add3A_557 = arith.addi %add3A_556, %iota3A_382 : vector<16xi32>
        %and3A_558 = arith.constant 15 : i32
        %and3A_559 = vector.broadcast %and3A_558 : i32 to vector<16xi32>
        %and3A_560 = arith.andi %add3A_557, %and3A_559 : vector<16xi32>
        %add3A_561 = arith.constant 0 : i32
        %add3A_562 = vector.broadcast %add3A_561 : i32 to vector<16xi32>
        %add3A_563 = arith.addi %and3A_560, %add3A_562 : vector<16xi32>
        %add3A_564 = arith.addi %shift_left3A_443, %add3A_563 : vector<16xi32>
        %gather3A_565 = tpu.vector_load_idx %arg8[%add3A_445, %add3A_564] : memref<128x128xf32, #tpu.memory_space<vmem>>[vector<16xi32>, vector<16xi32>], vector<16xf32>,
        tpu.vector_store_idx %arg10[%add3A_563, %add3A_445], %gather3A_565 : memref<32x128xf32, #tpu.memory_space<vmem>>[vector<16xi32>, vector<16xi32>], vector<16xf32>,
        %add3A_566 = arith.constant 11 : i32
        %add3A_567 = vector.broadcast %add3A_566 : i32 to vector<16xi32>
        %add3A_568 = arith.addi %add3A_567, %iota3A_382 : vector<16xi32>
        %and3A_569 = arith.constant 15 : i32
        %and3A_570 = vector.broadcast %and3A_569 : i32 to vector<16xi32>
        %and3A_571 = arith.andi %add3A_568, %and3A_570 : vector<16xi32>
        %add3A_572 = arith.constant 0 : i32
        %add3A_573 = vector.broadcast %add3A_572 : i32 to vector<16xi32>
        %add3A_574 = arith.addi %and3A_571, %add3A_573 : vector<16xi32>
        %add3A_575 = arith.addi %shift_left3A_443, %add3A_574 : vector<16xi32>
        %gather3A_576 = tpu.vector_load_idx %arg8[%add3A_445, %add3A_575] : memref<128x128xf32, #tpu.memory_space<vmem>>[vector<16xi32>, vector<16xi32>], vector<16xf32>,
        tpu.vector_store_idx %arg10[%add3A_574, %add3A_445], %gather3A_576 : memref<32x128xf32, #tpu.memory_space<vmem>>[vector<16xi32>, vector<16xi32>], vector<16xf32>,
        %add3A_577 = arith.constant 12 : i32
        %add3A_578 = vector.broadcast %add3A_577 : i32 to vector<16xi32>
        %add3A_579 = arith.addi %add3A_578, %iota3A_382 : vector<16xi32>
        %and3A_580 = arith.constant 15 : i32
        %and3A_581 = vector.broadcast %and3A_580 : i32 to vector<16xi32>
        %and3A_582 = arith.andi %add3A_579, %and3A_581 : vector<16xi32>
        %add3A_583 = arith.constant 0 : i32
        %add3A_584 = vector.broadcast %add3A_583 : i32 to vector<16xi32>
        %add3A_585 = arith.addi %and3A_582, %add3A_584 : vector<16xi32>
        %add3A_586 = arith.addi %shift_left3A_443, %add3A_585 : vector<16xi32>
        %gather3A_587 = tpu.vector_load_idx %arg8[%add3A_445, %add3A_586] : memref<128x128xf32, #tpu.memory_space<vmem>>[vector<16xi32>, vector<16xi32>], vector<16xf32>,
        tpu.vector_store_idx %arg10[%add3A_585, %add3A_445], %gather3A_587 : memref<32x128xf32, #tpu.memory_space<vmem>>[vector<16xi32>, vector<16xi32>], vector<16xf32>,
        %add3A_588 = arith.constant 13 : i32
        %add3A_589 = vector.broadcast %add3A_588 : i32 to vector<16xi32>
        %add3A_590 = arith.addi %add3A_589, %iota3A_382 : vector<16xi32>
        %and3A_591 = arith.constant 15 : i32
        %and3A_592 = vector.broadcast %and3A_591 : i32 to vector<16xi32>
        %and3A_593 = arith.andi %add3A_590, %and3A_592 : vector<16xi32>
        %add3A_594 = arith.constant 0 : i32
        %add3A_595 = vector.broadcast %add3A_594 : i32 to vector<16xi32>
        %add3A_596 = arith.addi %and3A_593, %add3A_595 : vector<16xi32>
        %add3A_597 = arith.addi %shift_left3A_443, %add3A_596 : vector<16xi32>
        %gather3A_598 = tpu.vector_load_idx %arg8[%add3A_445, %add3A_597] : memref<128x128xf32, #tpu.memory_space<vmem>>[vector<16xi32>, vector<16xi32>], vector<16xf32>,
        tpu.vector_store_idx %arg10[%add3A_596, %add3A_445], %gather3A_598 : memref<32x128xf32, #tpu.memory_space<vmem>>[vector<16xi32>, vector<16xi32>], vector<16xf32>,
        %add3A_599 = arith.constant 14 : i32
        %add3A_600 = vector.broadcast %add3A_599 : i32 to vector<16xi32>
        %add3A_601 = arith.addi %add3A_600, %iota3A_382 : vector<16xi32>
        %and3A_602 = arith.constant 15 : i32
        %and3A_603 = vector.broadcast %and3A_602 : i32 to vector<16xi32>
        %and3A_604 = arith.andi %add3A_601, %and3A_603 : vector<16xi32>
        %add3A_605 = arith.constant 0 : i32
        %add3A_606 = vector.broadcast %add3A_605 : i32 to vector<16xi32>
        %add3A_607 = arith.addi %and3A_604, %add3A_606 : vector<16xi32>
        %add3A_608 = arith.addi %shift_left3A_443, %add3A_607 : vector<16xi32>
        %gather3A_609 = tpu.vector_load_idx %arg8[%add3A_445, %add3A_608] : memref<128x128xf32, #tpu.memory_space<vmem>>[vector<16xi32>, vector<16xi32>], vector<16xf32>,
        tpu.vector_store_idx %arg10[%add3A_607, %add3A_445], %gather3A_609 : memref<32x128xf32, #tpu.memory_space<vmem>>[vector<16xi32>, vector<16xi32>], vector<16xf32>,
        %add3A_610 = arith.constant 15 : i32
        %add3A_611 = vector.broadcast %add3A_610 : i32 to vector<16xi32>
        %add3A_612 = arith.addi %add3A_611, %iota3A_382 : vector<16xi32>
        %and3A_613 = arith.constant 15 : i32
        %and3A_614 = vector.broadcast %and3A_613 : i32 to vector<16xi32>
        %and3A_615 = arith.andi %add3A_612, %and3A_614 : vector<16xi32>
        %add3A_616 = arith.constant 0 : i32
        %add3A_617 = vector.broadcast %add3A_616 : i32 to vector<16xi32>
        %add3A_618 = arith.addi %and3A_615, %add3A_617 : vector<16xi32>
        %add3A_619 = arith.addi %shift_left3A_443, %add3A_618 : vector<16xi32>
        %gather3A_620 = tpu.vector_load_idx %arg8[%add3A_445, %add3A_619] : memref<128x128xf32, #tpu.memory_space<vmem>>[vector<16xi32>, vector<16xi32>], vector<16xf32>,
        tpu.vector_store_idx %arg10[%add3A_618, %add3A_445], %gather3A_620 : memref<32x128xf32, #tpu.memory_space<vmem>>[vector<16xi32>, vector<16xi32>], vector<16xf32>,
        %add3A_621 = arith.constant 0 : i32
        %add3A_622 = vector.broadcast %add3A_621 : i32 to vector<16xi32>
        %add3A_623 = arith.addi %add3A_622, %iota3A_382 : vector<16xi32>
        %and3A_624 = arith.constant 15 : i32
        %and3A_625 = vector.broadcast %and3A_624 : i32 to vector<16xi32>
        %and3A_626 = arith.andi %add3A_623, %and3A_625 : vector<16xi32>
        %add3A_627 = arith.constant 16 : i32
        %add3A_628 = vector.broadcast %add3A_627 : i32 to vector<16xi32>
        %add3A_629 = arith.addi %and3A_626, %add3A_628 : vector<16xi32>
        %add3A_630 = arith.addi %shift_left3A_443, %add3A_629 : vector<16xi32>
        %gather3A_631 = tpu.vector_load_idx %arg8[%add3A_445, %add3A_630] : memref<128x128xf32, #tpu.memory_space<vmem>>[vector<16xi32>, vector<16xi32>], vector<16xf32>,
        tpu.vector_store_idx %arg10[%add3A_629, %add3A_445], %gather3A_631 : memref<32x128xf32, #tpu.memory_space<vmem>>[vector<16xi32>, vector<16xi32>], vector<16xf32>,
        %add3A_632 = arith.constant 1 : i32
        %add3A_633 = vector.broadcast %add3A_632 : i32 to vector<16xi32>
        %add3A_634 = arith.addi %add3A_633, %iota3A_382 : vector<16xi32>
        %and3A_635 = arith.constant 15 : i32
        %and3A_636 = vector.broadcast %and3A_635 : i32 to vector<16xi32>
        %and3A_637 = arith.andi %add3A_634, %and3A_636 : vector<16xi32>
        %add3A_638 = arith.constant 16 : i32
        %add3A_639 = vector.broadcast %add3A_638 : i32 to vector<16xi32>
        %add3A_640 = arith.addi %and3A_637, %add3A_639 : vector<16xi32>
        %add3A_641 = arith.addi %shift_left3A_443, %add3A_640 : vector<16xi32>
        %gather3A_642 = tpu.vector_load_idx %arg8[%add3A_445, %add3A_641] : memref<128x128xf32, #tpu.memory_space<vmem>>[vector<16xi32>, vector<16xi32>], vector<16xf32>,
        tpu.vector_store_idx %arg10[%add3A_640, %add3A_445], %gather3A_642 : memref<32x128xf32, #tpu.memory_space<vmem>>[vector<16xi32>, vector<16xi32>], vector<16xf32>,
        %add3A_643 = arith.constant 2 : i32
        %add3A_644 = vector.broadcast %add3A_643 : i32 to vector<16xi32>
        %add3A_645 = arith.addi %add3A_644, %iota3A_382 : vector<16xi32>
        %and3A_646 = arith.constant 15 : i32
        %and3A_647 = vector.broadcast %and3A_646 : i32 to vector<16xi32>
        %and3A_648 = arith.andi %add3A_645, %and3A_647 : vector<16xi32>
        %add3A_649 = arith.constant 16 : i32
        %add3A_650 = vector.broadcast %add3A_649 : i32 to vector<16xi32>
        %add3A_651 = arith.addi %and3A_648, %add3A_650 : vector<16xi32>
        %add3A_652 = arith.addi %shift_left3A_443, %add3A_651 : vector<16xi32>
        %gather3A_653 = tpu.vector_load_idx %arg8[%add3A_445, %add3A_652] : memref<128x128xf32, #tpu.memory_space<vmem>>[vector<16xi32>, vector<16xi32>], vector<16xf32>,
        tpu.vector_store_idx %arg10[%add3A_651, %add3A_445], %gather3A_653 : memref<32x128xf32, #tpu.memory_space<vmem>>[vector<16xi32>, vector<16xi32>], vector<16xf32>,
        %add3A_654 = arith.constant 3 : i32
        %add3A_655 = vector.broadcast %add3A_654 : i32 to vector<16xi32>
        %add3A_656 = arith.addi %add3A_655, %iota3A_382 : vector<16xi32>
        %and3A_657 = arith.constant 15 : i32
        %and3A_658 = vector.broadcast %and3A_657 : i32 to vector<16xi32>
        %and3A_659 = arith.andi %add3A_656, %and3A_658 : vector<16xi32>
        %add3A_660 = arith.constant 16 : i32
        %add3A_661 = vector.broadcast %add3A_660 : i32 to vector<16xi32>
        %add3A_662 = arith.addi %and3A_659, %add3A_661 : vector<16xi32>
        %add3A_663 = arith.addi %shift_left3A_443, %add3A_662 : vector<16xi32>
        %gather3A_664 = tpu.vector_load_idx %arg8[%add3A_445, %add3A_663] : memref<128x128xf32, #tpu.memory_space<vmem>>[vector<16xi32>, vector<16xi32>], vector<16xf32>,
        tpu.vector_store_idx %arg10[%add3A_662, %add3A_445], %gather3A_664 : memref<32x128xf32, #tpu.memory_space<vmem>>[vector<16xi32>, vector<16xi32>], vector<16xf32>,
        %add3A_665 = arith.constant 4 : i32
        %add3A_666 = vector.broadcast %add3A_665 : i32 to vector<16xi32>
        %add3A_667 = arith.addi %add3A_666, %iota3A_382 : vector<16xi32>
        %and3A_668 = arith.constant 15 : i32
        %and3A_669 = vector.broadcast %and3A_668 : i32 to vector<16xi32>
        %and3A_670 = arith.andi %add3A_667, %and3A_669 : vector<16xi32>
        %add3A_671 = arith.constant 16 : i32
        %add3A_672 = vector.broadcast %add3A_671 : i32 to vector<16xi32>
        %add3A_673 = arith.addi %and3A_670, %add3A_672 : vector<16xi32>
        %add3A_674 = arith.addi %shift_left3A_443, %add3A_673 : vector<16xi32>
        %gather3A_675 = tpu.vector_load_idx %arg8[%add3A_445, %add3A_674] : memref<128x128xf32, #tpu.memory_space<vmem>>[vector<16xi32>, vector<16xi32>], vector<16xf32>,
        tpu.vector_store_idx %arg10[%add3A_673, %add3A_445], %gather3A_675 : memref<32x128xf32, #tpu.memory_space<vmem>>[vector<16xi32>, vector<16xi32>], vector<16xf32>,
        %add3A_676 = arith.constant 5 : i32
        %add3A_677 = vector.broadcast %add3A_676 : i32 to vector<16xi32>
        %add3A_678 = arith.addi %add3A_677, %iota3A_382 : vector<16xi32>
        %and3A_679 = arith.constant 15 : i32
        %and3A_680 = vector.broadcast %and3A_679 : i32 to vector<16xi32>
        %and3A_681 = arith.andi %add3A_678, %and3A_680 : vector<16xi32>
        %add3A_682 = arith.constant 16 : i32
        %add3A_683 = vector.broadcast %add3A_682 : i32 to vector<16xi32>
        %add3A_684 = arith.addi %and3A_681, %add3A_683 : vector<16xi32>
        %add3A_685 = arith.addi %shift_left3A_443, %add3A_684 : vector<16xi32>
        %gather3A_686 = tpu.vector_load_idx %arg8[%add3A_445, %add3A_685] : memref<128x128xf32, #tpu.memory_space<vmem>>[vector<16xi32>, vector<16xi32>], vector<16xf32>,
        tpu.vector_store_idx %arg10[%add3A_684, %add3A_445], %gather3A_686 : memref<32x128xf32, #tpu.memory_space<vmem>>[vector<16xi32>, vector<16xi32>], vector<16xf32>,
        %add3A_687 = arith.constant 6 : i32
        %add3A_688 = vector.broadcast %add3A_687 : i32 to vector<16xi32>
        %add3A_689 = arith.addi %add3A_688, %iota3A_382 : vector<16xi32>
        %and3A_690 = arith.constant 15 : i32
        %and3A_691 = vector.broadcast %and3A_690 : i32 to vector<16xi32>
        %and3A_692 = arith.andi %add3A_689, %and3A_691 : vector<16xi32>
        %add3A_693 = arith.constant 16 : i32
        %add3A_694 = vector.broadcast %add3A_693 : i32 to vector<16xi32>
        %add3A_695 = arith.addi %and3A_692, %add3A_694 : vector<16xi32>
        %add3A_696 = arith.addi %shift_left3A_443, %add3A_695 : vector<16xi32>
        %gather3A_697 = tpu.vector_load_idx %arg8[%add3A_445, %add3A_696] : memref<128x128xf32, #tpu.memory_space<vmem>>[vector<16xi32>, vector<16xi32>], vector<16xf32>,
        tpu.vector_store_idx %arg10[%add3A_695, %add3A_445], %gather3A_697 : memref<32x128xf32, #tpu.memory_space<vmem>>[vector<16xi32>, vector<16xi32>], vector<16xf32>,
        %add3A_698 = arith.constant 7 : i32
        %add3A_699 = vector.broadcast %add3A_698 : i32 to vector<16xi32>
        %add3A_700 = arith.addi %add3A_699, %iota3A_382 : vector<16xi32>
        %and3A_701 = arith.constant 15 : i32
        %and3A_702 = vector.broadcast %and3A_701 : i32 to vector<16xi32>
        %and3A_703 = arith.andi %add3A_700, %and3A_702 : vector<16xi32>
        %add3A_704 = arith.constant 16 : i32
        %add3A_705 = vector.broadcast %add3A_704 : i32 to vector<16xi32>
        %add3A_706 = arith.addi %and3A_703, %add3A_705 : vector<16xi32>
        %add3A_707 = arith.addi %shift_left3A_443, %add3A_706 : vector<16xi32>
        %gather3A_708 = tpu.vector_load_idx %arg8[%add3A_445, %add3A_707] : memref<128x128xf32, #tpu.memory_space<vmem>>[vector<16xi32>, vector<16xi32>], vector<16xf32>,
        tpu.vector_store_idx %arg10[%add3A_706, %add3A_445], %gather3A_708 : memref<32x128xf32, #tpu.memory_space<vmem>>[vector<16xi32>, vector<16xi32>], vector<16xf32>,
        %add3A_709 = arith.constant 8 : i32
        %add3A_710 = vector.broadcast %add3A_709 : i32 to vector<16xi32>
        %add3A_711 = arith.addi %add3A_710, %iota3A_382 : vector<16xi32>
        %and3A_712 = arith.constant 15 : i32
        %and3A_713 = vector.broadcast %and3A_712 : i32 to vector<16xi32>
        %and3A_714 = arith.andi %add3A_711, %and3A_713 : vector<16xi32>
        %add3A_715 = arith.constant 16 : i32
        %add3A_716 = vector.broadcast %add3A_715 : i32 to vector<16xi32>
        %add3A_717 = arith.addi %and3A_714, %add3A_716 : vector<16xi32>
        %add3A_718 = arith.addi %shift_left3A_443, %add3A_717 : vector<16xi32>
        %gather3A_719 = tpu.vector_load_idx %arg8[%add3A_445, %add3A_718] : memref<128x128xf32, #tpu.memory_space<vmem>>[vector<16xi32>, vector<16xi32>], vector<16xf32>,
        tpu.vector_store_idx %arg10[%add3A_717, %add3A_445], %gather3A_719 : memref<32x128xf32, #tpu.memory_space<vmem>>[vector<16xi32>, vector<16xi32>], vector<16xf32>,
        %add3A_720 = arith.constant 9 : i32
        %add3A_721 = vector.broadcast %add3A_720 : i32 to vector<16xi32>
        %add3A_722 = arith.addi %add3A_721, %iota3A_382 : vector<16xi32>
        %and3A_723 = arith.constant 15 : i32
        %and3A_724 = vector.broadcast %and3A_723 : i32 to vector<16xi32>
        %and3A_725 = arith.andi %add3A_722, %and3A_724 : vector<16xi32>
        %add3A_726 = arith.constant 16 : i32
        %add3A_727 = vector.broadcast %add3A_726 : i32 to vector<16xi32>
        %add3A_728 = arith.addi %and3A_725, %add3A_727 : vector<16xi32>
        %add3A_729 = arith.addi %shift_left3A_443, %add3A_728 : vector<16xi32>
        %gather3A_730 = tpu.vector_load_idx %arg8[%add3A_445, %add3A_729] : memref<128x128xf32, #tpu.memory_space<vmem>>[vector<16xi32>, vector<16xi32>], vector<16xf32>,
        tpu.vector_store_idx %arg10[%add3A_728, %add3A_445], %gather3A_730 : memref<32x128xf32, #tpu.memory_space<vmem>>[vector<16xi32>, vector<16xi32>], vector<16xf32>,
        %add3A_731 = arith.constant 10 : i32
        %add3A_732 = vector.broadcast %add3A_731 : i32 to vector<16xi32>
        %add3A_733 = arith.addi %add3A_732, %iota3A_382 : vector<16xi32>
        %and3A_734 = arith.constant 15 : i32
        %and3A_735 = vector.broadcast %and3A_734 : i32 to vector<16xi32>
        %and3A_736 = arith.andi %add3A_733, %and3A_735 : vector<16xi32>
        %add3A_737 = arith.constant 16 : i32
        %add3A_738 = vector.broadcast %add3A_737 : i32 to vector<16xi32>
        %add3A_739 = arith.addi %and3A_736, %add3A_738 : vector<16xi32>
        %add3A_740 = arith.addi %shift_left3A_443, %add3A_739 : vector<16xi32>
        %gather3A_741 = tpu.vector_load_idx %arg8[%add3A_445, %add3A_740] : memref<128x128xf32, #tpu.memory_space<vmem>>[vector<16xi32>, vector<16xi32>], vector<16xf32>,
        tpu.vector_store_idx %arg10[%add3A_739, %add3A_445], %gather3A_741 : memref<32x128xf32, #tpu.memory_space<vmem>>[vector<16xi32>, vector<16xi32>], vector<16xf32>,
        %add3A_742 = arith.constant 11 : i32
        %add3A_743 = vector.broadcast %add3A_742 : i32 to vector<16xi32>
        %add3A_744 = arith.addi %add3A_743, %iota3A_382 : vector<16xi32>
        %and3A_745 = arith.constant 15 : i32
        %and3A_746 = vector.broadcast %and3A_745 : i32 to vector<16xi32>
        %and3A_747 = arith.andi %add3A_744, %and3A_746 : vector<16xi32>
        %add3A_748 = arith.constant 16 : i32
        %add3A_749 = vector.broadcast %add3A_748 : i32 to vector<16xi32>
        %add3A_750 = arith.addi %and3A_747, %add3A_749 : vector<16xi32>
        %add3A_751 = arith.addi %shift_left3A_443, %add3A_750 : vector<16xi32>
        %gather3A_752 = tpu.vector_load_idx %arg8[%add3A_445, %add3A_751] : memref<128x128xf32, #tpu.memory_space<vmem>>[vector<16xi32>, vector<16xi32>], vector<16xf32>,
        tpu.vector_store_idx %arg10[%add3A_750, %add3A_445], %gather3A_752 : memref<32x128xf32, #tpu.memory_space<vmem>>[vector<16xi32>, vector<16xi32>], vector<16xf32>,
        %add3A_753 = arith.constant 12 : i32
        %add3A_754 = vector.broadcast %add3A_753 : i32 to vector<16xi32>
        %add3A_755 = arith.addi %add3A_754, %iota3A_382 : vector<16xi32>
        %and3A_756 = arith.constant 15 : i32
        %and3A_757 = vector.broadcast %and3A_756 : i32 to vector<16xi32>
        %and3A_758 = arith.andi %add3A_755, %and3A_757 : vector<16xi32>
        %add3A_759 = arith.constant 16 : i32
        %add3A_760 = vector.broadcast %add3A_759 : i32 to vector<16xi32>
        %add3A_761 = arith.addi %and3A_758, %add3A_760 : vector<16xi32>
        %add3A_762 = arith.addi %shift_left3A_443, %add3A_761 : vector<16xi32>
        %gather3A_763 = tpu.vector_load_idx %arg8[%add3A_445, %add3A_762] : memref<128x128xf32, #tpu.memory_space<vmem>>[vector<16xi32>, vector<16xi32>], vector<16xf32>,
        tpu.vector_store_idx %arg10[%add3A_761, %add3A_445], %gather3A_763 : memref<32x128xf32, #tpu.memory_space<vmem>>[vector<16xi32>, vector<16xi32>], vector<16xf32>,
        %add3A_764 = arith.constant 13 : i32
        %add3A_765 = vector.broadcast %add3A_764 : i32 to vector<16xi32>
        %add3A_766 = arith.addi %add3A_765, %iota3A_382 : vector<16xi32>
        %and3A_767 = arith.constant 15 : i32
        %and3A_768 = vector.broadcast %and3A_767 : i32 to vector<16xi32>
        %and3A_769 = arith.andi %add3A_766, %and3A_768 : vector<16xi32>
        %add3A_770 = arith.constant 16 : i32
        %add3A_771 = vector.broadcast %add3A_770 : i32 to vector<16xi32>
        %add3A_772 = arith.addi %and3A_769, %add3A_771 : vector<16xi32>
        %add3A_773 = arith.addi %shift_left3A_443, %add3A_772 : vector<16xi32>
        %gather3A_774 = tpu.vector_load_idx %arg8[%add3A_445, %add3A_773] : memref<128x128xf32, #tpu.memory_space<vmem>>[vector<16xi32>, vector<16xi32>], vector<16xf32>,
        tpu.vector_store_idx %arg10[%add3A_772, %add3A_445], %gather3A_774 : memref<32x128xf32, #tpu.memory_space<vmem>>[vector<16xi32>, vector<16xi32>], vector<16xf32>,
        %add3A_775 = arith.constant 14 : i32
        %add3A_776 = vector.broadcast %add3A_775 : i32 to vector<16xi32>
        %add3A_777 = arith.addi %add3A_776, %iota3A_382 : vector<16xi32>
        %and3A_778 = arith.constant 15 : i32
        %and3A_779 = vector.broadcast %and3A_778 : i32 to vector<16xi32>
        %and3A_780 = arith.andi %add3A_777, %and3A_779 : vector<16xi32>
        %add3A_781 = arith.constant 16 : i32
        %add3A_782 = vector.broadcast %add3A_781 : i32 to vector<16xi32>
        %add3A_783 = arith.addi %and3A_780, %add3A_782 : vector<16xi32>
        %add3A_784 = arith.addi %shift_left3A_443, %add3A_783 : vector<16xi32>
        %gather3A_785 = tpu.vector_load_idx %arg8[%add3A_445, %add3A_784] : memref<128x128xf32, #tpu.memory_space<vmem>>[vector<16xi32>, vector<16xi32>], vector<16xf32>,
        tpu.vector_store_idx %arg10[%add3A_783, %add3A_445], %gather3A_785 : memref<32x128xf32, #tpu.memory_space<vmem>>[vector<16xi32>, vector<16xi32>], vector<16xf32>,
        %add3A_786 = arith.constant 15 : i32
        %add3A_787 = vector.broadcast %add3A_786 : i32 to vector<16xi32>
        %add3A_788 = arith.addi %add3A_787, %iota3A_382 : vector<16xi32>
        %and3A_789 = arith.constant 15 : i32
        %and3A_790 = vector.broadcast %and3A_789 : i32 to vector<16xi32>
        %and3A_791 = arith.andi %add3A_788, %and3A_790 : vector<16xi32>
        %add3A_792 = arith.constant 16 : i32
        %add3A_793 = vector.broadcast %add3A_792 : i32 to vector<16xi32>
        %add3A_794 = arith.addi %and3A_791, %add3A_793 : vector<16xi32>
        %add3A_795 = arith.addi %shift_left3A_443, %add3A_794 : vector<16xi32>
        %gather3A_796 = tpu.vector_load_idx %arg8[%add3A_445, %add3A_795] : memref<128x128xf32, #tpu.memory_space<vmem>>[vector<16xi32>, vector<16xi32>], vector<16xf32>,
        tpu.vector_store_idx %arg10[%add3A_794, %add3A_445], %gather3A_796 : memref<32x128xf32, #tpu.memory_space<vmem>>[vector<16xi32>, vector<16xi32>], vector<16xf32>,
      }
      %scan3A_387 = arith.constant 8 : i32
      %add3A_388 = arith.constant 256 : i32
      %add3A_389 = arith.addi %mul3A_2, %add3A_388 : i32
      %dma_start3A_390 = arith.constant 0 : i32
      %dma_start3A_391 = tpu.memref_slice %arg4[%scan3A_320, %dma_start3A_390, %add3A_389] : memref<50x32x16384xf32, #tpu.memory_space<hbm>> -> memref<1x32x128xf32, #tpu.memory_space<hbm>>
      %dma_start3A_392 = tpu.memref_squeeze %dma_start3A_391 : memref<1x32x128xf32, #tpu.memory_space<hbm>> -> memref<32x128xf32, #tpu.memory_space<hbm>>
      %dma_start3A_393 = arith.constant 0 : i32
      %dma_start3A_394 = tpu.memref_slice %arg4[%scan3A_320, %dma_start3A_393, %add3A_389] : memref<50x32x16384xf32, #tpu.memory_space<hbm>> -> memref<1x32x128xf32, #tpu.memory_space<hbm>>
      %dma_start3A_395 = tpu.memref_squeeze %dma_start3A_394 : memref<1x32x128xf32, #tpu.memory_space<hbm>> -> memref<32x128xf32, #tpu.memory_space<hbm>>
      tpu.enqueue_dma source(%arg10 : memref<32x128xf32, #tpu.memory_space<vmem>>) target(%dma_start3A_395 : memref<32x128xf32, #tpu.memory_space<hbm>>) target_semaphore(%arg20 : memref<!tpu.dma_semaphore, #tpu.memory_space<semaphore_mem>>)
      %lt3A_396 = arith.constant 49 : i32
      %lt3A_397 = arith.cmpi slt, %scan3A_320, %lt3A_396 : i32
      %convert_element_type3A_398 = arith.extui %lt3A_397 : i1 to i32
      %cond3A_399 = arith.constant 0 : i32
      %cond3A_400 = arith.cmpi ne, %convert_element_type3A_398, %cond3A_399 : i32
      scf.if %cond3A_400 {
        %add3A_432 = arith.constant 1 : i32
        %add3A_433 = arith.addi %scan3A_320, %add3A_432 : i32
        %get3A_434 = arith.index_cast %add3A_433 : i32 to index
        %get3A_435 = arith.constant 256 : index
        %get3A_436 = tpu.vector_load %arg5[%get3A_434, %get3A_435] {strides = array<i32>} : memref<50x512xi32, #tpu.memory_space<vmem>>, vector<16xi32>,
        %shift_right_arithmetic3A_437 = arith.constant 2 : i32
        %shift_right_arithmetic3A_438 = vector.broadcast %shift_right_arithmetic3A_437 : i32 to vector<16xi32>
        %shift_right_arithmetic3A_439 = arith.shrsi %get3A_436, %shift_right_arithmetic3A_438 : vector<16xi32>
        %swap3A_440 = arith.constant 0 : index
        %swap3A_441 = tpu.vector_load %arg14[%swap3A_440] {strides = array<i32>} : memref<128xi32, #tpu.memory_space<vmem>>, vector<16xi32>,
        tpu.vector_store %arg14[%swap3A_440], %shift_right_arithmetic3A_439 {strides = array<i32>} : memref<128xi32, #tpu.memory_space<vmem>>, vector<16xi32>,
        %get3A_442 = arith.index_cast %add3A_433 : i32 to index
        %get3A_443 = arith.constant 272 : index
        %get3A_444 = tpu.vector_load %arg5[%get3A_442, %get3A_443] {strides = array<i32>} : memref<50x512xi32, #tpu.memory_space<vmem>>, vector<16xi32>,
        %shift_right_arithmetic3A_445 = arith.constant 2 : i32
        %shift_right_arithmetic3A_446 = vector.broadcast %shift_right_arithmetic3A_445 : i32 to vector<16xi32>
        %shift_right_arithmetic3A_447 = arith.shrsi %get3A_444, %shift_right_arithmetic3A_446 : vector<16xi32>
        %swap3A_448 = arith.constant 16 : index
        %swap3A_449 = tpu.vector_load %arg14[%swap3A_448] {strides = array<i32>} : memref<128xi32, #tpu.memory_space<vmem>>, vector<16xi32>,
        tpu.vector_store %arg14[%swap3A_448], %shift_right_arithmetic3A_447 {strides = array<i32>} : memref<128xi32, #tpu.memory_space<vmem>>, vector<16xi32>,
        %get3A_450 = arith.index_cast %add3A_433 : i32 to index
        %get3A_451 = arith.constant 288 : index
        %get3A_452 = tpu.vector_load %arg5[%get3A_450, %get3A_451] {strides = array<i32>} : memref<50x512xi32, #tpu.memory_space<vmem>>, vector<16xi32>,
        %shift_right_arithmetic3A_453 = arith.constant 2 : i32
        %shift_right_arithmetic3A_454 = vector.broadcast %shift_right_arithmetic3A_453 : i32 to vector<16xi32>
        %shift_right_arithmetic3A_455 = arith.shrsi %get3A_452, %shift_right_arithmetic3A_454 : vector<16xi32>
        %swap3A_456 = arith.constant 32 : index
        %swap3A_457 = tpu.vector_load %arg14[%swap3A_456] {strides = array<i32>} : memref<128xi32, #tpu.memory_space<vmem>>, vector<16xi32>,
        tpu.vector_store %arg14[%swap3A_456], %shift_right_arithmetic3A_455 {strides = array<i32>} : memref<128xi32, #tpu.memory_space<vmem>>, vector<16xi32>,
        %get3A_458 = arith.index_cast %add3A_433 : i32 to index
        %get3A_459 = arith.constant 304 : index
        %get3A_460 = tpu.vector_load %arg5[%get3A_458, %get3A_459] {strides = array<i32>} : memref<50x512xi32, #tpu.memory_space<vmem>>, vector<16xi32>,
        %shift_right_arithmetic3A_461 = arith.constant 2 : i32
        %shift_right_arithmetic3A_462 = vector.broadcast %shift_right_arithmetic3A_461 : i32 to vector<16xi32>
        %shift_right_arithmetic3A_463 = arith.shrsi %get3A_460, %shift_right_arithmetic3A_462 : vector<16xi32>
        %swap3A_464 = arith.constant 48 : index
        %swap3A_465 = tpu.vector_load %arg14[%swap3A_464] {strides = array<i32>} : memref<128xi32, #tpu.memory_space<vmem>>, vector<16xi32>,
        tpu.vector_store %arg14[%swap3A_464], %shift_right_arithmetic3A_463 {strides = array<i32>} : memref<128xi32, #tpu.memory_space<vmem>>, vector<16xi32>,
        %get3A_466 = arith.index_cast %add3A_433 : i32 to index
        %get3A_467 = arith.constant 320 : index
        %get3A_468 = tpu.vector_load %arg5[%get3A_466, %get3A_467] {strides = array<i32>} : memref<50x512xi32, #tpu.memory_space<vmem>>, vector<16xi32>,
        %shift_right_arithmetic3A_469 = arith.constant 2 : i32
        %shift_right_arithmetic3A_470 = vector.broadcast %shift_right_arithmetic3A_469 : i32 to vector<16xi32>
        %shift_right_arithmetic3A_471 = arith.shrsi %get3A_468, %shift_right_arithmetic3A_470 : vector<16xi32>
        %swap3A_472 = arith.constant 64 : index
        %swap3A_473 = tpu.vector_load %arg14[%swap3A_472] {strides = array<i32>} : memref<128xi32, #tpu.memory_space<vmem>>, vector<16xi32>,
        tpu.vector_store %arg14[%swap3A_472], %shift_right_arithmetic3A_471 {strides = array<i32>} : memref<128xi32, #tpu.memory_space<vmem>>, vector<16xi32>,
        %get3A_474 = arith.index_cast %add3A_433 : i32 to index
        %get3A_475 = arith.constant 336 : index
        %get3A_476 = tpu.vector_load %arg5[%get3A_474, %get3A_475] {strides = array<i32>} : memref<50x512xi32, #tpu.memory_space<vmem>>, vector<16xi32>,
        %shift_right_arithmetic3A_477 = arith.constant 2 : i32
        %shift_right_arithmetic3A_478 = vector.broadcast %shift_right_arithmetic3A_477 : i32 to vector<16xi32>
        %shift_right_arithmetic3A_479 = arith.shrsi %get3A_476, %shift_right_arithmetic3A_478 : vector<16xi32>
        %swap3A_480 = arith.constant 80 : index
        %swap3A_481 = tpu.vector_load %arg14[%swap3A_480] {strides = array<i32>} : memref<128xi32, #tpu.memory_space<vmem>>, vector<16xi32>,
        tpu.vector_store %arg14[%swap3A_480], %shift_right_arithmetic3A_479 {strides = array<i32>} : memref<128xi32, #tpu.memory_space<vmem>>, vector<16xi32>,
        %get3A_482 = arith.index_cast %add3A_433 : i32 to index
        %get3A_483 = arith.constant 352 : index
        %get3A_484 = tpu.vector_load %arg5[%get3A_482, %get3A_483] {strides = array<i32>} : memref<50x512xi32, #tpu.memory_space<vmem>>, vector<16xi32>,
        %shift_right_arithmetic3A_485 = arith.constant 2 : i32
        %shift_right_arithmetic3A_486 = vector.broadcast %shift_right_arithmetic3A_485 : i32 to vector<16xi32>
        %shift_right_arithmetic3A_487 = arith.shrsi %get3A_484, %shift_right_arithmetic3A_486 : vector<16xi32>
        %swap3A_488 = arith.constant 96 : index
        %swap3A_489 = tpu.vector_load %arg14[%swap3A_488] {strides = array<i32>} : memref<128xi32, #tpu.memory_space<vmem>>, vector<16xi32>,
        tpu.vector_store %arg14[%swap3A_488], %shift_right_arithmetic3A_487 {strides = array<i32>} : memref<128xi32, #tpu.memory_space<vmem>>, vector<16xi32>,
        %get3A_490 = arith.index_cast %add3A_433 : i32 to index
        %get3A_491 = arith.constant 368 : index
        %get3A_492 = tpu.vector_load %arg5[%get3A_490, %get3A_491] {strides = array<i32>} : memref<50x512xi32, #tpu.memory_space<vmem>>, vector<16xi32>,
        %shift_right_arithmetic3A_493 = arith.constant 2 : i32
        %shift_right_arithmetic3A_494 = vector.broadcast %shift_right_arithmetic3A_493 : i32 to vector<16xi32>
        %shift_right_arithmetic3A_495 = arith.shrsi %get3A_492, %shift_right_arithmetic3A_494 : vector<16xi32>
        %swap3A_496 = arith.constant 112 : index
        %swap3A_497 = tpu.vector_load %arg14[%swap3A_496] {strides = array<i32>} : memref<128xi32, #tpu.memory_space<vmem>>, vector<16xi32>,
        tpu.vector_store %arg14[%swap3A_496], %shift_right_arithmetic3A_495 {strides = array<i32>} : memref<128xi32, #tpu.memory_space<vmem>>, vector<16xi32>,
        %dma_start3A_498 = arith.constant 0 : i32
        %dma_start3A_499 = arith.constant 0 : i32
        %dma_start3A_500 = tpu.memref_slice %arg3[%dma_start3A_498, %dma_start3A_499] : memref<250000x128xf32, #tpu.memory_space<hbm>> -> memref<250000x128xf32, #tpu.memory_space<hbm>>
        tpu.enqueue_indirect_dma source(%dma_start3A_500 : memref<250000x128xf32, #tpu.memory_space<hbm>>) target(%arg8 : memref<128x128xf32, #tpu.memory_space<vmem>>) offsets(%arg14 : memref<128xi32, #tpu.memory_space<vmem>>) semaphore(%arg18 : memref<!tpu.dma_semaphore, #tpu.memory_space<semaphore_mem>>)
      } else {
      }
      %dma_wait3A_401 = arith.constant 0 : i32
      %dma_wait3A_402 = arith.constant 0 : i32
      %dma_wait3A_403 = tpu.memref_slice %arg3[%dma_wait3A_401, %dma_wait3A_402] : memref<250000x128xf32, #tpu.memory_space<hbm>> -> memref<250000x128xf32, #tpu.memory_space<hbm>>
      tpu.wait_indirect_dma semaphore(%arg19 : memref<!tpu.dma_semaphore, #tpu.memory_space<semaphore_mem>>) src(%dma_wait3A_403 : memref<250000x128xf32, #tpu.memory_space<hbm>>) dst(%arg9 : memref<128x128xf32, #tpu.memory_space<vmem>>)
      %dma_wait3A_404 = arith.constant 0 : i32
      %dma_wait3A_405 = arith.constant 0 : i32
      %dma_wait3A_406 = arith.constant 0 : i32
      %dma_wait3A_407 = tpu.memref_slice %arg4[%dma_wait3A_404, %dma_wait3A_405, %dma_wait3A_406] : memref<50x32x16384xf32, #tpu.memory_space<hbm>> -> memref<1x32x128xf32, #tpu.memory_space<hbm>>
      %dma_wait3A_408 = tpu.memref_squeeze %dma_wait3A_407 : memref<1x32x128xf32, #tpu.memory_space<hbm>> -> memref<32x128xf32, #tpu.memory_space<hbm>>
      %dma_wait3A_409 = arith.constant 0 : i32
      %dma_wait3A_410 = arith.constant 0 : i32
      %dma_wait3A_411 = tpu.memref_slice %arg4[%dma_wait3A_404, %dma_wait3A_409, %dma_wait3A_410] : memref<50x32x16384xf32, #tpu.memory_space<hbm>> -> memref<1x32x128xf32, #tpu.memory_space<hbm>>
      %dma_wait3A_412 = tpu.memref_squeeze %dma_wait3A_411 : memref<1x32x128xf32, #tpu.memory_space<hbm>> -> memref<32x128xf32, #tpu.memory_space<hbm>>
      tpu.wait_dma2 semaphore(%arg21 : memref<!tpu.dma_semaphore, #tpu.memory_space<semaphore_mem>>) src(%arg11 : memref<32x128xf32, #tpu.memory_space<vmem>>) dst(%dma_wait3A_412 : memref<32x128xf32, #tpu.memory_space<hbm>>)
      %iota3A_413 = tpu.iota {dimensions = array<i32: 0>} : vector<16xi32>
      %scan3A_414 = arith.constant 0 : i32
      %scan3A_415 = arith.constant 8 : i32
      %scan3A_416 = arith.addi %scan3A_414, %scan3A_415 : i32
      %scan3A_417 = arith.constant 1 : i32
      scf.for %scan3A_432 = %scan3A_414 to %scan3A_416 step %scan3A_417  : i32 {
        %mul3A_433 = arith.constant 16 : i32
        %mul3A_434 = arith.muli %scan3A_432, %mul3A_433 : i32
        %add3A_435 = arith.constant 384 : i32
        %add3A_436 = arith.addi %add3A_435, %mul3A_434 : i32
        %get3A_437 = arith.index_cast %scan3A_320 : i32 to index
        %get3A_438 = arith.index_cast %add3A_436 : i32 to index
        %get3A_439 = tpu.vector_load %arg5[%get3A_437, %get3A_438] {strides = array<i32>} : memref<50x512xi32, #tpu.memory_space<vmem>>, vector<16xi32>,
        %and3A = arith.constant 3 : i32
        %and3A_440 = vector.broadcast %and3A : i32 to vector<16xi32>
        %and3A_441 = arith.andi %get3A_439, %and3A_440 : vector<16xi32>
        %shift_left3A = arith.constant 5 : i32
        %shift_left3A_442 = vector.broadcast %shift_left3A : i32 to vector<16xi32>
        %shift_left3A_443 = arith.shli %and3A_441, %shift_left3A_442 : vector<16xi32>
        %add3A_444 = vector.broadcast %mul3A_434 : i32 to vector<16xi32>
        %add3A_445 = arith.addi %add3A_444, %iota3A_413 : vector<16xi32>
        %add3A_446 = arith.constant 0 : i32
        %add3A_447 = vector.broadcast %add3A_446 : i32 to vector<16xi32>
        %add3A_448 = arith.addi %add3A_447, %iota3A_413 : vector<16xi32>
        %and3A_449 = arith.constant 15 : i32
        %and3A_450 = vector.broadcast %and3A_449 : i32 to vector<16xi32>
        %and3A_451 = arith.andi %add3A_448, %and3A_450 : vector<16xi32>
        %add3A_452 = arith.constant 0 : i32
        %add3A_453 = vector.broadcast %add3A_452 : i32 to vector<16xi32>
        %add3A_454 = arith.addi %and3A_451, %add3A_453 : vector<16xi32>
        %add3A_455 = arith.addi %shift_left3A_443, %add3A_454 : vector<16xi32>
        %gather3A = tpu.vector_load_idx %arg9[%add3A_445, %add3A_455] : memref<128x128xf32, #tpu.memory_space<vmem>>[vector<16xi32>, vector<16xi32>], vector<16xf32>,
        tpu.vector_store_idx %arg11[%add3A_454, %add3A_445], %gather3A : memref<32x128xf32, #tpu.memory_space<vmem>>[vector<16xi32>, vector<16xi32>], vector<16xf32>,
        %add3A_456 = arith.constant 1 : i32
        %add3A_457 = vector.broadcast %add3A_456 : i32 to vector<16xi32>
        %add3A_458 = arith.addi %add3A_457, %iota3A_413 : vector<16xi32>
        %and3A_459 = arith.constant 15 : i32
        %and3A_460 = vector.broadcast %and3A_459 : i32 to vector<16xi32>
        %and3A_461 = arith.andi %add3A_458, %and3A_460 : vector<16xi32>
        %add3A_462 = arith.constant 0 : i32
        %add3A_463 = vector.broadcast %add3A_462 : i32 to vector<16xi32>
        %add3A_464 = arith.addi %and3A_461, %add3A_463 : vector<16xi32>
        %add3A_465 = arith.addi %shift_left3A_443, %add3A_464 : vector<16xi32>
        %gather3A_466 = tpu.vector_load_idx %arg9[%add3A_445, %add3A_465] : memref<128x128xf32, #tpu.memory_space<vmem>>[vector<16xi32>, vector<16xi32>], vector<16xf32>,
        tpu.vector_store_idx %arg11[%add3A_464, %add3A_445], %gather3A_466 : memref<32x128xf32, #tpu.memory_space<vmem>>[vector<16xi32>, vector<16xi32>], vector<16xf32>,
        %add3A_467 = arith.constant 2 : i32
        %add3A_468 = vector.broadcast %add3A_467 : i32 to vector<16xi32>
        %add3A_469 = arith.addi %add3A_468, %iota3A_413 : vector<16xi32>
        %and3A_470 = arith.constant 15 : i32
        %and3A_471 = vector.broadcast %and3A_470 : i32 to vector<16xi32>
        %and3A_472 = arith.andi %add3A_469, %and3A_471 : vector<16xi32>
        %add3A_473 = arith.constant 0 : i32
        %add3A_474 = vector.broadcast %add3A_473 : i32 to vector<16xi32>
        %add3A_475 = arith.addi %and3A_472, %add3A_474 : vector<16xi32>
        %add3A_476 = arith.addi %shift_left3A_443, %add3A_475 : vector<16xi32>
        %gather3A_477 = tpu.vector_load_idx %arg9[%add3A_445, %add3A_476] : memref<128x128xf32, #tpu.memory_space<vmem>>[vector<16xi32>, vector<16xi32>], vector<16xf32>,
        tpu.vector_store_idx %arg11[%add3A_475, %add3A_445], %gather3A_477 : memref<32x128xf32, #tpu.memory_space<vmem>>[vector<16xi32>, vector<16xi32>], vector<16xf32>,
        %add3A_478 = arith.constant 3 : i32
        %add3A_479 = vector.broadcast %add3A_478 : i32 to vector<16xi32>
        %add3A_480 = arith.addi %add3A_479, %iota3A_413 : vector<16xi32>
        %and3A_481 = arith.constant 15 : i32
        %and3A_482 = vector.broadcast %and3A_481 : i32 to vector<16xi32>
        %and3A_483 = arith.andi %add3A_480, %and3A_482 : vector<16xi32>
        %add3A_484 = arith.constant 0 : i32
        %add3A_485 = vector.broadcast %add3A_484 : i32 to vector<16xi32>
        %add3A_486 = arith.addi %and3A_483, %add3A_485 : vector<16xi32>
        %add3A_487 = arith.addi %shift_left3A_443, %add3A_486 : vector<16xi32>
        %gather3A_488 = tpu.vector_load_idx %arg9[%add3A_445, %add3A_487] : memref<128x128xf32, #tpu.memory_space<vmem>>[vector<16xi32>, vector<16xi32>], vector<16xf32>,
        tpu.vector_store_idx %arg11[%add3A_486, %add3A_445], %gather3A_488 : memref<32x128xf32, #tpu.memory_space<vmem>>[vector<16xi32>, vector<16xi32>], vector<16xf32>,
        %add3A_489 = arith.constant 4 : i32
        %add3A_490 = vector.broadcast %add3A_489 : i32 to vector<16xi32>
        %add3A_491 = arith.addi %add3A_490, %iota3A_413 : vector<16xi32>
        %and3A_492 = arith.constant 15 : i32
        %and3A_493 = vector.broadcast %and3A_492 : i32 to vector<16xi32>
        %and3A_494 = arith.andi %add3A_491, %and3A_493 : vector<16xi32>
        %add3A_495 = arith.constant 0 : i32
        %add3A_496 = vector.broadcast %add3A_495 : i32 to vector<16xi32>
        %add3A_497 = arith.addi %and3A_494, %add3A_496 : vector<16xi32>
        %add3A_498 = arith.addi %shift_left3A_443, %add3A_497 : vector<16xi32>
        %gather3A_499 = tpu.vector_load_idx %arg9[%add3A_445, %add3A_498] : memref<128x128xf32, #tpu.memory_space<vmem>>[vector<16xi32>, vector<16xi32>], vector<16xf32>,
        tpu.vector_store_idx %arg11[%add3A_497, %add3A_445], %gather3A_499 : memref<32x128xf32, #tpu.memory_space<vmem>>[vector<16xi32>, vector<16xi32>], vector<16xf32>,
        %add3A_500 = arith.constant 5 : i32
        %add3A_501 = vector.broadcast %add3A_500 : i32 to vector<16xi32>
        %add3A_502 = arith.addi %add3A_501, %iota3A_413 : vector<16xi32>
        %and3A_503 = arith.constant 15 : i32
        %and3A_504 = vector.broadcast %and3A_503 : i32 to vector<16xi32>
        %and3A_505 = arith.andi %add3A_502, %and3A_504 : vector<16xi32>
        %add3A_506 = arith.constant 0 : i32
        %add3A_507 = vector.broadcast %add3A_506 : i32 to vector<16xi32>
        %add3A_508 = arith.addi %and3A_505, %add3A_507 : vector<16xi32>
        %add3A_509 = arith.addi %shift_left3A_443, %add3A_508 : vector<16xi32>
        %gather3A_510 = tpu.vector_load_idx %arg9[%add3A_445, %add3A_509] : memref<128x128xf32, #tpu.memory_space<vmem>>[vector<16xi32>, vector<16xi32>], vector<16xf32>,
        tpu.vector_store_idx %arg11[%add3A_508, %add3A_445], %gather3A_510 : memref<32x128xf32, #tpu.memory_space<vmem>>[vector<16xi32>, vector<16xi32>], vector<16xf32>,
        %add3A_511 = arith.constant 6 : i32
        %add3A_512 = vector.broadcast %add3A_511 : i32 to vector<16xi32>
        %add3A_513 = arith.addi %add3A_512, %iota3A_413 : vector<16xi32>
        %and3A_514 = arith.constant 15 : i32
        %and3A_515 = vector.broadcast %and3A_514 : i32 to vector<16xi32>
        %and3A_516 = arith.andi %add3A_513, %and3A_515 : vector<16xi32>
        %add3A_517 = arith.constant 0 : i32
        %add3A_518 = vector.broadcast %add3A_517 : i32 to vector<16xi32>
        %add3A_519 = arith.addi %and3A_516, %add3A_518 : vector<16xi32>
        %add3A_520 = arith.addi %shift_left3A_443, %add3A_519 : vector<16xi32>
        %gather3A_521 = tpu.vector_load_idx %arg9[%add3A_445, %add3A_520] : memref<128x128xf32, #tpu.memory_space<vmem>>[vector<16xi32>, vector<16xi32>], vector<16xf32>,
        tpu.vector_store_idx %arg11[%add3A_519, %add3A_445], %gather3A_521 : memref<32x128xf32, #tpu.memory_space<vmem>>[vector<16xi32>, vector<16xi32>], vector<16xf32>,
        %add3A_522 = arith.constant 7 : i32
        %add3A_523 = vector.broadcast %add3A_522 : i32 to vector<16xi32>
        %add3A_524 = arith.addi %add3A_523, %iota3A_413 : vector<16xi32>
        %and3A_525 = arith.constant 15 : i32
        %and3A_526 = vector.broadcast %and3A_525 : i32 to vector<16xi32>
        %and3A_527 = arith.andi %add3A_524, %and3A_526 : vector<16xi32>
        %add3A_528 = arith.constant 0 : i32
        %add3A_529 = vector.broadcast %add3A_528 : i32 to vector<16xi32>
        %add3A_530 = arith.addi %and3A_527, %add3A_529 : vector<16xi32>
        %add3A_531 = arith.addi %shift_left3A_443, %add3A_530 : vector<16xi32>
        %gather3A_532 = tpu.vector_load_idx %arg9[%add3A_445, %add3A_531] : memref<128x128xf32, #tpu.memory_space<vmem>>[vector<16xi32>, vector<16xi32>], vector<16xf32>,
        tpu.vector_store_idx %arg11[%add3A_530, %add3A_445], %gather3A_532 : memref<32x128xf32, #tpu.memory_space<vmem>>[vector<16xi32>, vector<16xi32>], vector<16xf32>,
        %add3A_533 = arith.constant 8 : i32
        %add3A_534 = vector.broadcast %add3A_533 : i32 to vector<16xi32>
        %add3A_535 = arith.addi %add3A_534, %iota3A_413 : vector<16xi32>
        %and3A_536 = arith.constant 15 : i32
        %and3A_537 = vector.broadcast %and3A_536 : i32 to vector<16xi32>
        %and3A_538 = arith.andi %add3A_535, %and3A_537 : vector<16xi32>
        %add3A_539 = arith.constant 0 : i32
        %add3A_540 = vector.broadcast %add3A_539 : i32 to vector<16xi32>
        %add3A_541 = arith.addi %and3A_538, %add3A_540 : vector<16xi32>
        %add3A_542 = arith.addi %shift_left3A_443, %add3A_541 : vector<16xi32>
        %gather3A_543 = tpu.vector_load_idx %arg9[%add3A_445, %add3A_542] : memref<128x128xf32, #tpu.memory_space<vmem>>[vector<16xi32>, vector<16xi32>], vector<16xf32>,
        tpu.vector_store_idx %arg11[%add3A_541, %add3A_445], %gather3A_543 : memref<32x128xf32, #tpu.memory_space<vmem>>[vector<16xi32>, vector<16xi32>], vector<16xf32>,
        %add3A_544 = arith.constant 9 : i32
        %add3A_545 = vector.broadcast %add3A_544 : i32 to vector<16xi32>
        %add3A_546 = arith.addi %add3A_545, %iota3A_413 : vector<16xi32>
        %and3A_547 = arith.constant 15 : i32
        %and3A_548 = vector.broadcast %and3A_547 : i32 to vector<16xi32>
        %and3A_549 = arith.andi %add3A_546, %and3A_548 : vector<16xi32>
        %add3A_550 = arith.constant 0 : i32
        %add3A_551 = vector.broadcast %add3A_550 : i32 to vector<16xi32>
        %add3A_552 = arith.addi %and3A_549, %add3A_551 : vector<16xi32>
        %add3A_553 = arith.addi %shift_left3A_443, %add3A_552 : vector<16xi32>
        %gather3A_554 = tpu.vector_load_idx %arg9[%add3A_445, %add3A_553] : memref<128x128xf32, #tpu.memory_space<vmem>>[vector<16xi32>, vector<16xi32>], vector<16xf32>,
        tpu.vector_store_idx %arg11[%add3A_552, %add3A_445], %gather3A_554 : memref<32x128xf32, #tpu.memory_space<vmem>>[vector<16xi32>, vector<16xi32>], vector<16xf32>,
        %add3A_555 = arith.constant 10 : i32
        %add3A_556 = vector.broadcast %add3A_555 : i32 to vector<16xi32>
        %add3A_557 = arith.addi %add3A_556, %iota3A_413 : vector<16xi32>
        %and3A_558 = arith.constant 15 : i32
        %and3A_559 = vector.broadcast %and3A_558 : i32 to vector<16xi32>
        %and3A_560 = arith.andi %add3A_557, %and3A_559 : vector<16xi32>
        %add3A_561 = arith.constant 0 : i32
        %add3A_562 = vector.broadcast %add3A_561 : i32 to vector<16xi32>
        %add3A_563 = arith.addi %and3A_560, %add3A_562 : vector<16xi32>
        %add3A_564 = arith.addi %shift_left3A_443, %add3A_563 : vector<16xi32>
        %gather3A_565 = tpu.vector_load_idx %arg9[%add3A_445, %add3A_564] : memref<128x128xf32, #tpu.memory_space<vmem>>[vector<16xi32>, vector<16xi32>], vector<16xf32>,
        tpu.vector_store_idx %arg11[%add3A_563, %add3A_445], %gather3A_565 : memref<32x128xf32, #tpu.memory_space<vmem>>[vector<16xi32>, vector<16xi32>], vector<16xf32>,
        %add3A_566 = arith.constant 11 : i32
        %add3A_567 = vector.broadcast %add3A_566 : i32 to vector<16xi32>
        %add3A_568 = arith.addi %add3A_567, %iota3A_413 : vector<16xi32>
        %and3A_569 = arith.constant 15 : i32
        %and3A_570 = vector.broadcast %and3A_569 : i32 to vector<16xi32>
        %and3A_571 = arith.andi %add3A_568, %and3A_570 : vector<16xi32>
        %add3A_572 = arith.constant 0 : i32
        %add3A_573 = vector.broadcast %add3A_572 : i32 to vector<16xi32>
        %add3A_574 = arith.addi %and3A_571, %add3A_573 : vector<16xi32>
        %add3A_575 = arith.addi %shift_left3A_443, %add3A_574 : vector<16xi32>
        %gather3A_576 = tpu.vector_load_idx %arg9[%add3A_445, %add3A_575] : memref<128x128xf32, #tpu.memory_space<vmem>>[vector<16xi32>, vector<16xi32>], vector<16xf32>,
        tpu.vector_store_idx %arg11[%add3A_574, %add3A_445], %gather3A_576 : memref<32x128xf32, #tpu.memory_space<vmem>>[vector<16xi32>, vector<16xi32>], vector<16xf32>,
        %add3A_577 = arith.constant 12 : i32
        %add3A_578 = vector.broadcast %add3A_577 : i32 to vector<16xi32>
        %add3A_579 = arith.addi %add3A_578, %iota3A_413 : vector<16xi32>
        %and3A_580 = arith.constant 15 : i32
        %and3A_581 = vector.broadcast %and3A_580 : i32 to vector<16xi32>
        %and3A_582 = arith.andi %add3A_579, %and3A_581 : vector<16xi32>
        %add3A_583 = arith.constant 0 : i32
        %add3A_584 = vector.broadcast %add3A_583 : i32 to vector<16xi32>
        %add3A_585 = arith.addi %and3A_582, %add3A_584 : vector<16xi32>
        %add3A_586 = arith.addi %shift_left3A_443, %add3A_585 : vector<16xi32>
        %gather3A_587 = tpu.vector_load_idx %arg9[%add3A_445, %add3A_586] : memref<128x128xf32, #tpu.memory_space<vmem>>[vector<16xi32>, vector<16xi32>], vector<16xf32>,
        tpu.vector_store_idx %arg11[%add3A_585, %add3A_445], %gather3A_587 : memref<32x128xf32, #tpu.memory_space<vmem>>[vector<16xi32>, vector<16xi32>], vector<16xf32>,
        %add3A_588 = arith.constant 13 : i32
        %add3A_589 = vector.broadcast %add3A_588 : i32 to vector<16xi32>
        %add3A_590 = arith.addi %add3A_589, %iota3A_413 : vector<16xi32>
        %and3A_591 = arith.constant 15 : i32
        %and3A_592 = vector.broadcast %and3A_591 : i32 to vector<16xi32>
        %and3A_593 = arith.andi %add3A_590, %and3A_592 : vector<16xi32>
        %add3A_594 = arith.constant 0 : i32
        %add3A_595 = vector.broadcast %add3A_594 : i32 to vector<16xi32>
        %add3A_596 = arith.addi %and3A_593, %add3A_595 : vector<16xi32>
        %add3A_597 = arith.addi %shift_left3A_443, %add3A_596 : vector<16xi32>
        %gather3A_598 = tpu.vector_load_idx %arg9[%add3A_445, %add3A_597] : memref<128x128xf32, #tpu.memory_space<vmem>>[vector<16xi32>, vector<16xi32>], vector<16xf32>,
        tpu.vector_store_idx %arg11[%add3A_596, %add3A_445], %gather3A_598 : memref<32x128xf32, #tpu.memory_space<vmem>>[vector<16xi32>, vector<16xi32>], vector<16xf32>,
        %add3A_599 = arith.constant 14 : i32
        %add3A_600 = vector.broadcast %add3A_599 : i32 to vector<16xi32>
        %add3A_601 = arith.addi %add3A_600, %iota3A_413 : vector<16xi32>
        %and3A_602 = arith.constant 15 : i32
        %and3A_603 = vector.broadcast %and3A_602 : i32 to vector<16xi32>
        %and3A_604 = arith.andi %add3A_601, %and3A_603 : vector<16xi32>
        %add3A_605 = arith.constant 0 : i32
        %add3A_606 = vector.broadcast %add3A_605 : i32 to vector<16xi32>
        %add3A_607 = arith.addi %and3A_604, %add3A_606 : vector<16xi32>
        %add3A_608 = arith.addi %shift_left3A_443, %add3A_607 : vector<16xi32>
        %gather3A_609 = tpu.vector_load_idx %arg9[%add3A_445, %add3A_608] : memref<128x128xf32, #tpu.memory_space<vmem>>[vector<16xi32>, vector<16xi32>], vector<16xf32>,
        tpu.vector_store_idx %arg11[%add3A_607, %add3A_445], %gather3A_609 : memref<32x128xf32, #tpu.memory_space<vmem>>[vector<16xi32>, vector<16xi32>], vector<16xf32>,
        %add3A_610 = arith.constant 15 : i32
        %add3A_611 = vector.broadcast %add3A_610 : i32 to vector<16xi32>
        %add3A_612 = arith.addi %add3A_611, %iota3A_413 : vector<16xi32>
        %and3A_613 = arith.constant 15 : i32
        %and3A_614 = vector.broadcast %and3A_613 : i32 to vector<16xi32>
        %and3A_615 = arith.andi %add3A_612, %and3A_614 : vector<16xi32>
        %add3A_616 = arith.constant 0 : i32
        %add3A_617 = vector.broadcast %add3A_616 : i32 to vector<16xi32>
        %add3A_618 = arith.addi %and3A_615, %add3A_617 : vector<16xi32>
        %add3A_619 = arith.addi %shift_left3A_443, %add3A_618 : vector<16xi32>
        %gather3A_620 = tpu.vector_load_idx %arg9[%add3A_445, %add3A_619] : memref<128x128xf32, #tpu.memory_space<vmem>>[vector<16xi32>, vector<16xi32>], vector<16xf32>,
        tpu.vector_store_idx %arg11[%add3A_618, %add3A_445], %gather3A_620 : memref<32x128xf32, #tpu.memory_space<vmem>>[vector<16xi32>, vector<16xi32>], vector<16xf32>,
        %add3A_621 = arith.constant 0 : i32
        %add3A_622 = vector.broadcast %add3A_621 : i32 to vector<16xi32>
        %add3A_623 = arith.addi %add3A_622, %iota3A_413 : vector<16xi32>
        %and3A_624 = arith.constant 15 : i32
        %and3A_625 = vector.broadcast %and3A_624 : i32 to vector<16xi32>
        %and3A_626 = arith.andi %add3A_623, %and3A_625 : vector<16xi32>
        %add3A_627 = arith.constant 16 : i32
        %add3A_628 = vector.broadcast %add3A_627 : i32 to vector<16xi32>
        %add3A_629 = arith.addi %and3A_626, %add3A_628 : vector<16xi32>
        %add3A_630 = arith.addi %shift_left3A_443, %add3A_629 : vector<16xi32>
        %gather3A_631 = tpu.vector_load_idx %arg9[%add3A_445, %add3A_630] : memref<128x128xf32, #tpu.memory_space<vmem>>[vector<16xi32>, vector<16xi32>], vector<16xf32>,
        tpu.vector_store_idx %arg11[%add3A_629, %add3A_445], %gather3A_631 : memref<32x128xf32, #tpu.memory_space<vmem>>[vector<16xi32>, vector<16xi32>], vector<16xf32>,
        %add3A_632 = arith.constant 1 : i32
        %add3A_633 = vector.broadcast %add3A_632 : i32 to vector<16xi32>
        %add3A_634 = arith.addi %add3A_633, %iota3A_413 : vector<16xi32>
        %and3A_635 = arith.constant 15 : i32
        %and3A_636 = vector.broadcast %and3A_635 : i32 to vector<16xi32>
        %and3A_637 = arith.andi %add3A_634, %and3A_636 : vector<16xi32>
        %add3A_638 = arith.constant 16 : i32
        %add3A_639 = vector.broadcast %add3A_638 : i32 to vector<16xi32>
        %add3A_640 = arith.addi %and3A_637, %add3A_639 : vector<16xi32>
        %add3A_641 = arith.addi %shift_left3A_443, %add3A_640 : vector<16xi32>
        %gather3A_642 = tpu.vector_load_idx %arg9[%add3A_445, %add3A_641] : memref<128x128xf32, #tpu.memory_space<vmem>>[vector<16xi32>, vector<16xi32>], vector<16xf32>,
        tpu.vector_store_idx %arg11[%add3A_640, %add3A_445], %gather3A_642 : memref<32x128xf32, #tpu.memory_space<vmem>>[vector<16xi32>, vector<16xi32>], vector<16xf32>,
        %add3A_643 = arith.constant 2 : i32
        %add3A_644 = vector.broadcast %add3A_643 : i32 to vector<16xi32>
        %add3A_645 = arith.addi %add3A_644, %iota3A_413 : vector<16xi32>
        %and3A_646 = arith.constant 15 : i32
        %and3A_647 = vector.broadcast %and3A_646 : i32 to vector<16xi32>
        %and3A_648 = arith.andi %add3A_645, %and3A_647 : vector<16xi32>
        %add3A_649 = arith.constant 16 : i32
        %add3A_650 = vector.broadcast %add3A_649 : i32 to vector<16xi32>
        %add3A_651 = arith.addi %and3A_648, %add3A_650 : vector<16xi32>
        %add3A_652 = arith.addi %shift_left3A_443, %add3A_651 : vector<16xi32>
        %gather3A_653 = tpu.vector_load_idx %arg9[%add3A_445, %add3A_652] : memref<128x128xf32, #tpu.memory_space<vmem>>[vector<16xi32>, vector<16xi32>], vector<16xf32>,
        tpu.vector_store_idx %arg11[%add3A_651, %add3A_445], %gather3A_653 : memref<32x128xf32, #tpu.memory_space<vmem>>[vector<16xi32>, vector<16xi32>], vector<16xf32>,
        %add3A_654 = arith.constant 3 : i32
        %add3A_655 = vector.broadcast %add3A_654 : i32 to vector<16xi32>
        %add3A_656 = arith.addi %add3A_655, %iota3A_413 : vector<16xi32>
        %and3A_657 = arith.constant 15 : i32
        %and3A_658 = vector.broadcast %and3A_657 : i32 to vector<16xi32>
        %and3A_659 = arith.andi %add3A_656, %and3A_658 : vector<16xi32>
        %add3A_660 = arith.constant 16 : i32
        %add3A_661 = vector.broadcast %add3A_660 : i32 to vector<16xi32>
        %add3A_662 = arith.addi %and3A_659, %add3A_661 : vector<16xi32>
        %add3A_663 = arith.addi %shift_left3A_443, %add3A_662 : vector<16xi32>
        %gather3A_664 = tpu.vector_load_idx %arg9[%add3A_445, %add3A_663] : memref<128x128xf32, #tpu.memory_space<vmem>>[vector<16xi32>, vector<16xi32>], vector<16xf32>,
        tpu.vector_store_idx %arg11[%add3A_662, %add3A_445], %gather3A_664 : memref<32x128xf32, #tpu.memory_space<vmem>>[vector<16xi32>, vector<16xi32>], vector<16xf32>,
        %add3A_665 = arith.constant 4 : i32
        %add3A_666 = vector.broadcast %add3A_665 : i32 to vector<16xi32>
        %add3A_667 = arith.addi %add3A_666, %iota3A_413 : vector<16xi32>
        %and3A_668 = arith.constant 15 : i32
        %and3A_669 = vector.broadcast %and3A_668 : i32 to vector<16xi32>
        %and3A_670 = arith.andi %add3A_667, %and3A_669 : vector<16xi32>
        %add3A_671 = arith.constant 16 : i32
        %add3A_672 = vector.broadcast %add3A_671 : i32 to vector<16xi32>
        %add3A_673 = arith.addi %and3A_670, %add3A_672 : vector<16xi32>
        %add3A_674 = arith.addi %shift_left3A_443, %add3A_673 : vector<16xi32>
        %gather3A_675 = tpu.vector_load_idx %arg9[%add3A_445, %add3A_674] : memref<128x128xf32, #tpu.memory_space<vmem>>[vector<16xi32>, vector<16xi32>], vector<16xf32>,
        tpu.vector_store_idx %arg11[%add3A_673, %add3A_445], %gather3A_675 : memref<32x128xf32, #tpu.memory_space<vmem>>[vector<16xi32>, vector<16xi32>], vector<16xf32>,
        %add3A_676 = arith.constant 5 : i32
        %add3A_677 = vector.broadcast %add3A_676 : i32 to vector<16xi32>
        %add3A_678 = arith.addi %add3A_677, %iota3A_413 : vector<16xi32>
        %and3A_679 = arith.constant 15 : i32
        %and3A_680 = vector.broadcast %and3A_679 : i32 to vector<16xi32>
        %and3A_681 = arith.andi %add3A_678, %and3A_680 : vector<16xi32>
        %add3A_682 = arith.constant 16 : i32
        %add3A_683 = vector.broadcast %add3A_682 : i32 to vector<16xi32>
        %add3A_684 = arith.addi %and3A_681, %add3A_683 : vector<16xi32>
        %add3A_685 = arith.addi %shift_left3A_443, %add3A_684 : vector<16xi32>
        %gather3A_686 = tpu.vector_load_idx %arg9[%add3A_445, %add3A_685] : memref<128x128xf32, #tpu.memory_space<vmem>>[vector<16xi32>, vector<16xi32>], vector<16xf32>,
        tpu.vector_store_idx %arg11[%add3A_684, %add3A_445], %gather3A_686 : memref<32x128xf32, #tpu.memory_space<vmem>>[vector<16xi32>, vector<16xi32>], vector<16xf32>,
        %add3A_687 = arith.constant 6 : i32
        %add3A_688 = vector.broadcast %add3A_687 : i32 to vector<16xi32>
        %add3A_689 = arith.addi %add3A_688, %iota3A_413 : vector<16xi32>
        %and3A_690 = arith.constant 15 : i32
        %and3A_691 = vector.broadcast %and3A_690 : i32 to vector<16xi32>
        %and3A_692 = arith.andi %add3A_689, %and3A_691 : vector<16xi32>
        %add3A_693 = arith.constant 16 : i32
        %add3A_694 = vector.broadcast %add3A_693 : i32 to vector<16xi32>
        %add3A_695 = arith.addi %and3A_692, %add3A_694 : vector<16xi32>
        %add3A_696 = arith.addi %shift_left3A_443, %add3A_695 : vector<16xi32>
        %gather3A_697 = tpu.vector_load_idx %arg9[%add3A_445, %add3A_696] : memref<128x128xf32, #tpu.memory_space<vmem>>[vector<16xi32>, vector<16xi32>], vector<16xf32>,
        tpu.vector_store_idx %arg11[%add3A_695, %add3A_445], %gather3A_697 : memref<32x128xf32, #tpu.memory_space<vmem>>[vector<16xi32>, vector<16xi32>], vector<16xf32>,
        %add3A_698 = arith.constant 7 : i32
        %add3A_699 = vector.broadcast %add3A_698 : i32 to vector<16xi32>
        %add3A_700 = arith.addi %add3A_699, %iota3A_413 : vector<16xi32>
        %and3A_701 = arith.constant 15 : i32
        %and3A_702 = vector.broadcast %and3A_701 : i32 to vector<16xi32>
        %and3A_703 = arith.andi %add3A_700, %and3A_702 : vector<16xi32>
        %add3A_704 = arith.constant 16 : i32
        %add3A_705 = vector.broadcast %add3A_704 : i32 to vector<16xi32>
        %add3A_706 = arith.addi %and3A_703, %add3A_705 : vector<16xi32>
        %add3A_707 = arith.addi %shift_left3A_443, %add3A_706 : vector<16xi32>
        %gather3A_708 = tpu.vector_load_idx %arg9[%add3A_445, %add3A_707] : memref<128x128xf32, #tpu.memory_space<vmem>>[vector<16xi32>, vector<16xi32>], vector<16xf32>,
        tpu.vector_store_idx %arg11[%add3A_706, %add3A_445], %gather3A_708 : memref<32x128xf32, #tpu.memory_space<vmem>>[vector<16xi32>, vector<16xi32>], vector<16xf32>,
        %add3A_709 = arith.constant 8 : i32
        %add3A_710 = vector.broadcast %add3A_709 : i32 to vector<16xi32>
        %add3A_711 = arith.addi %add3A_710, %iota3A_413 : vector<16xi32>
        %and3A_712 = arith.constant 15 : i32
        %and3A_713 = vector.broadcast %and3A_712 : i32 to vector<16xi32>
        %and3A_714 = arith.andi %add3A_711, %and3A_713 : vector<16xi32>
        %add3A_715 = arith.constant 16 : i32
        %add3A_716 = vector.broadcast %add3A_715 : i32 to vector<16xi32>
        %add3A_717 = arith.addi %and3A_714, %add3A_716 : vector<16xi32>
        %add3A_718 = arith.addi %shift_left3A_443, %add3A_717 : vector<16xi32>
        %gather3A_719 = tpu.vector_load_idx %arg9[%add3A_445, %add3A_718] : memref<128x128xf32, #tpu.memory_space<vmem>>[vector<16xi32>, vector<16xi32>], vector<16xf32>,
        tpu.vector_store_idx %arg11[%add3A_717, %add3A_445], %gather3A_719 : memref<32x128xf32, #tpu.memory_space<vmem>>[vector<16xi32>, vector<16xi32>], vector<16xf32>,
        %add3A_720 = arith.constant 9 : i32
        %add3A_721 = vector.broadcast %add3A_720 : i32 to vector<16xi32>
        %add3A_722 = arith.addi %add3A_721, %iota3A_413 : vector<16xi32>
        %and3A_723 = arith.constant 15 : i32
        %and3A_724 = vector.broadcast %and3A_723 : i32 to vector<16xi32>
        %and3A_725 = arith.andi %add3A_722, %and3A_724 : vector<16xi32>
        %add3A_726 = arith.constant 16 : i32
        %add3A_727 = vector.broadcast %add3A_726 : i32 to vector<16xi32>
        %add3A_728 = arith.addi %and3A_725, %add3A_727 : vector<16xi32>
        %add3A_729 = arith.addi %shift_left3A_443, %add3A_728 : vector<16xi32>
        %gather3A_730 = tpu.vector_load_idx %arg9[%add3A_445, %add3A_729] : memref<128x128xf32, #tpu.memory_space<vmem>>[vector<16xi32>, vector<16xi32>], vector<16xf32>,
        tpu.vector_store_idx %arg11[%add3A_728, %add3A_445], %gather3A_730 : memref<32x128xf32, #tpu.memory_space<vmem>>[vector<16xi32>, vector<16xi32>], vector<16xf32>,
        %add3A_731 = arith.constant 10 : i32
        %add3A_732 = vector.broadcast %add3A_731 : i32 to vector<16xi32>
        %add3A_733 = arith.addi %add3A_732, %iota3A_413 : vector<16xi32>
        %and3A_734 = arith.constant 15 : i32
        %and3A_735 = vector.broadcast %and3A_734 : i32 to vector<16xi32>
        %and3A_736 = arith.andi %add3A_733, %and3A_735 : vector<16xi32>
        %add3A_737 = arith.constant 16 : i32
        %add3A_738 = vector.broadcast %add3A_737 : i32 to vector<16xi32>
        %add3A_739 = arith.addi %and3A_736, %add3A_738 : vector<16xi32>
        %add3A_740 = arith.addi %shift_left3A_443, %add3A_739 : vector<16xi32>
        %gather3A_741 = tpu.vector_load_idx %arg9[%add3A_445, %add3A_740] : memref<128x128xf32, #tpu.memory_space<vmem>>[vector<16xi32>, vector<16xi32>], vector<16xf32>,
        tpu.vector_store_idx %arg11[%add3A_739, %add3A_445], %gather3A_741 : memref<32x128xf32, #tpu.memory_space<vmem>>[vector<16xi32>, vector<16xi32>], vector<16xf32>,
        %add3A_742 = arith.constant 11 : i32
        %add3A_743 = vector.broadcast %add3A_742 : i32 to vector<16xi32>
        %add3A_744 = arith.addi %add3A_743, %iota3A_413 : vector<16xi32>
        %and3A_745 = arith.constant 15 : i32
        %and3A_746 = vector.broadcast %and3A_745 : i32 to vector<16xi32>
        %and3A_747 = arith.andi %add3A_744, %and3A_746 : vector<16xi32>
        %add3A_748 = arith.constant 16 : i32
        %add3A_749 = vector.broadcast %add3A_748 : i32 to vector<16xi32>
        %add3A_750 = arith.addi %and3A_747, %add3A_749 : vector<16xi32>
        %add3A_751 = arith.addi %shift_left3A_443, %add3A_750 : vector<16xi32>
        %gather3A_752 = tpu.vector_load_idx %arg9[%add3A_445, %add3A_751] : memref<128x128xf32, #tpu.memory_space<vmem>>[vector<16xi32>, vector<16xi32>], vector<16xf32>,
        tpu.vector_store_idx %arg11[%add3A_750, %add3A_445], %gather3A_752 : memref<32x128xf32, #tpu.memory_space<vmem>>[vector<16xi32>, vector<16xi32>], vector<16xf32>,
        %add3A_753 = arith.constant 12 : i32
        %add3A_754 = vector.broadcast %add3A_753 : i32 to vector<16xi32>
        %add3A_755 = arith.addi %add3A_754, %iota3A_413 : vector<16xi32>
        %and3A_756 = arith.constant 15 : i32
        %and3A_757 = vector.broadcast %and3A_756 : i32 to vector<16xi32>
        %and3A_758 = arith.andi %add3A_755, %and3A_757 : vector<16xi32>
        %add3A_759 = arith.constant 16 : i32
        %add3A_760 = vector.broadcast %add3A_759 : i32 to vector<16xi32>
        %add3A_761 = arith.addi %and3A_758, %add3A_760 : vector<16xi32>
        %add3A_762 = arith.addi %shift_left3A_443, %add3A_761 : vector<16xi32>
        %gather3A_763 = tpu.vector_load_idx %arg9[%add3A_445, %add3A_762] : memref<128x128xf32, #tpu.memory_space<vmem>>[vector<16xi32>, vector<16xi32>], vector<16xf32>,
        tpu.vector_store_idx %arg11[%add3A_761, %add3A_445], %gather3A_763 : memref<32x128xf32, #tpu.memory_space<vmem>>[vector<16xi32>, vector<16xi32>], vector<16xf32>,
        %add3A_764 = arith.constant 13 : i32
        %add3A_765 = vector.broadcast %add3A_764 : i32 to vector<16xi32>
        %add3A_766 = arith.addi %add3A_765, %iota3A_413 : vector<16xi32>
        %and3A_767 = arith.constant 15 : i32
        %and3A_768 = vector.broadcast %and3A_767 : i32 to vector<16xi32>
        %and3A_769 = arith.andi %add3A_766, %and3A_768 : vector<16xi32>
        %add3A_770 = arith.constant 16 : i32
        %add3A_771 = vector.broadcast %add3A_770 : i32 to vector<16xi32>
        %add3A_772 = arith.addi %and3A_769, %add3A_771 : vector<16xi32>
        %add3A_773 = arith.addi %shift_left3A_443, %add3A_772 : vector<16xi32>
        %gather3A_774 = tpu.vector_load_idx %arg9[%add3A_445, %add3A_773] : memref<128x128xf32, #tpu.memory_space<vmem>>[vector<16xi32>, vector<16xi32>], vector<16xf32>,
        tpu.vector_store_idx %arg11[%add3A_772, %add3A_445], %gather3A_774 : memref<32x128xf32, #tpu.memory_space<vmem>>[vector<16xi32>, vector<16xi32>], vector<16xf32>,
        %add3A_775 = arith.constant 14 : i32
        %add3A_776 = vector.broadcast %add3A_775 : i32 to vector<16xi32>
        %add3A_777 = arith.addi %add3A_776, %iota3A_413 : vector<16xi32>
        %and3A_778 = arith.constant 15 : i32
        %and3A_779 = vector.broadcast %and3A_778 : i32 to vector<16xi32>
        %and3A_780 = arith.andi %add3A_777, %and3A_779 : vector<16xi32>
        %add3A_781 = arith.constant 16 : i32
        %add3A_782 = vector.broadcast %add3A_781 : i32 to vector<16xi32>
        %add3A_783 = arith.addi %and3A_780, %add3A_782 : vector<16xi32>
        %add3A_784 = arith.addi %shift_left3A_443, %add3A_783 : vector<16xi32>
        %gather3A_785 = tpu.vector_load_idx %arg9[%add3A_445, %add3A_784] : memref<128x128xf32, #tpu.memory_space<vmem>>[vector<16xi32>, vector<16xi32>], vector<16xf32>,
        tpu.vector_store_idx %arg11[%add3A_783, %add3A_445], %gather3A_785 : memref<32x128xf32, #tpu.memory_space<vmem>>[vector<16xi32>, vector<16xi32>], vector<16xf32>,
        %add3A_786 = arith.constant 15 : i32
        %add3A_787 = vector.broadcast %add3A_786 : i32 to vector<16xi32>
        %add3A_788 = arith.addi %add3A_787, %iota3A_413 : vector<16xi32>
        %and3A_789 = arith.constant 15 : i32
        %and3A_790 = vector.broadcast %and3A_789 : i32 to vector<16xi32>
        %and3A_791 = arith.andi %add3A_788, %and3A_790 : vector<16xi32>
        %add3A_792 = arith.constant 16 : i32
        %add3A_793 = vector.broadcast %add3A_792 : i32 to vector<16xi32>
        %add3A_794 = arith.addi %and3A_791, %add3A_793 : vector<16xi32>
        %add3A_795 = arith.addi %shift_left3A_443, %add3A_794 : vector<16xi32>
        %gather3A_796 = tpu.vector_load_idx %arg9[%add3A_445, %add3A_795] : memref<128x128xf32, #tpu.memory_space<vmem>>[vector<16xi32>, vector<16xi32>], vector<16xf32>,
        tpu.vector_store_idx %arg11[%add3A_794, %add3A_445], %gather3A_796 : memref<32x128xf32, #tpu.memory_space<vmem>>[vector<16xi32>, vector<16xi32>], vector<16xf32>,
      }
      %scan3A_418 = arith.constant 8 : i32
      %add3A_419 = arith.constant 384 : i32
      %add3A_420 = arith.addi %mul3A_2, %add3A_419 : i32
      %dma_start3A_421 = arith.constant 0 : i32
      %dma_start3A_422 = tpu.memref_slice %arg4[%scan3A_320, %dma_start3A_421, %add3A_420] : memref<50x32x16384xf32, #tpu.memory_space<hbm>> -> memref<1x32x128xf32, #tpu.memory_space<hbm>>
      %dma_start3A_423 = tpu.memref_squeeze %dma_start3A_422 : memref<1x32x128xf32, #tpu.memory_space<hbm>> -> memref<32x128xf32, #tpu.memory_space<hbm>>
      %dma_start3A_424 = arith.constant 0 : i32
      %dma_start3A_425 = tpu.memref_slice %arg4[%scan3A_320, %dma_start3A_424, %add3A_420] : memref<50x32x16384xf32, #tpu.memory_space<hbm>> -> memref<1x32x128xf32, #tpu.memory_space<hbm>>
      %dma_start3A_426 = tpu.memref_squeeze %dma_start3A_425 : memref<1x32x128xf32, #tpu.memory_space<hbm>> -> memref<32x128xf32, #tpu.memory_space<hbm>>
      tpu.enqueue_dma source(%arg11 : memref<32x128xf32, #tpu.memory_space<vmem>>) target(%dma_start3A_426 : memref<32x128xf32, #tpu.memory_space<hbm>>) target_semaphore(%arg21 : memref<!tpu.dma_semaphore, #tpu.memory_space<semaphore_mem>>)
      %lt3A_427 = arith.constant 49 : i32
      %lt3A_428 = arith.cmpi slt, %scan3A_320, %lt3A_427 : i32
      %convert_element_type3A_429 = arith.extui %lt3A_428 : i1 to i32
      %cond3A_430 = arith.constant 0 : i32
      %cond3A_431 = arith.cmpi ne, %convert_element_type3A_429, %cond3A_430 : i32
      scf.if %cond3A_431 {
        %add3A_432 = arith.constant 1 : i32
        %add3A_433 = arith.addi %scan3A_320, %add3A_432 : i32
        %get3A_434 = arith.index_cast %add3A_433 : i32 to index
        %get3A_435 = arith.constant 384 : index
        %get3A_436 = tpu.vector_load %arg5[%get3A_434, %get3A_435] {strides = array<i32>} : memref<50x512xi32, #tpu.memory_space<vmem>>, vector<16xi32>,
        %shift_right_arithmetic3A_437 = arith.constant 2 : i32
        %shift_right_arithmetic3A_438 = vector.broadcast %shift_right_arithmetic3A_437 : i32 to vector<16xi32>
        %shift_right_arithmetic3A_439 = arith.shrsi %get3A_436, %shift_right_arithmetic3A_438 : vector<16xi32>
        %swap3A_440 = arith.constant 0 : index
        %swap3A_441 = tpu.vector_load %arg15[%swap3A_440] {strides = array<i32>} : memref<128xi32, #tpu.memory_space<vmem>>, vector<16xi32>,
        tpu.vector_store %arg15[%swap3A_440], %shift_right_arithmetic3A_439 {strides = array<i32>} : memref<128xi32, #tpu.memory_space<vmem>>, vector<16xi32>,
        %get3A_442 = arith.index_cast %add3A_433 : i32 to index
        %get3A_443 = arith.constant 400 : index
        %get3A_444 = tpu.vector_load %arg5[%get3A_442, %get3A_443] {strides = array<i32>} : memref<50x512xi32, #tpu.memory_space<vmem>>, vector<16xi32>,
        %shift_right_arithmetic3A_445 = arith.constant 2 : i32
        %shift_right_arithmetic3A_446 = vector.broadcast %shift_right_arithmetic3A_445 : i32 to vector<16xi32>
        %shift_right_arithmetic3A_447 = arith.shrsi %get3A_444, %shift_right_arithmetic3A_446 : vector<16xi32>
        %swap3A_448 = arith.constant 16 : index
        %swap3A_449 = tpu.vector_load %arg15[%swap3A_448] {strides = array<i32>} : memref<128xi32, #tpu.memory_space<vmem>>, vector<16xi32>,
        tpu.vector_store %arg15[%swap3A_448], %shift_right_arithmetic3A_447 {strides = array<i32>} : memref<128xi32, #tpu.memory_space<vmem>>, vector<16xi32>,
        %get3A_450 = arith.index_cast %add3A_433 : i32 to index
        %get3A_451 = arith.constant 416 : index
        %get3A_452 = tpu.vector_load %arg5[%get3A_450, %get3A_451] {strides = array<i32>} : memref<50x512xi32, #tpu.memory_space<vmem>>, vector<16xi32>,
        %shift_right_arithmetic3A_453 = arith.constant 2 : i32
        %shift_right_arithmetic3A_454 = vector.broadcast %shift_right_arithmetic3A_453 : i32 to vector<16xi32>
        %shift_right_arithmetic3A_455 = arith.shrsi %get3A_452, %shift_right_arithmetic3A_454 : vector<16xi32>
        %swap3A_456 = arith.constant 32 : index
        %swap3A_457 = tpu.vector_load %arg15[%swap3A_456] {strides = array<i32>} : memref<128xi32, #tpu.memory_space<vmem>>, vector<16xi32>,
        tpu.vector_store %arg15[%swap3A_456], %shift_right_arithmetic3A_455 {strides = array<i32>} : memref<128xi32, #tpu.memory_space<vmem>>, vector<16xi32>,
        %get3A_458 = arith.index_cast %add3A_433 : i32 to index
        %get3A_459 = arith.constant 432 : index
        %get3A_460 = tpu.vector_load %arg5[%get3A_458, %get3A_459] {strides = array<i32>} : memref<50x512xi32, #tpu.memory_space<vmem>>, vector<16xi32>,
        %shift_right_arithmetic3A_461 = arith.constant 2 : i32
        %shift_right_arithmetic3A_462 = vector.broadcast %shift_right_arithmetic3A_461 : i32 to vector<16xi32>
        %shift_right_arithmetic3A_463 = arith.shrsi %get3A_460, %shift_right_arithmetic3A_462 : vector<16xi32>
        %swap3A_464 = arith.constant 48 : index
        %swap3A_465 = tpu.vector_load %arg15[%swap3A_464] {strides = array<i32>} : memref<128xi32, #tpu.memory_space<vmem>>, vector<16xi32>,
        tpu.vector_store %arg15[%swap3A_464], %shift_right_arithmetic3A_463 {strides = array<i32>} : memref<128xi32, #tpu.memory_space<vmem>>, vector<16xi32>,
        %get3A_466 = arith.index_cast %add3A_433 : i32 to index
        %get3A_467 = arith.constant 448 : index
        %get3A_468 = tpu.vector_load %arg5[%get3A_466, %get3A_467] {strides = array<i32>} : memref<50x512xi32, #tpu.memory_space<vmem>>, vector<16xi32>,
        %shift_right_arithmetic3A_469 = arith.constant 2 : i32
        %shift_right_arithmetic3A_470 = vector.broadcast %shift_right_arithmetic3A_469 : i32 to vector<16xi32>
        %shift_right_arithmetic3A_471 = arith.shrsi %get3A_468, %shift_right_arithmetic3A_470 : vector<16xi32>
        %swap3A_472 = arith.constant 64 : index
        %swap3A_473 = tpu.vector_load %arg15[%swap3A_472] {strides = array<i32>} : memref<128xi32, #tpu.memory_space<vmem>>, vector<16xi32>,
        tpu.vector_store %arg15[%swap3A_472], %shift_right_arithmetic3A_471 {strides = array<i32>} : memref<128xi32, #tpu.memory_space<vmem>>, vector<16xi32>,
        %get3A_474 = arith.index_cast %add3A_433 : i32 to index
        %get3A_475 = arith.constant 464 : index
        %get3A_476 = tpu.vector_load %arg5[%get3A_474, %get3A_475] {strides = array<i32>} : memref<50x512xi32, #tpu.memory_space<vmem>>, vector<16xi32>,
        %shift_right_arithmetic3A_477 = arith.constant 2 : i32
        %shift_right_arithmetic3A_478 = vector.broadcast %shift_right_arithmetic3A_477 : i32 to vector<16xi32>
        %shift_right_arithmetic3A_479 = arith.shrsi %get3A_476, %shift_right_arithmetic3A_478 : vector<16xi32>
        %swap3A_480 = arith.constant 80 : index
        %swap3A_481 = tpu.vector_load %arg15[%swap3A_480] {strides = array<i32>} : memref<128xi32, #tpu.memory_space<vmem>>, vector<16xi32>,
        tpu.vector_store %arg15[%swap3A_480], %shift_right_arithmetic3A_479 {strides = array<i32>} : memref<128xi32, #tpu.memory_space<vmem>>, vector<16xi32>,
        %get3A_482 = arith.index_cast %add3A_433 : i32 to index
        %get3A_483 = arith.constant 480 : index
        %get3A_484 = tpu.vector_load %arg5[%get3A_482, %get3A_483] {strides = array<i32>} : memref<50x512xi32, #tpu.memory_space<vmem>>, vector<16xi32>,
        %shift_right_arithmetic3A_485 = arith.constant 2 : i32
        %shift_right_arithmetic3A_486 = vector.broadcast %shift_right_arithmetic3A_485 : i32 to vector<16xi32>
        %shift_right_arithmetic3A_487 = arith.shrsi %get3A_484, %shift_right_arithmetic3A_486 : vector<16xi32>
        %swap3A_488 = arith.constant 96 : index
        %swap3A_489 = tpu.vector_load %arg15[%swap3A_488] {strides = array<i32>} : memref<128xi32, #tpu.memory_space<vmem>>, vector<16xi32>,
        tpu.vector_store %arg15[%swap3A_488], %shift_right_arithmetic3A_487 {strides = array<i32>} : memref<128xi32, #tpu.memory_space<vmem>>, vector<16xi32>,
        %get3A_490 = arith.index_cast %add3A_433 : i32 to index
        %get3A_491 = arith.constant 496 : index
        %get3A_492 = tpu.vector_load %arg5[%get3A_490, %get3A_491] {strides = array<i32>} : memref<50x512xi32, #tpu.memory_space<vmem>>, vector<16xi32>,
        %shift_right_arithmetic3A_493 = arith.constant 2 : i32
        %shift_right_arithmetic3A_494 = vector.broadcast %shift_right_arithmetic3A_493 : i32 to vector<16xi32>
        %shift_right_arithmetic3A_495 = arith.shrsi %get3A_492, %shift_right_arithmetic3A_494 : vector<16xi32>
        %swap3A_496 = arith.constant 112 : index
        %swap3A_497 = tpu.vector_load %arg15[%swap3A_496] {strides = array<i32>} : memref<128xi32, #tpu.memory_space<vmem>>, vector<16xi32>,
        tpu.vector_store %arg15[%swap3A_496], %shift_right_arithmetic3A_495 {strides = array<i32>} : memref<128xi32, #tpu.memory_space<vmem>>, vector<16xi32>,
        %dma_start3A_498 = arith.constant 0 : i32
        %dma_start3A_499 = arith.constant 0 : i32
        %dma_start3A_500 = tpu.memref_slice %arg3[%dma_start3A_498, %dma_start3A_499] : memref<250000x128xf32, #tpu.memory_space<hbm>> -> memref<250000x128xf32, #tpu.memory_space<hbm>>
        tpu.enqueue_indirect_dma source(%dma_start3A_500 : memref<250000x128xf32, #tpu.memory_space<hbm>>) target(%arg9 : memref<128x128xf32, #tpu.memory_space<vmem>>) offsets(%arg15 : memref<128xi32, #tpu.memory_space<vmem>>) semaphore(%arg19 : memref<!tpu.dma_semaphore, #tpu.memory_space<semaphore_mem>>)
      } else {
      }
    }
    %scan3A_302 = arith.constant 50 : i32
    %dma_wait3A = arith.constant 0 : i32
    %dma_wait3A_303 = arith.constant 0 : i32
    %dma_wait3A_304 = arith.constant 0 : i32
    %dma_wait3A_305 = tpu.memref_slice %arg4[%dma_wait3A, %dma_wait3A_303, %dma_wait3A_304] : memref<50x32x16384xf32, #tpu.memory_space<hbm>> -> memref<1x32x128xf32, #tpu.memory_space<hbm>>
    %dma_wait3A_306 = tpu.memref_squeeze %dma_wait3A_305 : memref<1x32x128xf32, #tpu.memory_space<hbm>> -> memref<32x128xf32, #tpu.memory_space<hbm>>
    %dma_wait3A_307 = arith.constant 0 : i32
    %dma_wait3A_308 = arith.constant 0 : i32
    %dma_wait3A_309 = tpu.memref_slice %arg4[%dma_wait3A, %dma_wait3A_307, %dma_wait3A_308] : memref<50x32x16384xf32, #tpu.memory_space<hbm>> -> memref<1x32x128xf32, #tpu.memory_space<hbm>>
    %dma_wait3A_310 = tpu.memref_squeeze %dma_wait3A_309 : memref<1x32x128xf32, #tpu.memory_space<hbm>> -> memref<32x128xf32, #tpu.memory_space<hbm>>
    tpu.wait_dma2 semaphore(%arg20 : memref<!tpu.dma_semaphore, #tpu.memory_space<semaphore_mem>>) src(%arg10 : memref<32x128xf32, #tpu.memory_space<vmem>>) dst(%dma_wait3A_310 : memref<32x128xf32, #tpu.memory_space<hbm>>)
    %dma_wait3A_311 = arith.constant 0 : i32
    %dma_wait3A_312 = arith.constant 0 : i32
    %dma_wait3A_313 = arith.constant 0 : i32
    %dma_wait3A_314 = tpu.memref_slice %arg4[%dma_wait3A_311, %dma_wait3A_312, %dma_wait3A_313] : memref<50x32x16384xf32, #tpu.memory_space<hbm>> -> memref<1x32x128xf32, #tpu.memory_space<hbm>>
    %dma_wait3A_315 = tpu.memref_squeeze %dma_wait3A_314 : memref<1x32x128xf32, #tpu.memory_space<hbm>> -> memref<32x128xf32, #tpu.memory_space<hbm>>
    %dma_wait3A_316 = arith.constant 0 : i32
    %dma_wait3A_317 = arith.constant 0 : i32
    %dma_wait3A_318 = tpu.memref_slice %arg4[%dma_wait3A_311, %dma_wait3A_316, %dma_wait3A_317] : memref<50x32x16384xf32, #tpu.memory_space<hbm>> -> memref<1x32x128xf32, #tpu.memory_space<hbm>>
    %dma_wait3A_319 = tpu.memref_squeeze %dma_wait3A_318 : memref<1x32x128xf32, #tpu.memory_space<hbm>> -> memref<32x128xf32, #tpu.memory_space<hbm>>
    tpu.wait_dma2 semaphore(%arg21 : memref<!tpu.dma_semaphore, #tpu.memory_space<semaphore_mem>>) src(%arg11 : memref<32x128xf32, #tpu.memory_space<vmem>>) dst(%dma_wait3A_319 : memref<32x128xf32, #tpu.memory_space<hbm>>)
    return
  }
}

</mosaic_0001>

<sc_bundles>
// kernel: kernel.3.cloned.1.call-start
scs
__scs_entry_jumppad:
0x0: {  	(pc) =	sbr.rel $0x88, $3  }
0x1: {  	(tag) =	ssettag $0x0;
	lr =	simm.s32 $0x1  }
0x2: {  	[smem:$0x3F9F] =	sst lr;
	_ =	strace $0xD0000000  }
0x3: {  	_ = 	snop  }
0x4: {  	_ = 	snop  }
0x5: {  	_ = 	snop  }
0x6: {  	_ = 	snop  }
0x7: {  	_ = 	snop  }
__scs_overlays_trampoline_lowered:
0x8: {  	[smem:$0x3FAE] =	sst s0  }
0x9: {  	[smem:$0x3FAF] =	sst s1  }
0xa: {  	[smem:$0x3FB0] =	sst s2  }
0xb: {  	[smem:$0x3FB1] =	sst s3  }
0xc: {  	[smem:$0x3FB2] =	sst s4  }
0xd: {  	[smem:$0x3FB3] =	sst s5  }
0xe: {  	[smem:$0x3FB4] =	sst s6  }
0xf: {  	[smem:$0x3FB5] =	sst s7  }
0x10: {  	[smem:$0x3FB6] =	sst s8  }
0x11: {  	[smem:$0x3FB7] =	sst s9;
	s0 =	simm.s32 @!p0 $0x0  }
0x12: {  	s1 =	sld [smem:$0x3F9D];
	s0 =	simm.s32 @p0 $0x1  }
0x13: {  	[smem:$0x3FB8] =	sst s0;
	s0 =	simm.s32 @!p1 $0x0  }
0x14: {  	s2 =	sld [smem:$0x3F9C];
	s0 =	simm.s32 @p1 $0x1  }
0x15: {  	[smem:$0x3FB9] =	sst s0;
	s0 =	simm.s32 @!p2 $0x0  }
0x16: {  	s3 =	sld [smem:$0x3FDB];
	s0 =	simm.s32 @p2 $0x1  }
0x17: {  	s4 =	simm.s32 $0x1BF5;
	[smem:$0x3FBB] =	sst s0  }
0x18: {  	s0 =	sld [smem:$0x3F9E];
	_ =	swait.ge [sflag:s4], $0x0  }
0x19: {  	s7 =	sld [smem:$0x3F9F]  }
0x1a: {  	s8 =	sadd.s32 $0xFFFFE003, lr  }
0x1b: {  	s9 =	sadd.s32 $0xFFFFFEF7, lr;
	s5 =	simm.s32 $0xFFFFFFFF;
	p2 =	slt.u32 s8, $0xFFFFF086  }
0x1c: {  	p1 =	slt.u32 s9, $0xF7A;
	s5 =	simm.s32 @!p2 $0x0  }
0x1d: {  	s5 =	simm.s32 @p1 $0x1;
	p0 =	seq.s32 s7, s2  }
0x1e: {  	s7 =	smul.u32 @!p0 $0xF7A, s2;
	p2 =	seq.s32 @!p0 s5, $0x0  }
0x1f: {  	s9 =	smul.u32 $0xF7A, s1;
	s8 =	simm.s32 @!p0 $0x1BF5;
	p2 =	por !p2, p0  }
0x20: {  	[sflag:s8] =	ssyncset.s32 @!p0 $0xFFFFF086;
	s6 =	sadd.s32 @!p0 s3, s7;
	s7 =	simm.s32 @!p0 $0x108  }
0x21: {  	s3 =	sadd.s32 s3, s9;
	s6 =	sadd.s32 @!p0 $0x88, s6;
	s7 =	simm.s32 @p2 $0x1082  }
0x22: {  	[simem:s7], [sflag:s8] =	dma.local @!p0 [hbm:s6], $0xF7A  }
0x23: {  	s9 =	sor.u32 $0xD0000000, s2;
	s6 =	simm.s32 $0x108;
	_ =	swait.ge @!p0 [sflag:s8], $0x0  }
0x24: {  	s3 =	sadd.s32 $0x88, s3;
	s6 =	simm.s32 @!p1 $0x1082;
	[sflag:s4] =	ssyncset.s32 $0xFFFFF086  }
0x25: {  	[simem:s6], [sflag:s4] =	dma.local [hbm:s3], $0xF7A  }
0x26: {  	[smem:$0x3F9F] =	sst s1;
	(tag) =	ssettag s2;
	_ =	strace s9  }
0x27: {  	s1 =	sld [smem:$0x3FAF]  }
0x28: {  	s2 =	sld [smem:$0x3FB0]  }
0x29: {  	s4 =	sld [smem:$0x3FB2]  }
0x2a: {  	p0 =	seq.s32 s5, $0x0;
	s5 =	sld [smem:$0x3FB3]  }
0x2b: {  	s6 =	sld [smem:$0x3FB4]  }
0x2c: {  	s7 =	sld [smem:$0x3FB5]  }
0x2d: {  	s3 =	simm.s32 $0x108;
	s8 =	sld [smem:$0x3FB6]  }
0x2e: {  	s3 =	simm.s32 @!p0 $0x1082;
	s9 =	sld [smem:$0x3FB7]  }
0x2f: {  	lr =	sadd.s32 s0, s3;
	s0 =	sld [smem:$0x3FAE]  }
0x30: {  	s3 =	sld [smem:$0x3FB1]  }
0x31: {  	[smem:$0x3FBA] =	sst s10  }
0x32: {  	s10 =	sld [smem:$0x3FB8];
	_ =	sdelay $0x3  }
0x33: {  	p0 =	seq.s32 s10, $0x1;
	s10 =	sld [smem:$0x3FBA];
	_ =	sdelay $0x3  }
0x34: {  	[smem:$0x3FBA] =	sst s10  }
0x35: {  	s10 =	sld [smem:$0x3FB9];
	_ =	sdelay $0x3  }
0x36: {  	p1 =	seq.s32 s10, $0x1;
	s10 =	sld [smem:$0x3FBA];
	_ =	sdelay $0x3  }
0x37: {  	[smem:$0x3FBA] =	sst s10  }
0x38: {  	s10 =	sld [smem:$0x3FBB]  }
0x39: {  	_ = 	snop;
	(pc) =	sbr.ind lr, $3  }
0x3a: {  	_ = 	snop  }
0x3b: {  	_ = 	snop  }
0x3c: {  	p2 =	seq.s32 s10, $0x1;
	s10 =	sld [smem:$0x3FBA]  }
0x3d: {  	_ =	shalt  }
0x3e: {  	_ =	shalt  }
0x3f: {  	_ =	shalt  }
0x40: {  	_ =	shalt  }
0x41: {  	_ =	shalt  }
0x42: {  	_ =	shalt  }
0x43: {  	_ =	shalt  }
0x44: {  	_ =	shalt  }
0x45: {  	_ =	shalt  }
0x46: {  	_ =	shalt  }
0x47: {  	_ =	shalt  }
0x48: {  	_ =	shalt  }
0x49: {  	_ =	shalt  }
0x4a: {  	_ =	shalt  }
0x4b: {  	_ =	shalt  }
0x4c: {  	_ =	shalt  }
0x4d: {  	_ =	shalt  }
0x4e: {  	_ =	shalt  }
0x4f: {  	_ =	shalt  }
0x50: {  	_ =	shalt  }
0x51: {  	_ =	shalt  }
0x52: {  	_ =	shalt  }
0x53: {  	_ =	shalt  }
0x54: {  	_ =	shalt  }
0x55: {  	_ =	shalt  }
0x56: {  	_ =	shalt  }
0x57: {  	_ =	shalt  }
0x58: {  	_ =	shalt  }
0x59: {  	_ =	shalt  }
0x5a: {  	_ =	shalt  }
0x5b: {  	_ =	shalt  }
0x5c: {  	_ =	shalt  }
0x5d: {  	_ =	shalt  }
0x5e: {  	_ =	shalt  }
0x5f: {  	_ =	shalt  }
0x60: {  	_ =	shalt  }
0x61: {  	_ =	shalt  }
0x62: {  	_ =	shalt  }
0x63: {  	_ =	shalt  }
0x64: {  	_ =	shalt  }
0x65: {  	_ =	shalt  }
0x66: {  	_ =	shalt  }
0x67: {  	_ =	shalt  }
0x68: {  	_ =	shalt  }
0x69: {  	_ =	shalt  }
0x6a: {  	_ =	shalt  }
0x6b: {  	_ =	shalt  }
0x6c: {  	_ =	shalt  }
0x6d: {  	_ =	shalt  }
0x6e: {  	_ =	shalt  }
0x6f: {  	_ =	shalt  }
0x70: {  	_ =	shalt  }
0x71: {  	_ =	shalt  }
0x72: {  	_ =	shalt  }
0x73: {  	_ =	shalt  }
0x74: {  	_ =	shalt  }
0x75: {  	_ =	shalt  }
0x76: {  	_ =	shalt  }
0x77: {  	_ =	shalt  }
0x78: {  	_ =	shalt  }
0x79: {  	_ =	shalt  }
0x7a: {  	_ =	shalt  }
0x7b: {  	_ =	shalt  }
0x7c: {  	_ =	shalt  }
0x7d: {  	_ =	shalt  }
0x7e: {  	_ =	shalt  }
0x7f: {  	_ =	shalt  }
0x80: {  	_ =	shalt  }
0x81: {  	_ =	shalt  }
0x82: {  	_ =	shalt  }
0x83: {  	_ =	shalt  }
0x84: {  	_ =	shalt  }
0x85: {  	_ =	shalt  }
0x86: {  	_ =	shalt  }
0x87: {  	_ =	shalt  }
.Lfunc_end0:
.L_simem_size_0:
called_computation_lowered:
.L_overlay_start_0:
0x88: {  	s2 =	sld [smem:$0x3FD9]  }
0x89: {  	s3 =	sld [smem:$0x3FFE];
	_ =	sdelay $0x1  }
0x8a: {  	s1 =	srdreg.scid  }
0x8b: {  	s0 =	sand.u32 $0x1, s1  }
0x8c: {  	s17 =	sshll.u32 s0, $0xA;
	s2 =	sadd.s32 s3, s2  }
0x8d: {  	s2 =	sadd.s32 s2, s17  }
0x8e: {  	[smem:$0x3FC6] =	sst s2  }
0x8f: {  	_ = 	snop  }
0x90: {  	s2 =	sld [smem:$0x3FC9]  }
0x91: {  	s18 =	sld [smem:$0x3FD0];
	(tm) =	ssettm $0x1  }
0x92: {  	s4 =	sld [smem:$0x3FFB];
	_ =	sdelay $0x3  }
0x93: {  	_ =	strace s4  }
0x94: {  	s4 =	sld [smem:$0x3FFC];
	_ =	sdelay $0x3  }
0x95: {  	_ =	strace s4  }
0x96: {  	s4 =	sld [smem:$0x3FFD];
	_ =	sdelay $0x3  }
0x97: {  	_ =	strace s4  }
0x98: {  	_ =	strace $0x8FFFFFFF  }
0x99: {  	s19 =	sld [smem:$0x3FDB];
	_ =	sdelay $0x1  }
0x9a: {  	s5 =	simm.s32 $_scs_section_size  }
0x9b: {  	s6 =	simm.s32 $_size__tile_overlayer_lowered;
	s7 =	simm.s32 $_tile_overlayer_lowered  }
0x9c: {  	s22 =	simm.s32 $0x1BFF;
	s21 =	sshll.u32 s7, $0x1;
	s4 =	sadd.s32 s5, s19  }
0x9d: {  	s8 =	simm.s32 $0x0;
	s20 =	sshll.u32 s6, $0x1;
	s6 =	sadd.s32 s21, s4  }
0x9e: {  	[timem:s8], [sflag:s22] =	dma.local [hbm:s6], s20  }
0x9f: {  	_ =	swait.ge [sflag:s22], s20  }
0xa0: {  	s5 =	ssub.s32 $0x0, s20;
	[sflag:s22] =	ssyncset.done $0x0  }
0xa1: {  	[sflag:s22] =	ssyncadd.s32 s5;
	_ =	sdelay $0x1  }
0xa2: {  	s23 =	simm.s32 $0x1B8B  }
0xa3: {  	_ =	swait.ge [sflag:s23], $0x1  }
0xa4: {  	[sflag:s23] =	ssyncset.done $0x0  }
0xa5: {  	s25 =	simm.s32 $0x1B8E;
	s24 =	sld [smem:$0x3FFE];
	[sflag:s23] =	ssyncadd.s32 $0xFFFFFFFF  }
0xa6: {  	s26 =	simm.s32 $execute0_lowered;
	[smem:$0x3FD2] =	sst s25  }
0xa7: {  	s6 =	sshll.u32 s26, $0x1;
	_ =	strace $0x80000046;
	[dreg:$0x1] =	wrdreg $0xFFFFFFFF  }
0xa8: {  	s28 =	simm.s32 $_size_execute0_lowered;
	s4 =	sadd.s32 s4, s6;
	[dreg:$0x0] =	wrdreg $0x0  }
0xa9: {  	s6 =	sshll.u32 s28, $0x1;
	[dreg:$0x2] =	wrdreg s4  }
0xaa: {  	[dreg:$0x3] =	wrdreg s6  }
0xab: {  	[dreg:$0x4] =	wrdreg $0xC0  }
0xac: {  	_ =	task [dreg:s8], $0x5FFFF  }
0xad: {  	[dreg:$0x1] =	wrdreg $0xFFFFFFFF  }
0xae: {  	[dreg:$0x0] =	wrdreg $0x60  }
0xaf: {  	[dreg:$0x2] =	wrdreg s2  }
0xb0: {  	[dreg:$0x3] =	wrdreg s24  }
0xb1: {  	[dreg:$0x4] =	wrdreg s18  }
0xb2: {  	[dreg:$0x5] =	wrdreg $0x9  }
0xb3: {  	_ =	task.clear_ibuf [dreg:s8], $0x6FFFF;
	_ =	strace $0x90000046  }
0xb4: {  	s29 =	simm.s32 $0x9;
	_ =	strace $0x80000048  }
0xb5: {  	_ =	swait.ge [sflag:s29], $0x1  }
0xb6: {  	[sflag:s29] =	ssyncadd.s32 $0xFFFFFFFF  }
0xb7: {  	_ =	strace $0x90000048  }
0xb8: {  	_ =	sfence  }
0xb9: {  	s30 =	sld [smem:$0x0];
	_ =	sdelay $0x2  }
0xba: {  	s31 =	sshll.u32 s1, $0xD;
	s1 =	sshrl.u32 s1, $0x2  }
0xbb: {  	s3 =	sand.u32 $0x4000, s31;
	s1 =	sadd.s32 s1, s30  }
0xbc: {  	s0 =	sor.u32 s3, s0;
	s1 =	sshll.u32 s1, $0x11  }
0xbd: {  	s0 =	sor.u32 s1, s0  }
0xbe: {  	s0 =	sadd.s32 $0x8F2B, s0  }
0xbf: {  	[sflag:s0] =	ssyncadd.remote.s32 $0x1  }
0xc0: {  	_ =	sfence.sel $0xFFFF  }
0xc1: {  	[dreg:$0x0] =	wrdreg $0xFFFFFFFF;
	(pc) =	sbr.abs _section_cstart, $3  }
0xc2: {  	[dreg:$0x1] =	wrdreg $0xFFFFFFFF  }
0xc3: {  	_ =	task.clear_ibuf [dreg:s8], $0x2FFFF;
	_ =	strace $0x9FFFFFFF  }
0xc4: {  	(tm) =	ssettm $0x7FFFFFFF  }
0xc5: {  	_ =	shalt  }
tec
execute0_lowered:
.L_overlay_start_1:
0x0: {  	(tag) =	ssettag $0x1  }
0x1: {  	v4 =	vlaneseq.u32;
	v0 =	vimm.s32 $0xFEDCBA9;
	vm14 =	vcmask $0x300  }
0x2: {  	v1 =	vimm.s32 $0xF;
	vm15 =	vcmask $0x704;
	v2 =	vimm.s32 $0x87654321  }
0x3: {  	vm13 =	vcmask $0xB08;
	vm12 =	vcmask $0xF0C;
	vm11 =	vcmask $0x1310  }
0x4: {  	vm10 =	vcmask $0x1714;
	vm9 =	vcmask $0x1B18;
	vm8 =	vcmask $0x1F1C  }
0x5: {  	vm7 =	vcmask $0x2320;
	vm6 =	vcmask $0x2724;
	vm5 =	vcmask $0x2B28  }
0x6: {  	vm4 =	vcmask $0x2F2C;
	vm2 =	vcmask $0x3330;
	vm1 =	vcmask $0x3734  }
0x7: {  	vm3 =	vcmask $0x3B38;
	v5 =	vimm.s32 $0x10FEDCBA;
	v7 =	vimm.s32 $0x10F  }
0x8: {  	v12 =	vimm.s32 $0xCBA98765;
	v17 =	vimm.s32 $0x38F;
	v46 =	vimm.s32 $0x58F  }
0x9: {  	v51 =	vimm.s32 $0x60F;
	vm0 =	vcmask $0x1F10;
	v9 =	vmul.u32 $0x80, v4  }
0xa: {  	v0 =	vunpack.c.l.s4.s8 v0;
	v1 =	vsel vm14, $0x80, v1;
	v2 =	vunpack.c.l.s4.s8 v2  }
0xb: {  	v10 =	vmul.u32 $0x81, v4;
	v4 =	vimm.s32 $0x8F;
	v57 =	vunpack.c.l.s4.s8 v5  }
0xc: {  	v7 =	vsel vm14, $0x180, v7;
	v12 =	vunpack.c.l.s4.s8 v12;
	v1 =	vsel vm15, $0x101, v1  }
0xd: {  	v4 =	vsel vm14, $0x100, v4;
	v1 =	vsel vm13, $0x182, v1;
	v0 =	vunpack.c.0.s8.s32 v0  }
0xe: {  	v55 =	vunpack.c.0.s8.s32 v2;
	v4 =	vsel vm15, $0x181, v4;
	v3 =	vsel vm12, $0x203, v1  }
0xf: {  	v20 =	vunpack.c.0.s8.s32 v57;
	v4 =	vsel vm13, $0x202, v4;
	v56 =	vsel vm11, $0x284, v3  }
0x10: {  	v27 =	vunpack.c.0.s8.s32 v12;
	v4 =	vsel vm12, $0x283, v4;
	v2 =	vsel vm10, $0x305, v56  }
0x11: {  	v57 =	vimm.s32 $0x70F;
	v4 =	vsel vm11, $0x304, v4;
	v2 =	vsel vm9, $0x386, v2  }
0x12: {  	v3 =	vcombine.low v55, v0;
	v4 =	vsel vm10, $0x385, v4;
	v2 =	vsel vm8, $0x407, v2  }
0x13: {  	v0 =	vcombine.low v0, v55;
	v6 =	vsel vm9, $0x406, v4;
	v2 =	vsel vm7, $0x488, v2  }
0x14: {  	v5 =	vsel vm8, $0x487, v6;
	v6 =	vimm.s32 $0x98765432;
	v2 =	vsel vm6, $0x509, v2  }
0x15: {  	v5 =	vsel vm7, $0x508, v5;
	v6 =	vunpack.c.l.s4.s8 v6;
	v2 =	vsel vm5, $0x58A, v2  }
0x16: {  	v3 =	vand.u32 $0xF, v3;
	v5 =	vsel vm6, $0x589, v5;
	v2 =	vsel vm4, $0x60B, v2  }
0x17: {  	v58 =	vsel vm5, $0x60A, v5;
	v5 =	vsel vm15, $0x201, v7;
	v21 =	vunpack.c.0.s8.s32 v6  }
0x18: {  	v6 =	vimm.s32 $0x210FEDCB;
	v7 =	vimm.s32 $0xA9876543;
	v2 =	vsel vm2, $0x68C, v2  }
0x19: {  	v5 =	vsel vm13, $0x282, v5;
	v6 =	vunpack.c.l.s4.s8 v6;
	v7 =	vunpack.c.l.s4.s8 v7  }
0x1a: {  	v2 =	vsel vm1, $0x70D, v2;
	v5 =	vsel vm12, $0x303, v5;
	v8 =	vcombine.low v21, v20  }
0x1b: {  	v41 =	vcombine.low v20, v21;
	v21 =	vimm.s32 $0x50F;
	v5 =	vsel vm11, $0x384, v5  }
0x1c: {  	v4 =	vsel vm3, $0x78E, v2;
	v2 =	vsel vm4, $0x68B, v58;
	v5 =	vsel vm10, $0x405, v5  }
0x1d: {  	v22 =	vunpack.c.0.s8.s32 v6;
	v23 =	vunpack.c.0.s8.s32 v7;
	v6 =	vsel vm9, $0x486, v5  }
0x1e: {  	v44 =	vsel vm14, $0x580, v21;
	v2 =	vsel vm2, $0x70C, v2;
	v6 =	vsel vm8, $0x507, v6  }
0x1f: {  	v14 =	vand.u32 $0xF, v8;
	v45 =	vand.u32 $0xF, v41;
	v5 =	vlaneseq.u32  }
0x20: {  	v2 =	vsel vm1, $0x78D, v2;
	v7 =	vcombine.low v23, v22;
	v23 =	vcombine.low v22, v23  }
0x21: {  	v15 =	vsel vm3, $0xE, v2;
	v8 =	vsel vm7, $0x588, v6;
	v6 =	vmovc v9;
	v9 =	vimm.s32 $0x18F  }
0x22: {  	v16 =	vand.u32 $0xF, v7;
	v59 =	vsel vm6, $0x609, v8;
	v8 =	vsel vm14, $0x200, v9  }
0x23: {  	v50 =	vand.u32 $0xF, v23;
	v9 =	vimm.s32 $0x3210FEDC;
	v8 =	vsel vm15, $0x281, v8  }
0x24: {  	v7 =	vmovc v10;
	v10 =	vimm.s32 $0xBA987654;
	v9 =	vunpack.c.l.s4.s8 v9;
	v8 =	vsel vm13, $0x302, v8  }
0x25: {  	v2 =	vsel vm5, $0x68A, v59;
	v10 =	vunpack.c.l.s4.s8 v10;
	v8 =	vsel vm12, $0x383, v8  }
0x26: {  	v24 =	vunpack.c.0.s8.s32 v9;
	v9 =	vimm.s32 $0x20F;
	v8 =	vsel vm11, $0x404, v8  }
0x27: {  	v2 =	vsel vm4, $0x70B, v2;
	v9 =	vsel vm14, $0x280, v9;
	v8 =	vsel vm10, $0x485, v8  }
0x28: {  	v25 =	vunpack.c.0.s8.s32 v10;
	v9 =	vsel vm15, $0x301, v9;
	v8 =	vsel vm9, $0x506, v8  }
0x29: {  	v2 =	vsel vm2, $0x78C, v2;
	v9 =	vsel vm13, $0x382, v9;
	v8 =	vsel vm8, $0x587, v8  }
0x2a: {  	v2 =	vsel vm1, $0xD, v2;
	v10 =	vcombine.low v25, v24;
	v11 =	vsel vm7, $0x608, v8  }
0x2b: {  	v25 =	vcombine.low v24, v25;
	v60 =	vsel vm6, $0x689, v11;
	v11 =	vsel vm12, $0x403, v9  }
0x2c: {  	v9 =	vmovc v4;
	v4 =	vand.u32 $0xF, v10;
	v8 =	vmovc v3;
	v3 =	vsel vm3, $0x8E, v2;
	v10 =	vsel vm11, $0x484, v11  }
0x2d: {  	v2 =	vsel vm5, $0x70A, v60;
	v11 =	vimm.s32 $0x43210FED;
	v10 =	vsel vm10, $0x505, v10  }
0x2e: {  	v2 =	vsel vm4, $0x78B, v2;
	v11 =	vunpack.c.l.s4.s8 v11;
	v10 =	vsel vm9, $0x586, v10  }
0x2f: {  	v60 =	vimm.s32 $0x80F;
	v2 =	vsel vm2, $0xC, v2;
	v10 =	vsel vm8, $0x607, v10  }
0x30: {  	v26 =	vunpack.c.0.s8.s32 v11;
	v11 =	vimm.s32 $0x28F;
	v2 =	vsel vm1, $0x8D, v2  }
0x31: {  	v10 =	vsel vm7, $0x688, v10;
	v11 =	vsel vm14, $0x300, v11;
	v18 =	vsel vm3, $0x10E, v2  }
0x32: {  	v10 =	vsel vm6, $0x709, v10;
	v11 =	vsel vm15, $0x381, v11;
	v12 =	vcombine.low v27, v26  }
0x33: {  	v54 =	vcombine.low v26, v27;
	v27 =	vimm.s32 $0x68F;
	v10 =	vsel vm5, $0x78A, v10  }
0x34: {  	v11 =	vsel vm13, $0x402, v11;
	v56 =	vsel vm14, $0x700, v27;
	v13 =	vsel vm4, $0xB, v10  }
0x35: {  	v19 =	vand.u32 $0xF, v12;
	v61 =	vsel vm2, $0x8C, v13;
	v13 =	vsel vm12, $0x483, v11  }
0x36: {  	v26 =	vmovc v45;
	v45 =	vimm.s32 $0x11101F1E;
	v2 =	vsel vm1, $0x10D, v61;
	v13 =	vsel vm11, $0x504, v13  }
0x37: {  	v10 =	vmovc v14;
	v11 =	vmovc v15;
	v14 =	vimm.s32 $0x543210FE;
	v15 =	vimm.s32 $0xDCBA9876;
	v33 =	vsel vm3, $0x18E, v2  }
0x38: {  	v62 =	vsel vm10, $0x585, v13;
	v13 =	vimm.s32 $0x30F;
	v14 =	vunpack.c.l.s4.s8 v14  }
0x39: {  	v15 =	vunpack.c.l.s4.s8 v15;
	v2 =	vsel vm9, $0x606, v62;
	v13 =	vsel vm14, $0x380, v13  }
0x3a: {  	v2 =	vsel vm8, $0x687, v2;
	v13 =	vsel vm15, $0x401, v13;
	v28 =	vunpack.c.0.s8.s32 v14  }
0x3b: {  	v29 =	vunpack.c.0.s8.s32 v15;
	v14 =	vimm.s32 $0x6543210F;
	v13 =	vsel vm13, $0x482, v13  }
0x3c: {  	v15 =	vimm.s32 $0xEDCBA987;
	v2 =	vsel vm7, $0x708, v2;
	v13 =	vsel vm12, $0x503, v13  }
0x3d: {  	v14 =	vunpack.c.l.s4.s8 v14;
	v15 =	vunpack.c.l.s4.s8 v15;
	v13 =	vsel vm11, $0x584, v13  }
0x3e: {  	v12 =	vmovc v16;
	v2 =	vsel vm6, $0x789, v2;
	v16 =	vcombine.low v29, v28;
	v13 =	vsel vm10, $0x605, v13  }
0x3f: {  	v30 =	vunpack.c.0.s8.s32 v14;
	v31 =	vunpack.c.0.s8.s32 v15;
	v13 =	vsel vm9, $0x686, v13  }
0x40: {  	v29 =	vcombine.low v28, v29;
	v2 =	vsel vm5, $0xA, v2;
	v13 =	vsel vm8, $0x707, v13  }
0x41: {  	v2 =	vsel vm4, $0x8B, v2;
	v15 =	vcombine.low v31, v30;
	v13 =	vsel vm7, $0x788, v13  }
0x42: {  	v28 =	vmovc v50;
	v50 =	vimm.s32 $0x1211101F;
	v2 =	vsel vm2, $0x10C, v2;
	v14 =	vsel vm6, $0x9, v13  }
0x43: {  	v31 =	vcombine.low v30, v31;
	v2 =	vsel vm1, $0x18D, v2;
	v14 =	vsel vm5, $0x8A, v14  }
0x44: {  	v34 =	vand.u32 $0xF, v15;
	v13 =	vmovc v3;
	v3 =	vand.u32 $0xF, v16;
	v16 =	vsel vm4, $0x10B, v14  }
0x45: {  	v15 =	vmovc v18;
	v18 =	vimm.s32 $0x76543210;
	v63 =	vsel vm2, $0x18C, v16;
	v16 =	vsel vm14, $0x400, v17  }
0x46: {  	v20 =	vmovc v34;
	v34 =	vimm.s32 $0x101F1E1D;
	v18 =	vunpack.c.l.s4.s8 v18;
	v17 =	vsel vm15, $0x481, v16  }
0x47: {  	v14 =	vmovc v4;
	v4 =	vsel vm3, $0x20E, v2;
	v2 =	vsel vm1, $0x20D, v63;
	v32 =	vsel vm13, $0x502, v17  }
0x48: {  	v35 =	vsel vm3, $0x28E, v2;
	v17 =	vimm.s32 $0x40F;
	v2 =	vsel vm12, $0x583, v32  }
0x49: {  	v16 =	vmovc v19;
	v17 =	vsel vm14, $0x480, v17;
	v19 =	vimm.s32 $0xFEDCBA98;
	v2 =	vsel vm11, $0x604, v2  }
0x4a: {  	v17 =	vsel vm15, $0x501, v17;
	v19 =	vunpack.c.l.s4.s8 v19;
	v2 =	vsel vm10, $0x685, v2  }
0x4b: {  	v18 =	vunpack.c.0.s8.s32 v18;
	v17 =	vsel vm13, $0x582, v17;
	v2 =	vsel vm9, $0x706, v2  }
0x4c: {  	v17 =	vsel vm12, $0x603, v17;
	v19 =	vunpack.c.0.s8.s32 v19;
	v2 =	vsel vm8, $0x787, v2  }
0x4d: {  	v21 =	vmovc v35;
	v35 =	vimm.s32 $0x14131211;
	v17 =	vsel vm11, $0x684, v17;
	v2 =	vsel vm7, $0x8, v2  }
0x4e: {  	v17 =	vsel vm10, $0x705, v17;
	v19 =	vand.u32 $0xF, v19;
	v2 =	vsel vm6, $0x89, v2  }
0x4f: {  	v32 =	vsel vm9, $0x786, v17;
	v36 =	vcombine.low v19, v18;
	v19 =	vimm.s32 $0x48F  }
0x50: {  	v2 =	vsel vm5, $0x10A, v2;
	v18 =	vsel vm8, $0x7, v32;
	v19 =	vsel vm14, $0x500, v19  }
0x51: {  	v2 =	vsel vm4, $0x18B, v2;
	v18 =	vsel vm7, $0x88, v18;
	v19 =	vsel vm15, $0x581, v19  }
0x52: {  	v17 =	vmovc v33;
	v22 =	vmovc v36;
	v33 =	vimm.s32 $0x1C1B1A19;
	v36 =	vimm.s32 $0x88F;
	v18 =	vsel vm6, $0x109, v18  }
0x53: {  	v2 =	vsel vm2, $0x20C, v2;
	v19 =	vsel vm13, $0x602, v19;
	v18 =	vsel vm5, $0x18A, v18  }
0x54: {  	v2 =	vsel vm1, $0x28D, v2;
	v38 =	vsel vm12, $0x683, v19;
	v37 =	vsel vm4, $0x20B, v18  }
0x55: {  	v40 =	vsel vm11, $0x704, v38;
	v38 =	vsel vm14, $0x900, v36;
	v1 =	vsel vm2, $0x28C, v37  }
0x56: {  	v19 =	vmovc v4;
	v4 =	vand.u32 $0xF, v0;
	v37 =	vand.u32 $0xF, v54;
	v18 =	vmovc v3;
	v3 =	vsel vm3, $0x30E, v2  }
0x57: {  	v39 =	vsel vm1, $0x30D, v1;
	v1 =	vsel vm10, $0x785, v40;
	v2 =	vsel vm14, $0x600, v46  }
0x58: {  	v24 =	vmovc v4;
	v4 =	vand.u32 $0xF, v25;
	v40 =	vimm.s32 $0x90F;
	v46 =	vimm.s32 $0x15141312  }
0x59: {  	v42 =	vsel vm3, $0x38E, v39;
	v43 =	vsel vm9, $0x6, v1;
	v1 =	vsel vm15, $0x601, v44  }
0x5a: {  	v2 =	vsel vm15, $0x681, v2;
	v30 =	vmovc v4;
	v4 =	vunpack.c.0.s8.s32 v34;
	v1 =	vsel vm13, $0x682, v1  }
0x5b: {  	v34 =	vunpack.c.0.s8.s32 v35;
	v39 =	vimm.s32 $0x18171615;
	v1 =	vsel vm12, $0x703, v1  }
0x5c: {  	v0 =	vsel vm8, $0x87, v43;
	v2 =	vsel vm13, $0x702, v2;
	v1 =	vsel vm11, $0x784, v1  }
0x5d: {  	v0 =	vsel vm7, $0x108, v0;
	v2 =	vsel vm12, $0x783, v2;
	v1 =	vsel vm10, $0x5, v1  }
0x5e: {  	v0 =	vsel vm6, $0x189, v0;
	v2 =	vsel vm11, $0x4, v2;
	v1 =	vsel vm9, $0x86, v1  }
0x5f: {  	v0 =	vsel vm5, $0x20A, v0;
	v2 =	vsel vm10, $0x85, v2;
	v1 =	vsel vm8, $0x107, v1  }
0x60: {  	v0 =	vsel vm4, $0x28B, v0;
	v49 =	vsel vm9, $0x106, v2;
	v1 =	vsel vm7, $0x188, v1  }
0x61: {  	v2 =	vsel vm14, $0x680, v51;
	v48 =	vsel vm6, $0x209, v1;
	v1 =	vsel vm8, $0x187, v49  }
0x62: {  	v0 =	vsel vm2, $0x30C, v0;
	v2 =	vsel vm15, $0x701, v2;
	v1 =	vsel vm7, $0x208, v1  }
0x63: {  	v0 =	vsel vm1, $0x38D, v0;
	v2 =	vsel vm13, $0x782, v2;
	v1 =	vsel vm6, $0x289, v1  }
0x64: {  	v47 =	vsel vm3, $0x40E, v0;
	v53 =	vsel vm12, $0x3, v2;
	v1 =	vsel vm5, $0x30A, v1  }
0x65: {  	v2 =	vsel vm14, $0x780, v57;
	v0 =	vsel vm5, $0x28A, v48;
	v1 =	vsel vm4, $0x38B, v1  }
0x66: {  	v2 =	vsel vm15, $0x1, v2;
	v52 =	vsel vm2, $0x40C, v1;
	v1 =	vsel vm11, $0x84, v53  }
0x67: {  	v0 =	vsel vm4, $0x30B, v0;
	v2 =	vsel vm13, $0x82, v2;
	v1 =	vsel vm10, $0x105, v1  }
0x68: {  	v0 =	vsel vm2, $0x38C, v0;
	v55 =	vsel vm9, $0x186, v1;
	v1 =	vsel vm15, $0x781, v56  }
0x69: {  	v2 =	vsel vm12, $0x103, v2;
	v0 =	vsel vm1, $0x40D, v0;
	v1 =	vsel vm13, $0x2, v1  }
0x6a: {  	v23 =	vmovc v3;
	v3 =	vsel vm3, $0x48E, v0;
	v0 =	vsel vm1, $0x48D, v52;
	v1 =	vsel vm12, $0x83, v1  }
0x6b: {  	v32 =	vsel vm3, $0x50E, v0;
	v0 =	vsel vm8, $0x207, v55;
	v1 =	vsel vm11, $0x104, v1  }
0x6c: {  	v2 =	vsel vm11, $0x184, v2;
	v0 =	vsel vm7, $0x288, v0;
	v1 =	vsel vm10, $0x185, v1  }
0x6d: {  	v2 =	vsel vm10, $0x205, v2;
	v0 =	vsel vm6, $0x309, v0;
	v1 =	vsel vm9, $0x206, v1  }
0x6e: {  	v59 =	vsel vm9, $0x286, v2;
	v0 =	vsel vm5, $0x38A, v0;
	v1 =	vsel vm8, $0x287, v1  }
0x6f: {  	v2 =	vsel vm14, $0x880, v60;
	v0 =	vsel vm4, $0x40B, v0;
	v1 =	vsel vm7, $0x308, v1  }
0x70: {  	v0 =	vsel vm2, $0x48C, v0;
	v58 =	vsel vm6, $0x389, v1;
	v1 =	vsel vm8, $0x307, v59  }
0x71: {  	v2 =	vsel vm15, $0x901, v2;
	v0 =	vsel vm1, $0x50D, v0;
	v1 =	vsel vm7, $0x388, v1  }
0x72: {  	v25 =	vmovc v42;
	v42 =	vsel vm3, $0x58E, v0;
	v0 =	vsel vm5, $0x40A, v58;
	v1 =	vsel vm6, $0x409, v1  }
0x73: {  	v2 =	vsel vm13, $0x982, v2;
	v0 =	vsel vm4, $0x48B, v0;
	v1 =	vsel vm5, $0x48A, v1  }
0x74: {  	v62 =	vsel vm12, $0xA03, v2;
	v0 =	vsel vm2, $0x50C, v0;
	v1 =	vsel vm4, $0x50B, v1  }
0x75: {  	v0 =	vsel vm1, $0x58D, v0;
	v61 =	vsel vm2, $0x58C, v1;
	v1 =	vsel vm11, $0xA84, v62  }
0x76: {  	v52 =	vsel vm3, $0x60E, v0;
	v0 =	vsel vm1, $0x60D, v61;
	v63 =	vsel vm10, $0xB05, v1  }
0x77: {  	v44 =	vimm.s32 $0x1D1C1B1A;
	v53 =	vsel vm3, $0x68E, v0;
	v0 =	vsel vm9, $0xB86, v63  }
0x78: {  	v35 =	vunpack.c.0.s8.s32 v39;
	v36 =	vunpack.c.0.s8.s32 v44;
	v0 =	vsel vm8, $0xC07, v0  }
0x79: {  	v39 =	vunpack.c.0.s8.s32 v46;
	v44 =	vimm.s32 $0xB0F;
	v0 =	vsel vm7, $0xC88, v0  }
0x7a: {  	v46 =	vimm.s32 $0xC0F;
	v1 =	vsel vm15, $0x981, v38;
	v0 =	vsel vm6, $0xD09, v0  }
0x7b: {  	v51 =	vimm.s32 $0x16151413;
	v1 =	vsel vm13, $0xA02, v1;
	v0 =	vsel vm5, $0xD8A, v0  }
0x7c: {  	v49 =	vimm.s32 $0x1E1D1C1B;
	v1 =	vsel vm12, $0xA83, v1;
	v0 =	vsel vm4, $0xE0B, v0  }
0x7d: {  	v57 =	vimm.s32 $0x1F1E1D1C;
	v1 =	vsel vm11, $0xB04, v1;
	v0 =	vsel vm2, $0xE8C, v0  }
0x7e: {  	v27 =	vmovc v47;
	v47 =	vand.u32 $0xF, v29;
	v41 =	vsel vm10, $0xB85, v1;
	v0 =	vsel vm1, $0xF0D, v0  }
0x7f: {  	v29 =	vmovc v3;
	v3 =	vunpack.c.0.s8.s32 v33;
	v54 =	vsel vm3, $0xF8E, v0;
	v0 =	vsel vm9, $0xC06, v41  }
0x80: {  	v33 =	vimm.s32 $0xA8F;
	v2 =	vsel vm14, $0x980, v40;
	v0 =	vsel vm8, $0xC87, v0  }
0x81: {  	v43 =	vsel vm15, $0xA01, v2;
	v2 =	vsel vm14, $0xB00, v33;
	v0 =	vsel vm7, $0xD08, v0  }
0x82: {  	v48 =	vimm.s32 $0x19181716;
	v2 =	vsel vm15, $0xB81, v2;
	v0 =	vsel vm6, $0xD89, v0  }
0x83: {  	v56 =	vimm.s32 $0x1A191817;
	v2 =	vsel vm13, $0xC02, v2;
	v0 =	vsel vm5, $0xE0A, v0  }
0x84: {  	v40 =	vunpack.c.0.s8.s32 v48;
	v2 =	vsel vm12, $0xC83, v2;
	v0 =	vsel vm4, $0xE8B, v0  }
0x85: {  	v2 =	vsel vm11, $0xD04, v2;
	v59 =	vimm.s32 $0x17161514;
	v0 =	vsel vm2, $0xF0C, v0  }
0x86: {  	v2 =	vsel vm10, $0xD85, v2;
	v58 =	vimm.s32 $0x13121110;
	v0 =	vsel vm1, $0xF8D, v0  }
0x87: {  	v2 =	vsel vm9, $0xE06, v2;
	v55 =	vsel vm3, $0x80E, v0;
	v0 =	vunpack.c.0.s8.s32 v49  }
0x88: {  	v60 =	vunpack.c.0.s8.s32 v59;
	v2 =	vsel vm8, $0xE87, v2;
	v1 =	vsel vm13, $0xA82, v43  }
0x89: {  	v2 =	vsel vm7, $0xF08, v2;
	v1 =	vsel vm12, $0xB03, v1;
	[tilespmem:$0x1FDF0] =	vst v0;
	v0 =	vunpack.c.0.s8.s32 v50  }
0x8a: {  	v2 =	vsel vm6, $0xF89, v2;
	v62 =	vimm.s32 $0x98F;
	v1 =	vsel vm11, $0xB84, v1  }
0x8b: {  	v2 =	vsel vm5, $0x80A, v2;
	v1 =	vsel vm10, $0xC05, v1;
	[tilespmem:$0x1FE00] =	vst v0;
	v0 =	vunpack.c.0.s8.s32 v51  }
0x8c: {  	v38 =	vunpack.c.0.s8.s32 v45;
	v2 =	vsel vm4, $0x88B, v2;
	v1 =	vsel vm9, $0xC86, v1  }
0x8d: {  	v2 =	vsel vm2, $0x90C, v2;
	v1 =	vsel vm8, $0xD07, v1;
	[tilespmem:$0x1FE10] =	vst v0;
	v0 =	vunpack.c.0.s8.s32 v56  }
0x8e: {  	v61 =	vimm.s32 $0x1B1A1918;
	v43 =	vsel vm1, $0x98D, v2;
	v1 =	vsel vm7, $0xD88, v1  }
0x8f: {  	v2 =	vsel vm14, $0xC80, v46;
	v1 =	vsel vm6, $0xE09, v1;
	[tilespmem:$0x1FE20] =	vst v0;
	v0 =	vunpack.c.0.s8.s32 v57  }
0x90: {  	v45 =	vimm.s32 $0xB8F;
	v2 =	vsel vm15, $0xD01, v2;
	v1 =	vsel vm5, $0xE8A, v1  }
0x91: {  	v2 =	vsel vm13, $0xD82, v2;
	v1 =	vsel vm4, $0xF0B, v1;
	[tilespmem:$0x1FE30] =	vst v0;
	v0 =	vunpack.c.0.s8.s32 v58  }
0x92: {  	v63 =	vimm.s32 $0xA0F;
	v2 =	vsel vm12, $0xE03, v2;
	v1 =	vsel vm2, $0xF8C, v1  }
0x93: {  	v2 =	vsel vm11, $0xE84, v2;
	v1 =	vsel vm1, $0x80D, v1;
	[tilespmem:$0x1FE40] =	vst v0;
	v0 =	vunpack.c.0.s8.s32 v61  }
0x94: {  	v2 =	vsel vm10, $0xF05, v2;
	v56 =	vsel vm3, $0x88E, v1;
	v1 =	vsel vm14, $0xA80, v63  }
0x95: {  	v2 =	vsel vm9, $0xF86, v2;
	v1 =	vsel vm15, $0xB01, v1;
	[tilespmem:$0x1FE60] =	vst v0;
	v0 =	vsel vm14, $0xA00, v62  }
0x96: {  	v2 =	vsel vm8, $0x807, v2;
	v1 =	vsel vm13, $0xB82, v1;
	v0 =	vsel vm15, $0xA81, v0  }
0x97: {  	v2 =	vsel vm7, $0x888, v2;
	v1 =	vsel vm12, $0xC03, v1;
	v0 =	vsel vm13, $0xB02, v0  }
0x98: {  	v2 =	vsel vm6, $0x909, v2;
	v1 =	vsel vm11, $0xC84, v1;
	v0 =	vsel vm12, $0xB83, v0  }
0x99: {  	v2 =	vsel vm5, $0x98A, v2;
	v1 =	vsel vm10, $0xD05, v1;
	v0 =	vsel vm11, $0xC04, v0  }
0x9a: {  	v2 =	vsel vm4, $0xA0B, v2;
	v1 =	vsel vm9, $0xD86, v1;
	v0 =	vsel vm10, $0xC85, v0  }
0x9b: {  	v2 =	vsel vm2, $0xA8C, v2;
	v1 =	vsel vm8, $0xE07, v1;
	v0 =	vsel vm9, $0xD06, v0  }
0x9c: {  	v49 =	vsel vm3, $0xA0E, v43;
	v1 =	vsel vm7, $0xE88, v1;
	v0 =	vsel vm8, $0xD87, v0  }
0x9d: {  	v50 =	vsel vm1, $0xB0D, v2;
	v1 =	vsel vm6, $0xF09, v1;
	v0 =	vsel vm7, $0xE08, v0  }
0x9e: {  	v51 =	vimm.s32 $0xC8F;
	v1 =	vsel vm5, $0xF8A, v1;
	v0 =	vsel vm6, $0xE89, v0  }
0x9f: {  	v63 =	vimm.s32 $0xF0F;
	v1 =	vsel vm4, $0x80B, v1;
	v0 =	vsel vm5, $0xF0A, v0  }
0xa0: {  	v57 =	vimm.s32 $0xD0F;
	v1 =	vsel vm2, $0x88C, v1;
	v0 =	vsel vm4, $0xF8B, v0  }
0xa1: {  	v58 =	vimm.s32 $0xD8F;
	v1 =	vsel vm1, $0x90D, v1;
	v0 =	vsel vm2, $0x80C, v0  }
0xa2: {  	v41 =	vsel vm3, $0x98E, v1;
	v1 =	vsel vm14, $0xC00, v45;
	v0 =	vsel vm1, $0x88D, v0  }
0xa3: {  	v1 =	vsel vm15, $0xC81, v1;
	v59 =	vsel vm3, $0x90E, v0;
	v0 =	vsel vm14, $0xB80, v44  }
0xa4: {  	v2 =	vsel vm14, $0xE00, v58;
	v1 =	vsel vm13, $0xD02, v1;
	v0 =	vsel vm15, $0xC01, v0  }
0xa5: {  	v2 =	vsel vm15, $0xE81, v2;
	v1 =	vsel vm12, $0xD83, v1;
	v0 =	vsel vm13, $0xC82, v0  }
0xa6: {  	v61 =	vimm.s32 $0xE0F;
	v1 =	vsel vm11, $0xE04, v1;
	v0 =	vsel vm12, $0xD03, v0  }
0xa7: {  	v2 =	vsel vm13, $0xF02, v2;
	v1 =	vsel vm10, $0xE85, v1;
	v0 =	vsel vm11, $0xD84, v0  }
0xa8: {  	v2 =	vsel vm12, $0xF83, v2;
	v1 =	vsel vm9, $0xF06, v1;
	v0 =	vsel vm10, $0xE05, v0  }
0xa9: {  	v62 =	vimm.s32 $0xE8F;
	v1 =	vsel vm8, $0xF87, v1;
	v0 =	vsel vm9, $0xE86, v0  }
0xaa: {  	v2 =	vsel vm11, $0x804, v2;
	v1 =	vsel vm7, $0x808, v1;
	v0 =	vsel vm8, $0xF07, v0  }
0xab: {  	v2 =	vsel vm10, $0x885, v2;
	v1 =	vsel vm6, $0x889, v1;
	v0 =	vsel vm7, $0xF88, v0  }
0xac: {  	v2 =	vsel vm9, $0x906, v2;
	v1 =	vsel vm5, $0x90A, v1;
	v0 =	vsel vm6, $0x809, v0  }
0xad: {  	v2 =	vsel vm8, $0x987, v2;
	v1 =	vsel vm4, $0x98B, v1;
	v0 =	vsel vm5, $0x88A, v0  }
0xae: {  	v2 =	vsel vm7, $0xA08, v2;
	v1 =	vsel vm2, $0xA0C, v1;
	v0 =	vsel vm4, $0x90B, v0  }
0xaf: {  	v2 =	vsel vm6, $0xA89, v2;
	v1 =	vsel vm1, $0xA8D, v1;
	v0 =	vsel vm2, $0x98C, v0  }
0xb0: {  	v2 =	vsel vm5, $0xB0A, v2;
	v48 =	vsel vm3, $0xB0E, v1;
	v0 =	vsel vm1, $0xA0D, v0  }
0xb1: {  	v1 =	vsel vm14, $0xD80, v57;
	v45 =	vsel vm3, $0xA8E, v0;
	v0 =	vsel vm3, $0xB8E, v50  }
0xb2: {  	v2 =	vsel vm4, $0xB8B, v2;
	v1 =	vsel vm15, $0xE01, v1;
	[tilespmem:$0x1FE90] =	vst v0;
	v0 =	vsel vm14, $0xD00, v51  }
0xb3: {  	v2 =	vsel vm2, $0xC0C, v2;
	v1 =	vsel vm13, $0xE82, v1;
	v0 =	vsel vm15, $0xD81, v0  }
0xb4: {  	[tilespmem:$0x1FE50] =	vst v60;
	v60 =	vsel vm1, $0xC8D, v2;
	v1 =	vsel vm12, $0xF03, v1;
	v0 =	vsel vm13, $0xE02, v0  }
0xb5: {  	v2 =	vsel vm14, $0xF80, v63;
	v1 =	vsel vm11, $0xF84, v1;
	v0 =	vsel vm12, $0xE83, v0  }
0xb6: {  	v2 =	vsel vm15, $0x801, v2;
	v1 =	vsel vm10, $0x805, v1;
	v0 =	vsel vm11, $0xF04, v0  }
0xb7: {  	v2 =	vsel vm13, $0x882, v2;
	v1 =	vsel vm9, $0x886, v1;
	v0 =	vsel vm10, $0xF85, v0  }
0xb8: {  	s0 =	rddreg [dreg:$0x0];
	v2 =	vsel vm12, $0x903, v2;
	v1 =	vsel vm8, $0x907, v1;
	v0 =	vsel vm9, $0x806, v0  }
0xb9: {  	s2 =	rddreg [dreg:$0x1];
	s4 =	simm.s32 $0x0;
	[tilespmem:$0x1FE70] =	vst v41;
	v44 =	vsel vm3, $0xD0E, v60;
	v1 =	vsel vm7, $0x988, v1;
	v0 =	vsel vm8, $0x887, v0  }
0xba: {  	[smem:$0x7FF] =	sst s4;
	[tilespmem:$0x1FE80] =	vst v48;
	v48 =	vor.u32 $0x10, v5;
	v1 =	vsel vm6, $0xA09, v1;
	v0 =	vsel vm7, $0x908, v0  }
0xbb: {  	s1 =	rddreg [dreg:$0x2];
	v2 =	vsel vm11, $0x984, v2;
	v1 =	vsel vm5, $0xA8A, v1;
	_ =	strace $0x80000047;
	[tilespmem:$0x1FEB0] =	vst v48;
	v0 =	vsel vm6, $0x989, v0  }
0xbc: {  	v2 =	vsel vm10, $0xA05, v2;
	[tilespmem:$0x1FEC0] =	vst v3;
	v1 =	vsel vm4, $0xB0B, v1;
	v0 =	vsel vm5, $0xA0A, v0  }
0xbd: {  	v2 =	vsel vm9, $0xA86, v2;
	[tilespmem:$0x1FED0] =	vst v4;
	v1 =	vsel vm2, $0xB8C, v1;
	v0 =	vsel vm4, $0xA8B, v0  }
0xbe: {  	v2 =	vsel vm8, $0xB07, v2;
	[tilespmem:$0x1FEE0] =	vst v34;
	v1 =	vsel vm1, $0xC0D, v1;
	v0 =	vsel vm2, $0xB0C, v0  }
0xbf: {  	[tilespmem:$0x1FEF0] =	vst v35;
	v43 =	vsel vm3, $0xC8E, v1;
	v1 =	vsel vm14, $0xF00, v62;
	v0 =	vsel vm1, $0xB8D, v0  }
0xc0: {  	[tilespmem:$0x1FF00] =	vst v36;
	v1 =	vsel vm15, $0xF81, v1;
	v41 =	vsel vm3, $0xC0E, v0;
	v0 =	vsel vm14, $0xE80, v61  }
0xc1: {  	v2 =	vsel vm7, $0xB88, v2;
	[tilespmem:$0x1FF10] =	vst v38;
	v1 =	vsel vm13, $0x802, v1;
	v0 =	vsel vm15, $0xF01, v0  }
0xc2: {  	v57 =	vsel vm0, v38, v36;
	[tilespmem:$0x1FF20] =	vst v39;
	v1 =	vsel vm12, $0x883, v1;
	v0 =	vsel vm13, $0xF82, v0  }
0xc3: {  	v50 =	vsel vm0, v4, v3;
	[tilespmem:$0x1FF30] =	vst v40;
	v1 =	vsel vm11, $0x904, v1;
	v0 =	vsel vm12, $0x803, v0  }
0xc4: {  	v51 =	vsel vm0, v35, v34;
	[tilespmem:$0x1FF40] =	vst v50;
	v1 =	vsel vm10, $0x985, v1;
	v0 =	vsel vm11, $0x884, v0  }
0xc5: {  	s3 =	srdreg.scid;
	v3 =	vsel vm0, v40, v39;
	[tilespmem:$0x1FF50] =	vst v51;
	v1 =	vsel vm9, $0xA06, v1;
	v0 =	vsel vm10, $0x905, v0  }
0xc6: {  	s25 =	stileid.u32;
	s10 =	simm.s32 $0x20000;
	s13 =	simm.s32 $0x19000;
	v39 =	vcombine.low v51, v50;
	[tilespmem:$0x1FF60] =	vst v57;
	v1 =	vsel vm8, $0xA87, v1;
	v0 =	vsel vm9, $0x986, v0  }
0xc7: {  	s14 =	simm.s32 $0x7000;
	s16 =	simm.s32 $0xB000;
	s18 =	simm.s32 $0xF000;
	[tilespmem:$0x1FF70] =	vst v3;
	v63 =	vcombine.low v3, v57;
	v1 =	vsel vm7, $0xB08, v1;
	v0 =	vsel vm8, $0xA07, v0  }
0xc8: {  	s12 =	simm.s32 $0x80;
	s19 =	simm.s32 $0x19180;
	s20 =	simm.s32 $0x13000;
	v2 =	vsel vm6, $0xC09, v2;
	[tilespmem:$0x1FFE0] =	vst v39;
	v1 =	vsel vm6, $0xB89, v1;
	v0 =	vsel vm7, $0xA88, v0  }
0xc9: {  	s21 =	simm.s32 $0x1;
	s22 =	simm.s32 $0x17000;
	s23 =	simm.s32 $0x400;
	v2 =	vsel vm5, $0xC8A, v2;
	[tilespmem:$0x1FFA0] =	vst v63;
	v62 =	vmovc v44;
	v1 =	vsel vm5, $0xC0A, v1;
	v0 =	vsel vm6, $0xB09, v0  }
0xca: {  	s24 =	simm.s32 $0x2;
	s28 =	simm.s32 $0x3;
	s29 =	simm.s32 $0x5;
	v2 =	vsel vm4, $0xD0B, v2;
	v60 =	vmovc v43;
	[tilespmem:$0x1FFD0] =	vst v62;
	v1 =	vsel vm4, $0xC8B, v1;
	v0 =	vsel vm5, $0xB8A, v0  }
0xcb: {  	s30 =	simm.s32 $0x4;
	s3 =	sand.u32 $0x1, s3;
	s4 =	sshll.u32 s25, $0xA;
	v2 =	vsel vm2, $0xD8C, v2;
	[tilespmem:$0x1FFC0] =	vst v60;
	v61 =	vmovc v41;
	v1 =	vsel vm2, $0xD0C, v1;
	v0 =	vsel vm4, $0xC0B, v0  }
.Ltmp0:
0xcc: {  	s6 =	ssub.s32 $0x2, s3;
	s3 =	sshll.u32 s3, $0x9;
	v41 =	vor.u32 $0x800, v7;
	[tilespmem:$0x1FFB0] =	vst v61;
	v1 =	vsel vm1, $0xD8D, v1;
	v0 =	vsel vm2, $0xC8C, v0;
	(pc) =	sbr.rel .LBB2_1-.Ltmp0, $4  }
0xcd: {  	s5 =	sadd.s32 $0xF42800, s2;
	s7 =	sshrl.u32 s6, $0x1;
	s4 =	sor.u32 s3, s4;
	v33 =	vsel vm1, $0xE0D, v2;
	[tilespmem:$0x1FFF0] =	vst v41;
	v58 =	vsel vm3, $0xE0E, v1;
	v0 =	vsel vm1, $0xD0D, v0  }
0xce: {  	s25 =	simm.s32 $0x6;
	s26 =	ssub.s32 s6, s7;
	s0 =	sadd.s32 s0, s4;
	[tilespmem:$0x1FF90] =	vst v58;
	v46 =	vsel vm3, $0xD8E, v0;
	v0 =	vsel vm3, $0xE8E, v33  }
0xcf: {  	s2 =	simm.s32 $0x0;
	s31 =	smax.u32 s26, $0x1;
	[dreg:$0x4] =	wrdreg s0;
	[tilespmem:$0x1FEA0] =	vst v0  }
0xd0: {  	s7 =	sadd.s32 s1, s4;
	s26 =	simm.s32 $0x18000;
	v31 =	vand.u32 $0xF, v31;
	[dreg:$0x5] =	wrdreg s31;
	[tilespmem:$0x1FF80] =	vst v46  }
.LBB2_16:
0xd1: {  	_ =	swait.ge [sflag:s29], $0x1000  }
0xd2: {  	[sflag:s29] =	ssyncset.done $0x0  }
0xd3: {  	[sflag:s29] =	ssyncadd.s32 $0xFFFFF000  }
0xd4: {  	_ =	swait.ge [sflag:s25], $0x1000  }
0xd5: {  	s2 =	rddreg [dreg:$0x6]  }
0xd6: {  	s0 =	rddreg [dreg:$0x5];
	s2 =	sadd.s32 $0x1, s2  }
0xd7: {  	p0 =	sne.s32 s2, s0  }
.Ltmp1:
0xd8: {  	_ = 	snop;
	(pc) =	sbr.rel @!p0 .LBB2_17-.Ltmp1, $3  }
0xd9: {  	_ =	sdelay $0x1  }
0xda: {  	[sflag:s25] =	ssyncset.done $0x0  }
0xdb: {  	v49 =	vmov v62;
	v39 =	vmov v34;
	[sflag:s25] =	ssyncadd.s32 $0xFFFFF000  }
.LBB2_1:
0xdc: {  	[dreg:$0x6] =	wrdreg s2;
	s0 =	simm.s32 $0x0  }
0xdd: {  	s11 =	rddreg [dreg:$0x4];
	s3 =	simm.s32 $0x1000;
	s15 =	simm.s32 $0x7  }
0xde: {  	[tilespmem:s0], [sflag:$0x7] =	stream.strided.gather [hbm4b:s11+s3], $0x7000, s10, s3, $0x38;
	[tilespmem:$0x19200] =	vst v63  }
0xdf: {  	_ =	swait.ge [sflag:s15], $0x7000  }
0xe0: {  	[sflag:s15] =	ssyncset.done $0x0  }
0xe1: {  	[sflag:s15] =	ssyncadd.s32 $0xFFFF9000  }
0xe2: {  	v0 =	vld [tilespmem:$0x0]  }
0xe3: {  	v1 =	vld [tilespmem:$0x10]  }
0xe4: {  	v2 =	vld [tilespmem:$0x20]  }
0xe5: {  	v34 =	vld [tilespmem:$0x30]  }
0xe6: {  	v35 =	vld [tilespmem:$0x40]  }
0xe7: {  	v36 =	vld [tilespmem:$0x50];
	v0 =	vshra.s32 v0, $0x2  }
0xe8: {  	v43 =	vld [tilespmem:$0x60];
	v40 =	vshra.s32 v1, $0x2;
	[tilespmem:$0x19000] =	vst v0  }
0xe9: {  	v46 =	vld [tilespmem:$0x70];
	v44 =	vshra.s32 v2, $0x2;
	[tilespmem:$0x19010] =	vst v40  }
0xea: {  	v48 =	vshra.s32 v34, $0x2;
	[tilespmem:$0x19020] =	vst v44  }
0xeb: {  	v50 =	vshra.s32 v35, $0x2;
	[tilespmem:$0x19030] =	vst v48  }
0xec: {  	v51 =	vshra.s32 v36, $0x2;
	[tilespmem:$0x19040] =	vst v50  }
0xed: {  	v57 =	vshra.s32 v43, $0x2;
	[tilespmem:$0x19050] =	vst v51  }
0xee: {  	v58 =	vshra.s32 v46, $0x2;
	[tilespmem:$0x19060] =	vst v57  }
0xef: {  	[tilespmem:$0x19070] =	vst v58  }
0xf0: {  	[tilespmem:s14], [sflag:$0x1] =	stream.indirect.gather [hbm4b:s5+s12], $0x80, s13, s12, $0xb8;
	[tilespmem:$0x19200] =	vst v63  }
0xf1: {  	v60 =	vld [tilespmem:$0x400]  }
0xf2: {  	v61 =	vld [tilespmem:$0x410]  }
0xf3: {  	v62 =	vld [tilespmem:$0x420]  }
0xf4: {  	v63 =	vld [tilespmem:$0x430]  }
0xf5: {  	v40 =	vld [tilespmem:$0x440]  }
0xf6: {  	v43 =	vld [tilespmem:$0x450];
	v0 =	vshra.s32 v60, $0x2  }
0xf7: {  	v46 =	vld [tilespmem:$0x460];
	v44 =	vshra.s32 v61, $0x2;
	[tilespmem:$0x19080] =	vst v0  }
0xf8: {  	v50 =	vld [tilespmem:$0x470];
	v48 =	vshra.s32 v62, $0x2;
	[tilespmem:$0x19090] =	vst v44  }
0xf9: {  	v51 =	vshra.s32 v63, $0x2;
	[tilespmem:$0x190A0] =	vst v48  }
0xfa: {  	v57 =	vshra.s32 v40, $0x2;
	[tilespmem:$0x190B0] =	vst v51  }
0xfb: {  	v58 =	vshra.s32 v43, $0x2;
	[tilespmem:$0x190C0] =	vst v57  }
0xfc: {  	v60 =	vshra.s32 v46, $0x2;
	[tilespmem:$0x190D0] =	vst v58  }
0xfd: {  	v61 =	vshra.s32 v50, $0x2;
	[tilespmem:$0x190E0] =	vst v60  }
0xfe: {  	s17 =	simm.s32 $0x19080;
	[tilespmem:$0x190F0] =	vst v61  }
0xff: {  	[tilespmem:s16], [sflag:$0x2] =	stream.indirect.gather [hbm4b:s5+s12], $0x80, s17, s12, $0xb8;
	[tilespmem:$0x19200] =	vst v63  }
0x100: {  	v62 =	vld [tilespmem:$0x800]  }
0x101: {  	v63 =	vld [tilespmem:$0x810]  }
0x102: {  	v40 =	vld [tilespmem:$0x820]  }
0x103: {  	v43 =	vld [tilespmem:$0x830]  }
0x104: {  	v44 =	vld [tilespmem:$0x840]  }
0x105: {  	v46 =	vld [tilespmem:$0x850];
	v0 =	vshra.s32 v62, $0x2  }
0x106: {  	v50 =	vld [tilespmem:$0x860];
	v48 =	vshra.s32 v63, $0x2;
	[tilespmem:$0x19100] =	vst v0  }
0x107: {  	v57 =	vld [tilespmem:$0x870];
	v51 =	vshra.s32 v40, $0x2;
	[tilespmem:$0x19110] =	vst v48  }
0x108: {  	v58 =	vshra.s32 v43, $0x2;
	[tilespmem:$0x19120] =	vst v51  }
0x109: {  	v60 =	vshra.s32 v44, $0x2;
	[tilespmem:$0x19130] =	vst v58  }
0x10a: {  	v61 =	vshra.s32 v46, $0x2;
	[tilespmem:$0x19140] =	vst v60  }
0x10b: {  	v62 =	vshra.s32 v50, $0x2;
	[tilespmem:$0x19150] =	vst v61  }
0x10c: {  	s31 =	simm.s32 $0x19100;
	s2 =	simm.s32 $0x0;
	v63 =	vshra.s32 v57, $0x2;
	[tilespmem:$0x19160] =	vst v62  }
0x10d: {  	s9 =	simm.s32 $0x0;
	s0 =	simm.s32 $0x0;
	s3 =	simm.s32 $0x0;
	v44 =	vld [tilespmem:$0x1FFA0];
	[tilespmem:$0x19170] =	vst v63  }
0x10e: {  	v48 =	vld [tilespmem:$0x1FEB0];
	[tilespmem:s18], [sflag:$0x3] =	stream.indirect.gather [hbm4b:s5+s12], $0x80, s31, s12, $0xb8  }
.LBB2_2:
0x10f: {  	v0 =	vld [tilespmem:s2+$0xC00];
	_ =	sdelay $0x4  }
0x110: {  	v0 =	vshra.s32 v0, $0x2  }
0x111: {  	[tilespmem:$0x19180] =	vst v0  }
0x112: {  	v0 =	vld [tilespmem:s2+$0xC10];
	_ =	sdelay $0x4  }
0x113: {  	v0 =	vshra.s32 v0, $0x2  }
0x114: {  	[tilespmem:$0x19190] =	vst v0  }
0x115: {  	v0 =	vld [tilespmem:s2+$0xC20];
	_ =	sdelay $0x4  }
0x116: {  	v0 =	vshra.s32 v0, $0x2  }
0x117: {  	[tilespmem:$0x191A0] =	vst v0  }
0x118: {  	v0 =	vld [tilespmem:s2+$0xC30];
	_ =	sdelay $0x4  }
0x119: {  	v0 =	vshra.s32 v0, $0x2  }
0x11a: {  	[tilespmem:$0x191B0] =	vst v0  }
0x11b: {  	v0 =	vld [tilespmem:s2+$0xC40];
	_ =	sdelay $0x4  }
0x11c: {  	v0 =	vshra.s32 v0, $0x2  }
0x11d: {  	[tilespmem:$0x191C0] =	vst v0  }
0x11e: {  	v0 =	vld [tilespmem:s2+$0xC50];
	_ =	sdelay $0x4  }
0x11f: {  	v0 =	vshra.s32 v0, $0x2  }
0x120: {  	[tilespmem:$0x191D0] =	vst v0  }
0x121: {  	v0 =	vld [tilespmem:s2+$0xC60];
	_ =	sdelay $0x4  }
0x122: {  	v0 =	vshra.s32 v0, $0x2  }
0x123: {  	[tilespmem:$0x191E0] =	vst v0  }
0x124: {  	v0 =	vld [tilespmem:s2+$0xC70];
	_ =	sdelay $0x4  }
0x125: {  	v0 =	vshra.s32 v0, $0x2  }
0x126: {  	[tilespmem:$0x191F0] =	vst v0  }
0x127: {  	[tilespmem:s20], [sflag:$0x4] =	stream.indirect.gather [hbm4b:s5+s12], $0x80, s19, s12, $0xb8;
	[tilespmem:$0x19200] =	vst v63  }
0x128: {  	_ =	swait.ge [sflag:s21], $0x4000  }
0x129: {  	s31 =	sshll.u32 s3, $0x2;
	p0 =	seq.s32 s9, $0x0;
	[sflag:s21] =	ssyncset.done $0x0  }
0x12a: {  	s6 =	sand.u32 $0x7, s0;
	s8 =	simm.s32 @!p0 $0x5;
	[sflag:s21] =	ssyncadd.s32 $0xFFFFC000  }
0x12b: {  	s6 =	sshll.u32 s6, $0x9;
	s2 =	sand.u32 $0xFFFFC000, s31;
	_ =	swait.ge @!p0 [sflag:s8], $0x1000  }
0x12c: {  	s2 =	sor.u32 s6, s2;
	[sflag:s8] =	ssyncset.done @!p0 $0x0  }
0x12d: {  	s6 =	sshrl.u32 s2, $0x2;
	[sflag:s8] =	ssyncadd.s32 @!p0 $0xFFFFF000  }
0x12e: {  	v0 =	vld [tilespmem:s6+$0x0];
	_ =	sdelay $0x2  }
0x12f: {  	s11 =	simm.s32 $0x0  }
0x130: {  	v1 =	vmov s11  }
0x131: {  	v1 =	vshll.u32 v1, $0x7;
	v0 =	vshll.u32 v0, $0x5  }
0x132: {  	v1 =	vor.u32 v6, v1;
	v0 =	vand.u32 $0x60, v0  }
0x133: {  	v1 =	vor.u32 v1, v0  }
0x134: {  	v0 =	vor.u32 v5, v1;
	_ =	sdelay $0x4  }
0x135: {  	v2 =	vor.u32 s11, v7;
	v0 =	vld.idx.msk [tilespmem:v0+s14+$0x0], $0xffff  }
0x136: {  	v34 =	vor.u32 v8, v1;
	_ =	sdelay $0x3  }
0x137: {  	[tilespmem:v2+s22+$0x0] =	vst.idx.msk $0xffff, v0  }
0x138: {  	v2 =	vor.u32 s11, v9;
	v0 =	vld.idx.msk [tilespmem:v34+s14+$0x0], $0xffff  }
0x139: {  	v60 =	vor.u32 v10, v1;
	_ =	sdelay $0x3  }
0x13a: {  	[tilespmem:v2+s22+$0x0] =	vst.idx.msk $0xffff, v0  }
0x13b: {  	v2 =	vor.u32 s11, v11;
	v0 =	vld.idx.msk [tilespmem:v60+s14+$0x0], $0xffff  }
0x13c: {  	v61 =	vor.u32 v12, v1;
	_ =	sdelay $0x3  }
0x13d: {  	[tilespmem:v2+s22+$0x0] =	vst.idx.msk $0xffff, v0  }
0x13e: {  	v2 =	vor.u32 s11, v13;
	v0 =	vld.idx.msk [tilespmem:v61+s14+$0x0], $0xffff  }
0x13f: {  	v62 =	vor.u32 v14, v1;
	_ =	sdelay $0x3  }
0x140: {  	[tilespmem:v2+s22+$0x0] =	vst.idx.msk $0xffff, v0  }
0x141: {  	v2 =	vor.u32 s11, v15;
	v0 =	vld.idx.msk [tilespmem:v62+s14+$0x0], $0xffff  }
0x142: {  	v63 =	vor.u32 v16, v1;
	_ =	sdelay $0x3  }
0x143: {  	[tilespmem:v2+s22+$0x0] =	vst.idx.msk $0xffff, v0  }
0x144: {  	v2 =	vor.u32 s11, v17;
	v0 =	vld.idx.msk [tilespmem:v63+s14+$0x0], $0xffff  }
0x145: {  	v36 =	vor.u32 v18, v1;
	_ =	sdelay $0x3  }
0x146: {  	[tilespmem:v2+s22+$0x0] =	vst.idx.msk $0xffff, v0  }
0x147: {  	v2 =	vor.u32 s11, v19;
	v0 =	vld.idx.msk [tilespmem:v36+s14+$0x0], $0xffff  }
0x148: {  	v38 =	vor.u32 v20, v1;
	_ =	sdelay $0x3  }
0x149: {  	[tilespmem:v2+s22+$0x0] =	vst.idx.msk $0xffff, v0  }
0x14a: {  	v2 =	vor.u32 s11, v21;
	v0 =	vld.idx.msk [tilespmem:v38+s14+$0x0], $0xffff  }
0x14b: {  	v40 =	vor.u32 v22, v1;
	_ =	sdelay $0x3  }
0x14c: {  	[tilespmem:v2+s22+$0x0] =	vst.idx.msk $0xffff, v0  }
0x14d: {  	v2 =	vor.u32 s11, v23;
	v0 =	vld.idx.msk [tilespmem:v40+s14+$0x0], $0xffff  }
0x14e: {  	v43 =	vor.u32 v24, v1;
	_ =	sdelay $0x3  }
0x14f: {  	[tilespmem:v2+s22+$0x0] =	vst.idx.msk $0xffff, v0  }
0x150: {  	v2 =	vor.u32 s11, v25;
	v0 =	vld.idx.msk [tilespmem:v43+s14+$0x0], $0xffff  }
0x151: {  	v46 =	vor.u32 v26, v1;
	_ =	sdelay $0x3  }
0x152: {  	[tilespmem:v2+s22+$0x0] =	vst.idx.msk $0xffff, v0  }
0x153: {  	v2 =	vor.u32 s11, v27;
	v0 =	vld.idx.msk [tilespmem:v46+s14+$0x0], $0xffff  }
0x154: {  	v50 =	vor.u32 v28, v1;
	_ =	sdelay $0x3  }
0x155: {  	[tilespmem:v2+s22+$0x0] =	vst.idx.msk $0xffff, v0  }
0x156: {  	v2 =	vor.u32 s11, v29;
	v0 =	vld.idx.msk [tilespmem:v50+s14+$0x0], $0xffff  }
0x157: {  	v51 =	vor.u32 v30, v1;
	_ =	sdelay $0x3  }
0x158: {  	[tilespmem:v2+s22+$0x0] =	vst.idx.msk $0xffff, v0  }
0x159: {  	v2 =	vor.u32 s11, v32;
	v0 =	vld.idx.msk [tilespmem:v51+s14+$0x0], $0xffff  }
0x15a: {  	v57 =	vor.u32 v37, v1;
	_ =	sdelay $0x3  }
0x15b: {  	[tilespmem:v2+s22+$0x0] =	vst.idx.msk $0xffff, v0  }
0x15c: {  	v2 =	vor.u32 s11, v42;
	v0 =	vld.idx.msk [tilespmem:v57+s14+$0x0], $0xffff  }
0x15d: {  	v58 =	vor.u32 v47, v1;
	_ =	sdelay $0x3  }
0x15e: {  	[tilespmem:v2+s22+$0x0] =	vst.idx.msk $0xffff, v0  }
0x15f: {  	v2 =	vor.u32 s11, v52;
	v0 =	vld.idx.msk [tilespmem:v58+s14+$0x0], $0xffff  }
0x160: {  	v60 =	vor.u32 v31, v1;
	_ =	sdelay $0x3  }
0x161: {  	[tilespmem:v2+s22+$0x0] =	vst.idx.msk $0xffff, v0  }
0x162: {  	v2 =	vor.u32 s11, v53;
	v0 =	vld.idx.msk [tilespmem:v60+s14+$0x0], $0xffff  }
0x163: {  	v61 =	vor.u32 v48, v1;
	_ =	sdelay $0x3  }
0x164: {  	[tilespmem:v2+s22+$0x0] =	vst.idx.msk $0xffff, v0  }
0x165: {  	v2 =	vor.u32 s11, v41;
	v0 =	vld.idx.msk [tilespmem:v61+s14+$0x0], $0xffff  }
0x166: {  	v62 =	vor.u32 v39, v1;
	_ =	sdelay $0x2  }
0x167: {  	v33 =	vld [tilespmem:$0x1FDF0]  }
0x168: {  	v48 =	vld [tilespmem:$0x1FE00];
	[tilespmem:v2+s22+$0x0] =	vst.idx.msk $0xffff, v0  }
0x169: {  	v2 =	vor.u32 s11, v54;
	v0 =	vld.idx.msk [tilespmem:v62+s14+$0x0], $0xffff  }
0x16a: {  	v35 =	vor.u32 v44, v1;
	v46 =	vld [tilespmem:$0x1FE30]  }
0x16b: {  	v51 =	vld [tilespmem:$0x1FE10]  }
0x16c: {  	v57 =	vld [tilespmem:$0x1FE50]  }
0x16d: {  	v58 =	vld [tilespmem:$0x1FE60]  }
0x16e: {  	v62 =	vld [tilespmem:$0x1FE20];
	[tilespmem:v2+s22+$0x0] =	vst.idx.msk $0xffff, v0  }
0x16f: {  	v0 =	vld.idx.msk [tilespmem:v35+s14+$0x0], $0xffff  }
0x170: {  	v35 =	vld [tilespmem:$0x1FE40];
	_ =	sdelay $0x3  }
0x171: {  	v39 =	vsel vm0, v48, v33;
	v40 =	vsel vm0, v62, v51  }
0x172: {  	v43 =	vsel vm0, v58, v57;
	v4 =	vcombine.low v40, v39;
	v41 =	vsel vm0, v35, v46  }
0x173: {  	v2 =	vor.u32 s11, v55;
	v3 =	vcombine.low v43, v41  }
0x174: {  	[tilespmem:$0x1FDB0] =	vst v4;
	v36 =	vor.u32 v4, v1;
	v4 =	vld [tilespmem:$0x1FEE0]  }
0x175: {  	[tilespmem:$0x1FDC0] =	vst v3;
	v63 =	vor.u32 v3, v1;
	v3 =	vld [tilespmem:$0x1FED0];
	_ =	sdelay $0x2  }
0x176: {  	[tilespmem:v2+s22+$0x0] =	vst.idx.msk $0xffff, v0  }
0x177: {  	v0 =	vld.idx.msk [tilespmem:v36+s14+$0x0], $0xffff  }
0x178: {  	v36 =	vsel vm0, v4, v3;
	v3 =	vld [tilespmem:$0x1FEC0]  }
0x179: {  	v4 =	vld [tilespmem:$0x1FEF0];
	_ =	sdelay $0x4  }
0x17a: {  	v44 =	vsel vm0, v3, v4  }
0x17b: {  	v3 =	vcombine.low v44, v36  }
0x17c: {  	v4 =	vld [tilespmem:$0x1FF20]  }
0x17d: {  	[tilespmem:$0x1FDD0] =	vst v3;
	v38 =	vor.u32 v3, v1;
	v3 =	vld [tilespmem:$0x1FF10]  }
0x17e: {  	v2 =	vor.u32 s11, v56;
	_ =	sdelay $0x3  }
0x17f: {  	v60 =	vsel vm0, v4, v3;
	v3 =	vld [tilespmem:$0x1FF00]  }
0x180: {  	[tilespmem:v2+s22+$0x0] =	vst.idx.msk $0xffff, v0;
	v4 =	vld [tilespmem:$0x1FF30]  }
0x181: {  	v2 =	vor.u32 s11, v59;
	v0 =	vld.idx.msk [tilespmem:v63+s14+$0x0], $0xffff  }
0x182: {  	v61 =	vld [tilespmem:$0x1FE70];
	_ =	sdelay $0x2  }
0x183: {  	v3 =	vsel vm0, v3, v4  }
0x184: {  	[tilespmem:v2+s22+$0x0] =	vst.idx.msk $0xffff, v0;
	v50 =	vcombine.low v3, v60  }
0x185: {  	v2 =	vor.u32 s11, v61;
	v0 =	vld.idx.msk [tilespmem:v38+s14+$0x0], $0xffff  }
0x186: {  	[tilespmem:$0x1FDE0] =	vst v3;
	v3 =	vor.u32 v50, v1;
	_ =	sdelay $0x2  }
0x187: {  	v33 =	vsel vm0, v33, v62;
	v63 =	vsel vm0, v51, v48  }
0x188: {  	v51 =	vcombine.low v33, v63;
	[tilespmem:v2+s22+$0x0] =	vst.idx.msk $0xffff, v0  }
0x189: {  	v2 =	vor.u32 s11, v49;
	v0 =	vld.idx.msk [tilespmem:v3+s14+$0x0], $0xffff  }
0x18a: {  	v4 =	vor.u32 v51, v1;
	_ =	sdelay $0x3  }
0x18b: {  	[tilespmem:v2+s22+$0x0] =	vst.idx.msk $0xffff, v0  }
0x18c: {  	v2 =	vor.u32 s11, v45;
	v0 =	vld.idx.msk [tilespmem:v4+s14+$0x0], $0xffff;
	_ =	sdelay $0x2  }
0x18d: {  	v38 =	vsel vm0, v46, v58;
	v3 =	vsel vm0, v57, v35  }
0x18e: {  	v34 =	vld [tilespmem:$0x1FE80];
	v58 =	vmov v49;
	v49 =	vcombine.low v38, v3  }
0x18f: {  	[tilespmem:v2+s22+$0x0] =	vst.idx.msk $0xffff, v0;
	v0 =	vld [tilespmem:$0x1FF40]  }
0x190: {  	v3 =	vor.u32 v49, v1;
	v2 =	vld [tilespmem:$0x1FF50];
	_ =	sdelay $0x4  }
0x191: {  	v38 =	vcombine.low v0, v2;
	v0 =	vld.idx.msk [tilespmem:v3+s14+$0x0], $0xffff;
	v2 =	vor.u32 s11, v34;
	_ =	sdelay $0x4  }
0x192: {  	[tilespmem:v2+s22+$0x0] =	vst.idx.msk $0xffff, v0;
	v0 =	vld [tilespmem:$0x1FF60]  }
0x193: {  	v2 =	vld [tilespmem:$0x1FF70]  }
0x194: {  	v57 =	vld [tilespmem:$0x1FE90];
	v3 =	vor.u32 v38, v1;
	_ =	sdelay $0x3  }
0x195: {  	v0 =	vcombine.low v0, v2  }
0x196: {  	v3 =	vld.idx.msk [tilespmem:v3+s14+$0x0], $0xffff;
	v2 =	vor.u32 s11, v57  }
0x197: {  	v62 =	vmov v45;
	v45 =	vcombine.low v39, v40;
	v39 =	vld [tilespmem:$0x1FFB0];
	v4 =	vor.u32 v0, v1;
	_ =	sdelay $0x3  }
0x198: {  	[tilespmem:v2+s22+$0x0] =	vst.idx.msk $0xffff, v3  }
0x199: {  	v2 =	vor.u32 s11, v39;
	v3 =	vld.idx.msk [tilespmem:v4+s14+$0x0], $0xffff  }
0x19a: {  	v40 =	vld [tilespmem:$0x1FFC0];
	v4 =	vor.u32 v45, v1;
	_ =	sdelay $0x3  }
0x19b: {  	v48 =	vcombine.low v41, v43;
	[tilespmem:v2+s22+$0x0] =	vst.idx.msk $0xffff, v3  }
0x19c: {  	v2 =	vor.u32 s11, v40;
	v3 =	vld.idx.msk [tilespmem:v4+s14+$0x0], $0xffff  }
0x19d: {  	v41 =	vld [tilespmem:$0x1FFD0];
	v4 =	vor.u32 v48, v1;
	_ =	sdelay $0x3  }
0x19e: {  	v46 =	vcombine.low v36, v44;
	[tilespmem:v2+s22+$0x0] =	vst.idx.msk $0xffff, v3  }
0x19f: {  	v2 =	vor.u32 s11, v41;
	v36 =	vld.idx.msk [tilespmem:v4+s14+$0x0], $0xffff  }
0x1a0: {  	v35 =	vld [tilespmem:$0x1FF80];
	v3 =	vor.u32 v46, v1;
	_ =	sdelay $0x2  }
0x1a1: {  	v44 =	vld [tilespmem:$0x1FDE0]  }
0x1a2: {  	[tilespmem:v2+s22+$0x0] =	vst.idx.msk $0xffff, v36  }
0x1a3: {  	v2 =	vor.u32 s11, v35;
	v3 =	vld.idx.msk [tilespmem:v3+s14+$0x0], $0xffff;
	_ =	sdelay $0x2  }
0x1a4: {  	v43 =	vcombine.low v60, v44;
	_ =	sdelay $0x1  }
0x1a5: {  	v60 =	vor.u32 v43, v1;
	[tilespmem:v2+s22+$0x0] =	vst.idx.msk $0xffff, v3;
	v2 =	vld [tilespmem:$0x1FF90];
	_ =	sdelay $0x3  }
0x1a6: {  	v44 =	vcombine.low v63, v33  }
0x1a7: {  	v3 =	vld.idx.msk [tilespmem:v60+s14+$0x0], $0xffff;
	v2 =	vor.u32 s11, v2  }
0x1a8: {  	v1 =	vor.u32 v44, v1;
	v36 =	vld [tilespmem:$0x1FEA0];
	_ =	sdelay $0x3  }
0x1a9: {  	s15 =	sor.u32 $0xC00, s6;
	[tilespmem:v2+s22+$0x0] =	vst.idx.msk $0xffff, v3  }
0x1aa: {  	s17 =	sor.u32 $0x800, s6;
	s2 =	sor.u32 $0x400, s6;
	s8 =	simm.s32 $0x10;
	v63 =	vmovc v34;
	v33 =	vmov v57;
	v34 =	vmov v58;
	v2 =	vor.u32 s11, v36;
	v1 =	vld.idx.msk [tilespmem:v1+s14+$0x0], $0xffff  }
.LBB2_3:
0x1ab: {  	_ =	sdelay $0x3  }
0x1ac: {  	s6 =	sadd.s32 $0x10, s6;
	[tilespmem:v2+s22+$0x0] =	vst.idx.msk $0xffff, v1  }
0x1ad: {  	v1 =	vld [tilespmem:s6+$0x0];
	_ =	sdelay $0x2  }
0x1ae: {  	s11 =	smov.u32 s8  }
0x1af: {  	v2 =	vmov s11  }
0x1b0: {  	v2 =	vshll.u32 v2, $0x7;
	v1 =	vshll.u32 v1, $0x5  }
0x1b1: {  	v2 =	vor.u32 v6, v2;
	v1 =	vand.u32 $0x60, v1  }
0x1b2: {  	v1 =	vor.u32 v2, v1  }
0x1b3: {  	v2 =	vor.u32 v5, v1;
	_ =	sdelay $0x4  }
0x1b4: {  	v3 =	vor.u32 s11, v7;
	v2 =	vld.idx.msk [tilespmem:v2+s14+$0x0], $0xffff  }
0x1b5: {  	v4 =	vor.u32 v8, v1;
	_ =	sdelay $0x3  }
0x1b6: {  	[tilespmem:v3+s22+$0x0] =	vst.idx.msk $0xffff, v2  }
0x1b7: {  	v3 =	vor.u32 s11, v9;
	v2 =	vld.idx.msk [tilespmem:v4+s14+$0x0], $0xffff  }
0x1b8: {  	v4 =	vor.u32 v10, v1;
	_ =	sdelay $0x3  }
0x1b9: {  	[tilespmem:v3+s22+$0x0] =	vst.idx.msk $0xffff, v2  }
0x1ba: {  	v3 =	vor.u32 s11, v11;
	v2 =	vld.idx.msk [tilespmem:v4+s14+$0x0], $0xffff  }
0x1bb: {  	v4 =	vor.u32 v12, v1;
	_ =	sdelay $0x3  }
0x1bc: {  	[tilespmem:v3+s22+$0x0] =	vst.idx.msk $0xffff, v2  }
0x1bd: {  	v3 =	vor.u32 s11, v13;
	v2 =	vld.idx.msk [tilespmem:v4+s14+$0x0], $0xffff  }
0x1be: {  	v4 =	vor.u32 v14, v1;
	_ =	sdelay $0x3  }
0x1bf: {  	[tilespmem:v3+s22+$0x0] =	vst.idx.msk $0xffff, v2  }
0x1c0: {  	v3 =	vor.u32 s11, v15;
	v2 =	vld.idx.msk [tilespmem:v4+s14+$0x0], $0xffff  }
0x1c1: {  	v4 =	vor.u32 v16, v1;
	_ =	sdelay $0x3  }
0x1c2: {  	[tilespmem:v3+s22+$0x0] =	vst.idx.msk $0xffff, v2  }
0x1c3: {  	v3 =	vor.u32 s11, v17;
	v2 =	vld.idx.msk [tilespmem:v4+s14+$0x0], $0xffff  }
0x1c4: {  	v4 =	vor.u32 v18, v1;
	_ =	sdelay $0x3  }
0x1c5: {  	[tilespmem:v3+s22+$0x0] =	vst.idx.msk $0xffff, v2  }
0x1c6: {  	v3 =	vor.u32 s11, v19;
	v2 =	vld.idx.msk [tilespmem:v4+s14+$0x0], $0xffff  }
0x1c7: {  	v4 =	vor.u32 v20, v1;
	_ =	sdelay $0x3  }
0x1c8: {  	[tilespmem:v3+s22+$0x0] =	vst.idx.msk $0xffff, v2  }
0x1c9: {  	v3 =	vor.u32 s11, v21;
	v2 =	vld.idx.msk [tilespmem:v4+s14+$0x0], $0xffff  }
0x1ca: {  	v4 =	vor.u32 v22, v1;
	_ =	sdelay $0x3  }
0x1cb: {  	[tilespmem:v3+s22+$0x0] =	vst.idx.msk $0xffff, v2  }
0x1cc: {  	v3 =	vor.u32 s11, v23;
	v2 =	vld.idx.msk [tilespmem:v4+s14+$0x0], $0xffff  }
0x1cd: {  	v4 =	vor.u32 v24, v1;
	_ =	sdelay $0x3  }
0x1ce: {  	[tilespmem:v3+s22+$0x0] =	vst.idx.msk $0xffff, v2  }
0x1cf: {  	v3 =	vor.u32 s11, v25;
	v2 =	vld.idx.msk [tilespmem:v4+s14+$0x0], $0xffff  }
0x1d0: {  	v4 =	vor.u32 v26, v1;
	_ =	sdelay $0x3  }
0x1d1: {  	[tilespmem:v3+s22+$0x0] =	vst.idx.msk $0xffff, v2  }
0x1d2: {  	v3 =	vor.u32 s11, v27;
	v2 =	vld.idx.msk [tilespmem:v4+s14+$0x0], $0xffff  }
0x1d3: {  	v4 =	vor.u32 v28, v1;
	_ =	sdelay $0x3  }
0x1d4: {  	[tilespmem:v3+s22+$0x0] =	vst.idx.msk $0xffff, v2  }
0x1d5: {  	v3 =	vor.u32 s11, v29;
	v2 =	vld.idx.msk [tilespmem:v4+s14+$0x0], $0xffff  }
0x1d6: {  	v4 =	vor.u32 v30, v1;
	_ =	sdelay $0x3  }
0x1d7: {  	[tilespmem:v3+s22+$0x0] =	vst.idx.msk $0xffff, v2  }
0x1d8: {  	v3 =	vor.u32 s11, v32;
	v2 =	vld.idx.msk [tilespmem:v4+s14+$0x0], $0xffff  }
0x1d9: {  	v4 =	vor.u32 v37, v1;
	_ =	sdelay $0x3  }
0x1da: {  	[tilespmem:v3+s22+$0x0] =	vst.idx.msk $0xffff, v2  }
0x1db: {  	v3 =	vor.u32 s11, v42;
	v2 =	vld.idx.msk [tilespmem:v4+s14+$0x0], $0xffff  }
0x1dc: {  	v4 =	vor.u32 v47, v1;
	_ =	sdelay $0x3  }
0x1dd: {  	[tilespmem:v3+s22+$0x0] =	vst.idx.msk $0xffff, v2  }
0x1de: {  	v3 =	vor.u32 s11, v52;
	v2 =	vld.idx.msk [tilespmem:v4+s14+$0x0], $0xffff  }
0x1df: {  	v4 =	vor.u32 v31, v1;
	_ =	sdelay $0x3  }
0x1e0: {  	[tilespmem:v3+s22+$0x0] =	vst.idx.msk $0xffff, v2  }
0x1e1: {  	v2 =	vld.idx.msk [tilespmem:v4+s14+$0x0], $0xffff  }
0x1e2: {  	v4 =	vld [tilespmem:$0x1FEB0];
	_ =	sdelay $0x3  }
0x1e3: {  	v3 =	vor.u32 s11, v53  }
0x1e4: {  	v4 =	vor.u32 v4, v1;
	_ =	sdelay $0x3  }
0x1e5: {  	[tilespmem:v3+s22+$0x0] =	vst.idx.msk $0xffff, v2;
	v3 =	vld [tilespmem:$0x1FFF0]  }
0x1e6: {  	v2 =	vld.idx.msk [tilespmem:v4+s14+$0x0], $0xffff  }
0x1e7: {  	v4 =	vld [tilespmem:$0x1FFE0];
	_ =	sdelay $0x3  }
0x1e8: {  	v3 =	vor.u32 s11, v3  }
0x1e9: {  	v4 =	vor.u32 v4, v1;
	_ =	sdelay $0x3  }
0x1ea: {  	[tilespmem:v3+s22+$0x0] =	vst.idx.msk $0xffff, v2  }
0x1eb: {  	v2 =	vld.idx.msk [tilespmem:v4+s14+$0x0], $0xffff  }
0x1ec: {  	v4 =	vld [tilespmem:$0x1FFA0];
	_ =	sdelay $0x3  }
0x1ed: {  	v3 =	vor.u32 s11, v54  }
0x1ee: {  	v4 =	vor.u32 v4, v1;
	_ =	sdelay $0x3  }
0x1ef: {  	[tilespmem:v3+s22+$0x0] =	vst.idx.msk $0xffff, v2  }
0x1f0: {  	v2 =	vld.idx.msk [tilespmem:v4+s14+$0x0], $0xffff  }
0x1f1: {  	v4 =	vld [tilespmem:$0x1FDB0];
	_ =	sdelay $0x3  }
0x1f2: {  	v3 =	vor.u32 s11, v55  }
0x1f3: {  	v4 =	vor.u32 v4, v1;
	_ =	sdelay $0x3  }
0x1f4: {  	[tilespmem:v3+s22+$0x0] =	vst.idx.msk $0xffff, v2  }
0x1f5: {  	v2 =	vld.idx.msk [tilespmem:v4+s14+$0x0], $0xffff  }
0x1f6: {  	v4 =	vld [tilespmem:$0x1FDC0];
	_ =	sdelay $0x3  }
0x1f7: {  	v3 =	vor.u32 s11, v56  }
0x1f8: {  	v4 =	vor.u32 v4, v1;
	_ =	sdelay $0x3  }
0x1f9: {  	[tilespmem:v3+s22+$0x0] =	vst.idx.msk $0xffff, v2  }
0x1fa: {  	v2 =	vld.idx.msk [tilespmem:v4+s14+$0x0], $0xffff  }
0x1fb: {  	v4 =	vld [tilespmem:$0x1FDD0];
	_ =	sdelay $0x3  }
0x1fc: {  	v3 =	vor.u32 s11, v59  }
0x1fd: {  	v4 =	vor.u32 v4, v1;
	_ =	sdelay $0x3  }
0x1fe: {  	[tilespmem:v3+s22+$0x0] =	vst.idx.msk $0xffff, v2  }
0x1ff: {  	v3 =	vor.u32 s11, v61;
	v2 =	vld.idx.msk [tilespmem:v4+s14+$0x0], $0xffff  }
0x200: {  	v4 =	vor.u32 v50, v1;
	_ =	sdelay $0x3  }
0x201: {  	[tilespmem:v3+s22+$0x0] =	vst.idx.msk $0xffff, v2  }
0x202: {  	v3 =	vor.u32 s11, v34;
	v2 =	vld.idx.msk [tilespmem:v4+s14+$0x0], $0xffff  }
0x203: {  	v4 =	vor.u32 v51, v1;
	_ =	sdelay $0x3  }
0x204: {  	[tilespmem:v3+s22+$0x0] =	vst.idx.msk $0xffff, v2  }
0x205: {  	v3 =	vor.u32 s11, v62;
	v2 =	vld.idx.msk [tilespmem:v4+s14+$0x0], $0xffff  }
0x206: {  	v4 =	vor.u32 v49, v1;
	_ =	sdelay $0x3  }
0x207: {  	[tilespmem:v3+s22+$0x0] =	vst.idx.msk $0xffff, v2  }
0x208: {  	v3 =	vor.u32 s11, v63;
	v2 =	vld.idx.msk [tilespmem:v4+s14+$0x0], $0xffff  }
0x209: {  	v4 =	vor.u32 v38, v1;
	_ =	sdelay $0x3  }
0x20a: {  	[tilespmem:v3+s22+$0x0] =	vst.idx.msk $0xffff, v2  }
0x20b: {  	v3 =	vor.u32 s11, v33;
	v2 =	vld.idx.msk [tilespmem:v4+s14+$0x0], $0xffff  }
0x20c: {  	v4 =	vor.u32 v0, v1;
	_ =	sdelay $0x3  }
0x20d: {  	[tilespmem:v3+s22+$0x0] =	vst.idx.msk $0xffff, v2  }
0x20e: {  	v3 =	vor.u32 s11, v39;
	v2 =	vld.idx.msk [tilespmem:v4+s14+$0x0], $0xffff  }
0x20f: {  	v5 =	vor.u32 v45, v1;
	_ =	sdelay $0x3  }
0x210: {  	[tilespmem:v3+s22+$0x0] =	vst.idx.msk $0xffff, v2  }
0x211: {  	v60 =	vor.u32 v46, v1;
	v3 =	vor.u32 s11, v40;
	v2 =	vld.idx.msk [tilespmem:v5+s14+$0x0], $0xffff  }
0x212: {  	v58 =	vor.u32 v43, v1;
	v57 =	vor.u32 v44, v1;
	v1 =	vor.u32 v48, v1;
	_ =	sdelay $0x3  }
0x213: {  	[tilespmem:v3+s22+$0x0] =	vst.idx.msk $0xffff, v2  }
0x214: {  	v2 =	vor.u32 s11, v41;
	v1 =	vld.idx.msk [tilespmem:v1+s14+$0x0], $0xffff;
	_ =	sdelay $0x4  }
0x215: {  	[tilespmem:v2+s22+$0x0] =	vst.idx.msk $0xffff, v1  }
0x216: {  	v2 =	vor.u32 s11, v35;
	v1 =	vld.idx.msk [tilespmem:v60+s14+$0x0], $0xffff;
	_ =	sdelay $0x4  }
0x217: {  	[tilespmem:v2+s22+$0x0] =	vst.idx.msk $0xffff, v1  }
0x218: {  	v1 =	vld.idx.msk [tilespmem:v58+s14+$0x0], $0xffff  }
0x219: {  	v58 =	vld [tilespmem:$0x1FF90];
	_ =	sdelay $0x4  }
0x21a: {  	v2 =	vor.u32 s11, v58  }
0x21b: {  	p1 =	sne.s32 s8, $0x70  }
.Ltmp2:
0x21c: {  	_ = 	snop;
	(pc) =	sbr.rel @p1 .LBB2_3-.Ltmp2, $3  }
0x21d: {  	_ =	sdelay $0x1  }
0x21e: {  	[tilespmem:v2+s22+$0x0] =	vst.idx.msk $0xffff, v1  }
0x21f: {  	s8 =	sadd.s32 $0x10, s8;
	v5 =	vlaneseq.u32;
	v2 =	vor.u32 s11, v36;
	v1 =	vld.idx.msk [tilespmem:v57+s14+$0x0], $0xffff  }
0x220: {  	[tilespmem:$0x1FD40] =	vst v44  }
0x221: {  	[tilespmem:$0x1FD50] =	vst v43  }
0x222: {  	[tilespmem:$0x1FD60] =	vst v46  }
0x223: {  	[tilespmem:$0x1FD70] =	vst v45;
	p1 =	sne.s32 s9, $0x31  }
.Ltmp3:
0x224: {  	[tilespmem:$0x1FDA0] =	vst v49;
	v49 =	vld [tilespmem:$0x1FDD0];
	(pc) =	sbr.rel @p1 .LBB2_6-.Ltmp3, $4  }
0x225: {  	[tilespmem:$0x1FD80] =	vst v0;
	v45 =	vld [tilespmem:$0x1FDC0]  }
0x226: {  	[tilespmem:$0x1FD90] =	vst v38;
	v46 =	vld [tilespmem:$0x1FDB0];
	s6 =	sshll.u32 s9, $0x10  }
0x227: {  	v43 =	vld [tilespmem:$0x1FFE0];
	s8 =	sadd.s32 s6, s7;
	[tilespmem:v2+s22+$0x0] =	vst.idx.msk $0xffff, v1  }
0x228: {  	v36 =	vmov v48;
	v57 =	vmov v50;
	v38 =	vld [tilespmem:$0x1FFF0];
	[hbm4b:s8+s23] =	stream.strided.scatter [tilespmem:s22], [sflag:$0x5], $0x1000, s10, s23, $0x38  }
.Ltmp4:
0x229: {  	_ = 	snop;
	(pc) =	sbr.rel .LBB2_7-.Ltmp4, $4  }
0x22a: {  	_ = 	snop  }
0x22b: {  	_ =	swait.ge [sflag:s24], $0x4000  }
0x22c: {  	[sflag:s24] =	ssyncset.done $0x0;
	v48 =	vld [tilespmem:$0x1FEB0]  }
0x22d: {  	v60 =	vmov v34;
	v44 =	vld [tilespmem:$0x1FFA0];
	[sflag:s24] =	ssyncadd.s32 $0xFFFFC000;
	v34 =	vmov v43;
	v39 =	vmov v38  }
.LBB2_6:
0x22e: {  	s8 =	sadd.s32 $0x1, s9  }
0x22f: {  	s11 =	sshll.u32 s8, $0x9;
	s8 =	sshll.u32 s8, $0x7  }
0x230: {  	s11 =	sand.u32 $0xF000, s11;
	s8 =	sand.u32 $0x380, s8  }
0x231: {  	s8 =	sor.u32 s8, s11  }
0x232: {  	v1 =	vld [tilespmem:s8+$0x0];
	_ =	sdelay $0x4  }
0x233: {  	v1 =	vshra.s32 v1, $0x2  }
0x234: {  	[tilespmem:$0x19000] =	vst v1  }
0x235: {  	v1 =	vld [tilespmem:s8+$0x10];
	_ =	sdelay $0x4  }
0x236: {  	v1 =	vshra.s32 v1, $0x2  }
0x237: {  	[tilespmem:$0x19010] =	vst v1  }
0x238: {  	v1 =	vld [tilespmem:s8+$0x20];
	_ =	sdelay $0x4  }
0x239: {  	v1 =	vshra.s32 v1, $0x2  }
0x23a: {  	[tilespmem:$0x19020] =	vst v1  }
0x23b: {  	v1 =	vld [tilespmem:s8+$0x30];
	_ =	sdelay $0x4  }
0x23c: {  	v1 =	vshra.s32 v1, $0x2  }
0x23d: {  	[tilespmem:$0x19030] =	vst v1  }
0x23e: {  	v1 =	vld [tilespmem:s8+$0x40];
	_ =	sdelay $0x4  }
0x23f: {  	v1 =	vshra.s32 v1, $0x2  }
0x240: {  	[tilespmem:$0x19040] =	vst v1  }
0x241: {  	v1 =	vld [tilespmem:s8+$0x50];
	_ =	sdelay $0x4  }
0x242: {  	v1 =	vshra.s32 v1, $0x2  }
0x243: {  	[tilespmem:$0x19050] =	vst v1  }
0x244: {  	v1 =	vld [tilespmem:s8+$0x60];
	_ =	sdelay $0x4  }
0x245: {  	v1 =	vshra.s32 v1, $0x2  }
0x246: {  	[tilespmem:$0x19060] =	vst v1  }
0x247: {  	v1 =	vld [tilespmem:s8+$0x70];
	_ =	sdelay $0x4  }
0x248: {  	v1 =	vshra.s32 v1, $0x2  }
.Ltmp5:
0x249: {  	[tilespmem:$0x19070] =	vst v1;
	(pc) =	sbr.rel @p0 .LBB2_8-.Ltmp5, $4  }
0x24a: {  	[tilespmem:s14], [sflag:$0x1] =	stream.indirect.gather [hbm4b:s5+s12], $0x80, s13, s12, $0xb8;
	[tilespmem:$0x19200] =	vst v63  }
0x24b: {  	_ =	swait.ge [sflag:s24], $0x4000  }
0x24c: {  	[sflag:s24] =	ssyncset.done $0x0;
	v48 =	vld [tilespmem:$0x1FEB0]  }
0x24d: {  	v60 =	vmov v34;
	v34 =	vmov v43;
	v39 =	vmov v38;
	v44 =	vld [tilespmem:$0x1FFA0];
	[sflag:s24] =	ssyncadd.s32 $0xFFFFC000  }
.LBB2_7:
0x24e: {  	_ =	swait.ge [sflag:s25], $0x1000  }
0x24f: {  	[sflag:s25] =	ssyncset.done $0x0  }
0x250: {  	[sflag:s25] =	ssyncadd.s32 $0xFFFFF000  }
.LBB2_8:
0x251: {  	v1 =	vld [tilespmem:s2+$0x0];
	_ =	sdelay $0x2  }
0x252: {  	s11 =	simm.s32 $0x0  }
0x253: {  	v2 =	vmov s11  }
0x254: {  	v2 =	vshll.u32 v2, $0x7;
	v1 =	vshll.u32 v1, $0x5  }
0x255: {  	v2 =	vor.u32 v6, v2;
	v1 =	vand.u32 $0x60, v1  }
0x256: {  	v1 =	vor.u32 v2, v1  }
0x257: {  	v2 =	vor.u32 v5, v1;
	_ =	sdelay $0x4  }
0x258: {  	v3 =	vor.u32 s11, v7;
	v2 =	vld.idx.msk [tilespmem:v2+s16+$0x0], $0xffff  }
0x259: {  	v4 =	vor.u32 v8, v1;
	_ =	sdelay $0x3  }
0x25a: {  	[tilespmem:v3+s26+$0x0] =	vst.idx.msk $0xffff, v2  }
0x25b: {  	v3 =	vor.u32 s11, v9;
	v2 =	vld.idx.msk [tilespmem:v4+s16+$0x0], $0xffff  }
0x25c: {  	v4 =	vor.u32 v10, v1;
	_ =	sdelay $0x3  }
0x25d: {  	[tilespmem:v3+s26+$0x0] =	vst.idx.msk $0xffff, v2  }
0x25e: {  	v3 =	vor.u32 s11, v11;
	v2 =	vld.idx.msk [tilespmem:v4+s16+$0x0], $0xffff  }
0x25f: {  	v4 =	vor.u32 v12, v1;
	_ =	sdelay $0x3  }
0x260: {  	[tilespmem:v3+s26+$0x0] =	vst.idx.msk $0xffff, v2  }
0x261: {  	v3 =	vor.u32 s11, v13;
	v2 =	vld.idx.msk [tilespmem:v4+s16+$0x0], $0xffff  }
0x262: {  	v4 =	vor.u32 v14, v1;
	_ =	sdelay $0x3  }
0x263: {  	[tilespmem:v3+s26+$0x0] =	vst.idx.msk $0xffff, v2  }
0x264: {  	v3 =	vor.u32 s11, v15;
	v2 =	vld.idx.msk [tilespmem:v4+s16+$0x0], $0xffff  }
0x265: {  	v4 =	vor.u32 v16, v1;
	_ =	sdelay $0x3  }
0x266: {  	[tilespmem:v3+s26+$0x0] =	vst.idx.msk $0xffff, v2  }
0x267: {  	v3 =	vor.u32 s11, v17;
	v2 =	vld.idx.msk [tilespmem:v4+s16+$0x0], $0xffff  }
0x268: {  	v4 =	vor.u32 v18, v1;
	_ =	sdelay $0x3  }
0x269: {  	[tilespmem:v3+s26+$0x0] =	vst.idx.msk $0xffff, v2  }
0x26a: {  	v3 =	vor.u32 s11, v19;
	v2 =	vld.idx.msk [tilespmem:v4+s16+$0x0], $0xffff  }
0x26b: {  	v4 =	vor.u32 v20, v1;
	_ =	sdelay $0x3  }
0x26c: {  	[tilespmem:v3+s26+$0x0] =	vst.idx.msk $0xffff, v2  }
0x26d: {  	v3 =	vor.u32 s11, v21;
	v2 =	vld.idx.msk [tilespmem:v4+s16+$0x0], $0xffff  }
0x26e: {  	v4 =	vor.u32 v22, v1;
	_ =	sdelay $0x3  }
0x26f: {  	[tilespmem:v3+s26+$0x0] =	vst.idx.msk $0xffff, v2  }
0x270: {  	v3 =	vor.u32 s11, v23;
	v2 =	vld.idx.msk [tilespmem:v4+s16+$0x0], $0xffff  }
0x271: {  	v4 =	vor.u32 v24, v1;
	_ =	sdelay $0x3  }
0x272: {  	[tilespmem:v3+s26+$0x0] =	vst.idx.msk $0xffff, v2  }
0x273: {  	v3 =	vor.u32 s11, v25;
	v2 =	vld.idx.msk [tilespmem:v4+s16+$0x0], $0xffff  }
0x274: {  	v4 =	vor.u32 v26, v1;
	_ =	sdelay $0x3  }
0x275: {  	[tilespmem:v3+s26+$0x0] =	vst.idx.msk $0xffff, v2  }
0x276: {  	v3 =	vor.u32 s11, v27;
	v2 =	vld.idx.msk [tilespmem:v4+s16+$0x0], $0xffff  }
0x277: {  	v4 =	vor.u32 v28, v1;
	_ =	sdelay $0x3  }
0x278: {  	[tilespmem:v3+s26+$0x0] =	vst.idx.msk $0xffff, v2  }
0x279: {  	v3 =	vor.u32 s11, v29;
	v2 =	vld.idx.msk [tilespmem:v4+s16+$0x0], $0xffff  }
0x27a: {  	v4 =	vor.u32 v30, v1;
	_ =	sdelay $0x3  }
0x27b: {  	[tilespmem:v3+s26+$0x0] =	vst.idx.msk $0xffff, v2  }
0x27c: {  	v3 =	vor.u32 s11, v32;
	v2 =	vld.idx.msk [tilespmem:v4+s16+$0x0], $0xffff  }
0x27d: {  	v4 =	vor.u32 v37, v1;
	_ =	sdelay $0x3  }
0x27e: {  	[tilespmem:v3+s26+$0x0] =	vst.idx.msk $0xffff, v2  }
0x27f: {  	v3 =	vor.u32 s11, v42;
	v2 =	vld.idx.msk [tilespmem:v4+s16+$0x0], $0xffff  }
0x280: {  	v4 =	vor.u32 v47, v1;
	_ =	sdelay $0x3  }
0x281: {  	[tilespmem:v3+s26+$0x0] =	vst.idx.msk $0xffff, v2  }
0x282: {  	v3 =	vor.u32 s11, v52;
	v2 =	vld.idx.msk [tilespmem:v4+s16+$0x0], $0xffff  }
0x283: {  	v4 =	vor.u32 v31, v1;
	_ =	sdelay $0x3  }
0x284: {  	[tilespmem:v3+s26+$0x0] =	vst.idx.msk $0xffff, v2  }
0x285: {  	v3 =	vor.u32 s11, v53;
	v2 =	vld.idx.msk [tilespmem:v4+s16+$0x0], $0xffff  }
0x286: {  	v4 =	vor.u32 v48, v1;
	_ =	sdelay $0x3  }
0x287: {  	[tilespmem:v3+s26+$0x0] =	vst.idx.msk $0xffff, v2  }
0x288: {  	v3 =	vor.u32 s11, v39;
	v2 =	vld.idx.msk [tilespmem:v4+s16+$0x0], $0xffff  }
0x289: {  	v4 =	vor.u32 v34, v1;
	_ =	sdelay $0x3  }
0x28a: {  	[tilespmem:v3+s26+$0x0] =	vst.idx.msk $0xffff, v2  }
0x28b: {  	v3 =	vor.u32 s11, v54;
	v2 =	vld.idx.msk [tilespmem:v4+s16+$0x0], $0xffff  }
0x28c: {  	v4 =	vor.u32 v44, v1;
	_ =	sdelay $0x3  }
0x28d: {  	[tilespmem:v3+s26+$0x0] =	vst.idx.msk $0xffff, v2  }
0x28e: {  	v3 =	vor.u32 s11, v55;
	v2 =	vld.idx.msk [tilespmem:v4+s16+$0x0], $0xffff  }
0x28f: {  	v4 =	vor.u32 v46, v1;
	_ =	sdelay $0x3  }
0x290: {  	[tilespmem:v3+s26+$0x0] =	vst.idx.msk $0xffff, v2  }
0x291: {  	v3 =	vor.u32 s11, v56;
	v2 =	vld.idx.msk [tilespmem:v4+s16+$0x0], $0xffff  }
0x292: {  	v4 =	vor.u32 v45, v1;
	_ =	sdelay $0x3  }
0x293: {  	[tilespmem:v3+s26+$0x0] =	vst.idx.msk $0xffff, v2  }
0x294: {  	v3 =	vor.u32 s11, v59;
	v2 =	vld.idx.msk [tilespmem:v4+s16+$0x0], $0xffff  }
0x295: {  	v40 =	vld [tilespmem:$0x1FE70];
	v4 =	vor.u32 v49, v1;
	_ =	sdelay $0x3  }
0x296: {  	[tilespmem:v3+s26+$0x0] =	vst.idx.msk $0xffff, v2  }
0x297: {  	v3 =	vor.u32 s11, v40;
	v2 =	vld.idx.msk [tilespmem:v4+s16+$0x0], $0xffff  }
0x298: {  	v4 =	vor.u32 v57, v1;
	_ =	sdelay $0x3  }
0x299: {  	[tilespmem:v3+s26+$0x0] =	vst.idx.msk $0xffff, v2  }
0x29a: {  	v3 =	vor.u32 s11, v60;
	v2 =	vld.idx.msk [tilespmem:v4+s16+$0x0], $0xffff  }
0x29b: {  	v4 =	vor.u32 v51, v1  }
0x29c: {  	v50 =	vld [tilespmem:$0x1FDA0];
	_ =	sdelay $0x2  }
0x29d: {  	[tilespmem:v3+s26+$0x0] =	vst.idx.msk $0xffff, v2  }
0x29e: {  	v3 =	vor.u32 s11, v62;
	v2 =	vld.idx.msk [tilespmem:v4+s16+$0x0], $0xffff  }
0x29f: {  	v4 =	vor.u32 v50, v1  }
0x2a0: {  	v45 =	vmov v49;
	v49 =	vmov v51;
	v51 =	vld [tilespmem:$0x1FD90];
	_ =	sdelay $0x2  }
0x2a1: {  	[tilespmem:v3+s26+$0x0] =	vst.idx.msk $0xffff, v2  }
0x2a2: {  	v3 =	vor.u32 s11, v63;
	v2 =	vld.idx.msk [tilespmem:v4+s16+$0x0], $0xffff  }
0x2a3: {  	v4 =	vor.u32 v51, v1;
	_ =	sdelay $0x3  }
0x2a4: {  	v0 =	vld [tilespmem:$0x1FD80];
	[tilespmem:v3+s26+$0x0] =	vst.idx.msk $0xffff, v2  }
0x2a5: {  	v3 =	vor.u32 s11, v33;
	v2 =	vld.idx.msk [tilespmem:v4+s16+$0x0], $0xffff;
	_ =	sdelay $0x4  }
0x2a6: {  	v4 =	vor.u32 v0, v1;
	[tilespmem:v3+s26+$0x0] =	vst.idx.msk $0xffff, v2;
	v3 =	vld [tilespmem:$0x1FFB0];
	_ =	sdelay $0x3  }
0x2a7: {  	v38 =	vmov v62;
	v62 =	vld [tilespmem:$0x1FD70]  }
0x2a8: {  	v2 =	vld.idx.msk [tilespmem:v4+s16+$0x0], $0xffff;
	v35 =	vmov v3;
	v3 =	vor.u32 s11, v3;
	_ =	sdelay $0x4  }
0x2a9: {  	v4 =	vor.u32 v62, v1;
	[tilespmem:v3+s26+$0x0] =	vst.idx.msk $0xffff, v2;
	v3 =	vld [tilespmem:$0x1FFC0];
	_ =	sdelay $0x4  }
0x2aa: {  	v2 =	vld.idx.msk [tilespmem:v4+s16+$0x0], $0xffff;
	v43 =	vmov v3;
	v3 =	vor.u32 s11, v3;
	_ =	sdelay $0x4  }
0x2ab: {  	v61 =	vmov v63;
	v4 =	vor.u32 v36, v1;
	[tilespmem:v3+s26+$0x0] =	vst.idx.msk $0xffff, v2;
	v3 =	vld [tilespmem:$0x1FFD0]  }
0x2ac: {  	v63 =	vmovc v40;
	v40 =	vmovc v48;
	v48 =	vmov v36;
	v36 =	vmov v34;
	v34 =	vmov v44;
	v44 =	vld [tilespmem:$0x1FD60];
	_ =	sdelay $0x3  }
0x2ad: {  	v2 =	vld.idx.msk [tilespmem:v4+s16+$0x0], $0xffff;
	v3 =	vor.u32 s11, v3  }
0x2ae: {  	v4 =	vor.u32 v44, v1;
	_ =	sdelay $0x3  }
0x2af: {  	[tilespmem:v3+s26+$0x0] =	vst.idx.msk $0xffff, v2  }
0x2b0: {  	v2 =	vld.idx.msk [tilespmem:v4+s16+$0x0], $0xffff  }
0x2b1: {  	v4 =	vld [tilespmem:$0x1FF80]  }
0x2b2: {  	v41 =	vld [tilespmem:$0x1FD50];
	_ =	sdelay $0x3  }
0x2b3: {  	v3 =	vor.u32 s11, v4  }
0x2b4: {  	v46 =	vmov v39;
	v39 =	vmov v4;
	v4 =	vor.u32 v41, v1;
	_ =	sdelay $0x3  }
0x2b5: {  	[tilespmem:v3+s26+$0x0] =	vst.idx.msk $0xffff, v2  }
0x2b6: {  	v2 =	vld.idx.msk [tilespmem:v4+s16+$0x0], $0xffff  }
0x2b7: {  	v3 =	vor.u32 s11, v58;
	v4 =	vld [tilespmem:$0x1FD40];
	_ =	sdelay $0x4  }
0x2b8: {  	v1 =	vor.u32 v4, v1;
	[tilespmem:v3+s26+$0x0] =	vst.idx.msk $0xffff, v2;
	v2 =	vld [tilespmem:$0x1FEA0];
	_ =	sdelay $0x4  }
0x2b9: {  	s8 =	simm.s32 $0x10;
	v1 =	vld.idx.msk [tilespmem:v1+s16+$0x0], $0xffff;
	v2 =	vor.u32 s11, v2  }
.LBB2_9:
0x2ba: {  	_ =	sdelay $0x3  }
0x2bb: {  	s2 =	sadd.s32 $0x10, s2;
	[tilespmem:v2+s26+$0x0] =	vst.idx.msk $0xffff, v1  }
0x2bc: {  	v1 =	vld [tilespmem:s2+$0x0];
	_ =	sdelay $0x2  }
0x2bd: {  	s11 =	smov.u32 s8  }
0x2be: {  	v2 =	vmov s11  }
0x2bf: {  	v2 =	vshll.u32 v2, $0x7;
	v1 =	vshll.u32 v1, $0x5  }
0x2c0: {  	v2 =	vor.u32 v6, v2;
	v1 =	vand.u32 $0x60, v1  }
0x2c1: {  	v1 =	vor.u32 v2, v1  }
0x2c2: {  	v2 =	vor.u32 v5, v1;
	_ =	sdelay $0x4  }
0x2c3: {  	v3 =	vor.u32 s11, v7;
	v2 =	vld.idx.msk [tilespmem:v2+s16+$0x0], $0xffff  }
0x2c4: {  	v4 =	vor.u32 v8, v1;
	_ =	sdelay $0x3  }
0x2c5: {  	[tilespmem:v3+s26+$0x0] =	vst.idx.msk $0xffff, v2  }
0x2c6: {  	v3 =	vor.u32 s11, v9;
	v2 =	vld.idx.msk [tilespmem:v4+s16+$0x0], $0xffff  }
0x2c7: {  	v4 =	vor.u32 v10, v1;
	_ =	sdelay $0x3  }
0x2c8: {  	[tilespmem:v3+s26+$0x0] =	vst.idx.msk $0xffff, v2  }
0x2c9: {  	v3 =	vor.u32 s11, v11;
	v2 =	vld.idx.msk [tilespmem:v4+s16+$0x0], $0xffff  }
0x2ca: {  	v4 =	vor.u32 v12, v1;
	_ =	sdelay $0x3  }
0x2cb: {  	[tilespmem:v3+s26+$0x0] =	vst.idx.msk $0xffff, v2  }
0x2cc: {  	v3 =	vor.u32 s11, v13;
	v2 =	vld.idx.msk [tilespmem:v4+s16+$0x0], $0xffff  }
0x2cd: {  	v4 =	vor.u32 v14, v1;
	_ =	sdelay $0x3  }
0x2ce: {  	[tilespmem:v3+s26+$0x0] =	vst.idx.msk $0xffff, v2  }
0x2cf: {  	v3 =	vor.u32 s11, v15;
	v2 =	vld.idx.msk [tilespmem:v4+s16+$0x0], $0xffff  }
0x2d0: {  	v4 =	vor.u32 v16, v1;
	_ =	sdelay $0x3  }
0x2d1: {  	[tilespmem:v3+s26+$0x0] =	vst.idx.msk $0xffff, v2  }
0x2d2: {  	v3 =	vor.u32 s11, v17;
	v2 =	vld.idx.msk [tilespmem:v4+s16+$0x0], $0xffff  }
0x2d3: {  	v4 =	vor.u32 v18, v1;
	_ =	sdelay $0x3  }
0x2d4: {  	[tilespmem:v3+s26+$0x0] =	vst.idx.msk $0xffff, v2  }
0x2d5: {  	v3 =	vor.u32 s11, v19;
	v2 =	vld.idx.msk [tilespmem:v4+s16+$0x0], $0xffff  }
0x2d6: {  	v4 =	vor.u32 v20, v1;
	_ =	sdelay $0x3  }
0x2d7: {  	[tilespmem:v3+s26+$0x0] =	vst.idx.msk $0xffff, v2  }
0x2d8: {  	v3 =	vor.u32 s11, v21;
	v2 =	vld.idx.msk [tilespmem:v4+s16+$0x0], $0xffff  }
0x2d9: {  	v4 =	vor.u32 v22, v1;
	_ =	sdelay $0x3  }
0x2da: {  	[tilespmem:v3+s26+$0x0] =	vst.idx.msk $0xffff, v2  }
0x2db: {  	v3 =	vor.u32 s11, v23;
	v2 =	vld.idx.msk [tilespmem:v4+s16+$0x0], $0xffff  }
0x2dc: {  	v4 =	vor.u32 v24, v1;
	_ =	sdelay $0x3  }
0x2dd: {  	[tilespmem:v3+s26+$0x0] =	vst.idx.msk $0xffff, v2  }
0x2de: {  	v3 =	vor.u32 s11, v25;
	v2 =	vld.idx.msk [tilespmem:v4+s16+$0x0], $0xffff  }
0x2df: {  	v4 =	vor.u32 v26, v1;
	_ =	sdelay $0x3  }
0x2e0: {  	[tilespmem:v3+s26+$0x0] =	vst.idx.msk $0xffff, v2  }
0x2e1: {  	v3 =	vor.u32 s11, v27;
	v2 =	vld.idx.msk [tilespmem:v4+s16+$0x0], $0xffff  }
0x2e2: {  	v4 =	vor.u32 v28, v1;
	_ =	sdelay $0x3  }
0x2e3: {  	[tilespmem:v3+s26+$0x0] =	vst.idx.msk $0xffff, v2  }
0x2e4: {  	v3 =	vor.u32 s11, v29;
	v2 =	vld.idx.msk [tilespmem:v4+s16+$0x0], $0xffff  }
0x2e5: {  	v4 =	vor.u32 v30, v1;
	_ =	sdelay $0x3  }
0x2e6: {  	[tilespmem:v3+s26+$0x0] =	vst.idx.msk $0xffff, v2  }
0x2e7: {  	v3 =	vor.u32 s11, v32;
	v2 =	vld.idx.msk [tilespmem:v4+s16+$0x0], $0xffff  }
0x2e8: {  	v4 =	vor.u32 v37, v1;
	_ =	sdelay $0x3  }
0x2e9: {  	[tilespmem:v3+s26+$0x0] =	vst.idx.msk $0xffff, v2  }
0x2ea: {  	v3 =	vor.u32 s11, v42;
	v2 =	vld.idx.msk [tilespmem:v4+s16+$0x0], $0xffff  }
0x2eb: {  	v4 =	vor.u32 v47, v1;
	_ =	sdelay $0x3  }
0x2ec: {  	[tilespmem:v3+s26+$0x0] =	vst.idx.msk $0xffff, v2  }
0x2ed: {  	v3 =	vor.u32 s11, v52;
	v2 =	vld.idx.msk [tilespmem:v4+s16+$0x0], $0xffff  }
0x2ee: {  	v4 =	vor.u32 v31, v1;
	_ =	sdelay $0x3  }
0x2ef: {  	[tilespmem:v3+s26+$0x0] =	vst.idx.msk $0xffff, v2  }
0x2f0: {  	v3 =	vor.u32 s11, v53;
	v2 =	vld.idx.msk [tilespmem:v4+s16+$0x0], $0xffff  }
0x2f1: {  	v4 =	vor.u32 v40, v1;
	_ =	sdelay $0x3  }
0x2f2: {  	[tilespmem:v3+s26+$0x0] =	vst.idx.msk $0xffff, v2  }
0x2f3: {  	v3 =	vor.u32 s11, v46;
	v2 =	vld.idx.msk [tilespmem:v4+s16+$0x0], $0xffff  }
0x2f4: {  	v4 =	vor.u32 v36, v1;
	_ =	sdelay $0x3  }
0x2f5: {  	[tilespmem:v3+s26+$0x0] =	vst.idx.msk $0xffff, v2  }
0x2f6: {  	v3 =	vor.u32 s11, v54;
	v2 =	vld.idx.msk [tilespmem:v4+s16+$0x0], $0xffff  }
0x2f7: {  	v4 =	vor.u32 v34, v1;
	_ =	sdelay $0x3  }
0x2f8: {  	[tilespmem:v3+s26+$0x0] =	vst.idx.msk $0xffff, v2  }
0x2f9: {  	v2 =	vld.idx.msk [tilespmem:v4+s16+$0x0], $0xffff  }
0x2fa: {  	v4 =	vld [tilespmem:$0x1FDB0];
	_ =	sdelay $0x3  }
0x2fb: {  	v3 =	vor.u32 s11, v55  }
0x2fc: {  	v4 =	vor.u32 v4, v1;
	_ =	sdelay $0x3  }
0x2fd: {  	[tilespmem:v3+s26+$0x0] =	vst.idx.msk $0xffff, v2  }
0x2fe: {  	v2 =	vld.idx.msk [tilespmem:v4+s16+$0x0], $0xffff  }
0x2ff: {  	v4 =	vld [tilespmem:$0x1FDC0];
	_ =	sdelay $0x3  }
0x300: {  	v3 =	vor.u32 s11, v56  }
0x301: {  	v4 =	vor.u32 v4, v1;
	_ =	sdelay $0x3  }
0x302: {  	[tilespmem:v3+s26+$0x0] =	vst.idx.msk $0xffff, v2  }
0x303: {  	v3 =	vor.u32 s11, v59;
	v2 =	vld.idx.msk [tilespmem:v4+s16+$0x0], $0xffff  }
0x304: {  	v4 =	vor.u32 v45, v1;
	_ =	sdelay $0x3  }
0x305: {  	[tilespmem:v3+s26+$0x0] =	vst.idx.msk $0xffff, v2  }
0x306: {  	v3 =	vor.u32 s11, v63;
	v2 =	vld.idx.msk [tilespmem:v4+s16+$0x0], $0xffff  }
0x307: {  	v4 =	vor.u32 v57, v1;
	_ =	sdelay $0x3  }
0x308: {  	[tilespmem:v3+s26+$0x0] =	vst.idx.msk $0xffff, v2  }
0x309: {  	v3 =	vor.u32 s11, v60;
	v2 =	vld.idx.msk [tilespmem:v4+s16+$0x0], $0xffff  }
0x30a: {  	v4 =	vor.u32 v49, v1;
	_ =	sdelay $0x3  }
0x30b: {  	[tilespmem:v3+s26+$0x0] =	vst.idx.msk $0xffff, v2  }
0x30c: {  	v3 =	vor.u32 s11, v38;
	v2 =	vld.idx.msk [tilespmem:v4+s16+$0x0], $0xffff  }
0x30d: {  	v4 =	vor.u32 v50, v1;
	_ =	sdelay $0x3  }
0x30e: {  	[tilespmem:v3+s26+$0x0] =	vst.idx.msk $0xffff, v2  }
0x30f: {  	v3 =	vor.u32 s11, v61;
	v2 =	vld.idx.msk [tilespmem:v4+s16+$0x0], $0xffff  }
0x310: {  	v4 =	vor.u32 v51, v1;
	_ =	sdelay $0x3  }
0x311: {  	[tilespmem:v3+s26+$0x0] =	vst.idx.msk $0xffff, v2  }
0x312: {  	v3 =	vor.u32 s11, v33;
	v2 =	vld.idx.msk [tilespmem:v4+s16+$0x0], $0xffff  }
0x313: {  	v4 =	vor.u32 v0, v1;
	_ =	sdelay $0x3  }
0x314: {  	[tilespmem:v3+s26+$0x0] =	vst.idx.msk $0xffff, v2  }
0x315: {  	v3 =	vor.u32 s11, v35;
	v2 =	vld.idx.msk [tilespmem:v4+s16+$0x0], $0xffff  }
0x316: {  	v4 =	vor.u32 v62, v1;
	_ =	sdelay $0x3  }
0x317: {  	[tilespmem:v3+s26+$0x0] =	vst.idx.msk $0xffff, v2  }
0x318: {  	v3 =	vor.u32 s11, v43;
	v2 =	vld.idx.msk [tilespmem:v4+s16+$0x0], $0xffff;
	_ =	sdelay $0x4  }
0x319: {  	v4 =	vor.u32 v48, v1;
	[tilespmem:v3+s26+$0x0] =	vst.idx.msk $0xffff, v2;
	v3 =	vld [tilespmem:$0x1FFD0];
	_ =	sdelay $0x4  }
0x31a: {  	v2 =	vld.idx.msk [tilespmem:v4+s16+$0x0], $0xffff;
	v3 =	vor.u32 s11, v3  }
0x31b: {  	v4 =	vor.u32 v44, v1;
	_ =	sdelay $0x3  }
0x31c: {  	[tilespmem:v3+s26+$0x0] =	vst.idx.msk $0xffff, v2  }
0x31d: {  	v3 =	vor.u32 s11, v39;
	v2 =	vld.idx.msk [tilespmem:v4+s16+$0x0], $0xffff  }
0x31e: {  	v4 =	vor.u32 v41, v1;
	_ =	sdelay $0x3  }
0x31f: {  	[tilespmem:v3+s26+$0x0] =	vst.idx.msk $0xffff, v2  }
0x320: {  	v2 =	vld.idx.msk [tilespmem:v4+s16+$0x0], $0xffff  }
0x321: {  	v3 =	vor.u32 s11, v58;
	v4 =	vld [tilespmem:$0x1FD40];
	_ =	sdelay $0x4  }
0x322: {  	p0 =	sne.s32 s8, $0x70;
	v1 =	vor.u32 v4, v1;
	[tilespmem:v3+s26+$0x0] =	vst.idx.msk $0xffff, v2;
	v2 =	vld [tilespmem:$0x1FEA0]  }
.Ltmp6:
0x323: {  	_ = 	snop;
	(pc) =	sbr.rel @p0 .LBB2_9-.Ltmp6, $2  }
0x324: {  	_ =	sdelay $0x2  }
0x325: {  	s8 =	sadd.s32 $0x10, s8;
	v1 =	vld.idx.msk [tilespmem:v1+s16+$0x0], $0xffff;
	v2 =	vor.u32 s11, v2  }
0x326: {  	p0 =	seq.s32 s9, $0x31  }
0x327: {  	s2 =	sor.u32 s4, s6;
	s6 =	sadd.s32 @!p0 $0x1, s9  }
0x328: {  	s8 =	sshll.u32 @!p0 s6, $0x9;
	s6 =	sshll.u32 @!p0 s6, $0x7  }
0x329: {  	s2 =	sadd.s32 s2, s1;
	s8 =	sand.u32 @!p0 $0xF000, s8;
	s6 =	sand.u32 @!p0 $0x380, s6  }
0x32a: {  	s11 =	sadd.s32 $0x80, s2;
	[tilespmem:v2+s26+$0x0] =	vst.idx.msk $0xffff, v1;
	s6 =	sor.u32 @!p0 s6, s8  }
0x32b: {  	[hbm4b:s11+s23] =	stream.strided.scatter [tilespmem:s26], [sflag:$0x6], $0x1000, s10, s23, $0x38;
	[tilespmem:$0x19200] =	vst v63  }
0x32c: {  	v1 =	vld @!p0 [tilespmem:s6+$0x400];
	_ =	sdelay $0x4  }
0x32d: {  	v1 =	vshra.s32 @!p0 v1, $0x2  }
0x32e: {  	[tilespmem:$0x19080] =	vst @!p0 v1  }
0x32f: {  	v1 =	vld @!p0 [tilespmem:s6+$0x410];
	_ =	sdelay $0x4  }
0x330: {  	v1 =	vshra.s32 @!p0 v1, $0x2  }
0x331: {  	[tilespmem:$0x19090] =	vst @!p0 v1  }
0x332: {  	v1 =	vld @!p0 [tilespmem:s6+$0x420];
	_ =	sdelay $0x4  }
0x333: {  	v1 =	vshra.s32 @!p0 v1, $0x2  }
0x334: {  	[tilespmem:$0x190A0] =	vst @!p0 v1  }
0x335: {  	v1 =	vld @!p0 [tilespmem:s6+$0x430];
	_ =	sdelay $0x4  }
0x336: {  	v1 =	vshra.s32 @!p0 v1, $0x2  }
0x337: {  	[tilespmem:$0x190B0] =	vst @!p0 v1  }
0x338: {  	v1 =	vld @!p0 [tilespmem:s6+$0x440];
	_ =	sdelay $0x4  }
0x339: {  	v1 =	vshra.s32 @!p0 v1, $0x2  }
0x33a: {  	[tilespmem:$0x190C0] =	vst @!p0 v1  }
0x33b: {  	v1 =	vld @!p0 [tilespmem:s6+$0x450];
	_ =	sdelay $0x4  }
0x33c: {  	v1 =	vshra.s32 @!p0 v1, $0x2  }
0x33d: {  	[tilespmem:$0x190D0] =	vst @!p0 v1  }
0x33e: {  	v1 =	vld @!p0 [tilespmem:s6+$0x460];
	_ =	sdelay $0x4  }
0x33f: {  	v1 =	vshra.s32 @!p0 v1, $0x2  }
0x340: {  	[tilespmem:$0x190E0] =	vst @!p0 v1  }
0x341: {  	v1 =	vld @!p0 [tilespmem:s6+$0x470];
	_ =	sdelay $0x4  }
0x342: {  	v1 =	vshra.s32 @!p0 v1, $0x2  }
0x343: {  	s31 =	simm.s32 @!p0 $0xB000;
	s8 =	simm.s32 @!p0 $0x80;
	s11 =	simm.s32 @!p0 $0x19080;
	[tilespmem:$0x190F0] =	vst @!p0 v1  }
0x344: {  	[tilespmem:s31], [sflag:$0x2] =	stream.indirect.gather @!p0 [hbm4b:s5+s8], $0x80, s11, s8, $0xb8;
	[tilespmem:$0x19200] =	vst v63  }
0x345: {  	_ =	swait.ge [sflag:s28], $0x4000  }
0x346: {  	[sflag:s28] =	ssyncset.done $0x0  }
0x347: {  	[sflag:s28] =	ssyncadd.s32 $0xFFFFC000  }
0x348: {  	_ =	swait.ge [sflag:s29], $0x1000  }
0x349: {  	[sflag:s29] =	ssyncset.done $0x0  }
0x34a: {  	[sflag:s29] =	ssyncadd.s32 $0xFFFFF000  }
0x34b: {  	v1 =	vld [tilespmem:s17+$0x0];
	_ =	sdelay $0x2  }
0x34c: {  	s31 =	simm.s32 $0x0  }
0x34d: {  	v2 =	vmov s31  }
0x34e: {  	v2 =	vshll.u32 v2, $0x7;
	v1 =	vshll.u32 v1, $0x5  }
0x34f: {  	v2 =	vor.u32 v6, v2;
	v1 =	vand.u32 $0x60, v1  }
0x350: {  	v1 =	vor.u32 v2, v1  }
0x351: {  	v2 =	vor.u32 v5, v1;
	_ =	sdelay $0x4  }
0x352: {  	v3 =	vor.u32 s31, v7;
	v2 =	vld.idx.msk [tilespmem:v2+s18+$0x0], $0xffff  }
0x353: {  	v4 =	vor.u32 v8, v1;
	_ =	sdelay $0x3  }
0x354: {  	[tilespmem:v3+s22+$0x0] =	vst.idx.msk $0xffff, v2  }
0x355: {  	v3 =	vor.u32 s31, v9;
	v2 =	vld.idx.msk [tilespmem:v4+s18+$0x0], $0xffff  }
0x356: {  	v4 =	vor.u32 v10, v1;
	_ =	sdelay $0x3  }
0x357: {  	[tilespmem:v3+s22+$0x0] =	vst.idx.msk $0xffff, v2  }
0x358: {  	v3 =	vor.u32 s31, v11;
	v2 =	vld.idx.msk [tilespmem:v4+s18+$0x0], $0xffff  }
0x359: {  	v4 =	vor.u32 v12, v1;
	_ =	sdelay $0x3  }
0x35a: {  	[tilespmem:v3+s22+$0x0] =	vst.idx.msk $0xffff, v2  }
0x35b: {  	v3 =	vor.u32 s31, v13;
	v2 =	vld.idx.msk [tilespmem:v4+s18+$0x0], $0xffff  }
0x35c: {  	v4 =	vor.u32 v14, v1;
	_ =	sdelay $0x3  }
0x35d: {  	[tilespmem:v3+s22+$0x0] =	vst.idx.msk $0xffff, v2  }
0x35e: {  	v3 =	vor.u32 s31, v15;
	v2 =	vld.idx.msk [tilespmem:v4+s18+$0x0], $0xffff  }
0x35f: {  	v4 =	vor.u32 v16, v1;
	_ =	sdelay $0x3  }
0x360: {  	[tilespmem:v3+s22+$0x0] =	vst.idx.msk $0xffff, v2  }
0x361: {  	v3 =	vor.u32 s31, v17;
	v2 =	vld.idx.msk [tilespmem:v4+s18+$0x0], $0xffff  }
0x362: {  	v4 =	vor.u32 v18, v1;
	_ =	sdelay $0x3  }
0x363: {  	[tilespmem:v3+s22+$0x0] =	vst.idx.msk $0xffff, v2  }
0x364: {  	v3 =	vor.u32 s31, v19;
	v2 =	vld.idx.msk [tilespmem:v4+s18+$0x0], $0xffff  }
0x365: {  	v4 =	vor.u32 v20, v1;
	_ =	sdelay $0x3  }
0x366: {  	[tilespmem:v3+s22+$0x0] =	vst.idx.msk $0xffff, v2  }
0x367: {  	v3 =	vor.u32 s31, v21;
	v2 =	vld.idx.msk [tilespmem:v4+s18+$0x0], $0xffff  }
0x368: {  	v4 =	vor.u32 v22, v1;
	_ =	sdelay $0x3  }
0x369: {  	[tilespmem:v3+s22+$0x0] =	vst.idx.msk $0xffff, v2  }
0x36a: {  	v3 =	vor.u32 s31, v23;
	v2 =	vld.idx.msk [tilespmem:v4+s18+$0x0], $0xffff  }
0x36b: {  	v4 =	vor.u32 v24, v1;
	_ =	sdelay $0x3  }
0x36c: {  	[tilespmem:v3+s22+$0x0] =	vst.idx.msk $0xffff, v2  }
0x36d: {  	v3 =	vor.u32 s31, v25;
	v2 =	vld.idx.msk [tilespmem:v4+s18+$0x0], $0xffff  }
0x36e: {  	v4 =	vor.u32 v26, v1;
	_ =	sdelay $0x3  }
0x36f: {  	[tilespmem:v3+s22+$0x0] =	vst.idx.msk $0xffff, v2  }
0x370: {  	v3 =	vor.u32 s31, v27;
	v2 =	vld.idx.msk [tilespmem:v4+s18+$0x0], $0xffff  }
0x371: {  	v4 =	vor.u32 v28, v1;
	_ =	sdelay $0x3  }
0x372: {  	[tilespmem:v3+s22+$0x0] =	vst.idx.msk $0xffff, v2  }
0x373: {  	v3 =	vor.u32 s31, v29;
	v2 =	vld.idx.msk [tilespmem:v4+s18+$0x0], $0xffff  }
0x374: {  	v4 =	vor.u32 v30, v1;
	_ =	sdelay $0x3  }
0x375: {  	[tilespmem:v3+s22+$0x0] =	vst.idx.msk $0xffff, v2  }
0x376: {  	v3 =	vor.u32 s31, v32;
	v2 =	vld.idx.msk [tilespmem:v4+s18+$0x0], $0xffff  }
0x377: {  	v4 =	vor.u32 v37, v1;
	_ =	sdelay $0x3  }
0x378: {  	[tilespmem:v3+s22+$0x0] =	vst.idx.msk $0xffff, v2  }
0x379: {  	v3 =	vor.u32 s31, v42;
	v2 =	vld.idx.msk [tilespmem:v4+s18+$0x0], $0xffff  }
0x37a: {  	v4 =	vor.u32 v47, v1;
	_ =	sdelay $0x3  }
0x37b: {  	[tilespmem:v3+s22+$0x0] =	vst.idx.msk $0xffff, v2  }
0x37c: {  	v3 =	vor.u32 s31, v52;
	v2 =	vld.idx.msk [tilespmem:v4+s18+$0x0], $0xffff  }
0x37d: {  	v4 =	vor.u32 v31, v1;
	_ =	sdelay $0x3  }
0x37e: {  	[tilespmem:v3+s22+$0x0] =	vst.idx.msk $0xffff, v2  }
0x37f: {  	v3 =	vor.u32 s31, v53;
	v2 =	vld.idx.msk [tilespmem:v4+s18+$0x0], $0xffff  }
0x380: {  	v4 =	vor.u32 v40, v1;
	_ =	sdelay $0x3  }
0x381: {  	[tilespmem:v3+s22+$0x0] =	vst.idx.msk $0xffff, v2  }
0x382: {  	v3 =	vor.u32 s31, v46;
	v2 =	vld.idx.msk [tilespmem:v4+s18+$0x0], $0xffff  }
0x383: {  	v4 =	vor.u32 v36, v1;
	_ =	sdelay $0x3  }
0x384: {  	[tilespmem:v3+s22+$0x0] =	vst.idx.msk $0xffff, v2  }
0x385: {  	v3 =	vor.u32 s31, v54;
	v2 =	vld.idx.msk [tilespmem:v4+s18+$0x0], $0xffff  }
0x386: {  	v4 =	vor.u32 v34, v1;
	_ =	sdelay $0x3  }
0x387: {  	[tilespmem:v3+s22+$0x0] =	vst.idx.msk $0xffff, v2  }
0x388: {  	v2 =	vld.idx.msk [tilespmem:v4+s18+$0x0], $0xffff  }
0x389: {  	v4 =	vld [tilespmem:$0x1FDB0];
	_ =	sdelay $0x3  }
0x38a: {  	v3 =	vor.u32 s31, v55  }
0x38b: {  	v4 =	vor.u32 v4, v1;
	_ =	sdelay $0x3  }
0x38c: {  	[tilespmem:v3+s22+$0x0] =	vst.idx.msk $0xffff, v2  }
0x38d: {  	v2 =	vld.idx.msk [tilespmem:v4+s18+$0x0], $0xffff  }
0x38e: {  	v4 =	vld [tilespmem:$0x1FDC0];
	_ =	sdelay $0x3  }
0x38f: {  	v3 =	vor.u32 s31, v56  }
0x390: {  	v4 =	vor.u32 v4, v1;
	_ =	sdelay $0x3  }
0x391: {  	[tilespmem:v3+s22+$0x0] =	vst.idx.msk $0xffff, v2  }
0x392: {  	v3 =	vor.u32 s31, v59;
	v2 =	vld.idx.msk [tilespmem:v4+s18+$0x0], $0xffff  }
0x393: {  	v4 =	vor.u32 v45, v1;
	_ =	sdelay $0x3  }
0x394: {  	[tilespmem:v3+s22+$0x0] =	vst.idx.msk $0xffff, v2  }
0x395: {  	v3 =	vor.u32 s31, v63;
	v2 =	vld.idx.msk [tilespmem:v4+s18+$0x0], $0xffff  }
0x396: {  	v4 =	vor.u32 v57, v1;
	_ =	sdelay $0x3  }
0x397: {  	[tilespmem:v3+s22+$0x0] =	vst.idx.msk $0xffff, v2  }
0x398: {  	v3 =	vor.u32 s31, v60;
	v2 =	vld.idx.msk [tilespmem:v4+s18+$0x0], $0xffff  }
0x399: {  	v4 =	vor.u32 v49, v1;
	_ =	sdelay $0x3  }
0x39a: {  	[tilespmem:v3+s22+$0x0] =	vst.idx.msk $0xffff, v2  }
0x39b: {  	v3 =	vor.u32 s31, v38;
	v2 =	vld.idx.msk [tilespmem:v4+s18+$0x0], $0xffff  }
0x39c: {  	v4 =	vor.u32 v50, v1;
	_ =	sdelay $0x3  }
0x39d: {  	[tilespmem:v3+s22+$0x0] =	vst.idx.msk $0xffff, v2  }
0x39e: {  	v3 =	vor.u32 s31, v61;
	v2 =	vld.idx.msk [tilespmem:v4+s18+$0x0], $0xffff  }
0x39f: {  	v4 =	vor.u32 v51, v1;
	_ =	sdelay $0x3  }
0x3a0: {  	[tilespmem:v3+s22+$0x0] =	vst.idx.msk $0xffff, v2  }
0x3a1: {  	v3 =	vor.u32 s31, v33;
	v2 =	vld.idx.msk [tilespmem:v4+s18+$0x0], $0xffff  }
0x3a2: {  	v4 =	vor.u32 v0, v1;
	_ =	sdelay $0x3  }
0x3a3: {  	[tilespmem:v3+s22+$0x0] =	vst.idx.msk $0xffff, v2  }
0x3a4: {  	v3 =	vor.u32 s31, v35;
	v2 =	vld.idx.msk [tilespmem:v4+s18+$0x0], $0xffff  }
0x3a5: {  	v4 =	vor.u32 v62, v1;
	_ =	sdelay $0x3  }
0x3a6: {  	[tilespmem:v3+s22+$0x0] =	vst.idx.msk $0xffff, v2  }
0x3a7: {  	v3 =	vor.u32 s31, v43;
	v2 =	vld.idx.msk [tilespmem:v4+s18+$0x0], $0xffff;
	_ =	sdelay $0x4  }
0x3a8: {  	v4 =	vor.u32 v48, v1;
	[tilespmem:v3+s22+$0x0] =	vst.idx.msk $0xffff, v2;
	v3 =	vld [tilespmem:$0x1FFD0];
	_ =	sdelay $0x4  }
0x3a9: {  	v2 =	vld.idx.msk [tilespmem:v4+s18+$0x0], $0xffff;
	v3 =	vor.u32 s31, v3  }
0x3aa: {  	v4 =	vor.u32 v44, v1;
	_ =	sdelay $0x3  }
0x3ab: {  	[tilespmem:v3+s22+$0x0] =	vst.idx.msk $0xffff, v2  }
0x3ac: {  	v3 =	vor.u32 s31, v39;
	v2 =	vld.idx.msk [tilespmem:v4+s18+$0x0], $0xffff  }
0x3ad: {  	v4 =	vor.u32 v41, v1;
	_ =	sdelay $0x3  }
0x3ae: {  	[tilespmem:v3+s22+$0x0] =	vst.idx.msk $0xffff, v2  }
0x3af: {  	v2 =	vld.idx.msk [tilespmem:v4+s18+$0x0], $0xffff  }
0x3b0: {  	v3 =	vor.u32 s31, v58;
	v4 =	vld [tilespmem:$0x1FD40];
	_ =	sdelay $0x4  }
0x3b1: {  	v1 =	vor.u32 v4, v1;
	[tilespmem:v3+s22+$0x0] =	vst.idx.msk $0xffff, v2;
	v2 =	vld [tilespmem:$0x1FEA0];
	_ =	sdelay $0x4  }
0x3b2: {  	s8 =	simm.s32 $0x10;
	v1 =	vld.idx.msk [tilespmem:v1+s18+$0x0], $0xffff;
	v2 =	vor.u32 s31, v2  }
.LBB2_11:
0x3b3: {  	_ =	sdelay $0x3  }
0x3b4: {  	s17 =	sadd.s32 $0x10, s17;
	[tilespmem:v2+s22+$0x0] =	vst.idx.msk $0xffff, v1  }
0x3b5: {  	v1 =	vld [tilespmem:s17+$0x0];
	_ =	sdelay $0x2  }
0x3b6: {  	s11 =	smov.u32 s8  }
0x3b7: {  	v2 =	vmov s11  }
0x3b8: {  	v2 =	vshll.u32 v2, $0x7;
	v1 =	vshll.u32 v1, $0x5  }
0x3b9: {  	v2 =	vor.u32 v6, v2;
	v1 =	vand.u32 $0x60, v1  }
0x3ba: {  	v1 =	vor.u32 v2, v1  }
0x3bb: {  	v2 =	vor.u32 v5, v1;
	_ =	sdelay $0x4  }
0x3bc: {  	v3 =	vor.u32 s11, v7;
	v2 =	vld.idx.msk [tilespmem:v2+s18+$0x0], $0xffff  }
0x3bd: {  	v4 =	vor.u32 v8, v1;
	_ =	sdelay $0x3  }
0x3be: {  	[tilespmem:v3+s22+$0x0] =	vst.idx.msk $0xffff, v2  }
0x3bf: {  	v3 =	vor.u32 s11, v9;
	v2 =	vld.idx.msk [tilespmem:v4+s18+$0x0], $0xffff  }
0x3c0: {  	v4 =	vor.u32 v10, v1;
	_ =	sdelay $0x3  }
0x3c1: {  	[tilespmem:v3+s22+$0x0] =	vst.idx.msk $0xffff, v2  }
0x3c2: {  	v3 =	vor.u32 s11, v11;
	v2 =	vld.idx.msk [tilespmem:v4+s18+$0x0], $0xffff  }
0x3c3: {  	v4 =	vor.u32 v12, v1;
	_ =	sdelay $0x3  }
0x3c4: {  	[tilespmem:v3+s22+$0x0] =	vst.idx.msk $0xffff, v2  }
0x3c5: {  	v3 =	vor.u32 s11, v13;
	v2 =	vld.idx.msk [tilespmem:v4+s18+$0x0], $0xffff  }
0x3c6: {  	v4 =	vor.u32 v14, v1;
	_ =	sdelay $0x3  }
0x3c7: {  	[tilespmem:v3+s22+$0x0] =	vst.idx.msk $0xffff, v2  }
0x3c8: {  	v3 =	vor.u32 s11, v15;
	v2 =	vld.idx.msk [tilespmem:v4+s18+$0x0], $0xffff  }
0x3c9: {  	v4 =	vor.u32 v16, v1;
	_ =	sdelay $0x3  }
0x3ca: {  	[tilespmem:v3+s22+$0x0] =	vst.idx.msk $0xffff, v2  }
0x3cb: {  	v3 =	vor.u32 s11, v17;
	v2 =	vld.idx.msk [tilespmem:v4+s18+$0x0], $0xffff  }
0x3cc: {  	v4 =	vor.u32 v18, v1;
	_ =	sdelay $0x3  }
0x3cd: {  	[tilespmem:v3+s22+$0x0] =	vst.idx.msk $0xffff, v2  }
0x3ce: {  	v3 =	vor.u32 s11, v19;
	v2 =	vld.idx.msk [tilespmem:v4+s18+$0x0], $0xffff  }
0x3cf: {  	v4 =	vor.u32 v20, v1;
	_ =	sdelay $0x3  }
0x3d0: {  	[tilespmem:v3+s22+$0x0] =	vst.idx.msk $0xffff, v2  }
0x3d1: {  	v3 =	vor.u32 s11, v21;
	v2 =	vld.idx.msk [tilespmem:v4+s18+$0x0], $0xffff  }
0x3d2: {  	v4 =	vor.u32 v22, v1;
	_ =	sdelay $0x3  }
0x3d3: {  	[tilespmem:v3+s22+$0x0] =	vst.idx.msk $0xffff, v2  }
0x3d4: {  	v3 =	vor.u32 s11, v23;
	v2 =	vld.idx.msk [tilespmem:v4+s18+$0x0], $0xffff  }
0x3d5: {  	v4 =	vor.u32 v24, v1;
	_ =	sdelay $0x3  }
0x3d6: {  	[tilespmem:v3+s22+$0x0] =	vst.idx.msk $0xffff, v2  }
0x3d7: {  	v3 =	vor.u32 s11, v25;
	v2 =	vld.idx.msk [tilespmem:v4+s18+$0x0], $0xffff  }
0x3d8: {  	v4 =	vor.u32 v26, v1;
	_ =	sdelay $0x3  }
0x3d9: {  	[tilespmem:v3+s22+$0x0] =	vst.idx.msk $0xffff, v2  }
0x3da: {  	v3 =	vor.u32 s11, v27;
	v2 =	vld.idx.msk [tilespmem:v4+s18+$0x0], $0xffff  }
0x3db: {  	v4 =	vor.u32 v28, v1;
	_ =	sdelay $0x3  }
0x3dc: {  	[tilespmem:v3+s22+$0x0] =	vst.idx.msk $0xffff, v2  }
0x3dd: {  	v3 =	vor.u32 s11, v29;
	v2 =	vld.idx.msk [tilespmem:v4+s18+$0x0], $0xffff  }
0x3de: {  	v4 =	vor.u32 v30, v1;
	_ =	sdelay $0x3  }
0x3df: {  	[tilespmem:v3+s22+$0x0] =	vst.idx.msk $0xffff, v2  }
0x3e0: {  	v3 =	vor.u32 s11, v32;
	v2 =	vld.idx.msk [tilespmem:v4+s18+$0x0], $0xffff  }
0x3e1: {  	v4 =	vor.u32 v37, v1;
	_ =	sdelay $0x3  }
0x3e2: {  	[tilespmem:v3+s22+$0x0] =	vst.idx.msk $0xffff, v2  }
0x3e3: {  	v3 =	vor.u32 s11, v42;
	v2 =	vld.idx.msk [tilespmem:v4+s18+$0x0], $0xffff  }
0x3e4: {  	v4 =	vor.u32 v47, v1;
	_ =	sdelay $0x3  }
0x3e5: {  	[tilespmem:v3+s22+$0x0] =	vst.idx.msk $0xffff, v2  }
0x3e6: {  	v3 =	vor.u32 s11, v52;
	v2 =	vld.idx.msk [tilespmem:v4+s18+$0x0], $0xffff  }
0x3e7: {  	v4 =	vor.u32 v31, v1;
	_ =	sdelay $0x3  }
0x3e8: {  	[tilespmem:v3+s22+$0x0] =	vst.idx.msk $0xffff, v2  }
0x3e9: {  	v3 =	vor.u32 s11, v53;
	v2 =	vld.idx.msk [tilespmem:v4+s18+$0x0], $0xffff  }
0x3ea: {  	v4 =	vor.u32 v40, v1;
	_ =	sdelay $0x3  }
0x3eb: {  	[tilespmem:v3+s22+$0x0] =	vst.idx.msk $0xffff, v2  }
0x3ec: {  	v3 =	vor.u32 s11, v46;
	v2 =	vld.idx.msk [tilespmem:v4+s18+$0x0], $0xffff  }
0x3ed: {  	v4 =	vor.u32 v36, v1;
	_ =	sdelay $0x3  }
0x3ee: {  	[tilespmem:v3+s22+$0x0] =	vst.idx.msk $0xffff, v2  }
0x3ef: {  	v3 =	vor.u32 s11, v54;
	v2 =	vld.idx.msk [tilespmem:v4+s18+$0x0], $0xffff  }
0x3f0: {  	v4 =	vor.u32 v34, v1;
	_ =	sdelay $0x3  }
0x3f1: {  	[tilespmem:v3+s22+$0x0] =	vst.idx.msk $0xffff, v2  }
0x3f2: {  	v2 =	vld.idx.msk [tilespmem:v4+s18+$0x0], $0xffff  }
0x3f3: {  	v4 =	vld [tilespmem:$0x1FDB0];
	_ =	sdelay $0x3  }
0x3f4: {  	v3 =	vor.u32 s11, v55  }
0x3f5: {  	v4 =	vor.u32 v4, v1;
	_ =	sdelay $0x3  }
0x3f6: {  	[tilespmem:v3+s22+$0x0] =	vst.idx.msk $0xffff, v2  }
0x3f7: {  	v2 =	vld.idx.msk [tilespmem:v4+s18+$0x0], $0xffff  }
0x3f8: {  	v4 =	vld [tilespmem:$0x1FDC0];
	_ =	sdelay $0x3  }
0x3f9: {  	v3 =	vor.u32 s11, v56  }
0x3fa: {  	v4 =	vor.u32 v4, v1;
	_ =	sdelay $0x3  }
0x3fb: {  	[tilespmem:v3+s22+$0x0] =	vst.idx.msk $0xffff, v2  }
0x3fc: {  	v3 =	vor.u32 s11, v59;
	v2 =	vld.idx.msk [tilespmem:v4+s18+$0x0], $0xffff  }
0x3fd: {  	v4 =	vor.u32 v45, v1;
	_ =	sdelay $0x3  }
0x3fe: {  	[tilespmem:v3+s22+$0x0] =	vst.idx.msk $0xffff, v2  }
0x3ff: {  	v3 =	vor.u32 s11, v63;
	v2 =	vld.idx.msk [tilespmem:v4+s18+$0x0], $0xffff  }
0x400: {  	v4 =	vor.u32 v57, v1;
	_ =	sdelay $0x3  }
0x401: {  	[tilespmem:v3+s22+$0x0] =	vst.idx.msk $0xffff, v2  }
0x402: {  	v3 =	vor.u32 s11, v60;
	v2 =	vld.idx.msk [tilespmem:v4+s18+$0x0], $0xffff  }
0x403: {  	v4 =	vor.u32 v49, v1;
	_ =	sdelay $0x3  }
0x404: {  	[tilespmem:v3+s22+$0x0] =	vst.idx.msk $0xffff, v2  }
0x405: {  	v3 =	vor.u32 s11, v38;
	v2 =	vld.idx.msk [tilespmem:v4+s18+$0x0], $0xffff  }
0x406: {  	v4 =	vor.u32 v50, v1;
	_ =	sdelay $0x3  }
0x407: {  	[tilespmem:v3+s22+$0x0] =	vst.idx.msk $0xffff, v2  }
0x408: {  	v3 =	vor.u32 s11, v61;
	v2 =	vld.idx.msk [tilespmem:v4+s18+$0x0], $0xffff  }
0x409: {  	v4 =	vor.u32 v51, v1;
	_ =	sdelay $0x3  }
0x40a: {  	[tilespmem:v3+s22+$0x0] =	vst.idx.msk $0xffff, v2  }
0x40b: {  	v3 =	vor.u32 s11, v33;
	v2 =	vld.idx.msk [tilespmem:v4+s18+$0x0], $0xffff  }
0x40c: {  	v4 =	vor.u32 v0, v1;
	_ =	sdelay $0x3  }
0x40d: {  	[tilespmem:v3+s22+$0x0] =	vst.idx.msk $0xffff, v2  }
0x40e: {  	v3 =	vor.u32 s11, v35;
	v2 =	vld.idx.msk [tilespmem:v4+s18+$0x0], $0xffff  }
0x40f: {  	v4 =	vor.u32 v62, v1;
	_ =	sdelay $0x3  }
0x410: {  	[tilespmem:v3+s22+$0x0] =	vst.idx.msk $0xffff, v2  }
0x411: {  	v3 =	vor.u32 s11, v43;
	v2 =	vld.idx.msk [tilespmem:v4+s18+$0x0], $0xffff;
	_ =	sdelay $0x4  }
0x412: {  	v4 =	vor.u32 v48, v1;
	[tilespmem:v3+s22+$0x0] =	vst.idx.msk $0xffff, v2;
	v3 =	vld [tilespmem:$0x1FFD0];
	_ =	sdelay $0x4  }
0x413: {  	v2 =	vld.idx.msk [tilespmem:v4+s18+$0x0], $0xffff;
	v3 =	vor.u32 s11, v3  }
0x414: {  	v4 =	vor.u32 v44, v1;
	_ =	sdelay $0x3  }
0x415: {  	[tilespmem:v3+s22+$0x0] =	vst.idx.msk $0xffff, v2  }
0x416: {  	v3 =	vor.u32 s11, v39;
	v2 =	vld.idx.msk [tilespmem:v4+s18+$0x0], $0xffff  }
0x417: {  	v4 =	vor.u32 v41, v1;
	_ =	sdelay $0x3  }
0x418: {  	[tilespmem:v3+s22+$0x0] =	vst.idx.msk $0xffff, v2  }
0x419: {  	v2 =	vld.idx.msk [tilespmem:v4+s18+$0x0], $0xffff  }
0x41a: {  	v3 =	vor.u32 s11, v58;
	v4 =	vld [tilespmem:$0x1FD40];
	_ =	sdelay $0x4  }
0x41b: {  	p1 =	sne.s32 s8, $0x70;
	v1 =	vor.u32 v4, v1;
	[tilespmem:v3+s22+$0x0] =	vst.idx.msk $0xffff, v2;
	v2 =	vld [tilespmem:$0x1FEA0]  }
.Ltmp7:
0x41c: {  	_ = 	snop;
	(pc) =	sbr.rel @p1 .LBB2_11-.Ltmp7, $2  }
0x41d: {  	_ =	sdelay $0x2  }
0x41e: {  	s8 =	sadd.s32 $0x10, s8;
	v1 =	vld.idx.msk [tilespmem:v1+s18+$0x0], $0xffff;
	v2 =	vor.u32 s11, v2  }
0x41f: {  	_ =	sdelay $0x3  }
0x420: {  	s8 =	sadd.s32 $0x100, s2;
	[tilespmem:v2+s22+$0x0] =	vst.idx.msk $0xffff, v1  }
0x421: {  	[hbm4b:s8+s23] =	stream.strided.scatter [tilespmem:s22], [sflag:$0x5], $0x1000, s10, s23, $0x38;
	[tilespmem:$0x19200] =	vst v63  }
0x422: {  	v1 =	vld @!p0 [tilespmem:s6+$0x800];
	_ =	sdelay $0x4  }
0x423: {  	v1 =	vshra.s32 @!p0 v1, $0x2  }
0x424: {  	[tilespmem:$0x19100] =	vst @!p0 v1  }
0x425: {  	v1 =	vld @!p0 [tilespmem:s6+$0x810];
	_ =	sdelay $0x4  }
0x426: {  	v1 =	vshra.s32 @!p0 v1, $0x2  }
0x427: {  	[tilespmem:$0x19110] =	vst @!p0 v1  }
0x428: {  	v1 =	vld @!p0 [tilespmem:s6+$0x820];
	_ =	sdelay $0x4  }
0x429: {  	v1 =	vshra.s32 @!p0 v1, $0x2  }
0x42a: {  	[tilespmem:$0x19120] =	vst @!p0 v1  }
0x42b: {  	v1 =	vld @!p0 [tilespmem:s6+$0x830];
	_ =	sdelay $0x4  }
0x42c: {  	v1 =	vshra.s32 @!p0 v1, $0x2  }
0x42d: {  	[tilespmem:$0x19130] =	vst @!p0 v1  }
0x42e: {  	v1 =	vld @!p0 [tilespmem:s6+$0x840];
	_ =	sdelay $0x4  }
0x42f: {  	v1 =	vshra.s32 @!p0 v1, $0x2  }
0x430: {  	[tilespmem:$0x19140] =	vst @!p0 v1  }
0x431: {  	v1 =	vld @!p0 [tilespmem:s6+$0x850];
	_ =	sdelay $0x4  }
0x432: {  	v1 =	vshra.s32 @!p0 v1, $0x2  }
0x433: {  	[tilespmem:$0x19150] =	vst @!p0 v1  }
0x434: {  	v1 =	vld @!p0 [tilespmem:s6+$0x860];
	_ =	sdelay $0x4  }
0x435: {  	v1 =	vshra.s32 @!p0 v1, $0x2  }
0x436: {  	[tilespmem:$0x19160] =	vst @!p0 v1  }
0x437: {  	v1 =	vld @!p0 [tilespmem:s6+$0x870];
	_ =	sdelay $0x4  }
0x438: {  	v1 =	vshra.s32 @!p0 v1, $0x2  }
0x439: {  	s11 =	simm.s32 @!p0 $0xF000;
	s8 =	simm.s32 @!p0 $0x19100;
	s6 =	simm.s32 @!p0 $0x80;
	[tilespmem:$0x19170] =	vst @!p0 v1  }
0x43a: {  	[tilespmem:s11], [sflag:$0x3] =	stream.indirect.gather @!p0 [hbm4b:s5+s6], $0x80, s8, s6, $0xb8;
	[tilespmem:$0x19200] =	vst v63  }
0x43b: {  	_ =	swait.ge [sflag:s30], $0x4000  }
0x43c: {  	[sflag:s30] =	ssyncset.done $0x0  }
0x43d: {  	[sflag:s30] =	ssyncadd.s32 $0xFFFFC000  }
0x43e: {  	_ =	swait.ge [sflag:s25], $0x1000  }
0x43f: {  	[sflag:s25] =	ssyncset.done $0x0  }
0x440: {  	[sflag:s25] =	ssyncadd.s32 $0xFFFFF000  }
0x441: {  	v1 =	vld [tilespmem:s15+$0x0];
	_ =	sdelay $0x2  }
0x442: {  	s31 =	simm.s32 $0x0  }
0x443: {  	v2 =	vmov s31  }
0x444: {  	v2 =	vshll.u32 v2, $0x7;
	v1 =	vshll.u32 v1, $0x5  }
0x445: {  	v2 =	vor.u32 v6, v2;
	v1 =	vand.u32 $0x60, v1  }
0x446: {  	v1 =	vor.u32 v2, v1  }
0x447: {  	v2 =	vor.u32 v5, v1;
	_ =	sdelay $0x4  }
0x448: {  	v3 =	vor.u32 s31, v7;
	v2 =	vld.idx.msk [tilespmem:v2+s20+$0x0], $0xffff  }
0x449: {  	v4 =	vor.u32 v8, v1;
	_ =	sdelay $0x3  }
0x44a: {  	[tilespmem:v3+s26+$0x0] =	vst.idx.msk $0xffff, v2  }
0x44b: {  	v3 =	vor.u32 s31, v9;
	v2 =	vld.idx.msk [tilespmem:v4+s20+$0x0], $0xffff  }
0x44c: {  	v4 =	vor.u32 v10, v1;
	_ =	sdelay $0x3  }
0x44d: {  	[tilespmem:v3+s26+$0x0] =	vst.idx.msk $0xffff, v2  }
0x44e: {  	v3 =	vor.u32 s31, v11;
	v2 =	vld.idx.msk [tilespmem:v4+s20+$0x0], $0xffff  }
0x44f: {  	v4 =	vor.u32 v12, v1;
	_ =	sdelay $0x3  }
0x450: {  	[tilespmem:v3+s26+$0x0] =	vst.idx.msk $0xffff, v2  }
0x451: {  	v3 =	vor.u32 s31, v13;
	v2 =	vld.idx.msk [tilespmem:v4+s20+$0x0], $0xffff  }
0x452: {  	v4 =	vor.u32 v14, v1;
	_ =	sdelay $0x3  }
0x453: {  	[tilespmem:v3+s26+$0x0] =	vst.idx.msk $0xffff, v2  }
0x454: {  	v3 =	vor.u32 s31, v15;
	v2 =	vld.idx.msk [tilespmem:v4+s20+$0x0], $0xffff  }
0x455: {  	v4 =	vor.u32 v16, v1;
	_ =	sdelay $0x3  }
0x456: {  	[tilespmem:v3+s26+$0x0] =	vst.idx.msk $0xffff, v2  }
0x457: {  	v3 =	vor.u32 s31, v17;
	v2 =	vld.idx.msk [tilespmem:v4+s20+$0x0], $0xffff  }
0x458: {  	v4 =	vor.u32 v18, v1;
	_ =	sdelay $0x3  }
0x459: {  	[tilespmem:v3+s26+$0x0] =	vst.idx.msk $0xffff, v2  }
0x45a: {  	v3 =	vor.u32 s31, v19;
	v2 =	vld.idx.msk [tilespmem:v4+s20+$0x0], $0xffff  }
0x45b: {  	v4 =	vor.u32 v20, v1;
	_ =	sdelay $0x3  }
0x45c: {  	[tilespmem:v3+s26+$0x0] =	vst.idx.msk $0xffff, v2  }
0x45d: {  	v3 =	vor.u32 s31, v21;
	v2 =	vld.idx.msk [tilespmem:v4+s20+$0x0], $0xffff  }
0x45e: {  	v4 =	vor.u32 v22, v1;
	_ =	sdelay $0x3  }
0x45f: {  	[tilespmem:v3+s26+$0x0] =	vst.idx.msk $0xffff, v2  }
0x460: {  	v3 =	vor.u32 s31, v23;
	v2 =	vld.idx.msk [tilespmem:v4+s20+$0x0], $0xffff  }
0x461: {  	v4 =	vor.u32 v24, v1;
	_ =	sdelay $0x3  }
0x462: {  	[tilespmem:v3+s26+$0x0] =	vst.idx.msk $0xffff, v2  }
0x463: {  	v3 =	vor.u32 s31, v25;
	v2 =	vld.idx.msk [tilespmem:v4+s20+$0x0], $0xffff  }
0x464: {  	v4 =	vor.u32 v26, v1;
	_ =	sdelay $0x3  }
0x465: {  	[tilespmem:v3+s26+$0x0] =	vst.idx.msk $0xffff, v2  }
0x466: {  	v3 =	vor.u32 s31, v27;
	v2 =	vld.idx.msk [tilespmem:v4+s20+$0x0], $0xffff  }
0x467: {  	v4 =	vor.u32 v28, v1;
	_ =	sdelay $0x3  }
0x468: {  	[tilespmem:v3+s26+$0x0] =	vst.idx.msk $0xffff, v2  }
0x469: {  	v3 =	vor.u32 s31, v29;
	v2 =	vld.idx.msk [tilespmem:v4+s20+$0x0], $0xffff  }
0x46a: {  	v4 =	vor.u32 v30, v1;
	_ =	sdelay $0x3  }
0x46b: {  	[tilespmem:v3+s26+$0x0] =	vst.idx.msk $0xffff, v2  }
0x46c: {  	v3 =	vor.u32 s31, v32;
	v2 =	vld.idx.msk [tilespmem:v4+s20+$0x0], $0xffff  }
0x46d: {  	v4 =	vor.u32 v37, v1;
	_ =	sdelay $0x3  }
0x46e: {  	[tilespmem:v3+s26+$0x0] =	vst.idx.msk $0xffff, v2  }
0x46f: {  	v3 =	vor.u32 s31, v42;
	v2 =	vld.idx.msk [tilespmem:v4+s20+$0x0], $0xffff  }
0x470: {  	v4 =	vor.u32 v47, v1;
	_ =	sdelay $0x3  }
0x471: {  	[tilespmem:v3+s26+$0x0] =	vst.idx.msk $0xffff, v2  }
0x472: {  	v3 =	vor.u32 s31, v52;
	v2 =	vld.idx.msk [tilespmem:v4+s20+$0x0], $0xffff  }
0x473: {  	v4 =	vor.u32 v31, v1;
	_ =	sdelay $0x3  }
0x474: {  	[tilespmem:v3+s26+$0x0] =	vst.idx.msk $0xffff, v2  }
0x475: {  	v3 =	vor.u32 s31, v53;
	v2 =	vld.idx.msk [tilespmem:v4+s20+$0x0], $0xffff  }
0x476: {  	v4 =	vor.u32 v40, v1;
	_ =	sdelay $0x3  }
0x477: {  	[tilespmem:v3+s26+$0x0] =	vst.idx.msk $0xffff, v2  }
0x478: {  	v3 =	vor.u32 s31, v46;
	v2 =	vld.idx.msk [tilespmem:v4+s20+$0x0], $0xffff  }
0x479: {  	v4 =	vor.u32 v36, v1;
	_ =	sdelay $0x3  }
0x47a: {  	[tilespmem:v3+s26+$0x0] =	vst.idx.msk $0xffff, v2  }
0x47b: {  	[tilespmem:$0x1FD30] =	vst v48;
	v48 =	vmov v34;
	v3 =	vor.u32 s31, v54;
	v2 =	vld.idx.msk [tilespmem:v4+s20+$0x0], $0xffff  }
0x47c: {  	v4 =	vor.u32 v48, v1;
	_ =	sdelay $0x3  }
0x47d: {  	[tilespmem:v3+s26+$0x0] =	vst.idx.msk $0xffff, v2  }
0x47e: {  	v2 =	vld.idx.msk [tilespmem:v4+s20+$0x0], $0xffff  }
0x47f: {  	v4 =	vld [tilespmem:$0x1FDB0];
	_ =	sdelay $0x3  }
0x480: {  	v3 =	vor.u32 s31, v55  }
0x481: {  	v4 =	vor.u32 v4, v1;
	_ =	sdelay $0x3  }
0x482: {  	[tilespmem:v3+s26+$0x0] =	vst.idx.msk $0xffff, v2  }
0x483: {  	v2 =	vld.idx.msk [tilespmem:v4+s20+$0x0], $0xffff  }
0x484: {  	v4 =	vld [tilespmem:$0x1FDC0];
	_ =	sdelay $0x3  }
0x485: {  	v3 =	vor.u32 s31, v56  }
0x486: {  	v4 =	vor.u32 v4, v1;
	_ =	sdelay $0x3  }
0x487: {  	[tilespmem:v3+s26+$0x0] =	vst.idx.msk $0xffff, v2  }
0x488: {  	v34 =	vmov v36;
	v36 =	vor.u32 s31, v59;
	v3 =	vmov v50;
	v50 =	vld.idx.msk [tilespmem:v4+s20+$0x0], $0xffff  }
0x489: {  	v4 =	vor.u32 v45, v1;
	_ =	sdelay $0x3  }
0x48a: {  	v41 =	vmov v46;
	v46 =	vmov v44;
	[tilespmem:v36+s26+$0x0] =	vst.idx.msk $0xffff, v50  }
0x48b: {  	v44 =	vmovc v48;
	v48 =	vmovc v45;
	v36 =	vmov v0;
	v0 =	vmov v63;
	v63 =	vor.u32 s31, v63;
	v45 =	vld.idx.msk [tilespmem:v4+s20+$0x0], $0xffff  }
0x48c: {  	v4 =	vor.u32 v57, v1;
	_ =	sdelay $0x3  }
0x48d: {  	[tilespmem:v63+s26+$0x0] =	vst.idx.msk $0xffff, v45  }
0x48e: {  	v2 =	vmovc v49;
	v49 =	vmov v62;
	v62 =	vmov v60;
	v60 =	vor.u32 s31, v60;
	v45 =	vld.idx.msk [tilespmem:v4+s20+$0x0], $0xffff  }
0x48f: {  	v4 =	vor.u32 v2, v1;
	_ =	sdelay $0x3  }
0x490: {  	[tilespmem:v60+s26+$0x0] =	vst.idx.msk $0xffff, v45  }
0x491: {  	v50 =	vmov v57;
	v57 =	vmov v2;
	v63 =	vor.u32 s31, v38;
	v2 =	vld.idx.msk [tilespmem:v4+s20+$0x0], $0xffff  }
0x492: {  	v4 =	vor.u32 v3, v1;
	_ =	sdelay $0x3  }
0x493: {  	[tilespmem:v63+s26+$0x0] =	vst.idx.msk $0xffff, v2  }
0x494: {  	v40 =	vmov v51;
	v51 =	vmov v3;
	v3 =	vor.u32 s31, v61;
	v2 =	vld.idx.msk [tilespmem:v4+s20+$0x0], $0xffff  }
0x495: {  	v4 =	vor.u32 v40, v1;
	_ =	sdelay $0x3  }
0x496: {  	[tilespmem:v3+s26+$0x0] =	vst.idx.msk $0xffff, v2  }
0x497: {  	v3 =	vor.u32 s31, v33;
	v2 =	vld.idx.msk [tilespmem:v4+s20+$0x0], $0xffff  }
0x498: {  	v4 =	vor.u32 v36, v1;
	_ =	sdelay $0x3  }
0x499: {  	[tilespmem:v3+s26+$0x0] =	vst.idx.msk $0xffff, v2  }
0x49a: {  	v3 =	vor.u32 s31, v35;
	v2 =	vld.idx.msk [tilespmem:v4+s20+$0x0], $0xffff  }
0x49b: {  	v4 =	vor.u32 v49, v1;
	_ =	sdelay $0x3  }
0x49c: {  	[tilespmem:v3+s26+$0x0] =	vst.idx.msk $0xffff, v2  }
0x49d: {  	v2 =	vld.idx.msk [tilespmem:v4+s20+$0x0], $0xffff  }
0x49e: {  	v4 =	vld [tilespmem:$0x1FD30];
	_ =	sdelay $0x3  }
0x49f: {  	v3 =	vor.u32 s31, v43  }
0x4a0: {  	v45 =	vmovc v38;
	v60 =	vmov v36;
	v38 =	vld [tilespmem:$0x1FFD0];
	v36 =	vmov v4;
	v4 =	vor.u32 v4, v1;
	_ =	sdelay $0x3  }
0x4a1: {  	[tilespmem:v3+s26+$0x0] =	vst.idx.msk $0xffff, v2  }
0x4a2: {  	v3 =	vor.u32 s31, v38;
	v2 =	vld.idx.msk [tilespmem:v4+s20+$0x0], $0xffff  }
0x4a3: {  	v4 =	vor.u32 v46, v1;
	_ =	sdelay $0x3  }
0x4a4: {  	[tilespmem:v3+s26+$0x0] =	vst.idx.msk $0xffff, v2  }
0x4a5: {  	v2 =	vld.idx.msk [tilespmem:v4+s20+$0x0], $0xffff  }
0x4a6: {  	v4 =	vld [tilespmem:$0x1FD50];
	_ =	sdelay $0x1  }
0x4a7: {  	v63 =	vmovc v61;
	v61 =	vmov v40;
	v40 =	vmov v49;
	v49 =	vmov v39;
	_ =	sdelay $0x1  }
0x4a8: {  	v3 =	vor.u32 s31, v49  }
0x4a9: {  	v39 =	vmovc v46;
	v46 =	vmov v49;
	v49 =	vmov v4;
	v4 =	vor.u32 v4, v1;
	_ =	sdelay $0x3  }
0x4aa: {  	[tilespmem:v3+s26+$0x0] =	vst.idx.msk $0xffff, v2  }
0x4ab: {  	v2 =	vld.idx.msk [tilespmem:v4+s20+$0x0], $0xffff  }
0x4ac: {  	v3 =	vor.u32 s31, v58;
	v4 =	vld [tilespmem:$0x1FD40];
	_ =	sdelay $0x4  }
0x4ad: {  	v1 =	vor.u32 v4, v1;
	[tilespmem:v3+s26+$0x0] =	vst.idx.msk $0xffff, v2;
	v2 =	vld [tilespmem:$0x1FEA0];
	_ =	sdelay $0x3  }
0x4ae: {  	v35 =	vmov v43;
	v43 =	vld [tilespmem:$0x1FFB0]  }
0x4af: {  	s6 =	simm.s32 $0x10;
	v1 =	vld.idx.msk [tilespmem:v1+s20+$0x0], $0xffff;
	v2 =	vor.u32 s31, v2  }
.LBB2_13:
0x4b0: {  	_ =	sdelay $0x3  }
0x4b1: {  	s15 =	sadd.s32 $0x10, s15;
	[tilespmem:v2+s26+$0x0] =	vst.idx.msk $0xffff, v1  }
0x4b2: {  	v1 =	vld [tilespmem:s15+$0x0];
	_ =	sdelay $0x2  }
0x4b3: {  	s8 =	smov.u32 s6  }
0x4b4: {  	v2 =	vmov s8  }
0x4b5: {  	v2 =	vshll.u32 v2, $0x7;
	v1 =	vshll.u32 v1, $0x5  }
0x4b6: {  	v2 =	vor.u32 v6, v2;
	v1 =	vand.u32 $0x60, v1  }
0x4b7: {  	v1 =	vor.u32 v2, v1  }
0x4b8: {  	v2 =	vor.u32 v5, v1;
	_ =	sdelay $0x4  }
0x4b9: {  	v3 =	vor.u32 s8, v7;
	v2 =	vld.idx.msk [tilespmem:v2+s20+$0x0], $0xffff  }
0x4ba: {  	v4 =	vor.u32 v8, v1;
	_ =	sdelay $0x3  }
0x4bb: {  	[tilespmem:v3+s26+$0x0] =	vst.idx.msk $0xffff, v2  }
0x4bc: {  	v3 =	vor.u32 s8, v9;
	v2 =	vld.idx.msk [tilespmem:v4+s20+$0x0], $0xffff  }
0x4bd: {  	v4 =	vor.u32 v10, v1;
	_ =	sdelay $0x3  }
0x4be: {  	[tilespmem:v3+s26+$0x0] =	vst.idx.msk $0xffff, v2  }
0x4bf: {  	v3 =	vor.u32 s8, v11;
	v2 =	vld.idx.msk [tilespmem:v4+s20+$0x0], $0xffff  }
0x4c0: {  	v4 =	vor.u32 v12, v1;
	_ =	sdelay $0x3  }
0x4c1: {  	[tilespmem:v3+s26+$0x0] =	vst.idx.msk $0xffff, v2  }
0x4c2: {  	v3 =	vor.u32 s8, v13;
	v2 =	vld.idx.msk [tilespmem:v4+s20+$0x0], $0xffff  }
0x4c3: {  	v4 =	vor.u32 v14, v1;
	_ =	sdelay $0x3  }
0x4c4: {  	[tilespmem:v3+s26+$0x0] =	vst.idx.msk $0xffff, v2  }
0x4c5: {  	v3 =	vor.u32 s8, v15;
	v2 =	vld.idx.msk [tilespmem:v4+s20+$0x0], $0xffff  }
0x4c6: {  	v4 =	vor.u32 v16, v1;
	_ =	sdelay $0x3  }
0x4c7: {  	[tilespmem:v3+s26+$0x0] =	vst.idx.msk $0xffff, v2  }
0x4c8: {  	v3 =	vor.u32 s8, v17;
	v2 =	vld.idx.msk [tilespmem:v4+s20+$0x0], $0xffff  }
0x4c9: {  	v4 =	vor.u32 v18, v1;
	_ =	sdelay $0x3  }
0x4ca: {  	[tilespmem:v3+s26+$0x0] =	vst.idx.msk $0xffff, v2  }
0x4cb: {  	v3 =	vor.u32 s8, v19;
	v2 =	vld.idx.msk [tilespmem:v4+s20+$0x0], $0xffff  }
0x4cc: {  	v4 =	vor.u32 v20, v1;
	_ =	sdelay $0x3  }
0x4cd: {  	[tilespmem:v3+s26+$0x0] =	vst.idx.msk $0xffff, v2  }
0x4ce: {  	v3 =	vor.u32 s8, v21;
	v2 =	vld.idx.msk [tilespmem:v4+s20+$0x0], $0xffff  }
0x4cf: {  	v4 =	vor.u32 v22, v1;
	_ =	sdelay $0x3  }
0x4d0: {  	[tilespmem:v3+s26+$0x0] =	vst.idx.msk $0xffff, v2  }
0x4d1: {  	v3 =	vor.u32 s8, v23;
	v2 =	vld.idx.msk [tilespmem:v4+s20+$0x0], $0xffff  }
0x4d2: {  	v4 =	vor.u32 v24, v1;
	_ =	sdelay $0x3  }
0x4d3: {  	[tilespmem:v3+s26+$0x0] =	vst.idx.msk $0xffff, v2  }
0x4d4: {  	v3 =	vor.u32 s8, v25;
	v2 =	vld.idx.msk [tilespmem:v4+s20+$0x0], $0xffff  }
0x4d5: {  	v4 =	vor.u32 v26, v1;
	_ =	sdelay $0x3  }
0x4d6: {  	[tilespmem:v3+s26+$0x0] =	vst.idx.msk $0xffff, v2  }
0x4d7: {  	v3 =	vor.u32 s8, v27;
	v2 =	vld.idx.msk [tilespmem:v4+s20+$0x0], $0xffff  }
0x4d8: {  	v4 =	vor.u32 v28, v1;
	_ =	sdelay $0x3  }
0x4d9: {  	[tilespmem:v3+s26+$0x0] =	vst.idx.msk $0xffff, v2  }
0x4da: {  	v3 =	vor.u32 s8, v29;
	v2 =	vld.idx.msk [tilespmem:v4+s20+$0x0], $0xffff  }
0x4db: {  	v4 =	vor.u32 v30, v1;
	_ =	sdelay $0x3  }
0x4dc: {  	[tilespmem:v3+s26+$0x0] =	vst.idx.msk $0xffff, v2  }
0x4dd: {  	v3 =	vor.u32 s8, v32;
	v2 =	vld.idx.msk [tilespmem:v4+s20+$0x0], $0xffff  }
0x4de: {  	v4 =	vor.u32 v37, v1;
	_ =	sdelay $0x3  }
0x4df: {  	[tilespmem:v3+s26+$0x0] =	vst.idx.msk $0xffff, v2  }
0x4e0: {  	v3 =	vor.u32 s8, v42;
	v2 =	vld.idx.msk [tilespmem:v4+s20+$0x0], $0xffff  }
0x4e1: {  	v4 =	vor.u32 v47, v1;
	_ =	sdelay $0x3  }
0x4e2: {  	[tilespmem:v3+s26+$0x0] =	vst.idx.msk $0xffff, v2  }
0x4e3: {  	v3 =	vor.u32 s8, v52;
	v2 =	vld.idx.msk [tilespmem:v4+s20+$0x0], $0xffff  }
0x4e4: {  	v4 =	vor.u32 v31, v1;
	_ =	sdelay $0x3  }
0x4e5: {  	[tilespmem:v3+s26+$0x0] =	vst.idx.msk $0xffff, v2  }
0x4e6: {  	v2 =	vld.idx.msk [tilespmem:v4+s20+$0x0], $0xffff  }
0x4e7: {  	v4 =	vld [tilespmem:$0x1FEB0];
	_ =	sdelay $0x3  }
0x4e8: {  	v3 =	vor.u32 s8, v53  }
0x4e9: {  	v4 =	vor.u32 v4, v1;
	_ =	sdelay $0x3  }
0x4ea: {  	[tilespmem:v3+s26+$0x0] =	vst.idx.msk $0xffff, v2  }
0x4eb: {  	v3 =	vor.u32 s8, v41;
	v2 =	vld.idx.msk [tilespmem:v4+s20+$0x0], $0xffff  }
0x4ec: {  	v4 =	vor.u32 v34, v1;
	_ =	sdelay $0x3  }
0x4ed: {  	[tilespmem:v3+s26+$0x0] =	vst.idx.msk $0xffff, v2  }
0x4ee: {  	v3 =	vor.u32 s8, v54;
	v2 =	vld.idx.msk [tilespmem:v4+s20+$0x0], $0xffff  }
0x4ef: {  	v4 =	vor.u32 v44, v1;
	_ =	sdelay $0x3  }
0x4f0: {  	[tilespmem:v3+s26+$0x0] =	vst.idx.msk $0xffff, v2  }
0x4f1: {  	v2 =	vld.idx.msk [tilespmem:v4+s20+$0x0], $0xffff  }
0x4f2: {  	v4 =	vld [tilespmem:$0x1FDB0];
	_ =	sdelay $0x3  }
0x4f3: {  	v3 =	vor.u32 s8, v55  }
0x4f4: {  	v4 =	vor.u32 v4, v1;
	_ =	sdelay $0x3  }
0x4f5: {  	[tilespmem:v3+s26+$0x0] =	vst.idx.msk $0xffff, v2  }
0x4f6: {  	v2 =	vld.idx.msk [tilespmem:v4+s20+$0x0], $0xffff  }
0x4f7: {  	v4 =	vld [tilespmem:$0x1FDC0];
	_ =	sdelay $0x3  }
0x4f8: {  	v3 =	vor.u32 s8, v56  }
0x4f9: {  	v4 =	vor.u32 v4, v1;
	_ =	sdelay $0x3  }
0x4fa: {  	[tilespmem:v3+s26+$0x0] =	vst.idx.msk $0xffff, v2  }
0x4fb: {  	v3 =	vor.u32 s8, v59;
	v2 =	vld.idx.msk [tilespmem:v4+s20+$0x0], $0xffff  }
0x4fc: {  	v4 =	vor.u32 v48, v1;
	_ =	sdelay $0x3  }
0x4fd: {  	[tilespmem:v3+s26+$0x0] =	vst.idx.msk $0xffff, v2  }
0x4fe: {  	v3 =	vor.u32 s8, v0;
	v2 =	vld.idx.msk [tilespmem:v4+s20+$0x0], $0xffff  }
0x4ff: {  	v4 =	vor.u32 v50, v1;
	_ =	sdelay $0x3  }
0x500: {  	[tilespmem:v3+s26+$0x0] =	vst.idx.msk $0xffff, v2  }
0x501: {  	v3 =	vor.u32 s8, v62;
	v2 =	vld.idx.msk [tilespmem:v4+s20+$0x0], $0xffff  }
0x502: {  	v4 =	vor.u32 v57, v1;
	_ =	sdelay $0x3  }
0x503: {  	[tilespmem:v3+s26+$0x0] =	vst.idx.msk $0xffff, v2  }
0x504: {  	v3 =	vor.u32 s8, v45;
	v2 =	vld.idx.msk [tilespmem:v4+s20+$0x0], $0xffff  }
0x505: {  	v4 =	vor.u32 v51, v1;
	_ =	sdelay $0x3  }
0x506: {  	[tilespmem:v3+s26+$0x0] =	vst.idx.msk $0xffff, v2  }
0x507: {  	v3 =	vor.u32 s8, v63;
	v2 =	vld.idx.msk [tilespmem:v4+s20+$0x0], $0xffff  }
0x508: {  	v4 =	vor.u32 v61, v1;
	_ =	sdelay $0x3  }
0x509: {  	[tilespmem:v3+s26+$0x0] =	vst.idx.msk $0xffff, v2  }
0x50a: {  	v3 =	vor.u32 s8, v33;
	v2 =	vld.idx.msk [tilespmem:v4+s20+$0x0], $0xffff  }
0x50b: {  	v4 =	vor.u32 v60, v1;
	_ =	sdelay $0x3  }
0x50c: {  	[tilespmem:v3+s26+$0x0] =	vst.idx.msk $0xffff, v2  }
0x50d: {  	v3 =	vor.u32 s8, v43;
	v2 =	vld.idx.msk [tilespmem:v4+s20+$0x0], $0xffff  }
0x50e: {  	v4 =	vor.u32 v40, v1;
	_ =	sdelay $0x3  }
0x50f: {  	[tilespmem:v3+s26+$0x0] =	vst.idx.msk $0xffff, v2  }
0x510: {  	v3 =	vor.u32 s8, v35;
	v2 =	vld.idx.msk [tilespmem:v4+s20+$0x0], $0xffff  }
0x511: {  	v4 =	vor.u32 v36, v1;
	_ =	sdelay $0x3  }
0x512: {  	[tilespmem:v3+s26+$0x0] =	vst.idx.msk $0xffff, v2  }
0x513: {  	v3 =	vor.u32 s8, v38;
	v2 =	vld.idx.msk [tilespmem:v4+s20+$0x0], $0xffff  }
0x514: {  	v4 =	vor.u32 v39, v1;
	_ =	sdelay $0x3  }
0x515: {  	[tilespmem:v3+s26+$0x0] =	vst.idx.msk $0xffff, v2  }
0x516: {  	v3 =	vor.u32 s8, v46;
	v2 =	vld.idx.msk [tilespmem:v4+s20+$0x0], $0xffff  }
0x517: {  	v4 =	vor.u32 v49, v1;
	_ =	sdelay $0x3  }
0x518: {  	[tilespmem:v3+s26+$0x0] =	vst.idx.msk $0xffff, v2  }
0x519: {  	v2 =	vld.idx.msk [tilespmem:v4+s20+$0x0], $0xffff  }
0x51a: {  	v3 =	vor.u32 s8, v58;
	v4 =	vld [tilespmem:$0x1FD40];
	_ =	sdelay $0x4  }
0x51b: {  	p1 =	sne.s32 s6, $0x70;
	v1 =	vor.u32 v4, v1;
	[tilespmem:v3+s26+$0x0] =	vst.idx.msk $0xffff, v2;
	v2 =	vld [tilespmem:$0x1FEA0]  }
.Ltmp8:
0x51c: {  	_ = 	snop;
	(pc) =	sbr.rel @p1 .LBB2_13-.Ltmp8, $2  }
0x51d: {  	_ =	sdelay $0x2  }
0x51e: {  	s6 =	sadd.s32 $0x10, s6;
	v1 =	vld.idx.msk [tilespmem:v1+s20+$0x0], $0xffff;
	v2 =	vor.u32 s8, v2  }
0x51f: {  	_ = 	snop  }
.Ltmp9:
0x520: {  	_ = 	snop;
	(pc) =	sbr.rel @p0 .LBB2_16-.Ltmp9, $3  }
0x521: {  	_ =	sdelay $0x1  }
0x522: {  	s2 =	sadd.s32 $0x180, s2;
	[tilespmem:v2+s26+$0x0] =	vst.idx.msk $0xffff, v1  }
0x523: {  	v48 =	vld [tilespmem:$0x1FEB0];
	[hbm4b:s2+s23] =	stream.strided.scatter [tilespmem:s26], [sflag:$0x6], $0x1000, s10, s23, $0x38  }
.Ltmp10:
0x524: {  	(pc) =	sbr.rel .LBB2_2-.Ltmp10, $4  }
0x525: {  	s9 =	sadd.s32 $0x1, s9  }
0x526: {  	s2 =	sshll.u32 s9, $0x9;
	s6 =	sshll.u32 s9, $0x7  }
0x527: {  	s2 =	sand.u32 $0xF000, s2;
	s6 =	sand.u32 $0x380, s6  }
0x528: {  	s3 =	sadd.s32 $0x200, s3;
	s0 =	sadd.s32 $0x1, s0;
	v49 =	vmov v62;
	v39 =	vmov v34;
	s2 =	sor.u32 s6, s2  }
.LBB2_17:
0x529: {  	_ =	sfence.sel $0x180000  }
0x52a: {  	[bflag:$0x0] =	sbarrier.arrive $0xFFFF  }
0x52b: {  	_ =	strace $0x90000047  }
0x52c: {  	s0 =	stileid.u32;
	[bflag:$0x2] =	sbarrier.arrive $0xFFFF  }
0x52d: {  	p0 =	sne.s32 s0, $0x0;
	s0 =	rddreg [dreg:$0x3]  }
0x52e: {  	s0 =	sadd.s32 @!p0 $0x100000, s0  }
0x52f: {  	[sflag:s0] =	ssyncadd.tile.s32 @!p0 $0x1;
	_ =	shalt  }
.Lfunc_end2:
_tile_overlayer_lowered:
.L_overlay_start_2:
0x530: {  	(tag) =	ssettag $0x2  }
0x531: {  	s0 =	rddreg [dreg:$0x0];
	s2 =	stileid.u32  }
0x532: {  	s1 =	rddreg [dreg:$0x1];
	p0 =	sne.s32 s2, $0x0  }
0x533: {  	s3 =	rddreg [dreg:$0x2];
	[bflag:$0x3] =	sbarrier.arrive $0xFFFF;
	s2 =	simm.s32 @!p0 $0x1C07  }
0x534: {  	[timem:s3], [sflag:s2] =	dma.local @!p0 [hbm:s0], s1  }
0x535: {  	s0 =	simm.s32 @!p0 $0x7  }
0x536: {  	_ =	swait.ge @!p0 [sflag:s0], s1  }
0x537: {  	s1 =	ssub.s32 @!p0 $0x0, s1;
	[sflag:s0] =	ssyncset.done @!p0 $0x0  }
0x538: {  	[sflag:s0] =	ssyncadd.s32 @!p0 s1  }
0x539: {  	[bflag:$0x3] =	sbarrier.arrive $0xFFFF  }
0x53a: {  	_ =	shalt  }

</sc_bundles>
